<compile_context>
chip_gen: v7x
topology: tpu7x:2x2x1
jax: 0.10.2.dev20260603
libtpu: 0.0.44.dev20260713+nightly
codegen_flags: <defaults>
</compile_context>

<pallas_src>
import functools

import jax
import jax.numpy as jnp
from jax import lax
from jax.experimental import pallas as pl
from jax.experimental.pallas import tpu as pltpu
from jax.experimental.pallas import tpu_sc as plsc

N = 50000
E = 800000
HID = 128

NC = 2
NS = 16
LANE = 16


def _build_seg_sum(n_table_rows, W, NP, P, B, dt):
  GMAX = 32
  EPT = E // NS
  NB = EPT // B
  NVR = B // LANE
  ACC_R = NP + 128
  ZCH = ACC_R // 128
  ZPT = -(-ZCH // NS)
  RPT = NP // NS
  assert B + 128 <= GMAX * 128

  mesh = plsc.VectorSubcoreMesh(core_axis_name="c", subcore_axis_name="s")

  @functools.partial(
      pl.kernel,
      out_type=jax.ShapeDtypeStruct((NC * P * NP, W), dt),
      mesh=mesh,
      scratch_types=[
          pltpu.VMEM((2 * B,), jnp.int32),
          pltpu.VMEM((2 * B,), jnp.int32),
          pltpu.VMEM((GMAX, 128), jnp.int32),
          pltpu.VMEM((GMAX, 128), jnp.int32),
          pltpu.VMEM((256, W), dt),
          pltpu.VMEM_SHARED((ACC_R, W), dt),
          pltpu.SemaphoreType.DMA,
          pltpu.SemaphoreType.DMA,
          pltpu.SemaphoreType.DMA,
      ],
      compiler_params=pltpu.CompilerParams(
          needs_layout_passes=False, use_tc_tiling_on_sc=False),
  )
  def kern(src_hbm, dst_hbm, table_hbm, zeros_hbm, out_hbm,
           eb_src, eb_dst, stg_src, stg_dst, rowbuf, accum,
           sem_a, sem_b, sem_e):
    c = lax.axis_index("c")
    s = lax.axis_index("s")
    tile_e0 = s * EPT
    c127 = jnp.full((LANE,), 127, jnp.int32)
    iot = lax.iota(jnp.int32, LANE)
    trash = jnp.full((LANE,), NP, jnp.int32)
    zero16 = jnp.zeros((LANE,), jnp.int32)

    def issue_gather(g):
      rr = lax.bitwise_and(g, GMAX - 1)
      par = lax.bitwise_and(g, 1)

      @pl.when(par == 0)
      def _():
        pltpu.async_copy(table_hbm.at[stg_src.at[rr]],
                         rowbuf.at[pl.ds(0, 128)], sem_a)

      @pl.when(par == 1)
      def _():
        pltpu.async_copy(table_hbm.at[stg_src.at[rr]],
                         rowbuf.at[pl.ds(128, 128)], sem_b)

    def drain_one(g):
      rr = lax.bitwise_and(g, GMAX - 1)
      par = lax.bitwise_and(g, 1)

      @pl.when(par == 0)
      def _():
        pltpu.make_async_copy(table_hbm.at[stg_src.at[rr]],
                              rowbuf.at[pl.ds(0, 128)], sem_a).wait()
        pltpu.sync_copy(rowbuf.at[pl.ds(0, 128)],
                        accum.at[stg_dst.at[rr]], add=True)

      @pl.when(par == 1)
      def _():
        pltpu.make_async_copy(table_hbm.at[stg_src.at[rr]],
                              rowbuf.at[pl.ds(128, 128)], sem_b).wait()
        pltpu.sync_copy(rowbuf.at[pl.ds(128, 128)],
                        accum.at[stg_dst.at[rr]], add=True)

    def drain_range(g0, g1):
      def body(g, cc):
        drain_one(g)
        return cc

      lax.fori_loop(g0, g1, body, 0)

    def issue_edges(blk):
      boff = lax.bitwise_and(blk, 1) * B
      base = tile_e0 + blk * B
      pltpu.async_copy(src_hbm.at[pl.ds(base, B)],
                       eb_src.at[pl.ds(boff, B)], sem_e)
      pltpu.async_copy(dst_hbm.at[pl.ds(base, B)],
                       eb_dst.at[pl.ds(boff, B)], sem_e)

    for p in range(P):
      r = c * P + p
      lo = r * NP
      lo_v = jnp.full((LANE,), 1, jnp.int32) * lo
      hi_v = lo_v + NP

      pltpu.sync_copy(zeros_hbm, rowbuf.at[pl.ds(0, 128)])
      for j in range(ZPT):
        ch = s * ZPT + j

        @pl.when(ch < ZCH)
        def _():
          pltpu.sync_copy(rowbuf.at[pl.ds(0, 128)],
                          accum.at[pl.ds(ch * 128, 128)])

      plsc.subcore_barrier()
      issue_edges(0)

      def block_body(blk, carry):
        offv, tg, gd = carry
        boff = lax.bitwise_and(blk, 1) * B
        base = tile_e0 + blk * B
        pltpu.make_async_copy(src_hbm.at[pl.ds(base, B)],
                              eb_src.at[pl.ds(boff, B)], sem_e).wait()
        pltpu.make_async_copy(dst_hbm.at[pl.ds(base, B)],
                              eb_dst.at[pl.ds(boff, B)], sem_e).wait()

        @pl.when(blk + 1 < NB)
        def _():
          issue_edges(blk + 1)

        def scan_body(i, carry_s):
          off, tgs, gds = carry_s
          d = eb_dst[pl.ds(boff + i * LANE, LANE)]
          sv = eb_src[pl.ds(boff + i * LANE, LANE)]
          m = (d >= lo_v) & (d < hi_v)
          inc = jnp.where(m, 1, 0).astype(jnp.int32)
          pos = off + plsc.cumsum(inc) - 1
          row = lax.bitwise_and(lax.shift_right_logical(pos, 7), GMAX - 1)
          col = lax.bitwise_and(pos, c127)
          plsc.store_scatter(stg_src, [row, col], sv, mask=m)
          plsc.store_scatter(stg_dst, [row, col], d - lo_v, mask=m)
          off2 = off + plsc.all_reduce_population_count(m)
          cond = jnp.any(off2 >= (tgs + 1) * 128)
          full = jnp.logical_and(cond, (tgs - gds) >= 2)

          @pl.when(full)
          def _():
            drain_one(gds)

          @pl.when(cond)
          def _():
            issue_gather(tgs)

          gds2 = jnp.where(full, gds + 1, gds)
          tgs2 = jnp.where(cond, tgs + 1, tgs)
          return off2, tgs2, gds2

        return lax.fori_loop(0, NVR, scan_body, (offv, tg, gd))

      offv, tg, gd = lax.fori_loop(
          0, NB, block_body,
          (jnp.zeros((LANE,), jnp.int32), jnp.int32(0), jnp.int32(0)))

      k = jnp.max(offv)
      ngt = lax.shift_right_logical(k + 127, 7)
      kpad_v = jnp.zeros((LANE,), jnp.int32) + ngt * 128
      for j in range(8):
        pos = offv + (j * LANE) + iot
        pm = pos < kpad_v
        prow = lax.bitwise_and(lax.shift_right_logical(pos, 7), GMAX - 1)
        pcol = lax.bitwise_and(pos, c127)
        plsc.store_scatter(stg_src, [prow, pcol], zero16, mask=pm)
        plsc.store_scatter(stg_dst, [prow, pcol], trash, mask=pm)

      @pl.when(ngt > tg)
      def _():
        issue_gather(tg)

      drain_range(gd, ngt)

      plsc.subcore_barrier()
      pltpu.sync_copy(accum.at[pl.ds(s * RPT, RPT)],
                      out_hbm.at[pl.ds(lo + s * RPT, RPT)])
      plsc.subcore_barrier()

  return kern


def _tc_layer1(s1cnt, x, wcat, b1, npad):
  R = 1056
  grid = (npad // R,)

  def body(s1_ref, x_ref, w_ref, b_ref, out_ref):
    s1 = s1_ref[...]
    cnt = jnp.maximum(s1[:, 4:5], 1.0)
    feat = jnp.concatenate([s1[:, 0:4] / cnt, x_ref[...]], axis=1)
    h = lax.dot_general(feat, w_ref[...], (((1,), (1,)), ((), ())),
                        preferred_element_type=jnp.float32)
    out_ref[...] = jnp.maximum(h + b_ref[...], 0.0).astype(jnp.bfloat16)

  return pl.pallas_call(
      body,
      grid=grid,
      in_specs=[
          pl.BlockSpec((R, 8), lambda i: (i, 0)),
          pl.BlockSpec((R, 4), lambda i: (i, 0)),
          pl.BlockSpec((HID, 8), lambda i: (0, 0)),
          pl.BlockSpec((1, HID), lambda i: (0, 0)),
      ],
      out_specs=pl.BlockSpec((R, HID), lambda i: (i, 0)),
      out_shape=jax.ShapeDtypeStruct((npad, HID), jnp.bfloat16),
  )(s1cnt, x, wcat, b1)


def _tc_layer2_head(s2, h1, cnt, W2l, b2, W2r, Wp, bp, Wc1, bc1, Wc2, bc2,
                    npad):
  R = 1056
  nblk = npad // R

  def body(s2_ref, h1_ref, cnt_ref, w2l_ref, w2r_ref, b2_ref,
           wp_ref, bp_ref, wc1_ref, bc1_ref, wc2_ref, bc2_ref,
           out_ref, acc_ref):
    i = pl.program_id(0)

    @pl.when(i == 0)
    def _():
      acc_ref[...] = jnp.zeros_like(acc_ref)

    cnt = jnp.maximum(cnt_ref[...], 1.0)
    mean = s2_ref[...].astype(jnp.float32) / cnt
    h1b = h1_ref[...].astype(jnp.float32)
    h = (lax.dot_general(mean, w2l_ref[...], (((1,), (1,)), ((), ())),
                         preferred_element_type=jnp.float32)
         + lax.dot_general(h1b, w2r_ref[...],
                           (((1,), (1,)), ((), ())),
                           preferred_element_type=jnp.float32)
         + b2_ref[...])
    h2 = jnp.maximum(h, 0.0)
    rows = lax.broadcasted_iota(jnp.int32, (R, 1), 0) + i * R
    h2 = jnp.where(rows < N, h2, 0.0)
    acc_ref[...] += jnp.sum(h2, axis=0, keepdims=True)

    @pl.when(i == nblk - 1)
    def _():
      pooled = acc_ref[...] / float(N)
      emb = jnp.maximum(
          lax.dot_general(pooled, wp_ref[...], (((1,), (1,)), ((), ())),
                          preferred_element_type=jnp.float32) + bp_ref[...],
          0.0)
      hc = jnp.maximum(
          lax.dot_general(emb, wc1_ref[...], (((1,), (1,)), ((), ())),
                          preferred_element_type=jnp.float32) + bc1_ref[...],
          0.0)
      logit = jnp.sum(hc * wc2_ref[...], axis=1, keepdims=True) + bc2_ref[...]
      out_ref[...] = jax.nn.sigmoid(logit)

  return pl.pallas_call(
      body,
      grid=(nblk,),
      in_specs=[
          pl.BlockSpec((R, HID), lambda i: (i, 0)),
          pl.BlockSpec((R, HID), lambda i: (i, 0)),
          pl.BlockSpec((R, 1), lambda i: (i, 0)),
          pl.BlockSpec((HID, HID), lambda i: (0, 0)),
          pl.BlockSpec((HID, HID), lambda i: (0, 0)),
          pl.BlockSpec((1, HID), lambda i: (0, 0)),
          pl.BlockSpec((256, HID), lambda i: (0, 0)),
          pl.BlockSpec((1, 256), lambda i: (0, 0)),
          pl.BlockSpec((HID, 256), lambda i: (0, 0)),
          pl.BlockSpec((1, HID), lambda i: (0, 0)),
          pl.BlockSpec((1, HID), lambda i: (0, 0)),
          pl.BlockSpec((1, 1), lambda i: (0, 0)),
      ],
      out_specs=pl.BlockSpec((1, 1), lambda i: (0, 0)),
      out_shape=jax.ShapeDtypeStruct((1, 1), jnp.float32),
      scratch_shapes=[pltpu.VMEM((1, HID), jnp.float32)],
  )(s2, h1, cnt, W2l, W2r, b2, Wp, bp, Wc1, bc1, Wc2, bc2)


def kernel(x, edge_index, W1l, b1, W1r, W2l, b2, W2r, Wp, bp, Wc1, bc1,
           Wc2, bc2):
  src = edge_index[0].astype(jnp.int32)
  dst = edge_index[1].astype(jnp.int32)
  x = x.astype(jnp.float32)

  NP1 = 25344
  NP2 = 12672
  NPAD = 50688
  B = 2000

  xp = jnp.concatenate(
      [x, jnp.ones((N, 1), jnp.float32), jnp.zeros((N, 3), jnp.float32)],
      axis=1)
  xpad = jnp.pad(x, ((0, NPAD - N), (0, 0)))

  zeros8 = jnp.zeros((128, 8), jnp.float32)
  zeros128 = jnp.zeros((128, HID), jnp.bfloat16)

  seg1 = _build_seg_sum(N, 8, NP1, 1, B, jnp.float32)
  s1cnt = seg1(src, dst, xp, zeros8)

  wcat = jnp.concatenate([W1l, W1r], axis=1)
  h1 = _tc_layer1(s1cnt, xpad, wcat, b1.reshape(1, HID), NPAD)

  seg2 = _build_seg_sum(N, HID, NP2, 2, B, jnp.bfloat16)
  s2 = seg2(src, dst, h1, zeros128)

  cnt = s1cnt[:, 4:5]
  prob = _tc_layer2_head(
      s2, h1, cnt, W2l, b2.reshape(1, HID), W2r, Wp, bp.reshape(1, 256),
      Wc1, bc1.reshape(1, HID), Wc2, bc2.reshape(1, 1), NPAD)
  return prob

# --- scband reference (transcript-rebuilt; emitter-appended) ---
"""Pipeline reference for scband-gnnphishing-detector-41987600285851 (READ-ONLY COPY).

The authoritative reference and input builder live on the scoring server;
editing this copy changes nothing except your own understanding.
"""

import jax, jax.numpy as jnp
import numpy as np

N = 50000
E = 800000
IN_DIM = 4
HID = 128
EMB = 256

def setup_inputs(seed: int = 0) -> dict:
    key = jax.random.key(seed)
    ks = jax.random.split(key, 16)
    x = jax.random.normal(ks[0], (N, IN_DIM), dtype=jnp.float32)
    edge_index = jax.random.randint(ks[1], (2, E), 0, N)
    s = 0.1
    return {
        'x': x,
        'edge_index': edge_index,
        'W1l': jax.random.normal(ks[2], (HID, IN_DIM), dtype=jnp.float32) * s,
        'b1': jnp.zeros((HID,), dtype=jnp.float32),
        'W1r': jax.random.normal(ks[3], (HID, IN_DIM), dtype=jnp.float32) * s,
        'W2l': jax.random.normal(ks[4], (HID, HID), dtype=jnp.float32) * s,
        'b2': jnp.zeros((HID,), dtype=jnp.float32),
        'W2r': jax.random.normal(ks[5], (HID, HID), dtype=jnp.float32) * s,
        'Wp': jax.random.normal(ks[6], (EMB, HID), dtype=jnp.float32) * s,
        'bp': jnp.zeros((EMB,), dtype=jnp.float32),
        'Wc1': jax.random.normal(ks[7], (128, EMB), dtype=jnp.float32) * s,
        'bc1': jnp.zeros((128,), dtype=jnp.float32),
        'Wc2': jax.random.normal(ks[8], (1, 128), dtype=jnp.float32) * s,
        'bc2': jnp.zeros((1,), dtype=jnp.float32),
    }

def _sage_conv(x, src, dst, num_nodes, Wl, bl, Wr):
    # PyG SAGEConv with mean aggregation:
    # out_i = lin_l(mean_{j in N(i)} x_j) + lin_r(x_i)
    msgs = jnp.take(x, src, axis=0)
    summed = jax.ops.segment_sum(msgs, dst, num_segments=num_nodes)
    cnt = jax.ops.segment_sum(jnp.ones((src.shape[0],), dtype=x.dtype), dst, num_segments=num_nodes)
    mean = summed / jnp.clip(cnt, 1.0)[:, None]
    return mean @ Wl.T + bl + x @ Wr.T

def reference(x, edge_index, W1l, b1, W1r, W2l, b2, W2r, Wp, bp, Wc1, bc1, Wc2, bc2):
    num_nodes = x.shape[0]
    src = edge_index[0]
    dst = edge_index[1]
    h = jax.nn.relu(_sage_conv(x, src, dst, num_nodes, W1l, b1, W1r))
    h = jax.nn.relu(_sage_conv(h, src, dst, num_nodes, W2l, b2, W2r))
    # global_mean_pool with a single graph (batch all zeros)
    pooled = jnp.mean(h, axis=0, keepdims=True)
    # proj: Linear -> ReLU -> Dropout (eval mode: identity)
    embedding = jax.nn.relu(pooled @ Wp.T + bp)
    # classifier: Linear -> ReLU -> Dropout(eval) -> Linear -> Sigmoid
    hc = jax.nn.relu(embedding @ Wc1.T + bc1)
    prob = jax.nn.sigmoid(hc @ Wc2.T + bc2)
    return prob

if __name__ == "__main__":
    import jax
    _d = setup_inputs()
    print(jax.jit(kernel)(*tuple(_d.values())))

</pallas_src>

<mosaic_0001>
#map = affine_map<(d0, d1) -> (0)>
#map1 = affine_map<(d0, d1) -> (0, 0)>
module attributes {stable_mosaic.version = 14 : i64} {
  func.func @kern(%arg0: i32, %arg1: i32, %arg2: memref<800000xi32, #tpu.memory_space<hbm>>, %arg3: memref<800000xi32, #tpu.memory_space<hbm>>, %arg4: memref<50000x8xf32, #tpu.memory_space<hbm>>, %arg5: memref<128x8xf32, #tpu.memory_space<hbm>>, %arg6: memref<50688x8xf32, #tpu.memory_space<hbm>>, %arg7: memref<4000xi32, #tpu.memory_space<vmem>>, %arg8: memref<4000xi32, #tpu.memory_space<vmem>>, %arg9: memref<32x128xi32, #tpu.memory_space<vmem>>, %arg10: memref<32x128xi32, #tpu.memory_space<vmem>>, %arg11: memref<256x8xf32, #tpu.memory_space<vmem>>, %arg12: memref<25472x8xf32, #tpu.memory_space<vmem_shared>>, %arg13: memref<!tpu.dma_semaphore, #tpu.memory_space<semaphore_mem>>, %arg14: memref<!tpu.dma_semaphore, #tpu.memory_space<semaphore_mem>>, %arg15: memref<!tpu.dma_semaphore, #tpu.memory_space<semaphore_mem>>) attributes {dimension_semantics = [#tpu.dimension_semantics<core_parallel>, #tpu.dimension_semantics<subcore_parallel>], iteration_bounds = array<i64: 2, 16>, scalar_prefetch = 0 : i64, scratch_operands = 9 : i64, tpu.core_type = #tpu.core_type<sc_vector_subcore>, window_params = [{transform_indices = #map}, {transform_indices = #map}, {transform_indices = #map1}, {transform_indices = #map1}, {transform_indices = #map1}]} {
    %mul3A = arith.constant 50000 : i32
    %mul3A_0 = arith.muli %arg1, %mul3A : i32
    %broadcast_in_dim3A = arith.constant 127 : i32
    %broadcast_in_dim3A_1 = vector.broadcast %broadcast_in_dim3A : i32 to vector<16xi32>
    %iota3A = tpu.iota {dimensions = array<i32: 0>} : vector<16xi32>
    %broadcast_in_dim3A_2 = arith.constant 25344 : i32
    %broadcast_in_dim3A_3 = vector.broadcast %broadcast_in_dim3A_2 : i32 to vector<16xi32>
    %broadcast_in_dim3A_4 = arith.constant 0 : i32
    %broadcast_in_dim3A_5 = vector.broadcast %broadcast_in_dim3A_4 : i32 to vector<16xi32>
    %mul3A_6 = arith.constant 1 : i32
    %mul3A_7 = arith.muli %arg0, %mul3A_6 : i32
    %add3A = arith.constant 0 : i32
    %add3A_8 = arith.addi %mul3A_7, %add3A : i32
    %mul3A_9 = arith.constant 25344 : i32
    %mul3A_10 = arith.muli %add3A_8, %mul3A_9 : i32
    %broadcast_in_dim3A_11 = arith.constant 1 : i32
    %broadcast_in_dim3A_12 = vector.broadcast %broadcast_in_dim3A_11 : i32 to vector<16xi32>
    %mul3A_13 = vector.broadcast %mul3A_10 : i32 to vector<16xi32>
    %mul3A_14 = arith.muli %broadcast_in_dim3A_12, %mul3A_13 : vector<16xi32>
    %add3A_15 = arith.constant 25344 : i32
    %add3A_16 = vector.broadcast %add3A_15 : i32 to vector<16xi32>
    %add3A_17 = arith.addi %mul3A_14, %add3A_16 : vector<16xi32>
    "tpu.region"() ({
      %run_scoped3A = tpu.sem_alloc : memref<!tpu.dma_semaphore, #tpu.memory_space<semaphore_mem>>
      %dma_start3A_284 = arith.constant 0 : i32
      %dma_start3A_285 = arith.constant 0 : i32
      %dma_start3A_286 = tpu.memref_slice %arg11[%dma_start3A_284, %dma_start3A_285] : memref<256x8xf32, #tpu.memory_space<vmem>> -> memref<128x8xf32, #tpu.memory_space<vmem>>
      %dma_start3A_287 = arith.constant 0 : i32
      %dma_start3A_288 = arith.constant 0 : i32
      %dma_start3A_289 = tpu.memref_slice %arg11[%dma_start3A_287, %dma_start3A_288] : memref<256x8xf32, #tpu.memory_space<vmem>> -> memref<128x8xf32, #tpu.memory_space<vmem>>
      tpu.enqueue_dma source(%arg5 : memref<128x8xf32, #tpu.memory_space<hbm>>) target(%dma_start3A_289 : memref<128x8xf32, #tpu.memory_space<vmem>>) target_semaphore(%run_scoped3A : memref<!tpu.dma_semaphore, #tpu.memory_space<semaphore_mem>>)
      %dma_wait3A = arith.constant 0 : i32
      %dma_wait3A_290 = arith.constant 0 : i32
      %dma_wait3A_291 = tpu.memref_slice %arg11[%dma_wait3A, %dma_wait3A_290] : memref<256x8xf32, #tpu.memory_space<vmem>> -> memref<128x8xf32, #tpu.memory_space<vmem>>
      %dma_wait3A_292 = arith.constant 0 : i32
      %dma_wait3A_293 = arith.constant 0 : i32
      %dma_wait3A_294 = tpu.memref_slice %arg11[%dma_wait3A_292, %dma_wait3A_293] : memref<256x8xf32, #tpu.memory_space<vmem>> -> memref<128x8xf32, #tpu.memory_space<vmem>>
      tpu.wait_dma2 semaphore(%run_scoped3A : memref<!tpu.dma_semaphore, #tpu.memory_space<semaphore_mem>>) src(%arg5 : memref<128x8xf32, #tpu.memory_space<hbm>>) dst(%dma_wait3A_294 : memref<128x8xf32, #tpu.memory_space<vmem>>)
      tpu.yield
    }) : () -> ()
    %mul3A_18 = arith.constant 13 : i32
    %mul3A_19 = arith.muli %arg1, %mul3A_18 : i32
    %add3A_20 = arith.constant 0 : i32
    %add3A_21 = arith.addi %mul3A_19, %add3A_20 : i32
    %lt3A = arith.constant 199 : i32
    %lt3A_22 = arith.cmpi slt, %add3A_21, %lt3A : i32
    %convert_element_type3A = arith.extui %lt3A_22 : i1 to i32
    %cond3A = arith.constant 0 : i32
    %cond3A_23 = arith.cmpi ne, %convert_element_type3A, %cond3A : i32
    scf.if %cond3A_23 {
      %mul3A_284 = arith.constant 128 : i32
      %mul3A_285 = arith.muli %add3A_21, %mul3A_284 : i32
      "tpu.region"() ({
        %run_scoped3A = tpu.sem_alloc : memref<!tpu.dma_semaphore, #tpu.memory_space<semaphore_mem>>
        %dma_start3A_286 = arith.constant 0 : i32
        %dma_start3A_287 = arith.constant 0 : i32
        %dma_start3A_288 = tpu.memref_slice %arg11[%dma_start3A_286, %dma_start3A_287] : memref<256x8xf32, #tpu.memory_space<vmem>> -> memref<128x8xf32, #tpu.memory_space<vmem>>
        %dma_start3A_289 = arith.constant 0 : i32
        %dma_start3A_290 = tpu.memref_slice %arg12[%mul3A_285, %dma_start3A_289] : memref<25472x8xf32, #tpu.memory_space<vmem_shared>> -> memref<128x8xf32, #tpu.memory_space<vmem_shared>>
        %dma_start3A_291 = arith.constant 0 : i32
        %dma_start3A_292 = tpu.memref_slice %arg12[%mul3A_285, %dma_start3A_291] : memref<25472x8xf32, #tpu.memory_space<vmem_shared>> -> memref<128x8xf32, #tpu.memory_space<vmem_shared>>
        %dma_start3A_293 = arith.constant 0 : i32
        %dma_start3A_294 = arith.constant 0 : i32
        %dma_start3A_295 = tpu.memref_slice %arg11[%dma_start3A_293, %dma_start3A_294] : memref<256x8xf32, #tpu.memory_space<vmem>> -> memref<128x8xf32, #tpu.memory_space<vmem>>
        tpu.enqueue_dma source(%dma_start3A_295 : memref<128x8xf32, #tpu.memory_space<vmem>>) target(%dma_start3A_292 : memref<128x8xf32, #tpu.memory_space<vmem_shared>>) target_semaphore(%run_scoped3A : memref<!tpu.dma_semaphore, #tpu.memory_space<semaphore_mem>>)
        %dma_wait3A = arith.constant 0 : i32
        %dma_wait3A_296 = arith.constant 0 : i32
        %dma_wait3A_297 = tpu.memref_slice %arg11[%dma_wait3A, %dma_wait3A_296] : memref<256x8xf32, #tpu.memory_space<vmem>> -> memref<128x8xf32, #tpu.memory_space<vmem>>
        %dma_wait3A_298 = arith.constant 0 : i32
        %dma_wait3A_299 = tpu.memref_slice %arg12[%mul3A_285, %dma_wait3A_298] : memref<25472x8xf32, #tpu.memory_space<vmem_shared>> -> memref<128x8xf32, #tpu.memory_space<vmem_shared>>
        %dma_wait3A_300 = arith.constant 0 : i32
        %dma_wait3A_301 = tpu.memref_slice %arg12[%mul3A_285, %dma_wait3A_300] : memref<25472x8xf32, #tpu.memory_space<vmem_shared>> -> memref<128x8xf32, #tpu.memory_space<vmem_shared>>
        %dma_wait3A_302 = arith.constant 0 : i32
        %dma_wait3A_303 = arith.constant 0 : i32
        %dma_wait3A_304 = tpu.memref_slice %arg11[%dma_wait3A_302, %dma_wait3A_303] : memref<256x8xf32, #tpu.memory_space<vmem>> -> memref<128x8xf32, #tpu.memory_space<vmem>>
        tpu.wait_dma2 semaphore(%run_scoped3A : memref<!tpu.dma_semaphore, #tpu.memory_space<semaphore_mem>>) src(%dma_wait3A_304 : memref<128x8xf32, #tpu.memory_space<vmem>>) dst(%dma_wait3A_301 : memref<128x8xf32, #tpu.memory_space<vmem_shared>>)
        tpu.yield
      }) : () -> ()
    } else {
    }
    %mul3A_24 = arith.constant 13 : i32
    %mul3A_25 = arith.muli %arg1, %mul3A_24 : i32
    %add3A_26 = arith.constant 1 : i32
    %add3A_27 = arith.addi %mul3A_25, %add3A_26 : i32
    %lt3A_28 = arith.constant 199 : i32
    %lt3A_29 = arith.cmpi slt, %add3A_27, %lt3A_28 : i32
    %convert_element_type3A_30 = arith.extui %lt3A_29 : i1 to i32
    %cond3A_31 = arith.constant 0 : i32
    %cond3A_32 = arith.cmpi ne, %convert_element_type3A_30, %cond3A_31 : i32
    scf.if %cond3A_32 {
      %mul3A_284 = arith.constant 128 : i32
      %mul3A_285 = arith.muli %add3A_27, %mul3A_284 : i32
      "tpu.region"() ({
        %run_scoped3A = tpu.sem_alloc : memref<!tpu.dma_semaphore, #tpu.memory_space<semaphore_mem>>
        %dma_start3A_286 = arith.constant 0 : i32
        %dma_start3A_287 = arith.constant 0 : i32
        %dma_start3A_288 = tpu.memref_slice %arg11[%dma_start3A_286, %dma_start3A_287] : memref<256x8xf32, #tpu.memory_space<vmem>> -> memref<128x8xf32, #tpu.memory_space<vmem>>
        %dma_start3A_289 = arith.constant 0 : i32
        %dma_start3A_290 = tpu.memref_slice %arg12[%mul3A_285, %dma_start3A_289] : memref<25472x8xf32, #tpu.memory_space<vmem_shared>> -> memref<128x8xf32, #tpu.memory_space<vmem_shared>>
        %dma_start3A_291 = arith.constant 0 : i32
        %dma_start3A_292 = tpu.memref_slice %arg12[%mul3A_285, %dma_start3A_291] : memref<25472x8xf32, #tpu.memory_space<vmem_shared>> -> memref<128x8xf32, #tpu.memory_space<vmem_shared>>
        %dma_start3A_293 = arith.constant 0 : i32
        %dma_start3A_294 = arith.constant 0 : i32
        %dma_start3A_295 = tpu.memref_slice %arg11[%dma_start3A_293, %dma_start3A_294] : memref<256x8xf32, #tpu.memory_space<vmem>> -> memref<128x8xf32, #tpu.memory_space<vmem>>
        tpu.enqueue_dma source(%dma_start3A_295 : memref<128x8xf32, #tpu.memory_space<vmem>>) target(%dma_start3A_292 : memref<128x8xf32, #tpu.memory_space<vmem_shared>>) target_semaphore(%run_scoped3A : memref<!tpu.dma_semaphore, #tpu.memory_space<semaphore_mem>>)
        %dma_wait3A = arith.constant 0 : i32
        %dma_wait3A_296 = arith.constant 0 : i32
        %dma_wait3A_297 = tpu.memref_slice %arg11[%dma_wait3A, %dma_wait3A_296] : memref<256x8xf32, #tpu.memory_space<vmem>> -> memref<128x8xf32, #tpu.memory_space<vmem>>
        %dma_wait3A_298 = arith.constant 0 : i32
        %dma_wait3A_299 = tpu.memref_slice %arg12[%mul3A_285, %dma_wait3A_298] : memref<25472x8xf32, #tpu.memory_space<vmem_shared>> -> memref<128x8xf32, #tpu.memory_space<vmem_shared>>
        %dma_wait3A_300 = arith.constant 0 : i32
        %dma_wait3A_301 = tpu.memref_slice %arg12[%mul3A_285, %dma_wait3A_300] : memref<25472x8xf32, #tpu.memory_space<vmem_shared>> -> memref<128x8xf32, #tpu.memory_space<vmem_shared>>
        %dma_wait3A_302 = arith.constant 0 : i32
        %dma_wait3A_303 = arith.constant 0 : i32
        %dma_wait3A_304 = tpu.memref_slice %arg11[%dma_wait3A_302, %dma_wait3A_303] : memref<256x8xf32, #tpu.memory_space<vmem>> -> memref<128x8xf32, #tpu.memory_space<vmem>>
        tpu.wait_dma2 semaphore(%run_scoped3A : memref<!tpu.dma_semaphore, #tpu.memory_space<semaphore_mem>>) src(%dma_wait3A_304 : memref<128x8xf32, #tpu.memory_space<vmem>>) dst(%dma_wait3A_301 : memref<128x8xf32, #tpu.memory_space<vmem_shared>>)
        tpu.yield
      }) : () -> ()
    } else {
    }
    %mul3A_33 = arith.constant 13 : i32
    %mul3A_34 = arith.muli %arg1, %mul3A_33 : i32
    %add3A_35 = arith.constant 2 : i32
    %add3A_36 = arith.addi %mul3A_34, %add3A_35 : i32
    %lt3A_37 = arith.constant 199 : i32
    %lt3A_38 = arith.cmpi slt, %add3A_36, %lt3A_37 : i32
    %convert_element_type3A_39 = arith.extui %lt3A_38 : i1 to i32
    %cond3A_40 = arith.constant 0 : i32
    %cond3A_41 = arith.cmpi ne, %convert_element_type3A_39, %cond3A_40 : i32
    scf.if %cond3A_41 {
      %mul3A_284 = arith.constant 128 : i32
      %mul3A_285 = arith.muli %add3A_36, %mul3A_284 : i32
      "tpu.region"() ({
        %run_scoped3A = tpu.sem_alloc : memref<!tpu.dma_semaphore, #tpu.memory_space<semaphore_mem>>
        %dma_start3A_286 = arith.constant 0 : i32
        %dma_start3A_287 = arith.constant 0 : i32
        %dma_start3A_288 = tpu.memref_slice %arg11[%dma_start3A_286, %dma_start3A_287] : memref<256x8xf32, #tpu.memory_space<vmem>> -> memref<128x8xf32, #tpu.memory_space<vmem>>
        %dma_start3A_289 = arith.constant 0 : i32
        %dma_start3A_290 = tpu.memref_slice %arg12[%mul3A_285, %dma_start3A_289] : memref<25472x8xf32, #tpu.memory_space<vmem_shared>> -> memref<128x8xf32, #tpu.memory_space<vmem_shared>>
        %dma_start3A_291 = arith.constant 0 : i32
        %dma_start3A_292 = tpu.memref_slice %arg12[%mul3A_285, %dma_start3A_291] : memref<25472x8xf32, #tpu.memory_space<vmem_shared>> -> memref<128x8xf32, #tpu.memory_space<vmem_shared>>
        %dma_start3A_293 = arith.constant 0 : i32
        %dma_start3A_294 = arith.constant 0 : i32
        %dma_start3A_295 = tpu.memref_slice %arg11[%dma_start3A_293, %dma_start3A_294] : memref<256x8xf32, #tpu.memory_space<vmem>> -> memref<128x8xf32, #tpu.memory_space<vmem>>
        tpu.enqueue_dma source(%dma_start3A_295 : memref<128x8xf32, #tpu.memory_space<vmem>>) target(%dma_start3A_292 : memref<128x8xf32, #tpu.memory_space<vmem_shared>>) target_semaphore(%run_scoped3A : memref<!tpu.dma_semaphore, #tpu.memory_space<semaphore_mem>>)
        %dma_wait3A = arith.constant 0 : i32
        %dma_wait3A_296 = arith.constant 0 : i32
        %dma_wait3A_297 = tpu.memref_slice %arg11[%dma_wait3A, %dma_wait3A_296] : memref<256x8xf32, #tpu.memory_space<vmem>> -> memref<128x8xf32, #tpu.memory_space<vmem>>
        %dma_wait3A_298 = arith.constant 0 : i32
        %dma_wait3A_299 = tpu.memref_slice %arg12[%mul3A_285, %dma_wait3A_298] : memref<25472x8xf32, #tpu.memory_space<vmem_shared>> -> memref<128x8xf32, #tpu.memory_space<vmem_shared>>
        %dma_wait3A_300 = arith.constant 0 : i32
        %dma_wait3A_301 = tpu.memref_slice %arg12[%mul3A_285, %dma_wait3A_300] : memref<25472x8xf32, #tpu.memory_space<vmem_shared>> -> memref<128x8xf32, #tpu.memory_space<vmem_shared>>
        %dma_wait3A_302 = arith.constant 0 : i32
        %dma_wait3A_303 = arith.constant 0 : i32
        %dma_wait3A_304 = tpu.memref_slice %arg11[%dma_wait3A_302, %dma_wait3A_303] : memref<256x8xf32, #tpu.memory_space<vmem>> -> memref<128x8xf32, #tpu.memory_space<vmem>>
        tpu.wait_dma2 semaphore(%run_scoped3A : memref<!tpu.dma_semaphore, #tpu.memory_space<semaphore_mem>>) src(%dma_wait3A_304 : memref<128x8xf32, #tpu.memory_space<vmem>>) dst(%dma_wait3A_301 : memref<128x8xf32, #tpu.memory_space<vmem_shared>>)
        tpu.yield
      }) : () -> ()
    } else {
    }
    %mul3A_42 = arith.constant 13 : i32
    %mul3A_43 = arith.muli %arg1, %mul3A_42 : i32
    %add3A_44 = arith.constant 3 : i32
    %add3A_45 = arith.addi %mul3A_43, %add3A_44 : i32
    %lt3A_46 = arith.constant 199 : i32
    %lt3A_47 = arith.cmpi slt, %add3A_45, %lt3A_46 : i32
    %convert_element_type3A_48 = arith.extui %lt3A_47 : i1 to i32
    %cond3A_49 = arith.constant 0 : i32
    %cond3A_50 = arith.cmpi ne, %convert_element_type3A_48, %cond3A_49 : i32
    scf.if %cond3A_50 {
      %mul3A_284 = arith.constant 128 : i32
      %mul3A_285 = arith.muli %add3A_45, %mul3A_284 : i32
      "tpu.region"() ({
        %run_scoped3A = tpu.sem_alloc : memref<!tpu.dma_semaphore, #tpu.memory_space<semaphore_mem>>
        %dma_start3A_286 = arith.constant 0 : i32
        %dma_start3A_287 = arith.constant 0 : i32
        %dma_start3A_288 = tpu.memref_slice %arg11[%dma_start3A_286, %dma_start3A_287] : memref<256x8xf32, #tpu.memory_space<vmem>> -> memref<128x8xf32, #tpu.memory_space<vmem>>
        %dma_start3A_289 = arith.constant 0 : i32
        %dma_start3A_290 = tpu.memref_slice %arg12[%mul3A_285, %dma_start3A_289] : memref<25472x8xf32, #tpu.memory_space<vmem_shared>> -> memref<128x8xf32, #tpu.memory_space<vmem_shared>>
        %dma_start3A_291 = arith.constant 0 : i32
        %dma_start3A_292 = tpu.memref_slice %arg12[%mul3A_285, %dma_start3A_291] : memref<25472x8xf32, #tpu.memory_space<vmem_shared>> -> memref<128x8xf32, #tpu.memory_space<vmem_shared>>
        %dma_start3A_293 = arith.constant 0 : i32
        %dma_start3A_294 = arith.constant 0 : i32
        %dma_start3A_295 = tpu.memref_slice %arg11[%dma_start3A_293, %dma_start3A_294] : memref<256x8xf32, #tpu.memory_space<vmem>> -> memref<128x8xf32, #tpu.memory_space<vmem>>
        tpu.enqueue_dma source(%dma_start3A_295 : memref<128x8xf32, #tpu.memory_space<vmem>>) target(%dma_start3A_292 : memref<128x8xf32, #tpu.memory_space<vmem_shared>>) target_semaphore(%run_scoped3A : memref<!tpu.dma_semaphore, #tpu.memory_space<semaphore_mem>>)
        %dma_wait3A = arith.constant 0 : i32
        %dma_wait3A_296 = arith.constant 0 : i32
        %dma_wait3A_297 = tpu.memref_slice %arg11[%dma_wait3A, %dma_wait3A_296] : memref<256x8xf32, #tpu.memory_space<vmem>> -> memref<128x8xf32, #tpu.memory_space<vmem>>
        %dma_wait3A_298 = arith.constant 0 : i32
        %dma_wait3A_299 = tpu.memref_slice %arg12[%mul3A_285, %dma_wait3A_298] : memref<25472x8xf32, #tpu.memory_space<vmem_shared>> -> memref<128x8xf32, #tpu.memory_space<vmem_shared>>
        %dma_wait3A_300 = arith.constant 0 : i32
        %dma_wait3A_301 = tpu.memref_slice %arg12[%mul3A_285, %dma_wait3A_300] : memref<25472x8xf32, #tpu.memory_space<vmem_shared>> -> memref<128x8xf32, #tpu.memory_space<vmem_shared>>
        %dma_wait3A_302 = arith.constant 0 : i32
        %dma_wait3A_303 = arith.constant 0 : i32
        %dma_wait3A_304 = tpu.memref_slice %arg11[%dma_wait3A_302, %dma_wait3A_303] : memref<256x8xf32, #tpu.memory_space<vmem>> -> memref<128x8xf32, #tpu.memory_space<vmem>>
        tpu.wait_dma2 semaphore(%run_scoped3A : memref<!tpu.dma_semaphore, #tpu.memory_space<semaphore_mem>>) src(%dma_wait3A_304 : memref<128x8xf32, #tpu.memory_space<vmem>>) dst(%dma_wait3A_301 : memref<128x8xf32, #tpu.memory_space<vmem_shared>>)
        tpu.yield
      }) : () -> ()
    } else {
    }
    %mul3A_51 = arith.constant 13 : i32
    %mul3A_52 = arith.muli %arg1, %mul3A_51 : i32
    %add3A_53 = arith.constant 4 : i32
    %add3A_54 = arith.addi %mul3A_52, %add3A_53 : i32
    %lt3A_55 = arith.constant 199 : i32
    %lt3A_56 = arith.cmpi slt, %add3A_54, %lt3A_55 : i32
    %convert_element_type3A_57 = arith.extui %lt3A_56 : i1 to i32
    %cond3A_58 = arith.constant 0 : i32
    %cond3A_59 = arith.cmpi ne, %convert_element_type3A_57, %cond3A_58 : i32
    scf.if %cond3A_59 {
      %mul3A_284 = arith.constant 128 : i32
      %mul3A_285 = arith.muli %add3A_54, %mul3A_284 : i32
      "tpu.region"() ({
        %run_scoped3A = tpu.sem_alloc : memref<!tpu.dma_semaphore, #tpu.memory_space<semaphore_mem>>
        %dma_start3A_286 = arith.constant 0 : i32
        %dma_start3A_287 = arith.constant 0 : i32
        %dma_start3A_288 = tpu.memref_slice %arg11[%dma_start3A_286, %dma_start3A_287] : memref<256x8xf32, #tpu.memory_space<vmem>> -> memref<128x8xf32, #tpu.memory_space<vmem>>
        %dma_start3A_289 = arith.constant 0 : i32
        %dma_start3A_290 = tpu.memref_slice %arg12[%mul3A_285, %dma_start3A_289] : memref<25472x8xf32, #tpu.memory_space<vmem_shared>> -> memref<128x8xf32, #tpu.memory_space<vmem_shared>>
        %dma_start3A_291 = arith.constant 0 : i32
        %dma_start3A_292 = tpu.memref_slice %arg12[%mul3A_285, %dma_start3A_291] : memref<25472x8xf32, #tpu.memory_space<vmem_shared>> -> memref<128x8xf32, #tpu.memory_space<vmem_shared>>
        %dma_start3A_293 = arith.constant 0 : i32
        %dma_start3A_294 = arith.constant 0 : i32
        %dma_start3A_295 = tpu.memref_slice %arg11[%dma_start3A_293, %dma_start3A_294] : memref<256x8xf32, #tpu.memory_space<vmem>> -> memref<128x8xf32, #tpu.memory_space<vmem>>
        tpu.enqueue_dma source(%dma_start3A_295 : memref<128x8xf32, #tpu.memory_space<vmem>>) target(%dma_start3A_292 : memref<128x8xf32, #tpu.memory_space<vmem_shared>>) target_semaphore(%run_scoped3A : memref<!tpu.dma_semaphore, #tpu.memory_space<semaphore_mem>>)
        %dma_wait3A = arith.constant 0 : i32
        %dma_wait3A_296 = arith.constant 0 : i32
        %dma_wait3A_297 = tpu.memref_slice %arg11[%dma_wait3A, %dma_wait3A_296] : memref<256x8xf32, #tpu.memory_space<vmem>> -> memref<128x8xf32, #tpu.memory_space<vmem>>
        %dma_wait3A_298 = arith.constant 0 : i32
        %dma_wait3A_299 = tpu.memref_slice %arg12[%mul3A_285, %dma_wait3A_298] : memref<25472x8xf32, #tpu.memory_space<vmem_shared>> -> memref<128x8xf32, #tpu.memory_space<vmem_shared>>
        %dma_wait3A_300 = arith.constant 0 : i32
        %dma_wait3A_301 = tpu.memref_slice %arg12[%mul3A_285, %dma_wait3A_300] : memref<25472x8xf32, #tpu.memory_space<vmem_shared>> -> memref<128x8xf32, #tpu.memory_space<vmem_shared>>
        %dma_wait3A_302 = arith.constant 0 : i32
        %dma_wait3A_303 = arith.constant 0 : i32
        %dma_wait3A_304 = tpu.memref_slice %arg11[%dma_wait3A_302, %dma_wait3A_303] : memref<256x8xf32, #tpu.memory_space<vmem>> -> memref<128x8xf32, #tpu.memory_space<vmem>>
        tpu.wait_dma2 semaphore(%run_scoped3A : memref<!tpu.dma_semaphore, #tpu.memory_space<semaphore_mem>>) src(%dma_wait3A_304 : memref<128x8xf32, #tpu.memory_space<vmem>>) dst(%dma_wait3A_301 : memref<128x8xf32, #tpu.memory_space<vmem_shared>>)
        tpu.yield
      }) : () -> ()
    } else {
    }
    %mul3A_60 = arith.constant 13 : i32
    %mul3A_61 = arith.muli %arg1, %mul3A_60 : i32
    %add3A_62 = arith.constant 5 : i32
    %add3A_63 = arith.addi %mul3A_61, %add3A_62 : i32
    %lt3A_64 = arith.constant 199 : i32
    %lt3A_65 = arith.cmpi slt, %add3A_63, %lt3A_64 : i32
    %convert_element_type3A_66 = arith.extui %lt3A_65 : i1 to i32
    %cond3A_67 = arith.constant 0 : i32
    %cond3A_68 = arith.cmpi ne, %convert_element_type3A_66, %cond3A_67 : i32
    scf.if %cond3A_68 {
      %mul3A_284 = arith.constant 128 : i32
      %mul3A_285 = arith.muli %add3A_63, %mul3A_284 : i32
      "tpu.region"() ({
        %run_scoped3A = tpu.sem_alloc : memref<!tpu.dma_semaphore, #tpu.memory_space<semaphore_mem>>
        %dma_start3A_286 = arith.constant 0 : i32
        %dma_start3A_287 = arith.constant 0 : i32
        %dma_start3A_288 = tpu.memref_slice %arg11[%dma_start3A_286, %dma_start3A_287] : memref<256x8xf32, #tpu.memory_space<vmem>> -> memref<128x8xf32, #tpu.memory_space<vmem>>
        %dma_start3A_289 = arith.constant 0 : i32
        %dma_start3A_290 = tpu.memref_slice %arg12[%mul3A_285, %dma_start3A_289] : memref<25472x8xf32, #tpu.memory_space<vmem_shared>> -> memref<128x8xf32, #tpu.memory_space<vmem_shared>>
        %dma_start3A_291 = arith.constant 0 : i32
        %dma_start3A_292 = tpu.memref_slice %arg12[%mul3A_285, %dma_start3A_291] : memref<25472x8xf32, #tpu.memory_space<vmem_shared>> -> memref<128x8xf32, #tpu.memory_space<vmem_shared>>
        %dma_start3A_293 = arith.constant 0 : i32
        %dma_start3A_294 = arith.constant 0 : i32
        %dma_start3A_295 = tpu.memref_slice %arg11[%dma_start3A_293, %dma_start3A_294] : memref<256x8xf32, #tpu.memory_space<vmem>> -> memref<128x8xf32, #tpu.memory_space<vmem>>
        tpu.enqueue_dma source(%dma_start3A_295 : memref<128x8xf32, #tpu.memory_space<vmem>>) target(%dma_start3A_292 : memref<128x8xf32, #tpu.memory_space<vmem_shared>>) target_semaphore(%run_scoped3A : memref<!tpu.dma_semaphore, #tpu.memory_space<semaphore_mem>>)
        %dma_wait3A = arith.constant 0 : i32
        %dma_wait3A_296 = arith.constant 0 : i32
        %dma_wait3A_297 = tpu.memref_slice %arg11[%dma_wait3A, %dma_wait3A_296] : memref<256x8xf32, #tpu.memory_space<vmem>> -> memref<128x8xf32, #tpu.memory_space<vmem>>
        %dma_wait3A_298 = arith.constant 0 : i32
        %dma_wait3A_299 = tpu.memref_slice %arg12[%mul3A_285, %dma_wait3A_298] : memref<25472x8xf32, #tpu.memory_space<vmem_shared>> -> memref<128x8xf32, #tpu.memory_space<vmem_shared>>
        %dma_wait3A_300 = arith.constant 0 : i32
        %dma_wait3A_301 = tpu.memref_slice %arg12[%mul3A_285, %dma_wait3A_300] : memref<25472x8xf32, #tpu.memory_space<vmem_shared>> -> memref<128x8xf32, #tpu.memory_space<vmem_shared>>
        %dma_wait3A_302 = arith.constant 0 : i32
        %dma_wait3A_303 = arith.constant 0 : i32
        %dma_wait3A_304 = tpu.memref_slice %arg11[%dma_wait3A_302, %dma_wait3A_303] : memref<256x8xf32, #tpu.memory_space<vmem>> -> memref<128x8xf32, #tpu.memory_space<vmem>>
        tpu.wait_dma2 semaphore(%run_scoped3A : memref<!tpu.dma_semaphore, #tpu.memory_space<semaphore_mem>>) src(%dma_wait3A_304 : memref<128x8xf32, #tpu.memory_space<vmem>>) dst(%dma_wait3A_301 : memref<128x8xf32, #tpu.memory_space<vmem_shared>>)
        tpu.yield
      }) : () -> ()
    } else {
    }
    %mul3A_69 = arith.constant 13 : i32
    %mul3A_70 = arith.muli %arg1, %mul3A_69 : i32
    %add3A_71 = arith.constant 6 : i32
    %add3A_72 = arith.addi %mul3A_70, %add3A_71 : i32
    %lt3A_73 = arith.constant 199 : i32
    %lt3A_74 = arith.cmpi slt, %add3A_72, %lt3A_73 : i32
    %convert_element_type3A_75 = arith.extui %lt3A_74 : i1 to i32
    %cond3A_76 = arith.constant 0 : i32
    %cond3A_77 = arith.cmpi ne, %convert_element_type3A_75, %cond3A_76 : i32
    scf.if %cond3A_77 {
      %mul3A_284 = arith.constant 128 : i32
      %mul3A_285 = arith.muli %add3A_72, %mul3A_284 : i32
      "tpu.region"() ({
        %run_scoped3A = tpu.sem_alloc : memref<!tpu.dma_semaphore, #tpu.memory_space<semaphore_mem>>
        %dma_start3A_286 = arith.constant 0 : i32
        %dma_start3A_287 = arith.constant 0 : i32
        %dma_start3A_288 = tpu.memref_slice %arg11[%dma_start3A_286, %dma_start3A_287] : memref<256x8xf32, #tpu.memory_space<vmem>> -> memref<128x8xf32, #tpu.memory_space<vmem>>
        %dma_start3A_289 = arith.constant 0 : i32
        %dma_start3A_290 = tpu.memref_slice %arg12[%mul3A_285, %dma_start3A_289] : memref<25472x8xf32, #tpu.memory_space<vmem_shared>> -> memref<128x8xf32, #tpu.memory_space<vmem_shared>>
        %dma_start3A_291 = arith.constant 0 : i32
        %dma_start3A_292 = tpu.memref_slice %arg12[%mul3A_285, %dma_start3A_291] : memref<25472x8xf32, #tpu.memory_space<vmem_shared>> -> memref<128x8xf32, #tpu.memory_space<vmem_shared>>
        %dma_start3A_293 = arith.constant 0 : i32
        %dma_start3A_294 = arith.constant 0 : i32
        %dma_start3A_295 = tpu.memref_slice %arg11[%dma_start3A_293, %dma_start3A_294] : memref<256x8xf32, #tpu.memory_space<vmem>> -> memref<128x8xf32, #tpu.memory_space<vmem>>
        tpu.enqueue_dma source(%dma_start3A_295 : memref<128x8xf32, #tpu.memory_space<vmem>>) target(%dma_start3A_292 : memref<128x8xf32, #tpu.memory_space<vmem_shared>>) target_semaphore(%run_scoped3A : memref<!tpu.dma_semaphore, #tpu.memory_space<semaphore_mem>>)
        %dma_wait3A = arith.constant 0 : i32
        %dma_wait3A_296 = arith.constant 0 : i32
        %dma_wait3A_297 = tpu.memref_slice %arg11[%dma_wait3A, %dma_wait3A_296] : memref<256x8xf32, #tpu.memory_space<vmem>> -> memref<128x8xf32, #tpu.memory_space<vmem>>
        %dma_wait3A_298 = arith.constant 0 : i32
        %dma_wait3A_299 = tpu.memref_slice %arg12[%mul3A_285, %dma_wait3A_298] : memref<25472x8xf32, #tpu.memory_space<vmem_shared>> -> memref<128x8xf32, #tpu.memory_space<vmem_shared>>
        %dma_wait3A_300 = arith.constant 0 : i32
        %dma_wait3A_301 = tpu.memref_slice %arg12[%mul3A_285, %dma_wait3A_300] : memref<25472x8xf32, #tpu.memory_space<vmem_shared>> -> memref<128x8xf32, #tpu.memory_space<vmem_shared>>
        %dma_wait3A_302 = arith.constant 0 : i32
        %dma_wait3A_303 = arith.constant 0 : i32
        %dma_wait3A_304 = tpu.memref_slice %arg11[%dma_wait3A_302, %dma_wait3A_303] : memref<256x8xf32, #tpu.memory_space<vmem>> -> memref<128x8xf32, #tpu.memory_space<vmem>>
        tpu.wait_dma2 semaphore(%run_scoped3A : memref<!tpu.dma_semaphore, #tpu.memory_space<semaphore_mem>>) src(%dma_wait3A_304 : memref<128x8xf32, #tpu.memory_space<vmem>>) dst(%dma_wait3A_301 : memref<128x8xf32, #tpu.memory_space<vmem_shared>>)
        tpu.yield
      }) : () -> ()
    } else {
    }
    %mul3A_78 = arith.constant 13 : i32
    %mul3A_79 = arith.muli %arg1, %mul3A_78 : i32
    %add3A_80 = arith.constant 7 : i32
    %add3A_81 = arith.addi %mul3A_79, %add3A_80 : i32
    %lt3A_82 = arith.constant 199 : i32
    %lt3A_83 = arith.cmpi slt, %add3A_81, %lt3A_82 : i32
    %convert_element_type3A_84 = arith.extui %lt3A_83 : i1 to i32
    %cond3A_85 = arith.constant 0 : i32
    %cond3A_86 = arith.cmpi ne, %convert_element_type3A_84, %cond3A_85 : i32
    scf.if %cond3A_86 {
      %mul3A_284 = arith.constant 128 : i32
      %mul3A_285 = arith.muli %add3A_81, %mul3A_284 : i32
      "tpu.region"() ({
        %run_scoped3A = tpu.sem_alloc : memref<!tpu.dma_semaphore, #tpu.memory_space<semaphore_mem>>
        %dma_start3A_286 = arith.constant 0 : i32
        %dma_start3A_287 = arith.constant 0 : i32
        %dma_start3A_288 = tpu.memref_slice %arg11[%dma_start3A_286, %dma_start3A_287] : memref<256x8xf32, #tpu.memory_space<vmem>> -> memref<128x8xf32, #tpu.memory_space<vmem>>
        %dma_start3A_289 = arith.constant 0 : i32
        %dma_start3A_290 = tpu.memref_slice %arg12[%mul3A_285, %dma_start3A_289] : memref<25472x8xf32, #tpu.memory_space<vmem_shared>> -> memref<128x8xf32, #tpu.memory_space<vmem_shared>>
        %dma_start3A_291 = arith.constant 0 : i32
        %dma_start3A_292 = tpu.memref_slice %arg12[%mul3A_285, %dma_start3A_291] : memref<25472x8xf32, #tpu.memory_space<vmem_shared>> -> memref<128x8xf32, #tpu.memory_space<vmem_shared>>
        %dma_start3A_293 = arith.constant 0 : i32
        %dma_start3A_294 = arith.constant 0 : i32
        %dma_start3A_295 = tpu.memref_slice %arg11[%dma_start3A_293, %dma_start3A_294] : memref<256x8xf32, #tpu.memory_space<vmem>> -> memref<128x8xf32, #tpu.memory_space<vmem>>
        tpu.enqueue_dma source(%dma_start3A_295 : memref<128x8xf32, #tpu.memory_space<vmem>>) target(%dma_start3A_292 : memref<128x8xf32, #tpu.memory_space<vmem_shared>>) target_semaphore(%run_scoped3A : memref<!tpu.dma_semaphore, #tpu.memory_space<semaphore_mem>>)
        %dma_wait3A = arith.constant 0 : i32
        %dma_wait3A_296 = arith.constant 0 : i32
        %dma_wait3A_297 = tpu.memref_slice %arg11[%dma_wait3A, %dma_wait3A_296] : memref<256x8xf32, #tpu.memory_space<vmem>> -> memref<128x8xf32, #tpu.memory_space<vmem>>
        %dma_wait3A_298 = arith.constant 0 : i32
        %dma_wait3A_299 = tpu.memref_slice %arg12[%mul3A_285, %dma_wait3A_298] : memref<25472x8xf32, #tpu.memory_space<vmem_shared>> -> memref<128x8xf32, #tpu.memory_space<vmem_shared>>
        %dma_wait3A_300 = arith.constant 0 : i32
        %dma_wait3A_301 = tpu.memref_slice %arg12[%mul3A_285, %dma_wait3A_300] : memref<25472x8xf32, #tpu.memory_space<vmem_shared>> -> memref<128x8xf32, #tpu.memory_space<vmem_shared>>
        %dma_wait3A_302 = arith.constant 0 : i32
        %dma_wait3A_303 = arith.constant 0 : i32
        %dma_wait3A_304 = tpu.memref_slice %arg11[%dma_wait3A_302, %dma_wait3A_303] : memref<256x8xf32, #tpu.memory_space<vmem>> -> memref<128x8xf32, #tpu.memory_space<vmem>>
        tpu.wait_dma2 semaphore(%run_scoped3A : memref<!tpu.dma_semaphore, #tpu.memory_space<semaphore_mem>>) src(%dma_wait3A_304 : memref<128x8xf32, #tpu.memory_space<vmem>>) dst(%dma_wait3A_301 : memref<128x8xf32, #tpu.memory_space<vmem_shared>>)
        tpu.yield
      }) : () -> ()
    } else {
    }
    %mul3A_87 = arith.constant 13 : i32
    %mul3A_88 = arith.muli %arg1, %mul3A_87 : i32
    %add3A_89 = arith.constant 8 : i32
    %add3A_90 = arith.addi %mul3A_88, %add3A_89 : i32
    %lt3A_91 = arith.constant 199 : i32
    %lt3A_92 = arith.cmpi slt, %add3A_90, %lt3A_91 : i32
    %convert_element_type3A_93 = arith.extui %lt3A_92 : i1 to i32
    %cond3A_94 = arith.constant 0 : i32
    %cond3A_95 = arith.cmpi ne, %convert_element_type3A_93, %cond3A_94 : i32
    scf.if %cond3A_95 {
      %mul3A_284 = arith.constant 128 : i32
      %mul3A_285 = arith.muli %add3A_90, %mul3A_284 : i32
      "tpu.region"() ({
        %run_scoped3A = tpu.sem_alloc : memref<!tpu.dma_semaphore, #tpu.memory_space<semaphore_mem>>
        %dma_start3A_286 = arith.constant 0 : i32
        %dma_start3A_287 = arith.constant 0 : i32
        %dma_start3A_288 = tpu.memref_slice %arg11[%dma_start3A_286, %dma_start3A_287] : memref<256x8xf32, #tpu.memory_space<vmem>> -> memref<128x8xf32, #tpu.memory_space<vmem>>
        %dma_start3A_289 = arith.constant 0 : i32
        %dma_start3A_290 = tpu.memref_slice %arg12[%mul3A_285, %dma_start3A_289] : memref<25472x8xf32, #tpu.memory_space<vmem_shared>> -> memref<128x8xf32, #tpu.memory_space<vmem_shared>>
        %dma_start3A_291 = arith.constant 0 : i32
        %dma_start3A_292 = tpu.memref_slice %arg12[%mul3A_285, %dma_start3A_291] : memref<25472x8xf32, #tpu.memory_space<vmem_shared>> -> memref<128x8xf32, #tpu.memory_space<vmem_shared>>
        %dma_start3A_293 = arith.constant 0 : i32
        %dma_start3A_294 = arith.constant 0 : i32
        %dma_start3A_295 = tpu.memref_slice %arg11[%dma_start3A_293, %dma_start3A_294] : memref<256x8xf32, #tpu.memory_space<vmem>> -> memref<128x8xf32, #tpu.memory_space<vmem>>
        tpu.enqueue_dma source(%dma_start3A_295 : memref<128x8xf32, #tpu.memory_space<vmem>>) target(%dma_start3A_292 : memref<128x8xf32, #tpu.memory_space<vmem_shared>>) target_semaphore(%run_scoped3A : memref<!tpu.dma_semaphore, #tpu.memory_space<semaphore_mem>>)
        %dma_wait3A = arith.constant 0 : i32
        %dma_wait3A_296 = arith.constant 0 : i32
        %dma_wait3A_297 = tpu.memref_slice %arg11[%dma_wait3A, %dma_wait3A_296] : memref<256x8xf32, #tpu.memory_space<vmem>> -> memref<128x8xf32, #tpu.memory_space<vmem>>
        %dma_wait3A_298 = arith.constant 0 : i32
        %dma_wait3A_299 = tpu.memref_slice %arg12[%mul3A_285, %dma_wait3A_298] : memref<25472x8xf32, #tpu.memory_space<vmem_shared>> -> memref<128x8xf32, #tpu.memory_space<vmem_shared>>
        %dma_wait3A_300 = arith.constant 0 : i32
        %dma_wait3A_301 = tpu.memref_slice %arg12[%mul3A_285, %dma_wait3A_300] : memref<25472x8xf32, #tpu.memory_space<vmem_shared>> -> memref<128x8xf32, #tpu.memory_space<vmem_shared>>
        %dma_wait3A_302 = arith.constant 0 : i32
        %dma_wait3A_303 = arith.constant 0 : i32
        %dma_wait3A_304 = tpu.memref_slice %arg11[%dma_wait3A_302, %dma_wait3A_303] : memref<256x8xf32, #tpu.memory_space<vmem>> -> memref<128x8xf32, #tpu.memory_space<vmem>>
        tpu.wait_dma2 semaphore(%run_scoped3A : memref<!tpu.dma_semaphore, #tpu.memory_space<semaphore_mem>>) src(%dma_wait3A_304 : memref<128x8xf32, #tpu.memory_space<vmem>>) dst(%dma_wait3A_301 : memref<128x8xf32, #tpu.memory_space<vmem_shared>>)
        tpu.yield
      }) : () -> ()
    } else {
    }
    %mul3A_96 = arith.constant 13 : i32
    %mul3A_97 = arith.muli %arg1, %mul3A_96 : i32
    %add3A_98 = arith.constant 9 : i32
    %add3A_99 = arith.addi %mul3A_97, %add3A_98 : i32
    %lt3A_100 = arith.constant 199 : i32
    %lt3A_101 = arith.cmpi slt, %add3A_99, %lt3A_100 : i32
    %convert_element_type3A_102 = arith.extui %lt3A_101 : i1 to i32
    %cond3A_103 = arith.constant 0 : i32
    %cond3A_104 = arith.cmpi ne, %convert_element_type3A_102, %cond3A_103 : i32
    scf.if %cond3A_104 {
      %mul3A_284 = arith.constant 128 : i32
      %mul3A_285 = arith.muli %add3A_99, %mul3A_284 : i32
      "tpu.region"() ({
        %run_scoped3A = tpu.sem_alloc : memref<!tpu.dma_semaphore, #tpu.memory_space<semaphore_mem>>
        %dma_start3A_286 = arith.constant 0 : i32
        %dma_start3A_287 = arith.constant 0 : i32
        %dma_start3A_288 = tpu.memref_slice %arg11[%dma_start3A_286, %dma_start3A_287] : memref<256x8xf32, #tpu.memory_space<vmem>> -> memref<128x8xf32, #tpu.memory_space<vmem>>
        %dma_start3A_289 = arith.constant 0 : i32
        %dma_start3A_290 = tpu.memref_slice %arg12[%mul3A_285, %dma_start3A_289] : memref<25472x8xf32, #tpu.memory_space<vmem_shared>> -> memref<128x8xf32, #tpu.memory_space<vmem_shared>>
        %dma_start3A_291 = arith.constant 0 : i32
        %dma_start3A_292 = tpu.memref_slice %arg12[%mul3A_285, %dma_start3A_291] : memref<25472x8xf32, #tpu.memory_space<vmem_shared>> -> memref<128x8xf32, #tpu.memory_space<vmem_shared>>
        %dma_start3A_293 = arith.constant 0 : i32
        %dma_start3A_294 = arith.constant 0 : i32
        %dma_start3A_295 = tpu.memref_slice %arg11[%dma_start3A_293, %dma_start3A_294] : memref<256x8xf32, #tpu.memory_space<vmem>> -> memref<128x8xf32, #tpu.memory_space<vmem>>
        tpu.enqueue_dma source(%dma_start3A_295 : memref<128x8xf32, #tpu.memory_space<vmem>>) target(%dma_start3A_292 : memref<128x8xf32, #tpu.memory_space<vmem_shared>>) target_semaphore(%run_scoped3A : memref<!tpu.dma_semaphore, #tpu.memory_space<semaphore_mem>>)
        %dma_wait3A = arith.constant 0 : i32
        %dma_wait3A_296 = arith.constant 0 : i32
        %dma_wait3A_297 = tpu.memref_slice %arg11[%dma_wait3A, %dma_wait3A_296] : memref<256x8xf32, #tpu.memory_space<vmem>> -> memref<128x8xf32, #tpu.memory_space<vmem>>
        %dma_wait3A_298 = arith.constant 0 : i32
        %dma_wait3A_299 = tpu.memref_slice %arg12[%mul3A_285, %dma_wait3A_298] : memref<25472x8xf32, #tpu.memory_space<vmem_shared>> -> memref<128x8xf32, #tpu.memory_space<vmem_shared>>
        %dma_wait3A_300 = arith.constant 0 : i32
        %dma_wait3A_301 = tpu.memref_slice %arg12[%mul3A_285, %dma_wait3A_300] : memref<25472x8xf32, #tpu.memory_space<vmem_shared>> -> memref<128x8xf32, #tpu.memory_space<vmem_shared>>
        %dma_wait3A_302 = arith.constant 0 : i32
        %dma_wait3A_303 = arith.constant 0 : i32
        %dma_wait3A_304 = tpu.memref_slice %arg11[%dma_wait3A_302, %dma_wait3A_303] : memref<256x8xf32, #tpu.memory_space<vmem>> -> memref<128x8xf32, #tpu.memory_space<vmem>>
        tpu.wait_dma2 semaphore(%run_scoped3A : memref<!tpu.dma_semaphore, #tpu.memory_space<semaphore_mem>>) src(%dma_wait3A_304 : memref<128x8xf32, #tpu.memory_space<vmem>>) dst(%dma_wait3A_301 : memref<128x8xf32, #tpu.memory_space<vmem_shared>>)
        tpu.yield
      }) : () -> ()
    } else {
    }
    %mul3A_105 = arith.constant 13 : i32
    %mul3A_106 = arith.muli %arg1, %mul3A_105 : i32
    %add3A_107 = arith.constant 10 : i32
    %add3A_108 = arith.addi %mul3A_106, %add3A_107 : i32
    %lt3A_109 = arith.constant 199 : i32
    %lt3A_110 = arith.cmpi slt, %add3A_108, %lt3A_109 : i32
    %convert_element_type3A_111 = arith.extui %lt3A_110 : i1 to i32
    %cond3A_112 = arith.constant 0 : i32
    %cond3A_113 = arith.cmpi ne, %convert_element_type3A_111, %cond3A_112 : i32
    scf.if %cond3A_113 {
      %mul3A_284 = arith.constant 128 : i32
      %mul3A_285 = arith.muli %add3A_108, %mul3A_284 : i32
      "tpu.region"() ({
        %run_scoped3A = tpu.sem_alloc : memref<!tpu.dma_semaphore, #tpu.memory_space<semaphore_mem>>
        %dma_start3A_286 = arith.constant 0 : i32
        %dma_start3A_287 = arith.constant 0 : i32
        %dma_start3A_288 = tpu.memref_slice %arg11[%dma_start3A_286, %dma_start3A_287] : memref<256x8xf32, #tpu.memory_space<vmem>> -> memref<128x8xf32, #tpu.memory_space<vmem>>
        %dma_start3A_289 = arith.constant 0 : i32
        %dma_start3A_290 = tpu.memref_slice %arg12[%mul3A_285, %dma_start3A_289] : memref<25472x8xf32, #tpu.memory_space<vmem_shared>> -> memref<128x8xf32, #tpu.memory_space<vmem_shared>>
        %dma_start3A_291 = arith.constant 0 : i32
        %dma_start3A_292 = tpu.memref_slice %arg12[%mul3A_285, %dma_start3A_291] : memref<25472x8xf32, #tpu.memory_space<vmem_shared>> -> memref<128x8xf32, #tpu.memory_space<vmem_shared>>
        %dma_start3A_293 = arith.constant 0 : i32
        %dma_start3A_294 = arith.constant 0 : i32
        %dma_start3A_295 = tpu.memref_slice %arg11[%dma_start3A_293, %dma_start3A_294] : memref<256x8xf32, #tpu.memory_space<vmem>> -> memref<128x8xf32, #tpu.memory_space<vmem>>
        tpu.enqueue_dma source(%dma_start3A_295 : memref<128x8xf32, #tpu.memory_space<vmem>>) target(%dma_start3A_292 : memref<128x8xf32, #tpu.memory_space<vmem_shared>>) target_semaphore(%run_scoped3A : memref<!tpu.dma_semaphore, #tpu.memory_space<semaphore_mem>>)
        %dma_wait3A = arith.constant 0 : i32
        %dma_wait3A_296 = arith.constant 0 : i32
        %dma_wait3A_297 = tpu.memref_slice %arg11[%dma_wait3A, %dma_wait3A_296] : memref<256x8xf32, #tpu.memory_space<vmem>> -> memref<128x8xf32, #tpu.memory_space<vmem>>
        %dma_wait3A_298 = arith.constant 0 : i32
        %dma_wait3A_299 = tpu.memref_slice %arg12[%mul3A_285, %dma_wait3A_298] : memref<25472x8xf32, #tpu.memory_space<vmem_shared>> -> memref<128x8xf32, #tpu.memory_space<vmem_shared>>
        %dma_wait3A_300 = arith.constant 0 : i32
        %dma_wait3A_301 = tpu.memref_slice %arg12[%mul3A_285, %dma_wait3A_300] : memref<25472x8xf32, #tpu.memory_space<vmem_shared>> -> memref<128x8xf32, #tpu.memory_space<vmem_shared>>
        %dma_wait3A_302 = arith.constant 0 : i32
        %dma_wait3A_303 = arith.constant 0 : i32
        %dma_wait3A_304 = tpu.memref_slice %arg11[%dma_wait3A_302, %dma_wait3A_303] : memref<256x8xf32, #tpu.memory_space<vmem>> -> memref<128x8xf32, #tpu.memory_space<vmem>>
        tpu.wait_dma2 semaphore(%run_scoped3A : memref<!tpu.dma_semaphore, #tpu.memory_space<semaphore_mem>>) src(%dma_wait3A_304 : memref<128x8xf32, #tpu.memory_space<vmem>>) dst(%dma_wait3A_301 : memref<128x8xf32, #tpu.memory_space<vmem_shared>>)
        tpu.yield
      }) : () -> ()
    } else {
    }
    %mul3A_114 = arith.constant 13 : i32
    %mul3A_115 = arith.muli %arg1, %mul3A_114 : i32
    %add3A_116 = arith.constant 11 : i32
    %add3A_117 = arith.addi %mul3A_115, %add3A_116 : i32
    %lt3A_118 = arith.constant 199 : i32
    %lt3A_119 = arith.cmpi slt, %add3A_117, %lt3A_118 : i32
    %convert_element_type3A_120 = arith.extui %lt3A_119 : i1 to i32
    %cond3A_121 = arith.constant 0 : i32
    %cond3A_122 = arith.cmpi ne, %convert_element_type3A_120, %cond3A_121 : i32
    scf.if %cond3A_122 {
      %mul3A_284 = arith.constant 128 : i32
      %mul3A_285 = arith.muli %add3A_117, %mul3A_284 : i32
      "tpu.region"() ({
        %run_scoped3A = tpu.sem_alloc : memref<!tpu.dma_semaphore, #tpu.memory_space<semaphore_mem>>
        %dma_start3A_286 = arith.constant 0 : i32
        %dma_start3A_287 = arith.constant 0 : i32
        %dma_start3A_288 = tpu.memref_slice %arg11[%dma_start3A_286, %dma_start3A_287] : memref<256x8xf32, #tpu.memory_space<vmem>> -> memref<128x8xf32, #tpu.memory_space<vmem>>
        %dma_start3A_289 = arith.constant 0 : i32
        %dma_start3A_290 = tpu.memref_slice %arg12[%mul3A_285, %dma_start3A_289] : memref<25472x8xf32, #tpu.memory_space<vmem_shared>> -> memref<128x8xf32, #tpu.memory_space<vmem_shared>>
        %dma_start3A_291 = arith.constant 0 : i32
        %dma_start3A_292 = tpu.memref_slice %arg12[%mul3A_285, %dma_start3A_291] : memref<25472x8xf32, #tpu.memory_space<vmem_shared>> -> memref<128x8xf32, #tpu.memory_space<vmem_shared>>
        %dma_start3A_293 = arith.constant 0 : i32
        %dma_start3A_294 = arith.constant 0 : i32
        %dma_start3A_295 = tpu.memref_slice %arg11[%dma_start3A_293, %dma_start3A_294] : memref<256x8xf32, #tpu.memory_space<vmem>> -> memref<128x8xf32, #tpu.memory_space<vmem>>
        tpu.enqueue_dma source(%dma_start3A_295 : memref<128x8xf32, #tpu.memory_space<vmem>>) target(%dma_start3A_292 : memref<128x8xf32, #tpu.memory_space<vmem_shared>>) target_semaphore(%run_scoped3A : memref<!tpu.dma_semaphore, #tpu.memory_space<semaphore_mem>>)
        %dma_wait3A = arith.constant 0 : i32
        %dma_wait3A_296 = arith.constant 0 : i32
        %dma_wait3A_297 = tpu.memref_slice %arg11[%dma_wait3A, %dma_wait3A_296] : memref<256x8xf32, #tpu.memory_space<vmem>> -> memref<128x8xf32, #tpu.memory_space<vmem>>
        %dma_wait3A_298 = arith.constant 0 : i32
        %dma_wait3A_299 = tpu.memref_slice %arg12[%mul3A_285, %dma_wait3A_298] : memref<25472x8xf32, #tpu.memory_space<vmem_shared>> -> memref<128x8xf32, #tpu.memory_space<vmem_shared>>
        %dma_wait3A_300 = arith.constant 0 : i32
        %dma_wait3A_301 = tpu.memref_slice %arg12[%mul3A_285, %dma_wait3A_300] : memref<25472x8xf32, #tpu.memory_space<vmem_shared>> -> memref<128x8xf32, #tpu.memory_space<vmem_shared>>
        %dma_wait3A_302 = arith.constant 0 : i32
        %dma_wait3A_303 = arith.constant 0 : i32
        %dma_wait3A_304 = tpu.memref_slice %arg11[%dma_wait3A_302, %dma_wait3A_303] : memref<256x8xf32, #tpu.memory_space<vmem>> -> memref<128x8xf32, #tpu.memory_space<vmem>>
        tpu.wait_dma2 semaphore(%run_scoped3A : memref<!tpu.dma_semaphore, #tpu.memory_space<semaphore_mem>>) src(%dma_wait3A_304 : memref<128x8xf32, #tpu.memory_space<vmem>>) dst(%dma_wait3A_301 : memref<128x8xf32, #tpu.memory_space<vmem_shared>>)
        tpu.yield
      }) : () -> ()
    } else {
    }
    %mul3A_123 = arith.constant 13 : i32
    %mul3A_124 = arith.muli %arg1, %mul3A_123 : i32
    %add3A_125 = arith.constant 12 : i32
    %add3A_126 = arith.addi %mul3A_124, %add3A_125 : i32
    %lt3A_127 = arith.constant 199 : i32
    %lt3A_128 = arith.cmpi slt, %add3A_126, %lt3A_127 : i32
    %convert_element_type3A_129 = arith.extui %lt3A_128 : i1 to i32
    %cond3A_130 = arith.constant 0 : i32
    %cond3A_131 = arith.cmpi ne, %convert_element_type3A_129, %cond3A_130 : i32
    scf.if %cond3A_131 {
      %mul3A_284 = arith.constant 128 : i32
      %mul3A_285 = arith.muli %add3A_126, %mul3A_284 : i32
      "tpu.region"() ({
        %run_scoped3A = tpu.sem_alloc : memref<!tpu.dma_semaphore, #tpu.memory_space<semaphore_mem>>
        %dma_start3A_286 = arith.constant 0 : i32
        %dma_start3A_287 = arith.constant 0 : i32
        %dma_start3A_288 = tpu.memref_slice %arg11[%dma_start3A_286, %dma_start3A_287] : memref<256x8xf32, #tpu.memory_space<vmem>> -> memref<128x8xf32, #tpu.memory_space<vmem>>
        %dma_start3A_289 = arith.constant 0 : i32
        %dma_start3A_290 = tpu.memref_slice %arg12[%mul3A_285, %dma_start3A_289] : memref<25472x8xf32, #tpu.memory_space<vmem_shared>> -> memref<128x8xf32, #tpu.memory_space<vmem_shared>>
        %dma_start3A_291 = arith.constant 0 : i32
        %dma_start3A_292 = tpu.memref_slice %arg12[%mul3A_285, %dma_start3A_291] : memref<25472x8xf32, #tpu.memory_space<vmem_shared>> -> memref<128x8xf32, #tpu.memory_space<vmem_shared>>
        %dma_start3A_293 = arith.constant 0 : i32
        %dma_start3A_294 = arith.constant 0 : i32
        %dma_start3A_295 = tpu.memref_slice %arg11[%dma_start3A_293, %dma_start3A_294] : memref<256x8xf32, #tpu.memory_space<vmem>> -> memref<128x8xf32, #tpu.memory_space<vmem>>
        tpu.enqueue_dma source(%dma_start3A_295 : memref<128x8xf32, #tpu.memory_space<vmem>>) target(%dma_start3A_292 : memref<128x8xf32, #tpu.memory_space<vmem_shared>>) target_semaphore(%run_scoped3A : memref<!tpu.dma_semaphore, #tpu.memory_space<semaphore_mem>>)
        %dma_wait3A = arith.constant 0 : i32
        %dma_wait3A_296 = arith.constant 0 : i32
        %dma_wait3A_297 = tpu.memref_slice %arg11[%dma_wait3A, %dma_wait3A_296] : memref<256x8xf32, #tpu.memory_space<vmem>> -> memref<128x8xf32, #tpu.memory_space<vmem>>
        %dma_wait3A_298 = arith.constant 0 : i32
        %dma_wait3A_299 = tpu.memref_slice %arg12[%mul3A_285, %dma_wait3A_298] : memref<25472x8xf32, #tpu.memory_space<vmem_shared>> -> memref<128x8xf32, #tpu.memory_space<vmem_shared>>
        %dma_wait3A_300 = arith.constant 0 : i32
        %dma_wait3A_301 = tpu.memref_slice %arg12[%mul3A_285, %dma_wait3A_300] : memref<25472x8xf32, #tpu.memory_space<vmem_shared>> -> memref<128x8xf32, #tpu.memory_space<vmem_shared>>
        %dma_wait3A_302 = arith.constant 0 : i32
        %dma_wait3A_303 = arith.constant 0 : i32
        %dma_wait3A_304 = tpu.memref_slice %arg11[%dma_wait3A_302, %dma_wait3A_303] : memref<256x8xf32, #tpu.memory_space<vmem>> -> memref<128x8xf32, #tpu.memory_space<vmem>>
        tpu.wait_dma2 semaphore(%run_scoped3A : memref<!tpu.dma_semaphore, #tpu.memory_space<semaphore_mem>>) src(%dma_wait3A_304 : memref<128x8xf32, #tpu.memory_space<vmem>>) dst(%dma_wait3A_301 : memref<128x8xf32, #tpu.memory_space<vmem_shared>>)
        tpu.yield
      }) : () -> ()
    } else {
    }
    %barrier3A = arith.constant 0 : index
    tpu.barrier barrier_id(%barrier3A)
    %and3A = arith.constant 0 : i32
    %and3A_132 = arith.constant 1 : i32
    %and3A_133 = arith.andi %and3A, %and3A_132 : i32
    %mul3A_134 = arith.constant 2000 : i32
    %mul3A_135 = arith.muli %and3A_133, %mul3A_134 : i32
    %add3A_136 = arith.constant 0 : i32
    %add3A_137 = arith.addi %mul3A_0, %add3A_136 : i32
    %dma_start3A = tpu.memref_slice %arg7[%mul3A_135] : memref<4000xi32, #tpu.memory_space<vmem>> -> memref<2000xi32, #tpu.memory_space<vmem>>
    %dma_start3A_138 = tpu.memref_slice %arg2[%add3A_137] : memref<800000xi32, #tpu.memory_space<hbm>> -> memref<2000xi32, #tpu.memory_space<hbm>>
    %dma_start3A_139 = tpu.memref_slice %arg7[%mul3A_135] : memref<4000xi32, #tpu.memory_space<vmem>> -> memref<2000xi32, #tpu.memory_space<vmem>>
    %dma_start3A_140 = tpu.memref_slice %arg2[%add3A_137] : memref<800000xi32, #tpu.memory_space<hbm>> -> memref<2000xi32, #tpu.memory_space<hbm>>
    tpu.enqueue_dma source(%dma_start3A_140 : memref<2000xi32, #tpu.memory_space<hbm>>) target(%dma_start3A_139 : memref<2000xi32, #tpu.memory_space<vmem>>) target_semaphore(%arg15 : memref<!tpu.dma_semaphore, #tpu.memory_space<semaphore_mem>>)
    %dma_start3A_141 = tpu.memref_slice %arg8[%mul3A_135] : memref<4000xi32, #tpu.memory_space<vmem>> -> memref<2000xi32, #tpu.memory_space<vmem>>
    %dma_start3A_142 = tpu.memref_slice %arg3[%add3A_137] : memref<800000xi32, #tpu.memory_space<hbm>> -> memref<2000xi32, #tpu.memory_space<hbm>>
    %dma_start3A_143 = tpu.memref_slice %arg8[%mul3A_135] : memref<4000xi32, #tpu.memory_space<vmem>> -> memref<2000xi32, #tpu.memory_space<vmem>>
    %dma_start3A_144 = tpu.memref_slice %arg3[%add3A_137] : memref<800000xi32, #tpu.memory_space<hbm>> -> memref<2000xi32, #tpu.memory_space<hbm>>
    tpu.enqueue_dma source(%dma_start3A_144 : memref<2000xi32, #tpu.memory_space<hbm>>) target(%dma_start3A_143 : memref<2000xi32, #tpu.memory_space<vmem>>) target_semaphore(%arg15 : memref<!tpu.dma_semaphore, #tpu.memory_space<semaphore_mem>>)
    %broadcast_in_dim3A_145 = arith.constant 0 : i32
    %broadcast_in_dim3A_146 = vector.broadcast %broadcast_in_dim3A_145 : i32 to vector<16xi32>
    %scan3A = arith.constant 0 : i32
    %scan3A_147 = arith.constant 0 : i32
    %scan3A_148 = arith.constant 0 : i32
    %scan3A_149 = arith.constant 25 : i32
    %scan3A_150 = arith.addi %scan3A_148, %scan3A_149 : i32
    %scan3A_151 = arith.constant 1 : i32
    %scan3A_152:3 = scf.for %scan3A_284 = %scan3A_148 to %scan3A_150 step %scan3A_151 iter_args(%scan3A_285 = %broadcast_in_dim3A_146, %scan3A_286 = %scan3A, %scan3A_287 = %scan3A_147) -> (vector<16xi32>, i32, i32)  : i32 {
      %and3A_288 = arith.constant 1 : i32
      %and3A_289 = arith.andi %scan3A_284, %and3A_288 : i32
      %mul3A_290 = arith.constant 2000 : i32
      %mul3A_291 = arith.muli %and3A_289, %mul3A_290 : i32
      %mul3A_292 = arith.constant 2000 : i32
      %mul3A_293 = arith.muli %scan3A_284, %mul3A_292 : i32
      %add3A_294 = arith.addi %mul3A_0, %mul3A_293 : i32
      %dma_wait3A = tpu.memref_slice %arg7[%mul3A_291] : memref<4000xi32, #tpu.memory_space<vmem>> -> memref<2000xi32, #tpu.memory_space<vmem>>
      %dma_wait3A_295 = tpu.memref_slice %arg2[%add3A_294] : memref<800000xi32, #tpu.memory_space<hbm>> -> memref<2000xi32, #tpu.memory_space<hbm>>
      %dma_wait3A_296 = tpu.memref_slice %arg7[%mul3A_291] : memref<4000xi32, #tpu.memory_space<vmem>> -> memref<2000xi32, #tpu.memory_space<vmem>>
      %dma_wait3A_297 = tpu.memref_slice %arg2[%add3A_294] : memref<800000xi32, #tpu.memory_space<hbm>> -> memref<2000xi32, #tpu.memory_space<hbm>>
      tpu.wait_dma2 semaphore(%arg15 : memref<!tpu.dma_semaphore, #tpu.memory_space<semaphore_mem>>) src(%dma_wait3A_297 : memref<2000xi32, #tpu.memory_space<hbm>>) dst(%dma_wait3A_296 : memref<2000xi32, #tpu.memory_space<vmem>>)
      %dma_wait3A_298 = tpu.memref_slice %arg8[%mul3A_291] : memref<4000xi32, #tpu.memory_space<vmem>> -> memref<2000xi32, #tpu.memory_space<vmem>>
      %dma_wait3A_299 = tpu.memref_slice %arg3[%add3A_294] : memref<800000xi32, #tpu.memory_space<hbm>> -> memref<2000xi32, #tpu.memory_space<hbm>>
      %dma_wait3A_300 = tpu.memref_slice %arg8[%mul3A_291] : memref<4000xi32, #tpu.memory_space<vmem>> -> memref<2000xi32, #tpu.memory_space<vmem>>
      %dma_wait3A_301 = tpu.memref_slice %arg3[%add3A_294] : memref<800000xi32, #tpu.memory_space<hbm>> -> memref<2000xi32, #tpu.memory_space<hbm>>
      tpu.wait_dma2 semaphore(%arg15 : memref<!tpu.dma_semaphore, #tpu.memory_space<semaphore_mem>>) src(%dma_wait3A_301 : memref<2000xi32, #tpu.memory_space<hbm>>) dst(%dma_wait3A_300 : memref<2000xi32, #tpu.memory_space<vmem>>)
      %add3A_302 = arith.constant 1 : i32
      %add3A_303 = arith.addi %scan3A_284, %add3A_302 : i32
      %lt3A_304 = arith.constant 25 : i32
      %lt3A_305 = arith.cmpi slt, %add3A_303, %lt3A_304 : i32
      %convert_element_type3A_306 = arith.extui %lt3A_305 : i1 to i32
      %cond3A_307 = arith.constant 0 : i32
      %cond3A_308 = arith.cmpi ne, %convert_element_type3A_306, %cond3A_307 : i32
      scf.if %cond3A_308 {
        %add3A_315 = arith.constant 1 : i32
        %add3A_316 = arith.addi %scan3A_284, %add3A_315 : i32
        %and3A_317 = arith.constant 1 : i32
        %and3A_318 = arith.andi %add3A_316, %and3A_317 : i32
        %mul3A_319 = arith.constant 2000 : i32
        %mul3A_320 = arith.muli %and3A_318, %mul3A_319 : i32
        %mul3A_321 = arith.constant 2000 : i32
        %mul3A_322 = arith.muli %add3A_316, %mul3A_321 : i32
        %add3A_323 = arith.addi %mul3A_0, %mul3A_322 : i32
        %dma_start3A_324 = tpu.memref_slice %arg7[%mul3A_320] : memref<4000xi32, #tpu.memory_space<vmem>> -> memref<2000xi32, #tpu.memory_space<vmem>>
        %dma_start3A_325 = tpu.memref_slice %arg2[%add3A_323] : memref<800000xi32, #tpu.memory_space<hbm>> -> memref<2000xi32, #tpu.memory_space<hbm>>
        %dma_start3A_326 = tpu.memref_slice %arg7[%mul3A_320] : memref<4000xi32, #tpu.memory_space<vmem>> -> memref<2000xi32, #tpu.memory_space<vmem>>
        %dma_start3A_327 = tpu.memref_slice %arg2[%add3A_323] : memref<800000xi32, #tpu.memory_space<hbm>> -> memref<2000xi32, #tpu.memory_space<hbm>>
        tpu.enqueue_dma source(%dma_start3A_327 : memref<2000xi32, #tpu.memory_space<hbm>>) target(%dma_start3A_326 : memref<2000xi32, #tpu.memory_space<vmem>>) target_semaphore(%arg15 : memref<!tpu.dma_semaphore, #tpu.memory_space<semaphore_mem>>)
        %dma_start3A_328 = tpu.memref_slice %arg8[%mul3A_320] : memref<4000xi32, #tpu.memory_space<vmem>> -> memref<2000xi32, #tpu.memory_space<vmem>>
        %dma_start3A_329 = tpu.memref_slice %arg3[%add3A_323] : memref<800000xi32, #tpu.memory_space<hbm>> -> memref<2000xi32, #tpu.memory_space<hbm>>
        %dma_start3A_330 = tpu.memref_slice %arg8[%mul3A_320] : memref<4000xi32, #tpu.memory_space<vmem>> -> memref<2000xi32, #tpu.memory_space<vmem>>
        %dma_start3A_331 = tpu.memref_slice %arg3[%add3A_323] : memref<800000xi32, #tpu.memory_space<hbm>> -> memref<2000xi32, #tpu.memory_space<hbm>>
        tpu.enqueue_dma source(%dma_start3A_331 : memref<2000xi32, #tpu.memory_space<hbm>>) target(%dma_start3A_330 : memref<2000xi32, #tpu.memory_space<vmem>>) target_semaphore(%arg15 : memref<!tpu.dma_semaphore, #tpu.memory_space<semaphore_mem>>)
      } else {
      }
      %scan3A_309 = arith.constant 0 : i32
      %scan3A_310 = arith.constant 125 : i32
      %scan3A_311 = arith.addi %scan3A_309, %scan3A_310 : i32
      %scan3A_312 = arith.constant 1 : i32
      %scan3A_313:3 = scf.for %scan3A_315 = %scan3A_309 to %scan3A_311 step %scan3A_312 iter_args(%scan3A_316 = %scan3A_285, %scan3A_317 = %scan3A_286, %scan3A_318 = %scan3A_287) -> (vector<16xi32>, i32, i32)  : i32 {
        %mul3A_319 = arith.constant 16 : i32
        %mul3A_320 = arith.muli %scan3A_315, %mul3A_319 : i32
        %add3A_321 = arith.addi %mul3A_291, %mul3A_320 : i32
        %get3A = arith.index_cast %add3A_321 : i32 to index
        %get3A_322 = tpu.vector_load %arg8[%get3A] {strides = array<i32>} : memref<4000xi32, #tpu.memory_space<vmem>>, vector<16xi32>,
        %mul3A_323 = arith.constant 16 : i32
        %mul3A_324 = arith.muli %scan3A_315, %mul3A_323 : i32
        %add3A_325 = arith.addi %mul3A_291, %mul3A_324 : i32
        %get3A_326 = arith.index_cast %add3A_325 : i32 to index
        %get3A_327 = tpu.vector_load %arg7[%get3A_326] {strides = array<i32>} : memref<4000xi32, #tpu.memory_space<vmem>>, vector<16xi32>,
        %ge3A = arith.cmpi sge, %get3A_322, %mul3A_14 : vector<16xi32>
        %lt3A_328 = arith.cmpi slt, %get3A_322, %add3A_17 : vector<16xi32>
        %and3A_329 = arith.andi %ge3A, %lt3A_328 : vector<16xi1>
        %jit3A = arith.constant 1 : i32
        %jit3A_330 = arith.constant 0 : i32
        %broadcast_in_dim3A_331 = vector.broadcast %jit3A : i32 to vector<16xi32>
        %broadcast_in_dim3A_332 = vector.broadcast %jit3A_330 : i32 to vector<16xi32>
        %select_n3A = arith.select %and3A_329, %broadcast_in_dim3A_331, %broadcast_in_dim3A_332 : vector<16xi1>, vector<16xi32>
        %broadcast_in_dim3A_333 = arith.constant true
        %broadcast_in_dim3A_334 = vector.broadcast %broadcast_in_dim3A_333 : i1 to vector<16xi1>
        %masked_cumsum3A = tpu.scan <sum>, %select_n3A masked %broadcast_in_dim3A_334 : vector<16xi32>, vector<16xi1> -> vector<16xi32>
        %add3A_335 = arith.addi %scan3A_316, %masked_cumsum3A : vector<16xi32>
        %sub3A = arith.constant 1 : i32
        %sub3A_336 = vector.broadcast %sub3A : i32 to vector<16xi32>
        %sub3A_337 = arith.subi %add3A_335, %sub3A_336 : vector<16xi32>
        %shift_right_logical3A_338 = arith.constant 7 : i32
        %shift_right_logical3A_339 = vector.broadcast %shift_right_logical3A_338 : i32 to vector<16xi32>
        %shift_right_logical3A_340 = arith.shrui %sub3A_337, %shift_right_logical3A_339 : vector<16xi32>
        %and3A_341 = arith.constant 31 : i32
        %and3A_342 = vector.broadcast %and3A_341 : i32 to vector<16xi32>
        %and3A_343 = arith.andi %shift_right_logical3A_340, %and3A_342 : vector<16xi32>
        %and3A_344 = arith.andi %sub3A_337, %broadcast_in_dim3A_1 : vector<16xi32>
        tpu.vector_store_idx %arg9[%and3A_343, %and3A_344], %get3A_327 masked %and3A_329 : memref<32x128xi32, #tpu.memory_space<vmem>>[vector<16xi32>, vector<16xi32>], vector<16xi32>, vector<16xi1>
        %sub3A_345 = arith.subi %get3A_322, %mul3A_14 : vector<16xi32>
        tpu.vector_store_idx %arg10[%and3A_343, %and3A_344], %sub3A_345 masked %and3A_329 : memref<32x128xi32, #tpu.memory_space<vmem>>[vector<16xi32>, vector<16xi32>], vector<16xi32>, vector<16xi1>
        %all_reduce_population_count3A = tpu.all_reduce %and3A_329 {dim = 0 : i64, kind = #tpu.reduction_kind<sum>} : vector<16xi1> -> vector<16xi32>
        %add3A_346 = arith.addi %scan3A_316, %all_reduce_population_count3A : vector<16xi32>
        %add3A_347 = arith.constant 1 : i32
        %add3A_348 = arith.addi %scan3A_317, %add3A_347 : i32
        %mul3A_349 = arith.constant 128 : i32
        %mul3A_350 = arith.muli %add3A_348, %mul3A_349 : i32
        %ge3A_351 = vector.broadcast %mul3A_350 : i32 to vector<16xi32>
        %ge3A_352 = arith.cmpi sge, %add3A_346, %ge3A_351 : vector<16xi32>
        %reduce_or3A = arith.constant 1.000000e+00 : f32
        %reduce_or3A_353 = arith.constant 0.000000e+00 : f32
        %reduce_or3A_354 = vector.broadcast %reduce_or3A : f32 to vector<16xf32>
        %reduce_or3A_355 = vector.broadcast %reduce_or3A_353 : f32 to vector<16xf32>
        %reduce_or3A_356 = arith.select %ge3A_352, %reduce_or3A_354, %reduce_or3A_355 : vector<16xi1>, vector<16xf32>
        %reduce_or3A_357 = arith.constant true
        %reduce_or3A_358 = vector.broadcast %reduce_or3A_357 : i1 to vector<16xi1>
        %reduce_or3A_359 = tpu.scan <max>, %reduce_or3A_356 masked %reduce_or3A_358 : vector<16xf32>, vector<16xi1> -> vector<16xf32>
        %reduce_or3A_360 = vector.extract %reduce_or3A_359[15] : f32 from vector<16xf32>
        %reduce_or3A_361 = arith.constant 0.000000e+00 : f32
        %reduce_or3A_362 = arith.cmpf ogt, %reduce_or3A_360, %reduce_or3A_361 : f32
        %sub3A_363 = arith.subi %scan3A_317, %scan3A_318 : i32
        %ge3A_364 = arith.constant 2 : i32
        %ge3A_365 = arith.cmpi sge, %sub3A_363, %ge3A_364 : i32
        %and3A_366 = arith.andi %reduce_or3A_362, %ge3A_365 : i1
        %convert_element_type3A_367 = arith.extui %and3A_366 : i1 to i32
        %cond3A_368 = arith.constant 0 : i32
        %cond3A_369 = arith.cmpi ne, %convert_element_type3A_367, %cond3A_368 : i32
        scf.if %cond3A_369 {
          %and3A_379 = arith.constant 31 : i32
          %and3A_380 = arith.andi %scan3A_318, %and3A_379 : i32
          %and3A_381 = arith.constant 1 : i32
          %and3A_382 = arith.andi %scan3A_318, %and3A_381 : i32
          %eq3A = arith.constant 0 : i32
          %eq3A_383 = arith.cmpi eq, %and3A_382, %eq3A : i32
          %convert_element_type3A_384 = arith.extui %eq3A_383 : i1 to i32
          %cond3A_385 = arith.constant 0 : i32
          %cond3A_386 = arith.cmpi ne, %convert_element_type3A_384, %cond3A_385 : i32
          scf.if %cond3A_386 {
            %dma_wait3A_392 = arith.constant 0 : i32
            %dma_wait3A_393 = arith.constant 0 : i32
            %dma_wait3A_394 = tpu.memref_slice %arg11[%dma_wait3A_392, %dma_wait3A_393] : memref<256x8xf32, #tpu.memory_space<vmem>> -> memref<128x8xf32, #tpu.memory_space<vmem>>
            %dma_wait3A_395 = arith.constant 0 : i32
            %dma_wait3A_396 = tpu.memref_slice %arg9[%and3A_380, %dma_wait3A_395] : memref<32x128xi32, #tpu.memory_space<vmem>> -> memref<1x128xi32, #tpu.memory_space<vmem>>
            %dma_wait3A_397 = tpu.memref_squeeze %dma_wait3A_396 : memref<1x128xi32, #tpu.memory_space<vmem>> -> memref<128xi32, #tpu.memory_space<vmem>>
            %dma_wait3A_398 = arith.constant 0 : i32
            %dma_wait3A_399 = arith.constant 0 : i32
            %dma_wait3A_400 = tpu.memref_slice %arg4[%dma_wait3A_398, %dma_wait3A_399] : memref<50000x8xf32, #tpu.memory_space<hbm>> -> memref<50000x8xf32, #tpu.memory_space<hbm>>
            tpu.wait_indirect_dma semaphore(%arg13 : memref<!tpu.dma_semaphore, #tpu.memory_space<semaphore_mem>>) src(%dma_wait3A_400 : memref<50000x8xf32, #tpu.memory_space<hbm>>) dst(%dma_wait3A_394 : memref<128x8xf32, #tpu.memory_space<vmem>>)
            "tpu.region"() ({
              %run_scoped3A = tpu.sem_alloc : memref<!tpu.dma_semaphore, #tpu.memory_space<semaphore_mem>>
              %dma_start3A_401 = arith.constant 0 : i32
              %dma_start3A_402 = arith.constant 0 : i32
              %dma_start3A_403 = tpu.memref_slice %arg11[%dma_start3A_401, %dma_start3A_402] : memref<256x8xf32, #tpu.memory_space<vmem>> -> memref<128x8xf32, #tpu.memory_space<vmem>>
              %dma_start3A_404 = arith.constant 0 : i32
              %dma_start3A_405 = tpu.memref_slice %arg10[%and3A_380, %dma_start3A_404] : memref<32x128xi32, #tpu.memory_space<vmem>> -> memref<1x128xi32, #tpu.memory_space<vmem>>
              %dma_start3A_406 = tpu.memref_squeeze %dma_start3A_405 : memref<1x128xi32, #tpu.memory_space<vmem>> -> memref<128xi32, #tpu.memory_space<vmem>>
              %dma_start3A_407 = arith.constant 0 : i32
              %dma_start3A_408 = arith.constant 0 : i32
              %dma_start3A_409 = tpu.memref_slice %arg12[%dma_start3A_407, %dma_start3A_408] : memref<25472x8xf32, #tpu.memory_space<vmem_shared>> -> memref<25472x8xf32, #tpu.memory_space<vmem_shared>>
              tpu.enqueue_indirect_dma source(%dma_start3A_403 : memref<128x8xf32, #tpu.memory_space<vmem>>) target(%dma_start3A_409 : memref<25472x8xf32, #tpu.memory_space<vmem_shared>>) offsets(%dma_start3A_406 : memref<128xi32, #tpu.memory_space<vmem>>) semaphore(%run_scoped3A : memref<!tpu.dma_semaphore, #tpu.memory_space<semaphore_mem>>) {add = true}
              %dma_wait3A_410 = arith.constant 0 : i32
              %dma_wait3A_411 = arith.constant 0 : i32
              %dma_wait3A_412 = tpu.memref_slice %arg11[%dma_wait3A_410, %dma_wait3A_411] : memref<256x8xf32, #tpu.memory_space<vmem>> -> memref<128x8xf32, #tpu.memory_space<vmem>>
              %dma_wait3A_413 = arith.constant 0 : i32
              %dma_wait3A_414 = tpu.memref_slice %arg10[%and3A_380, %dma_wait3A_413] : memref<32x128xi32, #tpu.memory_space<vmem>> -> memref<1x128xi32, #tpu.memory_space<vmem>>
              %dma_wait3A_415 = tpu.memref_squeeze %dma_wait3A_414 : memref<1x128xi32, #tpu.memory_space<vmem>> -> memref<128xi32, #tpu.memory_space<vmem>>
              %dma_wait3A_416 = arith.constant 0 : i32
              %dma_wait3A_417 = arith.constant 0 : i32
              %dma_wait3A_418 = tpu.memref_slice %arg12[%dma_wait3A_416, %dma_wait3A_417] : memref<25472x8xf32, #tpu.memory_space<vmem_shared>> -> memref<25472x8xf32, #tpu.memory_space<vmem_shared>>
              tpu.wait_indirect_dma semaphore(%run_scoped3A : memref<!tpu.dma_semaphore, #tpu.memory_space<semaphore_mem>>) src(%dma_wait3A_412 : memref<128x8xf32, #tpu.memory_space<vmem>>) dst(%dma_wait3A_418 : memref<25472x8xf32, #tpu.memory_space<vmem_shared>>)
              tpu.yield
            }) : () -> ()
          } else {
          }
          %eq3A_387 = arith.constant 1 : i32
          %eq3A_388 = arith.cmpi eq, %and3A_382, %eq3A_387 : i32
          %convert_element_type3A_389 = arith.extui %eq3A_388 : i1 to i32
          %cond3A_390 = arith.constant 0 : i32
          %cond3A_391 = arith.cmpi ne, %convert_element_type3A_389, %cond3A_390 : i32
          scf.if %cond3A_391 {
            %dma_wait3A_392 = arith.constant 128 : i32
            %dma_wait3A_393 = arith.constant 0 : i32
            %dma_wait3A_394 = tpu.memref_slice %arg11[%dma_wait3A_392, %dma_wait3A_393] : memref<256x8xf32, #tpu.memory_space<vmem>> -> memref<128x8xf32, #tpu.memory_space<vmem>>
            %dma_wait3A_395 = arith.constant 0 : i32
            %dma_wait3A_396 = tpu.memref_slice %arg9[%and3A_380, %dma_wait3A_395] : memref<32x128xi32, #tpu.memory_space<vmem>> -> memref<1x128xi32, #tpu.memory_space<vmem>>
            %dma_wait3A_397 = tpu.memref_squeeze %dma_wait3A_396 : memref<1x128xi32, #tpu.memory_space<vmem>> -> memref<128xi32, #tpu.memory_space<vmem>>
            %dma_wait3A_398 = arith.constant 0 : i32
            %dma_wait3A_399 = arith.constant 0 : i32
            %dma_wait3A_400 = tpu.memref_slice %arg4[%dma_wait3A_398, %dma_wait3A_399] : memref<50000x8xf32, #tpu.memory_space<hbm>> -> memref<50000x8xf32, #tpu.memory_space<hbm>>
            tpu.wait_indirect_dma semaphore(%arg14 : memref<!tpu.dma_semaphore, #tpu.memory_space<semaphore_mem>>) src(%dma_wait3A_400 : memref<50000x8xf32, #tpu.memory_space<hbm>>) dst(%dma_wait3A_394 : memref<128x8xf32, #tpu.memory_space<vmem>>)
            "tpu.region"() ({
              %run_scoped3A = tpu.sem_alloc : memref<!tpu.dma_semaphore, #tpu.memory_space<semaphore_mem>>
              %dma_start3A_401 = arith.constant 128 : i32
              %dma_start3A_402 = arith.constant 0 : i32
              %dma_start3A_403 = tpu.memref_slice %arg11[%dma_start3A_401, %dma_start3A_402] : memref<256x8xf32, #tpu.memory_space<vmem>> -> memref<128x8xf32, #tpu.memory_space<vmem>>
              %dma_start3A_404 = arith.constant 0 : i32
              %dma_start3A_405 = tpu.memref_slice %arg10[%and3A_380, %dma_start3A_404] : memref<32x128xi32, #tpu.memory_space<vmem>> -> memref<1x128xi32, #tpu.memory_space<vmem>>
              %dma_start3A_406 = tpu.memref_squeeze %dma_start3A_405 : memref<1x128xi32, #tpu.memory_space<vmem>> -> memref<128xi32, #tpu.memory_space<vmem>>
              %dma_start3A_407 = arith.constant 0 : i32
              %dma_start3A_408 = arith.constant 0 : i32
              %dma_start3A_409 = tpu.memref_slice %arg12[%dma_start3A_407, %dma_start3A_408] : memref<25472x8xf32, #tpu.memory_space<vmem_shared>> -> memref<25472x8xf32, #tpu.memory_space<vmem_shared>>
              tpu.enqueue_indirect_dma source(%dma_start3A_403 : memref<128x8xf32, #tpu.memory_space<vmem>>) target(%dma_start3A_409 : memref<25472x8xf32, #tpu.memory_space<vmem_shared>>) offsets(%dma_start3A_406 : memref<128xi32, #tpu.memory_space<vmem>>) semaphore(%run_scoped3A : memref<!tpu.dma_semaphore, #tpu.memory_space<semaphore_mem>>) {add = true}
              %dma_wait3A_410 = arith.constant 128 : i32
              %dma_wait3A_411 = arith.constant 0 : i32
              %dma_wait3A_412 = tpu.memref_slice %arg11[%dma_wait3A_410, %dma_wait3A_411] : memref<256x8xf32, #tpu.memory_space<vmem>> -> memref<128x8xf32, #tpu.memory_space<vmem>>
              %dma_wait3A_413 = arith.constant 0 : i32
              %dma_wait3A_414 = tpu.memref_slice %arg10[%and3A_380, %dma_wait3A_413] : memref<32x128xi32, #tpu.memory_space<vmem>> -> memref<1x128xi32, #tpu.memory_space<vmem>>
              %dma_wait3A_415 = tpu.memref_squeeze %dma_wait3A_414 : memref<1x128xi32, #tpu.memory_space<vmem>> -> memref<128xi32, #tpu.memory_space<vmem>>
              %dma_wait3A_416 = arith.constant 0 : i32
              %dma_wait3A_417 = arith.constant 0 : i32
              %dma_wait3A_418 = tpu.memref_slice %arg12[%dma_wait3A_416, %dma_wait3A_417] : memref<25472x8xf32, #tpu.memory_space<vmem_shared>> -> memref<25472x8xf32, #tpu.memory_space<vmem_shared>>
              tpu.wait_indirect_dma semaphore(%run_scoped3A : memref<!tpu.dma_semaphore, #tpu.memory_space<semaphore_mem>>) src(%dma_wait3A_412 : memref<128x8xf32, #tpu.memory_space<vmem>>) dst(%dma_wait3A_418 : memref<25472x8xf32, #tpu.memory_space<vmem_shared>>)
              tpu.yield
            }) : () -> ()
          } else {
          }
        } else {
        }
        %convert_element_type3A_370 = arith.extui %reduce_or3A_362 : i1 to i32
        %cond3A_371 = arith.constant 0 : i32
        %cond3A_372 = arith.cmpi ne, %convert_element_type3A_370, %cond3A_371 : i32
        scf.if %cond3A_372 {
          %and3A_379 = arith.constant 31 : i32
          %and3A_380 = arith.andi %scan3A_317, %and3A_379 : i32
          %and3A_381 = arith.constant 1 : i32
          %and3A_382 = arith.andi %scan3A_317, %and3A_381 : i32
          %eq3A = arith.constant 0 : i32
          %eq3A_383 = arith.cmpi eq, %and3A_382, %eq3A : i32
          %convert_element_type3A_384 = arith.extui %eq3A_383 : i1 to i32
          %cond3A_385 = arith.constant 0 : i32
          %cond3A_386 = arith.cmpi ne, %convert_element_type3A_384, %cond3A_385 : i32
          scf.if %cond3A_386 {
            %dma_start3A_392 = arith.constant 0 : i32
            %dma_start3A_393 = arith.constant 0 : i32
            %dma_start3A_394 = tpu.memref_slice %arg11[%dma_start3A_392, %dma_start3A_393] : memref<256x8xf32, #tpu.memory_space<vmem>> -> memref<128x8xf32, #tpu.memory_space<vmem>>
            %dma_start3A_395 = arith.constant 0 : i32
            %dma_start3A_396 = tpu.memref_slice %arg9[%and3A_380, %dma_start3A_395] : memref<32x128xi32, #tpu.memory_space<vmem>> -> memref<1x128xi32, #tpu.memory_space<vmem>>
            %dma_start3A_397 = tpu.memref_squeeze %dma_start3A_396 : memref<1x128xi32, #tpu.memory_space<vmem>> -> memref<128xi32, #tpu.memory_space<vmem>>
            %dma_start3A_398 = arith.constant 0 : i32
            %dma_start3A_399 = arith.constant 0 : i32
            %dma_start3A_400 = tpu.memref_slice %arg4[%dma_start3A_398, %dma_start3A_399] : memref<50000x8xf32, #tpu.memory_space<hbm>> -> memref<50000x8xf32, #tpu.memory_space<hbm>>
            tpu.enqueue_indirect_dma source(%dma_start3A_400 : memref<50000x8xf32, #tpu.memory_space<hbm>>) target(%dma_start3A_394 : memref<128x8xf32, #tpu.memory_space<vmem>>) offsets(%dma_start3A_397 : memref<128xi32, #tpu.memory_space<vmem>>) semaphore(%arg13 : memref<!tpu.dma_semaphore, #tpu.memory_space<semaphore_mem>>)
          } else {
          }
          %eq3A_387 = arith.constant 1 : i32
          %eq3A_388 = arith.cmpi eq, %and3A_382, %eq3A_387 : i32
          %convert_element_type3A_389 = arith.extui %eq3A_388 : i1 to i32
          %cond3A_390 = arith.constant 0 : i32
          %cond3A_391 = arith.cmpi ne, %convert_element_type3A_389, %cond3A_390 : i32
          scf.if %cond3A_391 {
            %dma_start3A_392 = arith.constant 128 : i32
            %dma_start3A_393 = arith.constant 0 : i32
            %dma_start3A_394 = tpu.memref_slice %arg11[%dma_start3A_392, %dma_start3A_393] : memref<256x8xf32, #tpu.memory_space<vmem>> -> memref<128x8xf32, #tpu.memory_space<vmem>>
            %dma_start3A_395 = arith.constant 0 : i32
            %dma_start3A_396 = tpu.memref_slice %arg9[%and3A_380, %dma_start3A_395] : memref<32x128xi32, #tpu.memory_space<vmem>> -> memref<1x128xi32, #tpu.memory_space<vmem>>
            %dma_start3A_397 = tpu.memref_squeeze %dma_start3A_396 : memref<1x128xi32, #tpu.memory_space<vmem>> -> memref<128xi32, #tpu.memory_space<vmem>>
            %dma_start3A_398 = arith.constant 0 : i32
            %dma_start3A_399 = arith.constant 0 : i32
            %dma_start3A_400 = tpu.memref_slice %arg4[%dma_start3A_398, %dma_start3A_399] : memref<50000x8xf32, #tpu.memory_space<hbm>> -> memref<50000x8xf32, #tpu.memory_space<hbm>>
            tpu.enqueue_indirect_dma source(%dma_start3A_400 : memref<50000x8xf32, #tpu.memory_space<hbm>>) target(%dma_start3A_394 : memref<128x8xf32, #tpu.memory_space<vmem>>) offsets(%dma_start3A_397 : memref<128xi32, #tpu.memory_space<vmem>>) semaphore(%arg14 : memref<!tpu.dma_semaphore, #tpu.memory_space<semaphore_mem>>)
          } else {
          }
        } else {
        }
        %add3A_373 = arith.constant 1 : i32
        %add3A_374 = arith.addi %scan3A_318, %add3A_373 : i32
        %select_n3A_375 = arith.select %and3A_366, %add3A_374, %scan3A_318 : i32
        %add3A_376 = arith.constant 1 : i32
        %add3A_377 = arith.addi %scan3A_317, %add3A_376 : i32
        %select_n3A_378 = arith.select %reduce_or3A_362, %add3A_377, %scan3A_317 : i32
        scf.yield %add3A_346, %select_n3A_378, %select_n3A_375 : vector<16xi32>, i32, i32
      }
      %scan3A_314 = arith.constant 125 : i32
      scf.yield %scan3A_313#0, %scan3A_313#1, %scan3A_313#2 : vector<16xi32>, i32, i32
    }
    %scan3A_153 = arith.constant 25 : i32
    %reduce_max3A = arith.constant true
    %reduce_max3A_154 = vector.broadcast %reduce_max3A : i1 to vector<16xi1>
    %reduce_max3A_155 = arith.constant -2147483648 : i32
    %reduce_max3A_156 = vector.broadcast %reduce_max3A_155 : i32 to vector<16xi32>
    %reduce_max3A_157 = arith.xori %scan3A_152#0, %reduce_max3A_156 : vector<16xi32>
    %reduce_max3A_158 = tpu.scan <max>, %reduce_max3A_157 masked %reduce_max3A_154 : vector<16xi32>, vector<16xi1> -> vector<16xi32>
    %reduce_max3A_159 = arith.xori %reduce_max3A_158, %reduce_max3A_156 : vector<16xi32>
    %reduce_max3A_160 = vector.extract %reduce_max3A_159[15] : i32 from vector<16xi32>
    %add3A_161 = arith.constant 127 : i32
    %add3A_162 = arith.addi %reduce_max3A_160, %add3A_161 : i32
    %shift_right_logical3A = arith.constant 7 : i32
    %shift_right_logical3A_163 = arith.shrui %add3A_162, %shift_right_logical3A : i32
    %broadcast_in_dim3A_164 = arith.constant 0 : i32
    %broadcast_in_dim3A_165 = vector.broadcast %broadcast_in_dim3A_164 : i32 to vector<16xi32>
    %mul3A_166 = arith.constant 128 : i32
    %mul3A_167 = arith.muli %shift_right_logical3A_163, %mul3A_166 : i32
    %add3A_168 = vector.broadcast %mul3A_167 : i32 to vector<16xi32>
    %add3A_169 = arith.addi %broadcast_in_dim3A_165, %add3A_168 : vector<16xi32>
    %add3A_170 = arith.constant 0 : i32
    %add3A_171 = vector.broadcast %add3A_170 : i32 to vector<16xi32>
    %add3A_172 = arith.addi %scan3A_152#0, %add3A_171 : vector<16xi32>
    %add3A_173 = arith.addi %add3A_172, %iota3A : vector<16xi32>
    %lt3A_174 = arith.cmpi slt, %add3A_173, %add3A_169 : vector<16xi32>
    %shift_right_logical3A_175 = arith.constant 7 : i32
    %shift_right_logical3A_176 = vector.broadcast %shift_right_logical3A_175 : i32 to vector<16xi32>
    %shift_right_logical3A_177 = arith.shrui %add3A_173, %shift_right_logical3A_176 : vector<16xi32>
    %and3A_178 = arith.constant 31 : i32
    %and3A_179 = vector.broadcast %and3A_178 : i32 to vector<16xi32>
    %and3A_180 = arith.andi %shift_right_logical3A_177, %and3A_179 : vector<16xi32>
    %and3A_181 = arith.andi %add3A_173, %broadcast_in_dim3A_1 : vector<16xi32>
    tpu.vector_store_idx %arg9[%and3A_180, %and3A_181], %broadcast_in_dim3A_5 masked %lt3A_174 : memref<32x128xi32, #tpu.memory_space<vmem>>[vector<16xi32>, vector<16xi32>], vector<16xi32>, vector<16xi1>
    tpu.vector_store_idx %arg10[%and3A_180, %and3A_181], %broadcast_in_dim3A_3 masked %lt3A_174 : memref<32x128xi32, #tpu.memory_space<vmem>>[vector<16xi32>, vector<16xi32>], vector<16xi32>, vector<16xi1>
    %add3A_182 = arith.constant 16 : i32
    %add3A_183 = vector.broadcast %add3A_182 : i32 to vector<16xi32>
    %add3A_184 = arith.addi %scan3A_152#0, %add3A_183 : vector<16xi32>
    %add3A_185 = arith.addi %add3A_184, %iota3A : vector<16xi32>
    %lt3A_186 = arith.cmpi slt, %add3A_185, %add3A_169 : vector<16xi32>
    %shift_right_logical3A_187 = arith.constant 7 : i32
    %shift_right_logical3A_188 = vector.broadcast %shift_right_logical3A_187 : i32 to vector<16xi32>
    %shift_right_logical3A_189 = arith.shrui %add3A_185, %shift_right_logical3A_188 : vector<16xi32>
    %and3A_190 = arith.constant 31 : i32
    %and3A_191 = vector.broadcast %and3A_190 : i32 to vector<16xi32>
    %and3A_192 = arith.andi %shift_right_logical3A_189, %and3A_191 : vector<16xi32>
    %and3A_193 = arith.andi %add3A_185, %broadcast_in_dim3A_1 : vector<16xi32>
    tpu.vector_store_idx %arg9[%and3A_192, %and3A_193], %broadcast_in_dim3A_5 masked %lt3A_186 : memref<32x128xi32, #tpu.memory_space<vmem>>[vector<16xi32>, vector<16xi32>], vector<16xi32>, vector<16xi1>
    tpu.vector_store_idx %arg10[%and3A_192, %and3A_193], %broadcast_in_dim3A_3 masked %lt3A_186 : memref<32x128xi32, #tpu.memory_space<vmem>>[vector<16xi32>, vector<16xi32>], vector<16xi32>, vector<16xi1>
    %add3A_194 = arith.constant 32 : i32
    %add3A_195 = vector.broadcast %add3A_194 : i32 to vector<16xi32>
    %add3A_196 = arith.addi %scan3A_152#0, %add3A_195 : vector<16xi32>
    %add3A_197 = arith.addi %add3A_196, %iota3A : vector<16xi32>
    %lt3A_198 = arith.cmpi slt, %add3A_197, %add3A_169 : vector<16xi32>
    %shift_right_logical3A_199 = arith.constant 7 : i32
    %shift_right_logical3A_200 = vector.broadcast %shift_right_logical3A_199 : i32 to vector<16xi32>
    %shift_right_logical3A_201 = arith.shrui %add3A_197, %shift_right_logical3A_200 : vector<16xi32>
    %and3A_202 = arith.constant 31 : i32
    %and3A_203 = vector.broadcast %and3A_202 : i32 to vector<16xi32>
    %and3A_204 = arith.andi %shift_right_logical3A_201, %and3A_203 : vector<16xi32>
    %and3A_205 = arith.andi %add3A_197, %broadcast_in_dim3A_1 : vector<16xi32>
    tpu.vector_store_idx %arg9[%and3A_204, %and3A_205], %broadcast_in_dim3A_5 masked %lt3A_198 : memref<32x128xi32, #tpu.memory_space<vmem>>[vector<16xi32>, vector<16xi32>], vector<16xi32>, vector<16xi1>
    tpu.vector_store_idx %arg10[%and3A_204, %and3A_205], %broadcast_in_dim3A_3 masked %lt3A_198 : memref<32x128xi32, #tpu.memory_space<vmem>>[vector<16xi32>, vector<16xi32>], vector<16xi32>, vector<16xi1>
    %add3A_206 = arith.constant 48 : i32
    %add3A_207 = vector.broadcast %add3A_206 : i32 to vector<16xi32>
    %add3A_208 = arith.addi %scan3A_152#0, %add3A_207 : vector<16xi32>
    %add3A_209 = arith.addi %add3A_208, %iota3A : vector<16xi32>
    %lt3A_210 = arith.cmpi slt, %add3A_209, %add3A_169 : vector<16xi32>
    %shift_right_logical3A_211 = arith.constant 7 : i32
    %shift_right_logical3A_212 = vector.broadcast %shift_right_logical3A_211 : i32 to vector<16xi32>
    %shift_right_logical3A_213 = arith.shrui %add3A_209, %shift_right_logical3A_212 : vector<16xi32>
    %and3A_214 = arith.constant 31 : i32
    %and3A_215 = vector.broadcast %and3A_214 : i32 to vector<16xi32>
    %and3A_216 = arith.andi %shift_right_logical3A_213, %and3A_215 : vector<16xi32>
    %and3A_217 = arith.andi %add3A_209, %broadcast_in_dim3A_1 : vector<16xi32>
    tpu.vector_store_idx %arg9[%and3A_216, %and3A_217], %broadcast_in_dim3A_5 masked %lt3A_210 : memref<32x128xi32, #tpu.memory_space<vmem>>[vector<16xi32>, vector<16xi32>], vector<16xi32>, vector<16xi1>
    tpu.vector_store_idx %arg10[%and3A_216, %and3A_217], %broadcast_in_dim3A_3 masked %lt3A_210 : memref<32x128xi32, #tpu.memory_space<vmem>>[vector<16xi32>, vector<16xi32>], vector<16xi32>, vector<16xi1>
    %add3A_218 = arith.constant 64 : i32
    %add3A_219 = vector.broadcast %add3A_218 : i32 to vector<16xi32>
    %add3A_220 = arith.addi %scan3A_152#0, %add3A_219 : vector<16xi32>
    %add3A_221 = arith.addi %add3A_220, %iota3A : vector<16xi32>
    %lt3A_222 = arith.cmpi slt, %add3A_221, %add3A_169 : vector<16xi32>
    %shift_right_logical3A_223 = arith.constant 7 : i32
    %shift_right_logical3A_224 = vector.broadcast %shift_right_logical3A_223 : i32 to vector<16xi32>
    %shift_right_logical3A_225 = arith.shrui %add3A_221, %shift_right_logical3A_224 : vector<16xi32>
    %and3A_226 = arith.constant 31 : i32
    %and3A_227 = vector.broadcast %and3A_226 : i32 to vector<16xi32>
    %and3A_228 = arith.andi %shift_right_logical3A_225, %and3A_227 : vector<16xi32>
    %and3A_229 = arith.andi %add3A_221, %broadcast_in_dim3A_1 : vector<16xi32>
    tpu.vector_store_idx %arg9[%and3A_228, %and3A_229], %broadcast_in_dim3A_5 masked %lt3A_222 : memref<32x128xi32, #tpu.memory_space<vmem>>[vector<16xi32>, vector<16xi32>], vector<16xi32>, vector<16xi1>
    tpu.vector_store_idx %arg10[%and3A_228, %and3A_229], %broadcast_in_dim3A_3 masked %lt3A_222 : memref<32x128xi32, #tpu.memory_space<vmem>>[vector<16xi32>, vector<16xi32>], vector<16xi32>, vector<16xi1>
    %add3A_230 = arith.constant 80 : i32
    %add3A_231 = vector.broadcast %add3A_230 : i32 to vector<16xi32>
    %add3A_232 = arith.addi %scan3A_152#0, %add3A_231 : vector<16xi32>
    %add3A_233 = arith.addi %add3A_232, %iota3A : vector<16xi32>
    %lt3A_234 = arith.cmpi slt, %add3A_233, %add3A_169 : vector<16xi32>
    %shift_right_logical3A_235 = arith.constant 7 : i32
    %shift_right_logical3A_236 = vector.broadcast %shift_right_logical3A_235 : i32 to vector<16xi32>
    %shift_right_logical3A_237 = arith.shrui %add3A_233, %shift_right_logical3A_236 : vector<16xi32>
    %and3A_238 = arith.constant 31 : i32
    %and3A_239 = vector.broadcast %and3A_238 : i32 to vector<16xi32>
    %and3A_240 = arith.andi %shift_right_logical3A_237, %and3A_239 : vector<16xi32>
    %and3A_241 = arith.andi %add3A_233, %broadcast_in_dim3A_1 : vector<16xi32>
    tpu.vector_store_idx %arg9[%and3A_240, %and3A_241], %broadcast_in_dim3A_5 masked %lt3A_234 : memref<32x128xi32, #tpu.memory_space<vmem>>[vector<16xi32>, vector<16xi32>], vector<16xi32>, vector<16xi1>
    tpu.vector_store_idx %arg10[%and3A_240, %and3A_241], %broadcast_in_dim3A_3 masked %lt3A_234 : memref<32x128xi32, #tpu.memory_space<vmem>>[vector<16xi32>, vector<16xi32>], vector<16xi32>, vector<16xi1>
    %add3A_242 = arith.constant 96 : i32
    %add3A_243 = vector.broadcast %add3A_242 : i32 to vector<16xi32>
    %add3A_244 = arith.addi %scan3A_152#0, %add3A_243 : vector<16xi32>
    %add3A_245 = arith.addi %add3A_244, %iota3A : vector<16xi32>
    %lt3A_246 = arith.cmpi slt, %add3A_245, %add3A_169 : vector<16xi32>
    %shift_right_logical3A_247 = arith.constant 7 : i32
    %shift_right_logical3A_248 = vector.broadcast %shift_right_logical3A_247 : i32 to vector<16xi32>
    %shift_right_logical3A_249 = arith.shrui %add3A_245, %shift_right_logical3A_248 : vector<16xi32>
    %and3A_250 = arith.constant 31 : i32
    %and3A_251 = vector.broadcast %and3A_250 : i32 to vector<16xi32>
    %and3A_252 = arith.andi %shift_right_logical3A_249, %and3A_251 : vector<16xi32>
    %and3A_253 = arith.andi %add3A_245, %broadcast_in_dim3A_1 : vector<16xi32>
    tpu.vector_store_idx %arg9[%and3A_252, %and3A_253], %broadcast_in_dim3A_5 masked %lt3A_246 : memref<32x128xi32, #tpu.memory_space<vmem>>[vector<16xi32>, vector<16xi32>], vector<16xi32>, vector<16xi1>
    tpu.vector_store_idx %arg10[%and3A_252, %and3A_253], %broadcast_in_dim3A_3 masked %lt3A_246 : memref<32x128xi32, #tpu.memory_space<vmem>>[vector<16xi32>, vector<16xi32>], vector<16xi32>, vector<16xi1>
    %add3A_254 = arith.constant 112 : i32
    %add3A_255 = vector.broadcast %add3A_254 : i32 to vector<16xi32>
    %add3A_256 = arith.addi %scan3A_152#0, %add3A_255 : vector<16xi32>
    %add3A_257 = arith.addi %add3A_256, %iota3A : vector<16xi32>
    %lt3A_258 = arith.cmpi slt, %add3A_257, %add3A_169 : vector<16xi32>
    %shift_right_logical3A_259 = arith.constant 7 : i32
    %shift_right_logical3A_260 = vector.broadcast %shift_right_logical3A_259 : i32 to vector<16xi32>
    %shift_right_logical3A_261 = arith.shrui %add3A_257, %shift_right_logical3A_260 : vector<16xi32>
    %and3A_262 = arith.constant 31 : i32
    %and3A_263 = vector.broadcast %and3A_262 : i32 to vector<16xi32>
    %and3A_264 = arith.andi %shift_right_logical3A_261, %and3A_263 : vector<16xi32>
    %and3A_265 = arith.andi %add3A_257, %broadcast_in_dim3A_1 : vector<16xi32>
    tpu.vector_store_idx %arg9[%and3A_264, %and3A_265], %broadcast_in_dim3A_5 masked %lt3A_258 : memref<32x128xi32, #tpu.memory_space<vmem>>[vector<16xi32>, vector<16xi32>], vector<16xi32>, vector<16xi1>
    tpu.vector_store_idx %arg10[%and3A_264, %and3A_265], %broadcast_in_dim3A_3 masked %lt3A_258 : memref<32x128xi32, #tpu.memory_space<vmem>>[vector<16xi32>, vector<16xi32>], vector<16xi32>, vector<16xi1>
    %gt3A = arith.cmpi sgt, %shift_right_logical3A_163, %scan3A_152#1 : i32
    %convert_element_type3A_266 = arith.extui %gt3A : i1 to i32
    %cond3A_267 = arith.constant 0 : i32
    %cond3A_268 = arith.cmpi ne, %convert_element_type3A_266, %cond3A_267 : i32
    scf.if %cond3A_268 {
      %and3A_284 = arith.constant 31 : i32
      %and3A_285 = arith.andi %scan3A_152#1, %and3A_284 : i32
      %and3A_286 = arith.constant 1 : i32
      %and3A_287 = arith.andi %scan3A_152#1, %and3A_286 : i32
      %eq3A = arith.constant 0 : i32
      %eq3A_288 = arith.cmpi eq, %and3A_287, %eq3A : i32
      %convert_element_type3A_289 = arith.extui %eq3A_288 : i1 to i32
      %cond3A_290 = arith.constant 0 : i32
      %cond3A_291 = arith.cmpi ne, %convert_element_type3A_289, %cond3A_290 : i32
      scf.if %cond3A_291 {
        %dma_start3A_297 = arith.constant 0 : i32
        %dma_start3A_298 = arith.constant 0 : i32
        %dma_start3A_299 = tpu.memref_slice %arg11[%dma_start3A_297, %dma_start3A_298] : memref<256x8xf32, #tpu.memory_space<vmem>> -> memref<128x8xf32, #tpu.memory_space<vmem>>
        %dma_start3A_300 = arith.constant 0 : i32
        %dma_start3A_301 = tpu.memref_slice %arg9[%and3A_285, %dma_start3A_300] : memref<32x128xi32, #tpu.memory_space<vmem>> -> memref<1x128xi32, #tpu.memory_space<vmem>>
        %dma_start3A_302 = tpu.memref_squeeze %dma_start3A_301 : memref<1x128xi32, #tpu.memory_space<vmem>> -> memref<128xi32, #tpu.memory_space<vmem>>
        %dma_start3A_303 = arith.constant 0 : i32
        %dma_start3A_304 = arith.constant 0 : i32
        %dma_start3A_305 = tpu.memref_slice %arg4[%dma_start3A_303, %dma_start3A_304] : memref<50000x8xf32, #tpu.memory_space<hbm>> -> memref<50000x8xf32, #tpu.memory_space<hbm>>
        tpu.enqueue_indirect_dma source(%dma_start3A_305 : memref<50000x8xf32, #tpu.memory_space<hbm>>) target(%dma_start3A_299 : memref<128x8xf32, #tpu.memory_space<vmem>>) offsets(%dma_start3A_302 : memref<128xi32, #tpu.memory_space<vmem>>) semaphore(%arg13 : memref<!tpu.dma_semaphore, #tpu.memory_space<semaphore_mem>>)
      } else {
      }
      %eq3A_292 = arith.constant 1 : i32
      %eq3A_293 = arith.cmpi eq, %and3A_287, %eq3A_292 : i32
      %convert_element_type3A_294 = arith.extui %eq3A_293 : i1 to i32
      %cond3A_295 = arith.constant 0 : i32
      %cond3A_296 = arith.cmpi ne, %convert_element_type3A_294, %cond3A_295 : i32
      scf.if %cond3A_296 {
        %dma_start3A_297 = arith.constant 128 : i32
        %dma_start3A_298 = arith.constant 0 : i32
        %dma_start3A_299 = tpu.memref_slice %arg11[%dma_start3A_297, %dma_start3A_298] : memref<256x8xf32, #tpu.memory_space<vmem>> -> memref<128x8xf32, #tpu.memory_space<vmem>>
        %dma_start3A_300 = arith.constant 0 : i32
        %dma_start3A_301 = tpu.memref_slice %arg9[%and3A_285, %dma_start3A_300] : memref<32x128xi32, #tpu.memory_space<vmem>> -> memref<1x128xi32, #tpu.memory_space<vmem>>
        %dma_start3A_302 = tpu.memref_squeeze %dma_start3A_301 : memref<1x128xi32, #tpu.memory_space<vmem>> -> memref<128xi32, #tpu.memory_space<vmem>>
        %dma_start3A_303 = arith.constant 0 : i32
        %dma_start3A_304 = arith.constant 0 : i32
        %dma_start3A_305 = tpu.memref_slice %arg4[%dma_start3A_303, %dma_start3A_304] : memref<50000x8xf32, #tpu.memory_space<hbm>> -> memref<50000x8xf32, #tpu.memory_space<hbm>>
        tpu.enqueue_indirect_dma source(%dma_start3A_305 : memref<50000x8xf32, #tpu.memory_space<hbm>>) target(%dma_start3A_299 : memref<128x8xf32, #tpu.memory_space<vmem>>) offsets(%dma_start3A_302 : memref<128xi32, #tpu.memory_space<vmem>>) semaphore(%arg14 : memref<!tpu.dma_semaphore, #tpu.memory_space<semaphore_mem>>)
      } else {
      }
    } else {
    }
    %while3A = arith.constant 0 : i32
    %while3A_269 = arith.subi %shift_right_logical3A_163, %scan3A_152#2 : i32
    %while3A_270 = arith.addi %scan3A_152#2, %while3A_269 : i32
    %while3A_271 = arith.constant 1 : i32
    %while3A_272 = arith.divsi %while3A_269, %while3A_271 : i32
    %while3A_273 = arith.muli %while3A_272, %while3A_271 : i32
    %while3A_274 = arith.addi %scan3A_152#2, %while3A_273 : i32
    %while3A_275 = arith.constant 1 : i32
    scf.for %while3A_284 = %scan3A_152#2 to %while3A_274 step %while3A_275  : i32 {
      %and3A_285 = arith.constant 31 : i32
      %and3A_286 = arith.andi %while3A_284, %and3A_285 : i32
      %and3A_287 = arith.constant 1 : i32
      %and3A_288 = arith.andi %while3A_284, %and3A_287 : i32
      %eq3A = arith.constant 0 : i32
      %eq3A_289 = arith.cmpi eq, %and3A_288, %eq3A : i32
      %convert_element_type3A_290 = arith.extui %eq3A_289 : i1 to i32
      %cond3A_291 = arith.constant 0 : i32
      %cond3A_292 = arith.cmpi ne, %convert_element_type3A_290, %cond3A_291 : i32
      scf.if %cond3A_292 {
        %dma_wait3A = arith.constant 0 : i32
        %dma_wait3A_298 = arith.constant 0 : i32
        %dma_wait3A_299 = tpu.memref_slice %arg11[%dma_wait3A, %dma_wait3A_298] : memref<256x8xf32, #tpu.memory_space<vmem>> -> memref<128x8xf32, #tpu.memory_space<vmem>>
        %dma_wait3A_300 = arith.constant 0 : i32
        %dma_wait3A_301 = tpu.memref_slice %arg9[%and3A_286, %dma_wait3A_300] : memref<32x128xi32, #tpu.memory_space<vmem>> -> memref<1x128xi32, #tpu.memory_space<vmem>>
        %dma_wait3A_302 = tpu.memref_squeeze %dma_wait3A_301 : memref<1x128xi32, #tpu.memory_space<vmem>> -> memref<128xi32, #tpu.memory_space<vmem>>
        %dma_wait3A_303 = arith.constant 0 : i32
        %dma_wait3A_304 = arith.constant 0 : i32
        %dma_wait3A_305 = tpu.memref_slice %arg4[%dma_wait3A_303, %dma_wait3A_304] : memref<50000x8xf32, #tpu.memory_space<hbm>> -> memref<50000x8xf32, #tpu.memory_space<hbm>>
        tpu.wait_indirect_dma semaphore(%arg13 : memref<!tpu.dma_semaphore, #tpu.memory_space<semaphore_mem>>) src(%dma_wait3A_305 : memref<50000x8xf32, #tpu.memory_space<hbm>>) dst(%dma_wait3A_299 : memref<128x8xf32, #tpu.memory_space<vmem>>)
        "tpu.region"() ({
          %run_scoped3A = tpu.sem_alloc : memref<!tpu.dma_semaphore, #tpu.memory_space<semaphore_mem>>
          %dma_start3A_306 = arith.constant 0 : i32
          %dma_start3A_307 = arith.constant 0 : i32
          %dma_start3A_308 = tpu.memref_slice %arg11[%dma_start3A_306, %dma_start3A_307] : memref<256x8xf32, #tpu.memory_space<vmem>> -> memref<128x8xf32, #tpu.memory_space<vmem>>
          %dma_start3A_309 = arith.constant 0 : i32
          %dma_start3A_310 = tpu.memref_slice %arg10[%and3A_286, %dma_start3A_309] : memref<32x128xi32, #tpu.memory_space<vmem>> -> memref<1x128xi32, #tpu.memory_space<vmem>>
          %dma_start3A_311 = tpu.memref_squeeze %dma_start3A_310 : memref<1x128xi32, #tpu.memory_space<vmem>> -> memref<128xi32, #tpu.memory_space<vmem>>
          %dma_start3A_312 = arith.constant 0 : i32
          %dma_start3A_313 = arith.constant 0 : i32
          %dma_start3A_314 = tpu.memref_slice %arg12[%dma_start3A_312, %dma_start3A_313] : memref<25472x8xf32, #tpu.memory_space<vmem_shared>> -> memref<25472x8xf32, #tpu.memory_space<vmem_shared>>
          tpu.enqueue_indirect_dma source(%dma_start3A_308 : memref<128x8xf32, #tpu.memory_space<vmem>>) target(%dma_start3A_314 : memref<25472x8xf32, #tpu.memory_space<vmem_shared>>) offsets(%dma_start3A_311 : memref<128xi32, #tpu.memory_space<vmem>>) semaphore(%run_scoped3A : memref<!tpu.dma_semaphore, #tpu.memory_space<semaphore_mem>>) {add = true}
          %dma_wait3A_315 = arith.constant 0 : i32
          %dma_wait3A_316 = arith.constant 0 : i32
          %dma_wait3A_317 = tpu.memref_slice %arg11[%dma_wait3A_315, %dma_wait3A_316] : memref<256x8xf32, #tpu.memory_space<vmem>> -> memref<128x8xf32, #tpu.memory_space<vmem>>
          %dma_wait3A_318 = arith.constant 0 : i32
          %dma_wait3A_319 = tpu.memref_slice %arg10[%and3A_286, %dma_wait3A_318] : memref<32x128xi32, #tpu.memory_space<vmem>> -> memref<1x128xi32, #tpu.memory_space<vmem>>
          %dma_wait3A_320 = tpu.memref_squeeze %dma_wait3A_319 : memref<1x128xi32, #tpu.memory_space<vmem>> -> memref<128xi32, #tpu.memory_space<vmem>>
          %dma_wait3A_321 = arith.constant 0 : i32
          %dma_wait3A_322 = arith.constant 0 : i32
          %dma_wait3A_323 = tpu.memref_slice %arg12[%dma_wait3A_321, %dma_wait3A_322] : memref<25472x8xf32, #tpu.memory_space<vmem_shared>> -> memref<25472x8xf32, #tpu.memory_space<vmem_shared>>
          tpu.wait_indirect_dma semaphore(%run_scoped3A : memref<!tpu.dma_semaphore, #tpu.memory_space<semaphore_mem>>) src(%dma_wait3A_317 : memref<128x8xf32, #tpu.memory_space<vmem>>) dst(%dma_wait3A_323 : memref<25472x8xf32, #tpu.memory_space<vmem_shared>>)
          tpu.yield
        }) : () -> ()
      } else {
      }
      %eq3A_293 = arith.constant 1 : i32
      %eq3A_294 = arith.cmpi eq, %and3A_288, %eq3A_293 : i32
      %convert_element_type3A_295 = arith.extui %eq3A_294 : i1 to i32
      %cond3A_296 = arith.constant 0 : i32
      %cond3A_297 = arith.cmpi ne, %convert_element_type3A_295, %cond3A_296 : i32
      scf.if %cond3A_297 {
        %dma_wait3A = arith.constant 128 : i32
        %dma_wait3A_298 = arith.constant 0 : i32
        %dma_wait3A_299 = tpu.memref_slice %arg11[%dma_wait3A, %dma_wait3A_298] : memref<256x8xf32, #tpu.memory_space<vmem>> -> memref<128x8xf32, #tpu.memory_space<vmem>>
        %dma_wait3A_300 = arith.constant 0 : i32
        %dma_wait3A_301 = tpu.memref_slice %arg9[%and3A_286, %dma_wait3A_300] : memref<32x128xi32, #tpu.memory_space<vmem>> -> memref<1x128xi32, #tpu.memory_space<vmem>>
        %dma_wait3A_302 = tpu.memref_squeeze %dma_wait3A_301 : memref<1x128xi32, #tpu.memory_space<vmem>> -> memref<128xi32, #tpu.memory_space<vmem>>
        %dma_wait3A_303 = arith.constant 0 : i32
        %dma_wait3A_304 = arith.constant 0 : i32
        %dma_wait3A_305 = tpu.memref_slice %arg4[%dma_wait3A_303, %dma_wait3A_304] : memref<50000x8xf32, #tpu.memory_space<hbm>> -> memref<50000x8xf32, #tpu.memory_space<hbm>>
        tpu.wait_indirect_dma semaphore(%arg14 : memref<!tpu.dma_semaphore, #tpu.memory_space<semaphore_mem>>) src(%dma_wait3A_305 : memref<50000x8xf32, #tpu.memory_space<hbm>>) dst(%dma_wait3A_299 : memref<128x8xf32, #tpu.memory_space<vmem>>)
        "tpu.region"() ({
          %run_scoped3A = tpu.sem_alloc : memref<!tpu.dma_semaphore, #tpu.memory_space<semaphore_mem>>
          %dma_start3A_306 = arith.constant 128 : i32
          %dma_start3A_307 = arith.constant 0 : i32
          %dma_start3A_308 = tpu.memref_slice %arg11[%dma_start3A_306, %dma_start3A_307] : memref<256x8xf32, #tpu.memory_space<vmem>> -> memref<128x8xf32, #tpu.memory_space<vmem>>
          %dma_start3A_309 = arith.constant 0 : i32
          %dma_start3A_310 = tpu.memref_slice %arg10[%and3A_286, %dma_start3A_309] : memref<32x128xi32, #tpu.memory_space<vmem>> -> memref<1x128xi32, #tpu.memory_space<vmem>>
          %dma_start3A_311 = tpu.memref_squeeze %dma_start3A_310 : memref<1x128xi32, #tpu.memory_space<vmem>> -> memref<128xi32, #tpu.memory_space<vmem>>
          %dma_start3A_312 = arith.constant 0 : i32
          %dma_start3A_313 = arith.constant 0 : i32
          %dma_start3A_314 = tpu.memref_slice %arg12[%dma_start3A_312, %dma_start3A_313] : memref<25472x8xf32, #tpu.memory_space<vmem_shared>> -> memref<25472x8xf32, #tpu.memory_space<vmem_shared>>
          tpu.enqueue_indirect_dma source(%dma_start3A_308 : memref<128x8xf32, #tpu.memory_space<vmem>>) target(%dma_start3A_314 : memref<25472x8xf32, #tpu.memory_space<vmem_shared>>) offsets(%dma_start3A_311 : memref<128xi32, #tpu.memory_space<vmem>>) semaphore(%run_scoped3A : memref<!tpu.dma_semaphore, #tpu.memory_space<semaphore_mem>>) {add = true}
          %dma_wait3A_315 = arith.constant 128 : i32
          %dma_wait3A_316 = arith.constant 0 : i32
          %dma_wait3A_317 = tpu.memref_slice %arg11[%dma_wait3A_315, %dma_wait3A_316] : memref<256x8xf32, #tpu.memory_space<vmem>> -> memref<128x8xf32, #tpu.memory_space<vmem>>
          %dma_wait3A_318 = arith.constant 0 : i32
          %dma_wait3A_319 = tpu.memref_slice %arg10[%and3A_286, %dma_wait3A_318] : memref<32x128xi32, #tpu.memory_space<vmem>> -> memref<1x128xi32, #tpu.memory_space<vmem>>
          %dma_wait3A_320 = tpu.memref_squeeze %dma_wait3A_319 : memref<1x128xi32, #tpu.memory_space<vmem>> -> memref<128xi32, #tpu.memory_space<vmem>>
          %dma_wait3A_321 = arith.constant 0 : i32
          %dma_wait3A_322 = arith.constant 0 : i32
          %dma_wait3A_323 = tpu.memref_slice %arg12[%dma_wait3A_321, %dma_wait3A_322] : memref<25472x8xf32, #tpu.memory_space<vmem_shared>> -> memref<25472x8xf32, #tpu.memory_space<vmem_shared>>
          tpu.wait_indirect_dma semaphore(%run_scoped3A : memref<!tpu.dma_semaphore, #tpu.memory_space<semaphore_mem>>) src(%dma_wait3A_317 : memref<128x8xf32, #tpu.memory_space<vmem>>) dst(%dma_wait3A_323 : memref<25472x8xf32, #tpu.memory_space<vmem_shared>>)
          tpu.yield
        }) : () -> ()
      } else {
      }
    }
    %while3A_276 = arith.constant 1 : i32
    scf.for %while3A_284 = %while3A_274 to %while3A_270 step %while3A_276  : i32 {
      %and3A_285 = arith.constant 31 : i32
      %and3A_286 = arith.andi %while3A_284, %and3A_285 : i32
      %and3A_287 = arith.constant 1 : i32
      %and3A_288 = arith.andi %while3A_284, %and3A_287 : i32
      %eq3A = arith.constant 0 : i32
      %eq3A_289 = arith.cmpi eq, %and3A_288, %eq3A : i32
      %convert_element_type3A_290 = arith.extui %eq3A_289 : i1 to i32
      %cond3A_291 = arith.constant 0 : i32
      %cond3A_292 = arith.cmpi ne, %convert_element_type3A_290, %cond3A_291 : i32
      scf.if %cond3A_292 {
        %dma_wait3A = arith.constant 0 : i32
        %dma_wait3A_298 = arith.constant 0 : i32
        %dma_wait3A_299 = tpu.memref_slice %arg11[%dma_wait3A, %dma_wait3A_298] : memref<256x8xf32, #tpu.memory_space<vmem>> -> memref<128x8xf32, #tpu.memory_space<vmem>>
        %dma_wait3A_300 = arith.constant 0 : i32
        %dma_wait3A_301 = tpu.memref_slice %arg9[%and3A_286, %dma_wait3A_300] : memref<32x128xi32, #tpu.memory_space<vmem>> -> memref<1x128xi32, #tpu.memory_space<vmem>>
        %dma_wait3A_302 = tpu.memref_squeeze %dma_wait3A_301 : memref<1x128xi32, #tpu.memory_space<vmem>> -> memref<128xi32, #tpu.memory_space<vmem>>
        %dma_wait3A_303 = arith.constant 0 : i32
        %dma_wait3A_304 = arith.constant 0 : i32
        %dma_wait3A_305 = tpu.memref_slice %arg4[%dma_wait3A_303, %dma_wait3A_304] : memref<50000x8xf32, #tpu.memory_space<hbm>> -> memref<50000x8xf32, #tpu.memory_space<hbm>>
        tpu.wait_indirect_dma semaphore(%arg13 : memref<!tpu.dma_semaphore, #tpu.memory_space<semaphore_mem>>) src(%dma_wait3A_305 : memref<50000x8xf32, #tpu.memory_space<hbm>>) dst(%dma_wait3A_299 : memref<128x8xf32, #tpu.memory_space<vmem>>)
        "tpu.region"() ({
          %run_scoped3A = tpu.sem_alloc : memref<!tpu.dma_semaphore, #tpu.memory_space<semaphore_mem>>
          %dma_start3A_306 = arith.constant 0 : i32
          %dma_start3A_307 = arith.constant 0 : i32
          %dma_start3A_308 = tpu.memref_slice %arg11[%dma_start3A_306, %dma_start3A_307] : memref<256x8xf32, #tpu.memory_space<vmem>> -> memref<128x8xf32, #tpu.memory_space<vmem>>
          %dma_start3A_309 = arith.constant 0 : i32
          %dma_start3A_310 = tpu.memref_slice %arg10[%and3A_286, %dma_start3A_309] : memref<32x128xi32, #tpu.memory_space<vmem>> -> memref<1x128xi32, #tpu.memory_space<vmem>>
          %dma_start3A_311 = tpu.memref_squeeze %dma_start3A_310 : memref<1x128xi32, #tpu.memory_space<vmem>> -> memref<128xi32, #tpu.memory_space<vmem>>
          %dma_start3A_312 = arith.constant 0 : i32
          %dma_start3A_313 = arith.constant 0 : i32
          %dma_start3A_314 = tpu.memref_slice %arg12[%dma_start3A_312, %dma_start3A_313] : memref<25472x8xf32, #tpu.memory_space<vmem_shared>> -> memref<25472x8xf32, #tpu.memory_space<vmem_shared>>
          tpu.enqueue_indirect_dma source(%dma_start3A_308 : memref<128x8xf32, #tpu.memory_space<vmem>>) target(%dma_start3A_314 : memref<25472x8xf32, #tpu.memory_space<vmem_shared>>) offsets(%dma_start3A_311 : memref<128xi32, #tpu.memory_space<vmem>>) semaphore(%run_scoped3A : memref<!tpu.dma_semaphore, #tpu.memory_space<semaphore_mem>>) {add = true}
          %dma_wait3A_315 = arith.constant 0 : i32
          %dma_wait3A_316 = arith.constant 0 : i32
          %dma_wait3A_317 = tpu.memref_slice %arg11[%dma_wait3A_315, %dma_wait3A_316] : memref<256x8xf32, #tpu.memory_space<vmem>> -> memref<128x8xf32, #tpu.memory_space<vmem>>
          %dma_wait3A_318 = arith.constant 0 : i32
          %dma_wait3A_319 = tpu.memref_slice %arg10[%and3A_286, %dma_wait3A_318] : memref<32x128xi32, #tpu.memory_space<vmem>> -> memref<1x128xi32, #tpu.memory_space<vmem>>
          %dma_wait3A_320 = tpu.memref_squeeze %dma_wait3A_319 : memref<1x128xi32, #tpu.memory_space<vmem>> -> memref<128xi32, #tpu.memory_space<vmem>>
          %dma_wait3A_321 = arith.constant 0 : i32
          %dma_wait3A_322 = arith.constant 0 : i32
          %dma_wait3A_323 = tpu.memref_slice %arg12[%dma_wait3A_321, %dma_wait3A_322] : memref<25472x8xf32, #tpu.memory_space<vmem_shared>> -> memref<25472x8xf32, #tpu.memory_space<vmem_shared>>
          tpu.wait_indirect_dma semaphore(%run_scoped3A : memref<!tpu.dma_semaphore, #tpu.memory_space<semaphore_mem>>) src(%dma_wait3A_317 : memref<128x8xf32, #tpu.memory_space<vmem>>) dst(%dma_wait3A_323 : memref<25472x8xf32, #tpu.memory_space<vmem_shared>>)
          tpu.yield
        }) : () -> ()
      } else {
      }
      %eq3A_293 = arith.constant 1 : i32
      %eq3A_294 = arith.cmpi eq, %and3A_288, %eq3A_293 : i32
      %convert_element_type3A_295 = arith.extui %eq3A_294 : i1 to i32
      %cond3A_296 = arith.constant 0 : i32
      %cond3A_297 = arith.cmpi ne, %convert_element_type3A_295, %cond3A_296 : i32
      scf.if %cond3A_297 {
        %dma_wait3A = arith.constant 128 : i32
        %dma_wait3A_298 = arith.constant 0 : i32
        %dma_wait3A_299 = tpu.memref_slice %arg11[%dma_wait3A, %dma_wait3A_298] : memref<256x8xf32, #tpu.memory_space<vmem>> -> memref<128x8xf32, #tpu.memory_space<vmem>>
        %dma_wait3A_300 = arith.constant 0 : i32
        %dma_wait3A_301 = tpu.memref_slice %arg9[%and3A_286, %dma_wait3A_300] : memref<32x128xi32, #tpu.memory_space<vmem>> -> memref<1x128xi32, #tpu.memory_space<vmem>>
        %dma_wait3A_302 = tpu.memref_squeeze %dma_wait3A_301 : memref<1x128xi32, #tpu.memory_space<vmem>> -> memref<128xi32, #tpu.memory_space<vmem>>
        %dma_wait3A_303 = arith.constant 0 : i32
        %dma_wait3A_304 = arith.constant 0 : i32
        %dma_wait3A_305 = tpu.memref_slice %arg4[%dma_wait3A_303, %dma_wait3A_304] : memref<50000x8xf32, #tpu.memory_space<hbm>> -> memref<50000x8xf32, #tpu.memory_space<hbm>>
        tpu.wait_indirect_dma semaphore(%arg14 : memref<!tpu.dma_semaphore, #tpu.memory_space<semaphore_mem>>) src(%dma_wait3A_305 : memref<50000x8xf32, #tpu.memory_space<hbm>>) dst(%dma_wait3A_299 : memref<128x8xf32, #tpu.memory_space<vmem>>)
        "tpu.region"() ({
          %run_scoped3A = tpu.sem_alloc : memref<!tpu.dma_semaphore, #tpu.memory_space<semaphore_mem>>
          %dma_start3A_306 = arith.constant 128 : i32
          %dma_start3A_307 = arith.constant 0 : i32
          %dma_start3A_308 = tpu.memref_slice %arg11[%dma_start3A_306, %dma_start3A_307] : memref<256x8xf32, #tpu.memory_space<vmem>> -> memref<128x8xf32, #tpu.memory_space<vmem>>
          %dma_start3A_309 = arith.constant 0 : i32
          %dma_start3A_310 = tpu.memref_slice %arg10[%and3A_286, %dma_start3A_309] : memref<32x128xi32, #tpu.memory_space<vmem>> -> memref<1x128xi32, #tpu.memory_space<vmem>>
          %dma_start3A_311 = tpu.memref_squeeze %dma_start3A_310 : memref<1x128xi32, #tpu.memory_space<vmem>> -> memref<128xi32, #tpu.memory_space<vmem>>
          %dma_start3A_312 = arith.constant 0 : i32
          %dma_start3A_313 = arith.constant 0 : i32
          %dma_start3A_314 = tpu.memref_slice %arg12[%dma_start3A_312, %dma_start3A_313] : memref<25472x8xf32, #tpu.memory_space<vmem_shared>> -> memref<25472x8xf32, #tpu.memory_space<vmem_shared>>
          tpu.enqueue_indirect_dma source(%dma_start3A_308 : memref<128x8xf32, #tpu.memory_space<vmem>>) target(%dma_start3A_314 : memref<25472x8xf32, #tpu.memory_space<vmem_shared>>) offsets(%dma_start3A_311 : memref<128xi32, #tpu.memory_space<vmem>>) semaphore(%run_scoped3A : memref<!tpu.dma_semaphore, #tpu.memory_space<semaphore_mem>>) {add = true}
          %dma_wait3A_315 = arith.constant 128 : i32
          %dma_wait3A_316 = arith.constant 0 : i32
          %dma_wait3A_317 = tpu.memref_slice %arg11[%dma_wait3A_315, %dma_wait3A_316] : memref<256x8xf32, #tpu.memory_space<vmem>> -> memref<128x8xf32, #tpu.memory_space<vmem>>
          %dma_wait3A_318 = arith.constant 0 : i32
          %dma_wait3A_319 = tpu.memref_slice %arg10[%and3A_286, %dma_wait3A_318] : memref<32x128xi32, #tpu.memory_space<vmem>> -> memref<1x128xi32, #tpu.memory_space<vmem>>
          %dma_wait3A_320 = tpu.memref_squeeze %dma_wait3A_319 : memref<1x128xi32, #tpu.memory_space<vmem>> -> memref<128xi32, #tpu.memory_space<vmem>>
          %dma_wait3A_321 = arith.constant 0 : i32
          %dma_wait3A_322 = arith.constant 0 : i32
          %dma_wait3A_323 = tpu.memref_slice %arg12[%dma_wait3A_321, %dma_wait3A_322] : memref<25472x8xf32, #tpu.memory_space<vmem_shared>> -> memref<25472x8xf32, #tpu.memory_space<vmem_shared>>
          tpu.wait_indirect_dma semaphore(%run_scoped3A : memref<!tpu.dma_semaphore, #tpu.memory_space<semaphore_mem>>) src(%dma_wait3A_317 : memref<128x8xf32, #tpu.memory_space<vmem>>) dst(%dma_wait3A_323 : memref<25472x8xf32, #tpu.memory_space<vmem_shared>>)
          tpu.yield
        }) : () -> ()
      } else {
      }
    }
    %barrier3A_277 = arith.constant 0 : index
    tpu.barrier barrier_id(%barrier3A_277)
    %mul3A_278 = arith.constant 1584 : i32
    %mul3A_279 = arith.muli %arg1, %mul3A_278 : i32
    %mul3A_280 = arith.constant 1584 : i32
    %mul3A_281 = arith.muli %arg1, %mul3A_280 : i32
    %add3A_282 = arith.addi %mul3A_10, %mul3A_281 : i32
    "tpu.region"() ({
      %run_scoped3A = tpu.sem_alloc : memref<!tpu.dma_semaphore, #tpu.memory_space<semaphore_mem>>
      %dma_start3A_284 = arith.constant 0 : i32
      %dma_start3A_285 = tpu.memref_slice %arg6[%add3A_282, %dma_start3A_284] : memref<50688x8xf32, #tpu.memory_space<hbm>> -> memref<1584x8xf32, #tpu.memory_space<hbm>>
      %dma_start3A_286 = arith.constant 0 : i32
      %dma_start3A_287 = tpu.memref_slice %arg12[%mul3A_279, %dma_start3A_286] : memref<25472x8xf32, #tpu.memory_space<vmem_shared>> -> memref<1584x8xf32, #tpu.memory_space<vmem_shared>>
      tpu.enqueue_dma source(%dma_start3A_287 : memref<1584x8xf32, #tpu.memory_space<vmem_shared>>) target(%dma_start3A_285 : memref<1584x8xf32, #tpu.memory_space<hbm>>) target_semaphore(%run_scoped3A : memref<!tpu.dma_semaphore, #tpu.memory_space<semaphore_mem>>)
      %dma_wait3A = arith.constant 0 : i32
      %dma_wait3A_288 = tpu.memref_slice %arg6[%add3A_282, %dma_wait3A] : memref<50688x8xf32, #tpu.memory_space<hbm>> -> memref<1584x8xf32, #tpu.memory_space<hbm>>
      %dma_wait3A_289 = arith.constant 0 : i32
      %dma_wait3A_290 = tpu.memref_slice %arg12[%mul3A_279, %dma_wait3A_289] : memref<25472x8xf32, #tpu.memory_space<vmem_shared>> -> memref<1584x8xf32, #tpu.memory_space<vmem_shared>>
      tpu.wait_dma2 semaphore(%run_scoped3A : memref<!tpu.dma_semaphore, #tpu.memory_space<semaphore_mem>>) src(%dma_wait3A_290 : memref<1584x8xf32, #tpu.memory_space<vmem_shared>>) dst(%dma_wait3A_288 : memref<1584x8xf32, #tpu.memory_space<hbm>>)
      tpu.yield
    }) : () -> ()
    %barrier3A_283 = arith.constant 0 : index
    tpu.barrier barrier_id(%barrier3A_283)
    return
  }
}

#map = affine_map<(d0, d1) -> (0)>
#map1 = affine_map<(d0, d1) -> (0, 0)>
module attributes {stable_mosaic.version = 14 : i64} {
  func.func @kern(%arg0: i32, %arg1: i32, %arg2: memref<800000xi32, #tpu.memory_space<hbm>>, %arg3: memref<800000xi32, #tpu.memory_space<hbm>>, %arg4: memref<50688x128xbf16, #tpu.memory_space<hbm>>, %arg5: memref<128x128xbf16, #tpu.memory_space<hbm>>, %arg6: memref<50688x128xbf16, #tpu.memory_space<hbm>>, %arg7: memref<4000xi32, #tpu.memory_space<vmem>>, %arg8: memref<4000xi32, #tpu.memory_space<vmem>>, %arg9: memref<32x128xi32, #tpu.memory_space<vmem>>, %arg10: memref<32x128xi32, #tpu.memory_space<vmem>>, %arg11: memref<256x128xbf16, #tpu.memory_space<vmem>>, %arg12: memref<12800x128xbf16, #tpu.memory_space<vmem_shared>>, %arg13: memref<!tpu.dma_semaphore, #tpu.memory_space<semaphore_mem>>, %arg14: memref<!tpu.dma_semaphore, #tpu.memory_space<semaphore_mem>>, %arg15: memref<!tpu.dma_semaphore, #tpu.memory_space<semaphore_mem>>) attributes {dimension_semantics = [#tpu.dimension_semantics<core_parallel>, #tpu.dimension_semantics<subcore_parallel>], iteration_bounds = array<i64: 2, 16>, scalar_prefetch = 0 : i64, scratch_operands = 9 : i64, tpu.core_type = #tpu.core_type<sc_vector_subcore>, window_params = [{transform_indices = #map}, {transform_indices = #map}, {transform_indices = #map1}, {transform_indices = #map1}, {transform_indices = #map1}]} {
    %mul3A = arith.constant 50000 : i32
    %mul3A_0 = arith.muli %arg1, %mul3A : i32
    %broadcast_in_dim3A = arith.constant 127 : i32
    %broadcast_in_dim3A_1 = vector.broadcast %broadcast_in_dim3A : i32 to vector<16xi32>
    %iota3A = tpu.iota {dimensions = array<i32: 0>} : vector<16xi32>
    %broadcast_in_dim3A_2 = arith.constant 12672 : i32
    %broadcast_in_dim3A_3 = vector.broadcast %broadcast_in_dim3A_2 : i32 to vector<16xi32>
    %broadcast_in_dim3A_4 = arith.constant 0 : i32
    %broadcast_in_dim3A_5 = vector.broadcast %broadcast_in_dim3A_4 : i32 to vector<16xi32>
    %mul3A_6 = arith.constant 2 : i32
    %mul3A_7 = arith.muli %arg0, %mul3A_6 : i32
    %add3A = arith.constant 0 : i32
    %add3A_8 = arith.addi %mul3A_7, %add3A : i32
    %mul3A_9 = arith.constant 12672 : i32
    %mul3A_10 = arith.muli %add3A_8, %mul3A_9 : i32
    %broadcast_in_dim3A_11 = arith.constant 1 : i32
    %broadcast_in_dim3A_12 = vector.broadcast %broadcast_in_dim3A_11 : i32 to vector<16xi32>
    %mul3A_13 = vector.broadcast %mul3A_10 : i32 to vector<16xi32>
    %mul3A_14 = arith.muli %broadcast_in_dim3A_12, %mul3A_13 : vector<16xi32>
    %add3A_15 = arith.constant 12672 : i32
    %add3A_16 = vector.broadcast %add3A_15 : i32 to vector<16xi32>
    %add3A_17 = arith.addi %mul3A_14, %add3A_16 : vector<16xi32>
    "tpu.region"() ({
      %run_scoped3A = tpu.sem_alloc : memref<!tpu.dma_semaphore, #tpu.memory_space<semaphore_mem>>
      %dma_start3A_466 = arith.constant 0 : i32
      %dma_start3A_467 = arith.constant 0 : i32
      %dma_start3A_468 = tpu.memref_slice %arg11[%dma_start3A_466, %dma_start3A_467] : memref<256x128xbf16, #tpu.memory_space<vmem>> -> memref<128x128xbf16, #tpu.memory_space<vmem>>
      %dma_start3A_469 = arith.constant 0 : i32
      %dma_start3A_470 = arith.constant 0 : i32
      %dma_start3A_471 = tpu.memref_slice %arg11[%dma_start3A_469, %dma_start3A_470] : memref<256x128xbf16, #tpu.memory_space<vmem>> -> memref<128x128xbf16, #tpu.memory_space<vmem>>
      tpu.enqueue_dma source(%arg5 : memref<128x128xbf16, #tpu.memory_space<hbm>>) target(%dma_start3A_471 : memref<128x128xbf16, #tpu.memory_space<vmem>>) target_semaphore(%run_scoped3A : memref<!tpu.dma_semaphore, #tpu.memory_space<semaphore_mem>>)
      %dma_wait3A = arith.constant 0 : i32
      %dma_wait3A_472 = arith.constant 0 : i32
      %dma_wait3A_473 = tpu.memref_slice %arg11[%dma_wait3A, %dma_wait3A_472] : memref<256x128xbf16, #tpu.memory_space<vmem>> -> memref<128x128xbf16, #tpu.memory_space<vmem>>
      %dma_wait3A_474 = arith.constant 0 : i32
      %dma_wait3A_475 = arith.constant 0 : i32
      %dma_wait3A_476 = tpu.memref_slice %arg11[%dma_wait3A_474, %dma_wait3A_475] : memref<256x128xbf16, #tpu.memory_space<vmem>> -> memref<128x128xbf16, #tpu.memory_space<vmem>>
      tpu.wait_dma2 semaphore(%run_scoped3A : memref<!tpu.dma_semaphore, #tpu.memory_space<semaphore_mem>>) src(%arg5 : memref<128x128xbf16, #tpu.memory_space<hbm>>) dst(%dma_wait3A_476 : memref<128x128xbf16, #tpu.memory_space<vmem>>)
      tpu.yield
    }) : () -> ()
    %mul3A_18 = arith.constant 7 : i32
    %mul3A_19 = arith.muli %arg1, %mul3A_18 : i32
    %add3A_20 = arith.constant 0 : i32
    %add3A_21 = arith.addi %mul3A_19, %add3A_20 : i32
    %lt3A = arith.constant 100 : i32
    %lt3A_22 = arith.cmpi slt, %add3A_21, %lt3A : i32
    %convert_element_type3A = arith.extui %lt3A_22 : i1 to i32
    %cond3A = arith.constant 0 : i32
    %cond3A_23 = arith.cmpi ne, %convert_element_type3A, %cond3A : i32
    scf.if %cond3A_23 {
      %mul3A_466 = arith.constant 128 : i32
      %mul3A_467 = arith.muli %add3A_21, %mul3A_466 : i32
      "tpu.region"() ({
        %run_scoped3A = tpu.sem_alloc : memref<!tpu.dma_semaphore, #tpu.memory_space<semaphore_mem>>
        %dma_start3A_468 = arith.constant 0 : i32
        %dma_start3A_469 = arith.constant 0 : i32
        %dma_start3A_470 = tpu.memref_slice %arg11[%dma_start3A_468, %dma_start3A_469] : memref<256x128xbf16, #tpu.memory_space<vmem>> -> memref<128x128xbf16, #tpu.memory_space<vmem>>
        %dma_start3A_471 = arith.constant 0 : i32
        %dma_start3A_472 = tpu.memref_slice %arg12[%mul3A_467, %dma_start3A_471] : memref<12800x128xbf16, #tpu.memory_space<vmem_shared>> -> memref<128x128xbf16, #tpu.memory_space<vmem_shared>>
        %dma_start3A_473 = arith.constant 0 : i32
        %dma_start3A_474 = tpu.memref_slice %arg12[%mul3A_467, %dma_start3A_473] : memref<12800x128xbf16, #tpu.memory_space<vmem_shared>> -> memref<128x128xbf16, #tpu.memory_space<vmem_shared>>
        %dma_start3A_475 = arith.constant 0 : i32
        %dma_start3A_476 = arith.constant 0 : i32
        %dma_start3A_477 = tpu.memref_slice %arg11[%dma_start3A_475, %dma_start3A_476] : memref<256x128xbf16, #tpu.memory_space<vmem>> -> memref<128x128xbf16, #tpu.memory_space<vmem>>
        tpu.enqueue_dma source(%dma_start3A_477 : memref<128x128xbf16, #tpu.memory_space<vmem>>) target(%dma_start3A_474 : memref<128x128xbf16, #tpu.memory_space<vmem_shared>>) target_semaphore(%run_scoped3A : memref<!tpu.dma_semaphore, #tpu.memory_space<semaphore_mem>>)
        %dma_wait3A = arith.constant 0 : i32
        %dma_wait3A_478 = arith.constant 0 : i32
        %dma_wait3A_479 = tpu.memref_slice %arg11[%dma_wait3A, %dma_wait3A_478] : memref<256x128xbf16, #tpu.memory_space<vmem>> -> memref<128x128xbf16, #tpu.memory_space<vmem>>
        %dma_wait3A_480 = arith.constant 0 : i32
        %dma_wait3A_481 = tpu.memref_slice %arg12[%mul3A_467, %dma_wait3A_480] : memref<12800x128xbf16, #tpu.memory_space<vmem_shared>> -> memref<128x128xbf16, #tpu.memory_space<vmem_shared>>
        %dma_wait3A_482 = arith.constant 0 : i32
        %dma_wait3A_483 = tpu.memref_slice %arg12[%mul3A_467, %dma_wait3A_482] : memref<12800x128xbf16, #tpu.memory_space<vmem_shared>> -> memref<128x128xbf16, #tpu.memory_space<vmem_shared>>
        %dma_wait3A_484 = arith.constant 0 : i32
        %dma_wait3A_485 = arith.constant 0 : i32
        %dma_wait3A_486 = tpu.memref_slice %arg11[%dma_wait3A_484, %dma_wait3A_485] : memref<256x128xbf16, #tpu.memory_space<vmem>> -> memref<128x128xbf16, #tpu.memory_space<vmem>>
        tpu.wait_dma2 semaphore(%run_scoped3A : memref<!tpu.dma_semaphore, #tpu.memory_space<semaphore_mem>>) src(%dma_wait3A_486 : memref<128x128xbf16, #tpu.memory_space<vmem>>) dst(%dma_wait3A_483 : memref<128x128xbf16, #tpu.memory_space<vmem_shared>>)
        tpu.yield
      }) : () -> ()
    } else {
    }
    %mul3A_24 = arith.constant 7 : i32
    %mul3A_25 = arith.muli %arg1, %mul3A_24 : i32
    %add3A_26 = arith.constant 1 : i32
    %add3A_27 = arith.addi %mul3A_25, %add3A_26 : i32
    %lt3A_28 = arith.constant 100 : i32
    %lt3A_29 = arith.cmpi slt, %add3A_27, %lt3A_28 : i32
    %convert_element_type3A_30 = arith.extui %lt3A_29 : i1 to i32
    %cond3A_31 = arith.constant 0 : i32
    %cond3A_32 = arith.cmpi ne, %convert_element_type3A_30, %cond3A_31 : i32
    scf.if %cond3A_32 {
      %mul3A_466 = arith.constant 128 : i32
      %mul3A_467 = arith.muli %add3A_27, %mul3A_466 : i32
      "tpu.region"() ({
        %run_scoped3A = tpu.sem_alloc : memref<!tpu.dma_semaphore, #tpu.memory_space<semaphore_mem>>
        %dma_start3A_468 = arith.constant 0 : i32
        %dma_start3A_469 = arith.constant 0 : i32
        %dma_start3A_470 = tpu.memref_slice %arg11[%dma_start3A_468, %dma_start3A_469] : memref<256x128xbf16, #tpu.memory_space<vmem>> -> memref<128x128xbf16, #tpu.memory_space<vmem>>
        %dma_start3A_471 = arith.constant 0 : i32
        %dma_start3A_472 = tpu.memref_slice %arg12[%mul3A_467, %dma_start3A_471] : memref<12800x128xbf16, #tpu.memory_space<vmem_shared>> -> memref<128x128xbf16, #tpu.memory_space<vmem_shared>>
        %dma_start3A_473 = arith.constant 0 : i32
        %dma_start3A_474 = tpu.memref_slice %arg12[%mul3A_467, %dma_start3A_473] : memref<12800x128xbf16, #tpu.memory_space<vmem_shared>> -> memref<128x128xbf16, #tpu.memory_space<vmem_shared>>
        %dma_start3A_475 = arith.constant 0 : i32
        %dma_start3A_476 = arith.constant 0 : i32
        %dma_start3A_477 = tpu.memref_slice %arg11[%dma_start3A_475, %dma_start3A_476] : memref<256x128xbf16, #tpu.memory_space<vmem>> -> memref<128x128xbf16, #tpu.memory_space<vmem>>
        tpu.enqueue_dma source(%dma_start3A_477 : memref<128x128xbf16, #tpu.memory_space<vmem>>) target(%dma_start3A_474 : memref<128x128xbf16, #tpu.memory_space<vmem_shared>>) target_semaphore(%run_scoped3A : memref<!tpu.dma_semaphore, #tpu.memory_space<semaphore_mem>>)
        %dma_wait3A = arith.constant 0 : i32
        %dma_wait3A_478 = arith.constant 0 : i32
        %dma_wait3A_479 = tpu.memref_slice %arg11[%dma_wait3A, %dma_wait3A_478] : memref<256x128xbf16, #tpu.memory_space<vmem>> -> memref<128x128xbf16, #tpu.memory_space<vmem>>
        %dma_wait3A_480 = arith.constant 0 : i32
        %dma_wait3A_481 = tpu.memref_slice %arg12[%mul3A_467, %dma_wait3A_480] : memref<12800x128xbf16, #tpu.memory_space<vmem_shared>> -> memref<128x128xbf16, #tpu.memory_space<vmem_shared>>
        %dma_wait3A_482 = arith.constant 0 : i32
        %dma_wait3A_483 = tpu.memref_slice %arg12[%mul3A_467, %dma_wait3A_482] : memref<12800x128xbf16, #tpu.memory_space<vmem_shared>> -> memref<128x128xbf16, #tpu.memory_space<vmem_shared>>
        %dma_wait3A_484 = arith.constant 0 : i32
        %dma_wait3A_485 = arith.constant 0 : i32
        %dma_wait3A_486 = tpu.memref_slice %arg11[%dma_wait3A_484, %dma_wait3A_485] : memref<256x128xbf16, #tpu.memory_space<vmem>> -> memref<128x128xbf16, #tpu.memory_space<vmem>>
        tpu.wait_dma2 semaphore(%run_scoped3A : memref<!tpu.dma_semaphore, #tpu.memory_space<semaphore_mem>>) src(%dma_wait3A_486 : memref<128x128xbf16, #tpu.memory_space<vmem>>) dst(%dma_wait3A_483 : memref<128x128xbf16, #tpu.memory_space<vmem_shared>>)
        tpu.yield
      }) : () -> ()
    } else {
    }
    %mul3A_33 = arith.constant 7 : i32
    %mul3A_34 = arith.muli %arg1, %mul3A_33 : i32
    %add3A_35 = arith.constant 2 : i32
    %add3A_36 = arith.addi %mul3A_34, %add3A_35 : i32
    %lt3A_37 = arith.constant 100 : i32
    %lt3A_38 = arith.cmpi slt, %add3A_36, %lt3A_37 : i32
    %convert_element_type3A_39 = arith.extui %lt3A_38 : i1 to i32
    %cond3A_40 = arith.constant 0 : i32
    %cond3A_41 = arith.cmpi ne, %convert_element_type3A_39, %cond3A_40 : i32
    scf.if %cond3A_41 {
      %mul3A_466 = arith.constant 128 : i32
      %mul3A_467 = arith.muli %add3A_36, %mul3A_466 : i32
      "tpu.region"() ({
        %run_scoped3A = tpu.sem_alloc : memref<!tpu.dma_semaphore, #tpu.memory_space<semaphore_mem>>
        %dma_start3A_468 = arith.constant 0 : i32
        %dma_start3A_469 = arith.constant 0 : i32
        %dma_start3A_470 = tpu.memref_slice %arg11[%dma_start3A_468, %dma_start3A_469] : memref<256x128xbf16, #tpu.memory_space<vmem>> -> memref<128x128xbf16, #tpu.memory_space<vmem>>
        %dma_start3A_471 = arith.constant 0 : i32
        %dma_start3A_472 = tpu.memref_slice %arg12[%mul3A_467, %dma_start3A_471] : memref<12800x128xbf16, #tpu.memory_space<vmem_shared>> -> memref<128x128xbf16, #tpu.memory_space<vmem_shared>>
        %dma_start3A_473 = arith.constant 0 : i32
        %dma_start3A_474 = tpu.memref_slice %arg12[%mul3A_467, %dma_start3A_473] : memref<12800x128xbf16, #tpu.memory_space<vmem_shared>> -> memref<128x128xbf16, #tpu.memory_space<vmem_shared>>
        %dma_start3A_475 = arith.constant 0 : i32
        %dma_start3A_476 = arith.constant 0 : i32
        %dma_start3A_477 = tpu.memref_slice %arg11[%dma_start3A_475, %dma_start3A_476] : memref<256x128xbf16, #tpu.memory_space<vmem>> -> memref<128x128xbf16, #tpu.memory_space<vmem>>
        tpu.enqueue_dma source(%dma_start3A_477 : memref<128x128xbf16, #tpu.memory_space<vmem>>) target(%dma_start3A_474 : memref<128x128xbf16, #tpu.memory_space<vmem_shared>>) target_semaphore(%run_scoped3A : memref<!tpu.dma_semaphore, #tpu.memory_space<semaphore_mem>>)
        %dma_wait3A = arith.constant 0 : i32
        %dma_wait3A_478 = arith.constant 0 : i32
        %dma_wait3A_479 = tpu.memref_slice %arg11[%dma_wait3A, %dma_wait3A_478] : memref<256x128xbf16, #tpu.memory_space<vmem>> -> memref<128x128xbf16, #tpu.memory_space<vmem>>
        %dma_wait3A_480 = arith.constant 0 : i32
        %dma_wait3A_481 = tpu.memref_slice %arg12[%mul3A_467, %dma_wait3A_480] : memref<12800x128xbf16, #tpu.memory_space<vmem_shared>> -> memref<128x128xbf16, #tpu.memory_space<vmem_shared>>
        %dma_wait3A_482 = arith.constant 0 : i32
        %dma_wait3A_483 = tpu.memref_slice %arg12[%mul3A_467, %dma_wait3A_482] : memref<12800x128xbf16, #tpu.memory_space<vmem_shared>> -> memref<128x128xbf16, #tpu.memory_space<vmem_shared>>
        %dma_wait3A_484 = arith.constant 0 : i32
        %dma_wait3A_485 = arith.constant 0 : i32
        %dma_wait3A_486 = tpu.memref_slice %arg11[%dma_wait3A_484, %dma_wait3A_485] : memref<256x128xbf16, #tpu.memory_space<vmem>> -> memref<128x128xbf16, #tpu.memory_space<vmem>>
        tpu.wait_dma2 semaphore(%run_scoped3A : memref<!tpu.dma_semaphore, #tpu.memory_space<semaphore_mem>>) src(%dma_wait3A_486 : memref<128x128xbf16, #tpu.memory_space<vmem>>) dst(%dma_wait3A_483 : memref<128x128xbf16, #tpu.memory_space<vmem_shared>>)
        tpu.yield
      }) : () -> ()
    } else {
    }
    %mul3A_42 = arith.constant 7 : i32
    %mul3A_43 = arith.muli %arg1, %mul3A_42 : i32
    %add3A_44 = arith.constant 3 : i32
    %add3A_45 = arith.addi %mul3A_43, %add3A_44 : i32
    %lt3A_46 = arith.constant 100 : i32
    %lt3A_47 = arith.cmpi slt, %add3A_45, %lt3A_46 : i32
    %convert_element_type3A_48 = arith.extui %lt3A_47 : i1 to i32
    %cond3A_49 = arith.constant 0 : i32
    %cond3A_50 = arith.cmpi ne, %convert_element_type3A_48, %cond3A_49 : i32
    scf.if %cond3A_50 {
      %mul3A_466 = arith.constant 128 : i32
      %mul3A_467 = arith.muli %add3A_45, %mul3A_466 : i32
      "tpu.region"() ({
        %run_scoped3A = tpu.sem_alloc : memref<!tpu.dma_semaphore, #tpu.memory_space<semaphore_mem>>
        %dma_start3A_468 = arith.constant 0 : i32
        %dma_start3A_469 = arith.constant 0 : i32
        %dma_start3A_470 = tpu.memref_slice %arg11[%dma_start3A_468, %dma_start3A_469] : memref<256x128xbf16, #tpu.memory_space<vmem>> -> memref<128x128xbf16, #tpu.memory_space<vmem>>
        %dma_start3A_471 = arith.constant 0 : i32
        %dma_start3A_472 = tpu.memref_slice %arg12[%mul3A_467, %dma_start3A_471] : memref<12800x128xbf16, #tpu.memory_space<vmem_shared>> -> memref<128x128xbf16, #tpu.memory_space<vmem_shared>>
        %dma_start3A_473 = arith.constant 0 : i32
        %dma_start3A_474 = tpu.memref_slice %arg12[%mul3A_467, %dma_start3A_473] : memref<12800x128xbf16, #tpu.memory_space<vmem_shared>> -> memref<128x128xbf16, #tpu.memory_space<vmem_shared>>
        %dma_start3A_475 = arith.constant 0 : i32
        %dma_start3A_476 = arith.constant 0 : i32
        %dma_start3A_477 = tpu.memref_slice %arg11[%dma_start3A_475, %dma_start3A_476] : memref<256x128xbf16, #tpu.memory_space<vmem>> -> memref<128x128xbf16, #tpu.memory_space<vmem>>
        tpu.enqueue_dma source(%dma_start3A_477 : memref<128x128xbf16, #tpu.memory_space<vmem>>) target(%dma_start3A_474 : memref<128x128xbf16, #tpu.memory_space<vmem_shared>>) target_semaphore(%run_scoped3A : memref<!tpu.dma_semaphore, #tpu.memory_space<semaphore_mem>>)
        %dma_wait3A = arith.constant 0 : i32
        %dma_wait3A_478 = arith.constant 0 : i32
        %dma_wait3A_479 = tpu.memref_slice %arg11[%dma_wait3A, %dma_wait3A_478] : memref<256x128xbf16, #tpu.memory_space<vmem>> -> memref<128x128xbf16, #tpu.memory_space<vmem>>
        %dma_wait3A_480 = arith.constant 0 : i32
        %dma_wait3A_481 = tpu.memref_slice %arg12[%mul3A_467, %dma_wait3A_480] : memref<12800x128xbf16, #tpu.memory_space<vmem_shared>> -> memref<128x128xbf16, #tpu.memory_space<vmem_shared>>
        %dma_wait3A_482 = arith.constant 0 : i32
        %dma_wait3A_483 = tpu.memref_slice %arg12[%mul3A_467, %dma_wait3A_482] : memref<12800x128xbf16, #tpu.memory_space<vmem_shared>> -> memref<128x128xbf16, #tpu.memory_space<vmem_shared>>
        %dma_wait3A_484 = arith.constant 0 : i32
        %dma_wait3A_485 = arith.constant 0 : i32
        %dma_wait3A_486 = tpu.memref_slice %arg11[%dma_wait3A_484, %dma_wait3A_485] : memref<256x128xbf16, #tpu.memory_space<vmem>> -> memref<128x128xbf16, #tpu.memory_space<vmem>>
        tpu.wait_dma2 semaphore(%run_scoped3A : memref<!tpu.dma_semaphore, #tpu.memory_space<semaphore_mem>>) src(%dma_wait3A_486 : memref<128x128xbf16, #tpu.memory_space<vmem>>) dst(%dma_wait3A_483 : memref<128x128xbf16, #tpu.memory_space<vmem_shared>>)
        tpu.yield
      }) : () -> ()
    } else {
    }
    %mul3A_51 = arith.constant 7 : i32
    %mul3A_52 = arith.muli %arg1, %mul3A_51 : i32
    %add3A_53 = arith.constant 4 : i32
    %add3A_54 = arith.addi %mul3A_52, %add3A_53 : i32
    %lt3A_55 = arith.constant 100 : i32
    %lt3A_56 = arith.cmpi slt, %add3A_54, %lt3A_55 : i32
    %convert_element_type3A_57 = arith.extui %lt3A_56 : i1 to i32
    %cond3A_58 = arith.constant 0 : i32
    %cond3A_59 = arith.cmpi ne, %convert_element_type3A_57, %cond3A_58 : i32
    scf.if %cond3A_59 {
      %mul3A_466 = arith.constant 128 : i32
      %mul3A_467 = arith.muli %add3A_54, %mul3A_466 : i32
      "tpu.region"() ({
        %run_scoped3A = tpu.sem_alloc : memref<!tpu.dma_semaphore, #tpu.memory_space<semaphore_mem>>
        %dma_start3A_468 = arith.constant 0 : i32
        %dma_start3A_469 = arith.constant 0 : i32
        %dma_start3A_470 = tpu.memref_slice %arg11[%dma_start3A_468, %dma_start3A_469] : memref<256x128xbf16, #tpu.memory_space<vmem>> -> memref<128x128xbf16, #tpu.memory_space<vmem>>
        %dma_start3A_471 = arith.constant 0 : i32
        %dma_start3A_472 = tpu.memref_slice %arg12[%mul3A_467, %dma_start3A_471] : memref<12800x128xbf16, #tpu.memory_space<vmem_shared>> -> memref<128x128xbf16, #tpu.memory_space<vmem_shared>>
        %dma_start3A_473 = arith.constant 0 : i32
        %dma_start3A_474 = tpu.memref_slice %arg12[%mul3A_467, %dma_start3A_473] : memref<12800x128xbf16, #tpu.memory_space<vmem_shared>> -> memref<128x128xbf16, #tpu.memory_space<vmem_shared>>
        %dma_start3A_475 = arith.constant 0 : i32
        %dma_start3A_476 = arith.constant 0 : i32
        %dma_start3A_477 = tpu.memref_slice %arg11[%dma_start3A_475, %dma_start3A_476] : memref<256x128xbf16, #tpu.memory_space<vmem>> -> memref<128x128xbf16, #tpu.memory_space<vmem>>
        tpu.enqueue_dma source(%dma_start3A_477 : memref<128x128xbf16, #tpu.memory_space<vmem>>) target(%dma_start3A_474 : memref<128x128xbf16, #tpu.memory_space<vmem_shared>>) target_semaphore(%run_scoped3A : memref<!tpu.dma_semaphore, #tpu.memory_space<semaphore_mem>>)
        %dma_wait3A = arith.constant 0 : i32
        %dma_wait3A_478 = arith.constant 0 : i32
        %dma_wait3A_479 = tpu.memref_slice %arg11[%dma_wait3A, %dma_wait3A_478] : memref<256x128xbf16, #tpu.memory_space<vmem>> -> memref<128x128xbf16, #tpu.memory_space<vmem>>
        %dma_wait3A_480 = arith.constant 0 : i32
        %dma_wait3A_481 = tpu.memref_slice %arg12[%mul3A_467, %dma_wait3A_480] : memref<12800x128xbf16, #tpu.memory_space<vmem_shared>> -> memref<128x128xbf16, #tpu.memory_space<vmem_shared>>
        %dma_wait3A_482 = arith.constant 0 : i32
        %dma_wait3A_483 = tpu.memref_slice %arg12[%mul3A_467, %dma_wait3A_482] : memref<12800x128xbf16, #tpu.memory_space<vmem_shared>> -> memref<128x128xbf16, #tpu.memory_space<vmem_shared>>
        %dma_wait3A_484 = arith.constant 0 : i32
        %dma_wait3A_485 = arith.constant 0 : i32
        %dma_wait3A_486 = tpu.memref_slice %arg11[%dma_wait3A_484, %dma_wait3A_485] : memref<256x128xbf16, #tpu.memory_space<vmem>> -> memref<128x128xbf16, #tpu.memory_space<vmem>>
        tpu.wait_dma2 semaphore(%run_scoped3A : memref<!tpu.dma_semaphore, #tpu.memory_space<semaphore_mem>>) src(%dma_wait3A_486 : memref<128x128xbf16, #tpu.memory_space<vmem>>) dst(%dma_wait3A_483 : memref<128x128xbf16, #tpu.memory_space<vmem_shared>>)
        tpu.yield
      }) : () -> ()
    } else {
    }
    %mul3A_60 = arith.constant 7 : i32
    %mul3A_61 = arith.muli %arg1, %mul3A_60 : i32
    %add3A_62 = arith.constant 5 : i32
    %add3A_63 = arith.addi %mul3A_61, %add3A_62 : i32
    %lt3A_64 = arith.constant 100 : i32
    %lt3A_65 = arith.cmpi slt, %add3A_63, %lt3A_64 : i32
    %convert_element_type3A_66 = arith.extui %lt3A_65 : i1 to i32
    %cond3A_67 = arith.constant 0 : i32
    %cond3A_68 = arith.cmpi ne, %convert_element_type3A_66, %cond3A_67 : i32
    scf.if %cond3A_68 {
      %mul3A_466 = arith.constant 128 : i32
      %mul3A_467 = arith.muli %add3A_63, %mul3A_466 : i32
      "tpu.region"() ({
        %run_scoped3A = tpu.sem_alloc : memref<!tpu.dma_semaphore, #tpu.memory_space<semaphore_mem>>
        %dma_start3A_468 = arith.constant 0 : i32
        %dma_start3A_469 = arith.constant 0 : i32
        %dma_start3A_470 = tpu.memref_slice %arg11[%dma_start3A_468, %dma_start3A_469] : memref<256x128xbf16, #tpu.memory_space<vmem>> -> memref<128x128xbf16, #tpu.memory_space<vmem>>
        %dma_start3A_471 = arith.constant 0 : i32
        %dma_start3A_472 = tpu.memref_slice %arg12[%mul3A_467, %dma_start3A_471] : memref<12800x128xbf16, #tpu.memory_space<vmem_shared>> -> memref<128x128xbf16, #tpu.memory_space<vmem_shared>>
        %dma_start3A_473 = arith.constant 0 : i32
        %dma_start3A_474 = tpu.memref_slice %arg12[%mul3A_467, %dma_start3A_473] : memref<12800x128xbf16, #tpu.memory_space<vmem_shared>> -> memref<128x128xbf16, #tpu.memory_space<vmem_shared>>
        %dma_start3A_475 = arith.constant 0 : i32
        %dma_start3A_476 = arith.constant 0 : i32
        %dma_start3A_477 = tpu.memref_slice %arg11[%dma_start3A_475, %dma_start3A_476] : memref<256x128xbf16, #tpu.memory_space<vmem>> -> memref<128x128xbf16, #tpu.memory_space<vmem>>
        tpu.enqueue_dma source(%dma_start3A_477 : memref<128x128xbf16, #tpu.memory_space<vmem>>) target(%dma_start3A_474 : memref<128x128xbf16, #tpu.memory_space<vmem_shared>>) target_semaphore(%run_scoped3A : memref<!tpu.dma_semaphore, #tpu.memory_space<semaphore_mem>>)
        %dma_wait3A = arith.constant 0 : i32
        %dma_wait3A_478 = arith.constant 0 : i32
        %dma_wait3A_479 = tpu.memref_slice %arg11[%dma_wait3A, %dma_wait3A_478] : memref<256x128xbf16, #tpu.memory_space<vmem>> -> memref<128x128xbf16, #tpu.memory_space<vmem>>
        %dma_wait3A_480 = arith.constant 0 : i32
        %dma_wait3A_481 = tpu.memref_slice %arg12[%mul3A_467, %dma_wait3A_480] : memref<12800x128xbf16, #tpu.memory_space<vmem_shared>> -> memref<128x128xbf16, #tpu.memory_space<vmem_shared>>
        %dma_wait3A_482 = arith.constant 0 : i32
        %dma_wait3A_483 = tpu.memref_slice %arg12[%mul3A_467, %dma_wait3A_482] : memref<12800x128xbf16, #tpu.memory_space<vmem_shared>> -> memref<128x128xbf16, #tpu.memory_space<vmem_shared>>
        %dma_wait3A_484 = arith.constant 0 : i32
        %dma_wait3A_485 = arith.constant 0 : i32
        %dma_wait3A_486 = tpu.memref_slice %arg11[%dma_wait3A_484, %dma_wait3A_485] : memref<256x128xbf16, #tpu.memory_space<vmem>> -> memref<128x128xbf16, #tpu.memory_space<vmem>>
        tpu.wait_dma2 semaphore(%run_scoped3A : memref<!tpu.dma_semaphore, #tpu.memory_space<semaphore_mem>>) src(%dma_wait3A_486 : memref<128x128xbf16, #tpu.memory_space<vmem>>) dst(%dma_wait3A_483 : memref<128x128xbf16, #tpu.memory_space<vmem_shared>>)
        tpu.yield
      }) : () -> ()
    } else {
    }
    %mul3A_69 = arith.constant 7 : i32
    %mul3A_70 = arith.muli %arg1, %mul3A_69 : i32
    %add3A_71 = arith.constant 6 : i32
    %add3A_72 = arith.addi %mul3A_70, %add3A_71 : i32
    %lt3A_73 = arith.constant 100 : i32
    %lt3A_74 = arith.cmpi slt, %add3A_72, %lt3A_73 : i32
    %convert_element_type3A_75 = arith.extui %lt3A_74 : i1 to i32
    %cond3A_76 = arith.constant 0 : i32
    %cond3A_77 = arith.cmpi ne, %convert_element_type3A_75, %cond3A_76 : i32
    scf.if %cond3A_77 {
      %mul3A_466 = arith.constant 128 : i32
      %mul3A_467 = arith.muli %add3A_72, %mul3A_466 : i32
      "tpu.region"() ({
        %run_scoped3A = tpu.sem_alloc : memref<!tpu.dma_semaphore, #tpu.memory_space<semaphore_mem>>
        %dma_start3A_468 = arith.constant 0 : i32
        %dma_start3A_469 = arith.constant 0 : i32
        %dma_start3A_470 = tpu.memref_slice %arg11[%dma_start3A_468, %dma_start3A_469] : memref<256x128xbf16, #tpu.memory_space<vmem>> -> memref<128x128xbf16, #tpu.memory_space<vmem>>
        %dma_start3A_471 = arith.constant 0 : i32
        %dma_start3A_472 = tpu.memref_slice %arg12[%mul3A_467, %dma_start3A_471] : memref<12800x128xbf16, #tpu.memory_space<vmem_shared>> -> memref<128x128xbf16, #tpu.memory_space<vmem_shared>>
        %dma_start3A_473 = arith.constant 0 : i32
        %dma_start3A_474 = tpu.memref_slice %arg12[%mul3A_467, %dma_start3A_473] : memref<12800x128xbf16, #tpu.memory_space<vmem_shared>> -> memref<128x128xbf16, #tpu.memory_space<vmem_shared>>
        %dma_start3A_475 = arith.constant 0 : i32
        %dma_start3A_476 = arith.constant 0 : i32
        %dma_start3A_477 = tpu.memref_slice %arg11[%dma_start3A_475, %dma_start3A_476] : memref<256x128xbf16, #tpu.memory_space<vmem>> -> memref<128x128xbf16, #tpu.memory_space<vmem>>
        tpu.enqueue_dma source(%dma_start3A_477 : memref<128x128xbf16, #tpu.memory_space<vmem>>) target(%dma_start3A_474 : memref<128x128xbf16, #tpu.memory_space<vmem_shared>>) target_semaphore(%run_scoped3A : memref<!tpu.dma_semaphore, #tpu.memory_space<semaphore_mem>>)
        %dma_wait3A = arith.constant 0 : i32
        %dma_wait3A_478 = arith.constant 0 : i32
        %dma_wait3A_479 = tpu.memref_slice %arg11[%dma_wait3A, %dma_wait3A_478] : memref<256x128xbf16, #tpu.memory_space<vmem>> -> memref<128x128xbf16, #tpu.memory_space<vmem>>
        %dma_wait3A_480 = arith.constant 0 : i32
        %dma_wait3A_481 = tpu.memref_slice %arg12[%mul3A_467, %dma_wait3A_480] : memref<12800x128xbf16, #tpu.memory_space<vmem_shared>> -> memref<128x128xbf16, #tpu.memory_space<vmem_shared>>
        %dma_wait3A_482 = arith.constant 0 : i32
        %dma_wait3A_483 = tpu.memref_slice %arg12[%mul3A_467, %dma_wait3A_482] : memref<12800x128xbf16, #tpu.memory_space<vmem_shared>> -> memref<128x128xbf16, #tpu.memory_space<vmem_shared>>
        %dma_wait3A_484 = arith.constant 0 : i32
        %dma_wait3A_485 = arith.constant 0 : i32
        %dma_wait3A_486 = tpu.memref_slice %arg11[%dma_wait3A_484, %dma_wait3A_485] : memref<256x128xbf16, #tpu.memory_space<vmem>> -> memref<128x128xbf16, #tpu.memory_space<vmem>>
        tpu.wait_dma2 semaphore(%run_scoped3A : memref<!tpu.dma_semaphore, #tpu.memory_space<semaphore_mem>>) src(%dma_wait3A_486 : memref<128x128xbf16, #tpu.memory_space<vmem>>) dst(%dma_wait3A_483 : memref<128x128xbf16, #tpu.memory_space<vmem_shared>>)
        tpu.yield
      }) : () -> ()
    } else {
    }
    %barrier3A = arith.constant 0 : index
    tpu.barrier barrier_id(%barrier3A)
    %and3A = arith.constant 0 : i32
    %and3A_78 = arith.constant 1 : i32
    %and3A_79 = arith.andi %and3A, %and3A_78 : i32
    %mul3A_80 = arith.constant 2000 : i32
    %mul3A_81 = arith.muli %and3A_79, %mul3A_80 : i32
    %add3A_82 = arith.constant 0 : i32
    %add3A_83 = arith.addi %mul3A_0, %add3A_82 : i32
    %dma_start3A = tpu.memref_slice %arg7[%mul3A_81] : memref<4000xi32, #tpu.memory_space<vmem>> -> memref<2000xi32, #tpu.memory_space<vmem>>
    %dma_start3A_84 = tpu.memref_slice %arg2[%add3A_83] : memref<800000xi32, #tpu.memory_space<hbm>> -> memref<2000xi32, #tpu.memory_space<hbm>>
    %dma_start3A_85 = tpu.memref_slice %arg7[%mul3A_81] : memref<4000xi32, #tpu.memory_space<vmem>> -> memref<2000xi32, #tpu.memory_space<vmem>>
    %dma_start3A_86 = tpu.memref_slice %arg2[%add3A_83] : memref<800000xi32, #tpu.memory_space<hbm>> -> memref<2000xi32, #tpu.memory_space<hbm>>
    tpu.enqueue_dma source(%dma_start3A_86 : memref<2000xi32, #tpu.memory_space<hbm>>) target(%dma_start3A_85 : memref<2000xi32, #tpu.memory_space<vmem>>) target_semaphore(%arg15 : memref<!tpu.dma_semaphore, #tpu.memory_space<semaphore_mem>>)
    %dma_start3A_87 = tpu.memref_slice %arg8[%mul3A_81] : memref<4000xi32, #tpu.memory_space<vmem>> -> memref<2000xi32, #tpu.memory_space<vmem>>
    %dma_start3A_88 = tpu.memref_slice %arg3[%add3A_83] : memref<800000xi32, #tpu.memory_space<hbm>> -> memref<2000xi32, #tpu.memory_space<hbm>>
    %dma_start3A_89 = tpu.memref_slice %arg8[%mul3A_81] : memref<4000xi32, #tpu.memory_space<vmem>> -> memref<2000xi32, #tpu.memory_space<vmem>>
    %dma_start3A_90 = tpu.memref_slice %arg3[%add3A_83] : memref<800000xi32, #tpu.memory_space<hbm>> -> memref<2000xi32, #tpu.memory_space<hbm>>
    tpu.enqueue_dma source(%dma_start3A_90 : memref<2000xi32, #tpu.memory_space<hbm>>) target(%dma_start3A_89 : memref<2000xi32, #tpu.memory_space<vmem>>) target_semaphore(%arg15 : memref<!tpu.dma_semaphore, #tpu.memory_space<semaphore_mem>>)
    %broadcast_in_dim3A_91 = arith.constant 0 : i32
    %broadcast_in_dim3A_92 = vector.broadcast %broadcast_in_dim3A_91 : i32 to vector<16xi32>
    %scan3A = arith.constant 0 : i32
    %scan3A_93 = arith.constant 0 : i32
    %scan3A_94 = arith.constant 0 : i32
    %scan3A_95 = arith.constant 25 : i32
    %scan3A_96 = arith.addi %scan3A_94, %scan3A_95 : i32
    %scan3A_97 = arith.constant 1 : i32
    %scan3A_98:3 = scf.for %scan3A_466 = %scan3A_94 to %scan3A_96 step %scan3A_97 iter_args(%scan3A_467 = %broadcast_in_dim3A_92, %scan3A_468 = %scan3A, %scan3A_469 = %scan3A_93) -> (vector<16xi32>, i32, i32)  : i32 {
      %and3A_470 = arith.constant 1 : i32
      %and3A_471 = arith.andi %scan3A_466, %and3A_470 : i32
      %mul3A_472 = arith.constant 2000 : i32
      %mul3A_473 = arith.muli %and3A_471, %mul3A_472 : i32
      %mul3A_474 = arith.constant 2000 : i32
      %mul3A_475 = arith.muli %scan3A_466, %mul3A_474 : i32
      %add3A_476 = arith.addi %mul3A_0, %mul3A_475 : i32
      %dma_wait3A = tpu.memref_slice %arg7[%mul3A_473] : memref<4000xi32, #tpu.memory_space<vmem>> -> memref<2000xi32, #tpu.memory_space<vmem>>
      %dma_wait3A_477 = tpu.memref_slice %arg2[%add3A_476] : memref<800000xi32, #tpu.memory_space<hbm>> -> memref<2000xi32, #tpu.memory_space<hbm>>
      %dma_wait3A_478 = tpu.memref_slice %arg7[%mul3A_473] : memref<4000xi32, #tpu.memory_space<vmem>> -> memref<2000xi32, #tpu.memory_space<vmem>>
      %dma_wait3A_479 = tpu.memref_slice %arg2[%add3A_476] : memref<800000xi32, #tpu.memory_space<hbm>> -> memref<2000xi32, #tpu.memory_space<hbm>>
      tpu.wait_dma2 semaphore(%arg15 : memref<!tpu.dma_semaphore, #tpu.memory_space<semaphore_mem>>) src(%dma_wait3A_479 : memref<2000xi32, #tpu.memory_space<hbm>>) dst(%dma_wait3A_478 : memref<2000xi32, #tpu.memory_space<vmem>>)
      %dma_wait3A_480 = tpu.memref_slice %arg8[%mul3A_473] : memref<4000xi32, #tpu.memory_space<vmem>> -> memref<2000xi32, #tpu.memory_space<vmem>>
      %dma_wait3A_481 = tpu.memref_slice %arg3[%add3A_476] : memref<800000xi32, #tpu.memory_space<hbm>> -> memref<2000xi32, #tpu.memory_space<hbm>>
      %dma_wait3A_482 = tpu.memref_slice %arg8[%mul3A_473] : memref<4000xi32, #tpu.memory_space<vmem>> -> memref<2000xi32, #tpu.memory_space<vmem>>
      %dma_wait3A_483 = tpu.memref_slice %arg3[%add3A_476] : memref<800000xi32, #tpu.memory_space<hbm>> -> memref<2000xi32, #tpu.memory_space<hbm>>
      tpu.wait_dma2 semaphore(%arg15 : memref<!tpu.dma_semaphore, #tpu.memory_space<semaphore_mem>>) src(%dma_wait3A_483 : memref<2000xi32, #tpu.memory_space<hbm>>) dst(%dma_wait3A_482 : memref<2000xi32, #tpu.memory_space<vmem>>)
      %add3A_484 = arith.constant 1 : i32
      %add3A_485 = arith.addi %scan3A_466, %add3A_484 : i32
      %lt3A_486 = arith.constant 25 : i32
      %lt3A_487 = arith.cmpi slt, %add3A_485, %lt3A_486 : i32
      %convert_element_type3A_488 = arith.extui %lt3A_487 : i1 to i32
      %cond3A_489 = arith.constant 0 : i32
      %cond3A_490 = arith.cmpi ne, %convert_element_type3A_488, %cond3A_489 : i32
      scf.if %cond3A_490 {
        %add3A_497 = arith.constant 1 : i32
        %add3A_498 = arith.addi %scan3A_466, %add3A_497 : i32
        %and3A_499 = arith.constant 1 : i32
        %and3A_500 = arith.andi %add3A_498, %and3A_499 : i32
        %mul3A_501 = arith.constant 2000 : i32
        %mul3A_502 = arith.muli %and3A_500, %mul3A_501 : i32
        %mul3A_503 = arith.constant 2000 : i32
        %mul3A_504 = arith.muli %add3A_498, %mul3A_503 : i32
        %add3A_505 = arith.addi %mul3A_0, %mul3A_504 : i32
        %dma_start3A_506 = tpu.memref_slice %arg7[%mul3A_502] : memref<4000xi32, #tpu.memory_space<vmem>> -> memref<2000xi32, #tpu.memory_space<vmem>>
        %dma_start3A_507 = tpu.memref_slice %arg2[%add3A_505] : memref<800000xi32, #tpu.memory_space<hbm>> -> memref<2000xi32, #tpu.memory_space<hbm>>
        %dma_start3A_508 = tpu.memref_slice %arg7[%mul3A_502] : memref<4000xi32, #tpu.memory_space<vmem>> -> memref<2000xi32, #tpu.memory_space<vmem>>
        %dma_start3A_509 = tpu.memref_slice %arg2[%add3A_505] : memref<800000xi32, #tpu.memory_space<hbm>> -> memref<2000xi32, #tpu.memory_space<hbm>>
        tpu.enqueue_dma source(%dma_start3A_509 : memref<2000xi32, #tpu.memory_space<hbm>>) target(%dma_start3A_508 : memref<2000xi32, #tpu.memory_space<vmem>>) target_semaphore(%arg15 : memref<!tpu.dma_semaphore, #tpu.memory_space<semaphore_mem>>)
        %dma_start3A_510 = tpu.memref_slice %arg8[%mul3A_502] : memref<4000xi32, #tpu.memory_space<vmem>> -> memref<2000xi32, #tpu.memory_space<vmem>>
        %dma_start3A_511 = tpu.memref_slice %arg3[%add3A_505] : memref<800000xi32, #tpu.memory_space<hbm>> -> memref<2000xi32, #tpu.memory_space<hbm>>
        %dma_start3A_512 = tpu.memref_slice %arg8[%mul3A_502] : memref<4000xi32, #tpu.memory_space<vmem>> -> memref<2000xi32, #tpu.memory_space<vmem>>
        %dma_start3A_513 = tpu.memref_slice %arg3[%add3A_505] : memref<800000xi32, #tpu.memory_space<hbm>> -> memref<2000xi32, #tpu.memory_space<hbm>>
        tpu.enqueue_dma source(%dma_start3A_513 : memref<2000xi32, #tpu.memory_space<hbm>>) target(%dma_start3A_512 : memref<2000xi32, #tpu.memory_space<vmem>>) target_semaphore(%arg15 : memref<!tpu.dma_semaphore, #tpu.memory_space<semaphore_mem>>)
      } else {
      }
      %scan3A_491 = arith.constant 0 : i32
      %scan3A_492 = arith.constant 125 : i32
      %scan3A_493 = arith.addi %scan3A_491, %scan3A_492 : i32
      %scan3A_494 = arith.constant 1 : i32
      %scan3A_495:3 = scf.for %scan3A_497 = %scan3A_491 to %scan3A_493 step %scan3A_494 iter_args(%scan3A_498 = %scan3A_467, %scan3A_499 = %scan3A_468, %scan3A_500 = %scan3A_469) -> (vector<16xi32>, i32, i32)  : i32 {
        %mul3A_501 = arith.constant 16 : i32
        %mul3A_502 = arith.muli %scan3A_497, %mul3A_501 : i32
        %add3A_503 = arith.addi %mul3A_473, %mul3A_502 : i32
        %get3A = arith.index_cast %add3A_503 : i32 to index
        %get3A_504 = tpu.vector_load %arg8[%get3A] {strides = array<i32>} : memref<4000xi32, #tpu.memory_space<vmem>>, vector<16xi32>,
        %mul3A_505 = arith.constant 16 : i32
        %mul3A_506 = arith.muli %scan3A_497, %mul3A_505 : i32
        %add3A_507 = arith.addi %mul3A_473, %mul3A_506 : i32
        %get3A_508 = arith.index_cast %add3A_507 : i32 to index
        %get3A_509 = tpu.vector_load %arg7[%get3A_508] {strides = array<i32>} : memref<4000xi32, #tpu.memory_space<vmem>>, vector<16xi32>,
        %ge3A = arith.cmpi sge, %get3A_504, %mul3A_14 : vector<16xi32>
        %lt3A_510 = arith.cmpi slt, %get3A_504, %add3A_17 : vector<16xi32>
        %and3A_511 = arith.andi %ge3A, %lt3A_510 : vector<16xi1>
        %jit3A = arith.constant 1 : i32
        %jit3A_512 = arith.constant 0 : i32
        %broadcast_in_dim3A_513 = vector.broadcast %jit3A : i32 to vector<16xi32>
        %broadcast_in_dim3A_514 = vector.broadcast %jit3A_512 : i32 to vector<16xi32>
        %select_n3A = arith.select %and3A_511, %broadcast_in_dim3A_513, %broadcast_in_dim3A_514 : vector<16xi1>, vector<16xi32>
        %broadcast_in_dim3A_515 = arith.constant true
        %broadcast_in_dim3A_516 = vector.broadcast %broadcast_in_dim3A_515 : i1 to vector<16xi1>
        %masked_cumsum3A = tpu.scan <sum>, %select_n3A masked %broadcast_in_dim3A_516 : vector<16xi32>, vector<16xi1> -> vector<16xi32>
        %add3A_517 = arith.addi %scan3A_498, %masked_cumsum3A : vector<16xi32>
        %sub3A = arith.constant 1 : i32
        %sub3A_518 = vector.broadcast %sub3A : i32 to vector<16xi32>
        %sub3A_519 = arith.subi %add3A_517, %sub3A_518 : vector<16xi32>
        %shift_right_logical3A_520 = arith.constant 7 : i32
        %shift_right_logical3A_521 = vector.broadcast %shift_right_logical3A_520 : i32 to vector<16xi32>
        %shift_right_logical3A_522 = arith.shrui %sub3A_519, %shift_right_logical3A_521 : vector<16xi32>
        %and3A_523 = arith.constant 31 : i32
        %and3A_524 = vector.broadcast %and3A_523 : i32 to vector<16xi32>
        %and3A_525 = arith.andi %shift_right_logical3A_522, %and3A_524 : vector<16xi32>
        %and3A_526 = arith.andi %sub3A_519, %broadcast_in_dim3A_1 : vector<16xi32>
        tpu.vector_store_idx %arg9[%and3A_525, %and3A_526], %get3A_509 masked %and3A_511 : memref<32x128xi32, #tpu.memory_space<vmem>>[vector<16xi32>, vector<16xi32>], vector<16xi32>, vector<16xi1>
        %sub3A_527 = arith.subi %get3A_504, %mul3A_14 : vector<16xi32>
        tpu.vector_store_idx %arg10[%and3A_525, %and3A_526], %sub3A_527 masked %and3A_511 : memref<32x128xi32, #tpu.memory_space<vmem>>[vector<16xi32>, vector<16xi32>], vector<16xi32>, vector<16xi1>
        %all_reduce_population_count3A = tpu.all_reduce %and3A_511 {dim = 0 : i64, kind = #tpu.reduction_kind<sum>} : vector<16xi1> -> vector<16xi32>
        %add3A_528 = arith.addi %scan3A_498, %all_reduce_population_count3A : vector<16xi32>
        %add3A_529 = arith.constant 1 : i32
        %add3A_530 = arith.addi %scan3A_499, %add3A_529 : i32
        %mul3A_531 = arith.constant 128 : i32
        %mul3A_532 = arith.muli %add3A_530, %mul3A_531 : i32
        %ge3A_533 = vector.broadcast %mul3A_532 : i32 to vector<16xi32>
        %ge3A_534 = arith.cmpi sge, %add3A_528, %ge3A_533 : vector<16xi32>
        %reduce_or3A = arith.constant 1.000000e+00 : f32
        %reduce_or3A_535 = arith.constant 0.000000e+00 : f32
        %reduce_or3A_536 = vector.broadcast %reduce_or3A : f32 to vector<16xf32>
        %reduce_or3A_537 = vector.broadcast %reduce_or3A_535 : f32 to vector<16xf32>
        %reduce_or3A_538 = arith.select %ge3A_534, %reduce_or3A_536, %reduce_or3A_537 : vector<16xi1>, vector<16xf32>
        %reduce_or3A_539 = arith.constant true
        %reduce_or3A_540 = vector.broadcast %reduce_or3A_539 : i1 to vector<16xi1>
        %reduce_or3A_541 = tpu.scan <max>, %reduce_or3A_538 masked %reduce_or3A_540 : vector<16xf32>, vector<16xi1> -> vector<16xf32>
        %reduce_or3A_542 = vector.extract %reduce_or3A_541[15] : f32 from vector<16xf32>
        %reduce_or3A_543 = arith.constant 0.000000e+00 : f32
        %reduce_or3A_544 = arith.cmpf ogt, %reduce_or3A_542, %reduce_or3A_543 : f32
        %sub3A_545 = arith.subi %scan3A_499, %scan3A_500 : i32
        %ge3A_546 = arith.constant 2 : i32
        %ge3A_547 = arith.cmpi sge, %sub3A_545, %ge3A_546 : i32
        %and3A_548 = arith.andi %reduce_or3A_544, %ge3A_547 : i1
        %convert_element_type3A_549 = arith.extui %and3A_548 : i1 to i32
        %cond3A_550 = arith.constant 0 : i32
        %cond3A_551 = arith.cmpi ne, %convert_element_type3A_549, %cond3A_550 : i32
        scf.if %cond3A_551 {
          %and3A_561 = arith.constant 31 : i32
          %and3A_562 = arith.andi %scan3A_500, %and3A_561 : i32
          %and3A_563 = arith.constant 1 : i32
          %and3A_564 = arith.andi %scan3A_500, %and3A_563 : i32
          %eq3A = arith.constant 0 : i32
          %eq3A_565 = arith.cmpi eq, %and3A_564, %eq3A : i32
          %convert_element_type3A_566 = arith.extui %eq3A_565 : i1 to i32
          %cond3A_567 = arith.constant 0 : i32
          %cond3A_568 = arith.cmpi ne, %convert_element_type3A_566, %cond3A_567 : i32
          scf.if %cond3A_568 {
            %dma_wait3A_574 = arith.constant 0 : i32
            %dma_wait3A_575 = arith.constant 0 : i32
            %dma_wait3A_576 = tpu.memref_slice %arg11[%dma_wait3A_574, %dma_wait3A_575] : memref<256x128xbf16, #tpu.memory_space<vmem>> -> memref<128x128xbf16, #tpu.memory_space<vmem>>
            %dma_wait3A_577 = arith.constant 0 : i32
            %dma_wait3A_578 = tpu.memref_slice %arg9[%and3A_562, %dma_wait3A_577] : memref<32x128xi32, #tpu.memory_space<vmem>> -> memref<1x128xi32, #tpu.memory_space<vmem>>
            %dma_wait3A_579 = tpu.memref_squeeze %dma_wait3A_578 : memref<1x128xi32, #tpu.memory_space<vmem>> -> memref<128xi32, #tpu.memory_space<vmem>>
            %dma_wait3A_580 = arith.constant 0 : i32
            %dma_wait3A_581 = arith.constant 0 : i32
            %dma_wait3A_582 = tpu.memref_slice %arg4[%dma_wait3A_580, %dma_wait3A_581] : memref<50688x128xbf16, #tpu.memory_space<hbm>> -> memref<50688x128xbf16, #tpu.memory_space<hbm>>
            tpu.wait_indirect_dma semaphore(%arg13 : memref<!tpu.dma_semaphore, #tpu.memory_space<semaphore_mem>>) src(%dma_wait3A_582 : memref<50688x128xbf16, #tpu.memory_space<hbm>>) dst(%dma_wait3A_576 : memref<128x128xbf16, #tpu.memory_space<vmem>>)
            "tpu.region"() ({
              %run_scoped3A = tpu.sem_alloc : memref<!tpu.dma_semaphore, #tpu.memory_space<semaphore_mem>>
              %dma_start3A_583 = arith.constant 0 : i32
              %dma_start3A_584 = arith.constant 0 : i32
              %dma_start3A_585 = tpu.memref_slice %arg11[%dma_start3A_583, %dma_start3A_584] : memref<256x128xbf16, #tpu.memory_space<vmem>> -> memref<128x128xbf16, #tpu.memory_space<vmem>>
              %dma_start3A_586 = arith.constant 0 : i32
              %dma_start3A_587 = tpu.memref_slice %arg10[%and3A_562, %dma_start3A_586] : memref<32x128xi32, #tpu.memory_space<vmem>> -> memref<1x128xi32, #tpu.memory_space<vmem>>
              %dma_start3A_588 = tpu.memref_squeeze %dma_start3A_587 : memref<1x128xi32, #tpu.memory_space<vmem>> -> memref<128xi32, #tpu.memory_space<vmem>>
              %dma_start3A_589 = arith.constant 0 : i32
              %dma_start3A_590 = arith.constant 0 : i32
              %dma_start3A_591 = tpu.memref_slice %arg12[%dma_start3A_589, %dma_start3A_590] : memref<12800x128xbf16, #tpu.memory_space<vmem_shared>> -> memref<12800x128xbf16, #tpu.memory_space<vmem_shared>>
              tpu.enqueue_indirect_dma source(%dma_start3A_585 : memref<128x128xbf16, #tpu.memory_space<vmem>>) target(%dma_start3A_591 : memref<12800x128xbf16, #tpu.memory_space<vmem_shared>>) offsets(%dma_start3A_588 : memref<128xi32, #tpu.memory_space<vmem>>) semaphore(%run_scoped3A : memref<!tpu.dma_semaphore, #tpu.memory_space<semaphore_mem>>) {add = true}
              %dma_wait3A_592 = arith.constant 0 : i32
              %dma_wait3A_593 = arith.constant 0 : i32
              %dma_wait3A_594 = tpu.memref_slice %arg11[%dma_wait3A_592, %dma_wait3A_593] : memref<256x128xbf16, #tpu.memory_space<vmem>> -> memref<128x128xbf16, #tpu.memory_space<vmem>>
              %dma_wait3A_595 = arith.constant 0 : i32
              %dma_wait3A_596 = tpu.memref_slice %arg10[%and3A_562, %dma_wait3A_595] : memref<32x128xi32, #tpu.memory_space<vmem>> -> memref<1x128xi32, #tpu.memory_space<vmem>>
              %dma_wait3A_597 = tpu.memref_squeeze %dma_wait3A_596 : memref<1x128xi32, #tpu.memory_space<vmem>> -> memref<128xi32, #tpu.memory_space<vmem>>
              %dma_wait3A_598 = arith.constant 0 : i32
              %dma_wait3A_599 = arith.constant 0 : i32
              %dma_wait3A_600 = tpu.memref_slice %arg12[%dma_wait3A_598, %dma_wait3A_599] : memref<12800x128xbf16, #tpu.memory_space<vmem_shared>> -> memref<12800x128xbf16, #tpu.memory_space<vmem_shared>>
              tpu.wait_indirect_dma semaphore(%run_scoped3A : memref<!tpu.dma_semaphore, #tpu.memory_space<semaphore_mem>>) src(%dma_wait3A_594 : memref<128x128xbf16, #tpu.memory_space<vmem>>) dst(%dma_wait3A_600 : memref<12800x128xbf16, #tpu.memory_space<vmem_shared>>)
              tpu.yield
            }) : () -> ()
          } else {
          }
          %eq3A_569 = arith.constant 1 : i32
          %eq3A_570 = arith.cmpi eq, %and3A_564, %eq3A_569 : i32
          %convert_element_type3A_571 = arith.extui %eq3A_570 : i1 to i32
          %cond3A_572 = arith.constant 0 : i32
          %cond3A_573 = arith.cmpi ne, %convert_element_type3A_571, %cond3A_572 : i32
          scf.if %cond3A_573 {
            %dma_wait3A_574 = arith.constant 128 : i32
            %dma_wait3A_575 = arith.constant 0 : i32
            %dma_wait3A_576 = tpu.memref_slice %arg11[%dma_wait3A_574, %dma_wait3A_575] : memref<256x128xbf16, #tpu.memory_space<vmem>> -> memref<128x128xbf16, #tpu.memory_space<vmem>>
            %dma_wait3A_577 = arith.constant 0 : i32
            %dma_wait3A_578 = tpu.memref_slice %arg9[%and3A_562, %dma_wait3A_577] : memref<32x128xi32, #tpu.memory_space<vmem>> -> memref<1x128xi32, #tpu.memory_space<vmem>>
            %dma_wait3A_579 = tpu.memref_squeeze %dma_wait3A_578 : memref<1x128xi32, #tpu.memory_space<vmem>> -> memref<128xi32, #tpu.memory_space<vmem>>
            %dma_wait3A_580 = arith.constant 0 : i32
            %dma_wait3A_581 = arith.constant 0 : i32
            %dma_wait3A_582 = tpu.memref_slice %arg4[%dma_wait3A_580, %dma_wait3A_581] : memref<50688x128xbf16, #tpu.memory_space<hbm>> -> memref<50688x128xbf16, #tpu.memory_space<hbm>>
            tpu.wait_indirect_dma semaphore(%arg14 : memref<!tpu.dma_semaphore, #tpu.memory_space<semaphore_mem>>) src(%dma_wait3A_582 : memref<50688x128xbf16, #tpu.memory_space<hbm>>) dst(%dma_wait3A_576 : memref<128x128xbf16, #tpu.memory_space<vmem>>)
            "tpu.region"() ({
              %run_scoped3A = tpu.sem_alloc : memref<!tpu.dma_semaphore, #tpu.memory_space<semaphore_mem>>
              %dma_start3A_583 = arith.constant 128 : i32
              %dma_start3A_584 = arith.constant 0 : i32
              %dma_start3A_585 = tpu.memref_slice %arg11[%dma_start3A_583, %dma_start3A_584] : memref<256x128xbf16, #tpu.memory_space<vmem>> -> memref<128x128xbf16, #tpu.memory_space<vmem>>
              %dma_start3A_586 = arith.constant 0 : i32
              %dma_start3A_587 = tpu.memref_slice %arg10[%and3A_562, %dma_start3A_586] : memref<32x128xi32, #tpu.memory_space<vmem>> -> memref<1x128xi32, #tpu.memory_space<vmem>>
              %dma_start3A_588 = tpu.memref_squeeze %dma_start3A_587 : memref<1x128xi32, #tpu.memory_space<vmem>> -> memref<128xi32, #tpu.memory_space<vmem>>
              %dma_start3A_589 = arith.constant 0 : i32
              %dma_start3A_590 = arith.constant 0 : i32
              %dma_start3A_591 = tpu.memref_slice %arg12[%dma_start3A_589, %dma_start3A_590] : memref<12800x128xbf16, #tpu.memory_space<vmem_shared>> -> memref<12800x128xbf16, #tpu.memory_space<vmem_shared>>
              tpu.enqueue_indirect_dma source(%dma_start3A_585 : memref<128x128xbf16, #tpu.memory_space<vmem>>) target(%dma_start3A_591 : memref<12800x128xbf16, #tpu.memory_space<vmem_shared>>) offsets(%dma_start3A_588 : memref<128xi32, #tpu.memory_space<vmem>>) semaphore(%run_scoped3A : memref<!tpu.dma_semaphore, #tpu.memory_space<semaphore_mem>>) {add = true}
              %dma_wait3A_592 = arith.constant 128 : i32
              %dma_wait3A_593 = arith.constant 0 : i32
              %dma_wait3A_594 = tpu.memref_slice %arg11[%dma_wait3A_592, %dma_wait3A_593] : memref<256x128xbf16, #tpu.memory_space<vmem>> -> memref<128x128xbf16, #tpu.memory_space<vmem>>
              %dma_wait3A_595 = arith.constant 0 : i32
              %dma_wait3A_596 = tpu.memref_slice %arg10[%and3A_562, %dma_wait3A_595] : memref<32x128xi32, #tpu.memory_space<vmem>> -> memref<1x128xi32, #tpu.memory_space<vmem>>
              %dma_wait3A_597 = tpu.memref_squeeze %dma_wait3A_596 : memref<1x128xi32, #tpu.memory_space<vmem>> -> memref<128xi32, #tpu.memory_space<vmem>>
              %dma_wait3A_598 = arith.constant 0 : i32
              %dma_wait3A_599 = arith.constant 0 : i32
              %dma_wait3A_600 = tpu.memref_slice %arg12[%dma_wait3A_598, %dma_wait3A_599] : memref<12800x128xbf16, #tpu.memory_space<vmem_shared>> -> memref<12800x128xbf16, #tpu.memory_space<vmem_shared>>
              tpu.wait_indirect_dma semaphore(%run_scoped3A : memref<!tpu.dma_semaphore, #tpu.memory_space<semaphore_mem>>) src(%dma_wait3A_594 : memref<128x128xbf16, #tpu.memory_space<vmem>>) dst(%dma_wait3A_600 : memref<12800x128xbf16, #tpu.memory_space<vmem_shared>>)
              tpu.yield
            }) : () -> ()
          } else {
          }
        } else {
        }
        %convert_element_type3A_552 = arith.extui %reduce_or3A_544 : i1 to i32
        %cond3A_553 = arith.constant 0 : i32
        %cond3A_554 = arith.cmpi ne, %convert_element_type3A_552, %cond3A_553 : i32
        scf.if %cond3A_554 {
          %and3A_561 = arith.constant 31 : i32
          %and3A_562 = arith.andi %scan3A_499, %and3A_561 : i32
          %and3A_563 = arith.constant 1 : i32
          %and3A_564 = arith.andi %scan3A_499, %and3A_563 : i32
          %eq3A = arith.constant 0 : i32
          %eq3A_565 = arith.cmpi eq, %and3A_564, %eq3A : i32
          %convert_element_type3A_566 = arith.extui %eq3A_565 : i1 to i32
          %cond3A_567 = arith.constant 0 : i32
          %cond3A_568 = arith.cmpi ne, %convert_element_type3A_566, %cond3A_567 : i32
          scf.if %cond3A_568 {
            %dma_start3A_574 = arith.constant 0 : i32
            %dma_start3A_575 = arith.constant 0 : i32
            %dma_start3A_576 = tpu.memref_slice %arg11[%dma_start3A_574, %dma_start3A_575] : memref<256x128xbf16, #tpu.memory_space<vmem>> -> memref<128x128xbf16, #tpu.memory_space<vmem>>
            %dma_start3A_577 = arith.constant 0 : i32
            %dma_start3A_578 = tpu.memref_slice %arg9[%and3A_562, %dma_start3A_577] : memref<32x128xi32, #tpu.memory_space<vmem>> -> memref<1x128xi32, #tpu.memory_space<vmem>>
            %dma_start3A_579 = tpu.memref_squeeze %dma_start3A_578 : memref<1x128xi32, #tpu.memory_space<vmem>> -> memref<128xi32, #tpu.memory_space<vmem>>
            %dma_start3A_580 = arith.constant 0 : i32
            %dma_start3A_581 = arith.constant 0 : i32
            %dma_start3A_582 = tpu.memref_slice %arg4[%dma_start3A_580, %dma_start3A_581] : memref<50688x128xbf16, #tpu.memory_space<hbm>> -> memref<50688x128xbf16, #tpu.memory_space<hbm>>
            tpu.enqueue_indirect_dma source(%dma_start3A_582 : memref<50688x128xbf16, #tpu.memory_space<hbm>>) target(%dma_start3A_576 : memref<128x128xbf16, #tpu.memory_space<vmem>>) offsets(%dma_start3A_579 : memref<128xi32, #tpu.memory_space<vmem>>) semaphore(%arg13 : memref<!tpu.dma_semaphore, #tpu.memory_space<semaphore_mem>>)
          } else {
          }
          %eq3A_569 = arith.constant 1 : i32
          %eq3A_570 = arith.cmpi eq, %and3A_564, %eq3A_569 : i32
          %convert_element_type3A_571 = arith.extui %eq3A_570 : i1 to i32
          %cond3A_572 = arith.constant 0 : i32
          %cond3A_573 = arith.cmpi ne, %convert_element_type3A_571, %cond3A_572 : i32
          scf.if %cond3A_573 {
            %dma_start3A_574 = arith.constant 128 : i32
            %dma_start3A_575 = arith.constant 0 : i32
            %dma_start3A_576 = tpu.memref_slice %arg11[%dma_start3A_574, %dma_start3A_575] : memref<256x128xbf16, #tpu.memory_space<vmem>> -> memref<128x128xbf16, #tpu.memory_space<vmem>>
            %dma_start3A_577 = arith.constant 0 : i32
            %dma_start3A_578 = tpu.memref_slice %arg9[%and3A_562, %dma_start3A_577] : memref<32x128xi32, #tpu.memory_space<vmem>> -> memref<1x128xi32, #tpu.memory_space<vmem>>
            %dma_start3A_579 = tpu.memref_squeeze %dma_start3A_578 : memref<1x128xi32, #tpu.memory_space<vmem>> -> memref<128xi32, #tpu.memory_space<vmem>>
            %dma_start3A_580 = arith.constant 0 : i32
            %dma_start3A_581 = arith.constant 0 : i32
            %dma_start3A_582 = tpu.memref_slice %arg4[%dma_start3A_580, %dma_start3A_581] : memref<50688x128xbf16, #tpu.memory_space<hbm>> -> memref<50688x128xbf16, #tpu.memory_space<hbm>>
            tpu.enqueue_indirect_dma source(%dma_start3A_582 : memref<50688x128xbf16, #tpu.memory_space<hbm>>) target(%dma_start3A_576 : memref<128x128xbf16, #tpu.memory_space<vmem>>) offsets(%dma_start3A_579 : memref<128xi32, #tpu.memory_space<vmem>>) semaphore(%arg14 : memref<!tpu.dma_semaphore, #tpu.memory_space<semaphore_mem>>)
          } else {
          }
        } else {
        }
        %add3A_555 = arith.constant 1 : i32
        %add3A_556 = arith.addi %scan3A_500, %add3A_555 : i32
        %select_n3A_557 = arith.select %and3A_548, %add3A_556, %scan3A_500 : i32
        %add3A_558 = arith.constant 1 : i32
        %add3A_559 = arith.addi %scan3A_499, %add3A_558 : i32
        %select_n3A_560 = arith.select %reduce_or3A_544, %add3A_559, %scan3A_499 : i32
        scf.yield %add3A_528, %select_n3A_560, %select_n3A_557 : vector<16xi32>, i32, i32
      }
      %scan3A_496 = arith.constant 125 : i32
      scf.yield %scan3A_495#0, %scan3A_495#1, %scan3A_495#2 : vector<16xi32>, i32, i32
    }
    %scan3A_99 = arith.constant 25 : i32
    %reduce_max3A = arith.constant true
    %reduce_max3A_100 = vector.broadcast %reduce_max3A : i1 to vector<16xi1>
    %reduce_max3A_101 = arith.constant -2147483648 : i32
    %reduce_max3A_102 = vector.broadcast %reduce_max3A_101 : i32 to vector<16xi32>
    %reduce_max3A_103 = arith.xori %scan3A_98#0, %reduce_max3A_102 : vector<16xi32>
    %reduce_max3A_104 = tpu.scan <max>, %reduce_max3A_103 masked %reduce_max3A_100 : vector<16xi32>, vector<16xi1> -> vector<16xi32>
    %reduce_max3A_105 = arith.xori %reduce_max3A_104, %reduce_max3A_102 : vector<16xi32>
    %reduce_max3A_106 = vector.extract %reduce_max3A_105[15] : i32 from vector<16xi32>
    %add3A_107 = arith.constant 127 : i32
    %add3A_108 = arith.addi %reduce_max3A_106, %add3A_107 : i32
    %shift_right_logical3A = arith.constant 7 : i32
    %shift_right_logical3A_109 = arith.shrui %add3A_108, %shift_right_logical3A : i32
    %broadcast_in_dim3A_110 = arith.constant 0 : i32
    %broadcast_in_dim3A_111 = vector.broadcast %broadcast_in_dim3A_110 : i32 to vector<16xi32>
    %mul3A_112 = arith.constant 128 : i32
    %mul3A_113 = arith.muli %shift_right_logical3A_109, %mul3A_112 : i32
    %add3A_114 = vector.broadcast %mul3A_113 : i32 to vector<16xi32>
    %add3A_115 = arith.addi %broadcast_in_dim3A_111, %add3A_114 : vector<16xi32>
    %add3A_116 = arith.constant 0 : i32
    %add3A_117 = vector.broadcast %add3A_116 : i32 to vector<16xi32>
    %add3A_118 = arith.addi %scan3A_98#0, %add3A_117 : vector<16xi32>
    %add3A_119 = arith.addi %add3A_118, %iota3A : vector<16xi32>
    %lt3A_120 = arith.cmpi slt, %add3A_119, %add3A_115 : vector<16xi32>
    %shift_right_logical3A_121 = arith.constant 7 : i32
    %shift_right_logical3A_122 = vector.broadcast %shift_right_logical3A_121 : i32 to vector<16xi32>
    %shift_right_logical3A_123 = arith.shrui %add3A_119, %shift_right_logical3A_122 : vector<16xi32>
    %and3A_124 = arith.constant 31 : i32
    %and3A_125 = vector.broadcast %and3A_124 : i32 to vector<16xi32>
    %and3A_126 = arith.andi %shift_right_logical3A_123, %and3A_125 : vector<16xi32>
    %and3A_127 = arith.andi %add3A_119, %broadcast_in_dim3A_1 : vector<16xi32>
    tpu.vector_store_idx %arg9[%and3A_126, %and3A_127], %broadcast_in_dim3A_5 masked %lt3A_120 : memref<32x128xi32, #tpu.memory_space<vmem>>[vector<16xi32>, vector<16xi32>], vector<16xi32>, vector<16xi1>
    tpu.vector_store_idx %arg10[%and3A_126, %and3A_127], %broadcast_in_dim3A_3 masked %lt3A_120 : memref<32x128xi32, #tpu.memory_space<vmem>>[vector<16xi32>, vector<16xi32>], vector<16xi32>, vector<16xi1>
    %add3A_128 = arith.constant 16 : i32
    %add3A_129 = vector.broadcast %add3A_128 : i32 to vector<16xi32>
    %add3A_130 = arith.addi %scan3A_98#0, %add3A_129 : vector<16xi32>
    %add3A_131 = arith.addi %add3A_130, %iota3A : vector<16xi32>
    %lt3A_132 = arith.cmpi slt, %add3A_131, %add3A_115 : vector<16xi32>
    %shift_right_logical3A_133 = arith.constant 7 : i32
    %shift_right_logical3A_134 = vector.broadcast %shift_right_logical3A_133 : i32 to vector<16xi32>
    %shift_right_logical3A_135 = arith.shrui %add3A_131, %shift_right_logical3A_134 : vector<16xi32>
    %and3A_136 = arith.constant 31 : i32
    %and3A_137 = vector.broadcast %and3A_136 : i32 to vector<16xi32>
    %and3A_138 = arith.andi %shift_right_logical3A_135, %and3A_137 : vector<16xi32>
    %and3A_139 = arith.andi %add3A_131, %broadcast_in_dim3A_1 : vector<16xi32>
    tpu.vector_store_idx %arg9[%and3A_138, %and3A_139], %broadcast_in_dim3A_5 masked %lt3A_132 : memref<32x128xi32, #tpu.memory_space<vmem>>[vector<16xi32>, vector<16xi32>], vector<16xi32>, vector<16xi1>
    tpu.vector_store_idx %arg10[%and3A_138, %and3A_139], %broadcast_in_dim3A_3 masked %lt3A_132 : memref<32x128xi32, #tpu.memory_space<vmem>>[vector<16xi32>, vector<16xi32>], vector<16xi32>, vector<16xi1>
    %add3A_140 = arith.constant 32 : i32
    %add3A_141 = vector.broadcast %add3A_140 : i32 to vector<16xi32>
    %add3A_142 = arith.addi %scan3A_98#0, %add3A_141 : vector<16xi32>
    %add3A_143 = arith.addi %add3A_142, %iota3A : vector<16xi32>
    %lt3A_144 = arith.cmpi slt, %add3A_143, %add3A_115 : vector<16xi32>
    %shift_right_logical3A_145 = arith.constant 7 : i32
    %shift_right_logical3A_146 = vector.broadcast %shift_right_logical3A_145 : i32 to vector<16xi32>
    %shift_right_logical3A_147 = arith.shrui %add3A_143, %shift_right_logical3A_146 : vector<16xi32>
    %and3A_148 = arith.constant 31 : i32
    %and3A_149 = vector.broadcast %and3A_148 : i32 to vector<16xi32>
    %and3A_150 = arith.andi %shift_right_logical3A_147, %and3A_149 : vector<16xi32>
    %and3A_151 = arith.andi %add3A_143, %broadcast_in_dim3A_1 : vector<16xi32>
    tpu.vector_store_idx %arg9[%and3A_150, %and3A_151], %broadcast_in_dim3A_5 masked %lt3A_144 : memref<32x128xi32, #tpu.memory_space<vmem>>[vector<16xi32>, vector<16xi32>], vector<16xi32>, vector<16xi1>
    tpu.vector_store_idx %arg10[%and3A_150, %and3A_151], %broadcast_in_dim3A_3 masked %lt3A_144 : memref<32x128xi32, #tpu.memory_space<vmem>>[vector<16xi32>, vector<16xi32>], vector<16xi32>, vector<16xi1>
    %add3A_152 = arith.constant 48 : i32
    %add3A_153 = vector.broadcast %add3A_152 : i32 to vector<16xi32>
    %add3A_154 = arith.addi %scan3A_98#0, %add3A_153 : vector<16xi32>
    %add3A_155 = arith.addi %add3A_154, %iota3A : vector<16xi32>
    %lt3A_156 = arith.cmpi slt, %add3A_155, %add3A_115 : vector<16xi32>
    %shift_right_logical3A_157 = arith.constant 7 : i32
    %shift_right_logical3A_158 = vector.broadcast %shift_right_logical3A_157 : i32 to vector<16xi32>
    %shift_right_logical3A_159 = arith.shrui %add3A_155, %shift_right_logical3A_158 : vector<16xi32>
    %and3A_160 = arith.constant 31 : i32
    %and3A_161 = vector.broadcast %and3A_160 : i32 to vector<16xi32>
    %and3A_162 = arith.andi %shift_right_logical3A_159, %and3A_161 : vector<16xi32>
    %and3A_163 = arith.andi %add3A_155, %broadcast_in_dim3A_1 : vector<16xi32>
    tpu.vector_store_idx %arg9[%and3A_162, %and3A_163], %broadcast_in_dim3A_5 masked %lt3A_156 : memref<32x128xi32, #tpu.memory_space<vmem>>[vector<16xi32>, vector<16xi32>], vector<16xi32>, vector<16xi1>
    tpu.vector_store_idx %arg10[%and3A_162, %and3A_163], %broadcast_in_dim3A_3 masked %lt3A_156 : memref<32x128xi32, #tpu.memory_space<vmem>>[vector<16xi32>, vector<16xi32>], vector<16xi32>, vector<16xi1>
    %add3A_164 = arith.constant 64 : i32
    %add3A_165 = vector.broadcast %add3A_164 : i32 to vector<16xi32>
    %add3A_166 = arith.addi %scan3A_98#0, %add3A_165 : vector<16xi32>
    %add3A_167 = arith.addi %add3A_166, %iota3A : vector<16xi32>
    %lt3A_168 = arith.cmpi slt, %add3A_167, %add3A_115 : vector<16xi32>
    %shift_right_logical3A_169 = arith.constant 7 : i32
    %shift_right_logical3A_170 = vector.broadcast %shift_right_logical3A_169 : i32 to vector<16xi32>
    %shift_right_logical3A_171 = arith.shrui %add3A_167, %shift_right_logical3A_170 : vector<16xi32>
    %and3A_172 = arith.constant 31 : i32
    %and3A_173 = vector.broadcast %and3A_172 : i32 to vector<16xi32>
    %and3A_174 = arith.andi %shift_right_logical3A_171, %and3A_173 : vector<16xi32>
    %and3A_175 = arith.andi %add3A_167, %broadcast_in_dim3A_1 : vector<16xi32>
    tpu.vector_store_idx %arg9[%and3A_174, %and3A_175], %broadcast_in_dim3A_5 masked %lt3A_168 : memref<32x128xi32, #tpu.memory_space<vmem>>[vector<16xi32>, vector<16xi32>], vector<16xi32>, vector<16xi1>
    tpu.vector_store_idx %arg10[%and3A_174, %and3A_175], %broadcast_in_dim3A_3 masked %lt3A_168 : memref<32x128xi32, #tpu.memory_space<vmem>>[vector<16xi32>, vector<16xi32>], vector<16xi32>, vector<16xi1>
    %add3A_176 = arith.constant 80 : i32
    %add3A_177 = vector.broadcast %add3A_176 : i32 to vector<16xi32>
    %add3A_178 = arith.addi %scan3A_98#0, %add3A_177 : vector<16xi32>
    %add3A_179 = arith.addi %add3A_178, %iota3A : vector<16xi32>
    %lt3A_180 = arith.cmpi slt, %add3A_179, %add3A_115 : vector<16xi32>
    %shift_right_logical3A_181 = arith.constant 7 : i32
    %shift_right_logical3A_182 = vector.broadcast %shift_right_logical3A_181 : i32 to vector<16xi32>
    %shift_right_logical3A_183 = arith.shrui %add3A_179, %shift_right_logical3A_182 : vector<16xi32>
    %and3A_184 = arith.constant 31 : i32
    %and3A_185 = vector.broadcast %and3A_184 : i32 to vector<16xi32>
    %and3A_186 = arith.andi %shift_right_logical3A_183, %and3A_185 : vector<16xi32>
    %and3A_187 = arith.andi %add3A_179, %broadcast_in_dim3A_1 : vector<16xi32>
    tpu.vector_store_idx %arg9[%and3A_186, %and3A_187], %broadcast_in_dim3A_5 masked %lt3A_180 : memref<32x128xi32, #tpu.memory_space<vmem>>[vector<16xi32>, vector<16xi32>], vector<16xi32>, vector<16xi1>
    tpu.vector_store_idx %arg10[%and3A_186, %and3A_187], %broadcast_in_dim3A_3 masked %lt3A_180 : memref<32x128xi32, #tpu.memory_space<vmem>>[vector<16xi32>, vector<16xi32>], vector<16xi32>, vector<16xi1>
    %add3A_188 = arith.constant 96 : i32
    %add3A_189 = vector.broadcast %add3A_188 : i32 to vector<16xi32>
    %add3A_190 = arith.addi %scan3A_98#0, %add3A_189 : vector<16xi32>
    %add3A_191 = arith.addi %add3A_190, %iota3A : vector<16xi32>
    %lt3A_192 = arith.cmpi slt, %add3A_191, %add3A_115 : vector<16xi32>
    %shift_right_logical3A_193 = arith.constant 7 : i32
    %shift_right_logical3A_194 = vector.broadcast %shift_right_logical3A_193 : i32 to vector<16xi32>
    %shift_right_logical3A_195 = arith.shrui %add3A_191, %shift_right_logical3A_194 : vector<16xi32>
    %and3A_196 = arith.constant 31 : i32
    %and3A_197 = vector.broadcast %and3A_196 : i32 to vector<16xi32>
    %and3A_198 = arith.andi %shift_right_logical3A_195, %and3A_197 : vector<16xi32>
    %and3A_199 = arith.andi %add3A_191, %broadcast_in_dim3A_1 : vector<16xi32>
    tpu.vector_store_idx %arg9[%and3A_198, %and3A_199], %broadcast_in_dim3A_5 masked %lt3A_192 : memref<32x128xi32, #tpu.memory_space<vmem>>[vector<16xi32>, vector<16xi32>], vector<16xi32>, vector<16xi1>
    tpu.vector_store_idx %arg10[%and3A_198, %and3A_199], %broadcast_in_dim3A_3 masked %lt3A_192 : memref<32x128xi32, #tpu.memory_space<vmem>>[vector<16xi32>, vector<16xi32>], vector<16xi32>, vector<16xi1>
    %add3A_200 = arith.constant 112 : i32
    %add3A_201 = vector.broadcast %add3A_200 : i32 to vector<16xi32>
    %add3A_202 = arith.addi %scan3A_98#0, %add3A_201 : vector<16xi32>
    %add3A_203 = arith.addi %add3A_202, %iota3A : vector<16xi32>
    %lt3A_204 = arith.cmpi slt, %add3A_203, %add3A_115 : vector<16xi32>
    %shift_right_logical3A_205 = arith.constant 7 : i32
    %shift_right_logical3A_206 = vector.broadcast %shift_right_logical3A_205 : i32 to vector<16xi32>
    %shift_right_logical3A_207 = arith.shrui %add3A_203, %shift_right_logical3A_206 : vector<16xi32>
    %and3A_208 = arith.constant 31 : i32
    %and3A_209 = vector.broadcast %and3A_208 : i32 to vector<16xi32>
    %and3A_210 = arith.andi %shift_right_logical3A_207, %and3A_209 : vector<16xi32>
    %and3A_211 = arith.andi %add3A_203, %broadcast_in_dim3A_1 : vector<16xi32>
    tpu.vector_store_idx %arg9[%and3A_210, %and3A_211], %broadcast_in_dim3A_5 masked %lt3A_204 : memref<32x128xi32, #tpu.memory_space<vmem>>[vector<16xi32>, vector<16xi32>], vector<16xi32>, vector<16xi1>
    tpu.vector_store_idx %arg10[%and3A_210, %and3A_211], %broadcast_in_dim3A_3 masked %lt3A_204 : memref<32x128xi32, #tpu.memory_space<vmem>>[vector<16xi32>, vector<16xi32>], vector<16xi32>, vector<16xi1>
    %gt3A = arith.cmpi sgt, %shift_right_logical3A_109, %scan3A_98#1 : i32
    %convert_element_type3A_212 = arith.extui %gt3A : i1 to i32
    %cond3A_213 = arith.constant 0 : i32
    %cond3A_214 = arith.cmpi ne, %convert_element_type3A_212, %cond3A_213 : i32
    scf.if %cond3A_214 {
      %and3A_466 = arith.constant 31 : i32
      %and3A_467 = arith.andi %scan3A_98#1, %and3A_466 : i32
      %and3A_468 = arith.constant 1 : i32
      %and3A_469 = arith.andi %scan3A_98#1, %and3A_468 : i32
      %eq3A = arith.constant 0 : i32
      %eq3A_470 = arith.cmpi eq, %and3A_469, %eq3A : i32
      %convert_element_type3A_471 = arith.extui %eq3A_470 : i1 to i32
      %cond3A_472 = arith.constant 0 : i32
      %cond3A_473 = arith.cmpi ne, %convert_element_type3A_471, %cond3A_472 : i32
      scf.if %cond3A_473 {
        %dma_start3A_479 = arith.constant 0 : i32
        %dma_start3A_480 = arith.constant 0 : i32
        %dma_start3A_481 = tpu.memref_slice %arg11[%dma_start3A_479, %dma_start3A_480] : memref<256x128xbf16, #tpu.memory_space<vmem>> -> memref<128x128xbf16, #tpu.memory_space<vmem>>
        %dma_start3A_482 = arith.constant 0 : i32
        %dma_start3A_483 = tpu.memref_slice %arg9[%and3A_467, %dma_start3A_482] : memref<32x128xi32, #tpu.memory_space<vmem>> -> memref<1x128xi32, #tpu.memory_space<vmem>>
        %dma_start3A_484 = tpu.memref_squeeze %dma_start3A_483 : memref<1x128xi32, #tpu.memory_space<vmem>> -> memref<128xi32, #tpu.memory_space<vmem>>
        %dma_start3A_485 = arith.constant 0 : i32
        %dma_start3A_486 = arith.constant 0 : i32
        %dma_start3A_487 = tpu.memref_slice %arg4[%dma_start3A_485, %dma_start3A_486] : memref<50688x128xbf16, #tpu.memory_space<hbm>> -> memref<50688x128xbf16, #tpu.memory_space<hbm>>
        tpu.enqueue_indirect_dma source(%dma_start3A_487 : memref<50688x128xbf16, #tpu.memory_space<hbm>>) target(%dma_start3A_481 : memref<128x128xbf16, #tpu.memory_space<vmem>>) offsets(%dma_start3A_484 : memref<128xi32, #tpu.memory_space<vmem>>) semaphore(%arg13 : memref<!tpu.dma_semaphore, #tpu.memory_space<semaphore_mem>>)
      } else {
      }
      %eq3A_474 = arith.constant 1 : i32
      %eq3A_475 = arith.cmpi eq, %and3A_469, %eq3A_474 : i32
      %convert_element_type3A_476 = arith.extui %eq3A_475 : i1 to i32
      %cond3A_477 = arith.constant 0 : i32
      %cond3A_478 = arith.cmpi ne, %convert_element_type3A_476, %cond3A_477 : i32
      scf.if %cond3A_478 {
        %dma_start3A_479 = arith.constant 128 : i32
        %dma_start3A_480 = arith.constant 0 : i32
        %dma_start3A_481 = tpu.memref_slice %arg11[%dma_start3A_479, %dma_start3A_480] : memref<256x128xbf16, #tpu.memory_space<vmem>> -> memref<128x128xbf16, #tpu.memory_space<vmem>>
        %dma_start3A_482 = arith.constant 0 : i32
        %dma_start3A_483 = tpu.memref_slice %arg9[%and3A_467, %dma_start3A_482] : memref<32x128xi32, #tpu.memory_space<vmem>> -> memref<1x128xi32, #tpu.memory_space<vmem>>
        %dma_start3A_484 = tpu.memref_squeeze %dma_start3A_483 : memref<1x128xi32, #tpu.memory_space<vmem>> -> memref<128xi32, #tpu.memory_space<vmem>>
        %dma_start3A_485 = arith.constant 0 : i32
        %dma_start3A_486 = arith.constant 0 : i32
        %dma_start3A_487 = tpu.memref_slice %arg4[%dma_start3A_485, %dma_start3A_486] : memref<50688x128xbf16, #tpu.memory_space<hbm>> -> memref<50688x128xbf16, #tpu.memory_space<hbm>>
        tpu.enqueue_indirect_dma source(%dma_start3A_487 : memref<50688x128xbf16, #tpu.memory_space<hbm>>) target(%dma_start3A_481 : memref<128x128xbf16, #tpu.memory_space<vmem>>) offsets(%dma_start3A_484 : memref<128xi32, #tpu.memory_space<vmem>>) semaphore(%arg14 : memref<!tpu.dma_semaphore, #tpu.memory_space<semaphore_mem>>)
      } else {
      }
    } else {
    }
    %while3A = arith.constant 0 : i32
    %while3A_215 = arith.subi %shift_right_logical3A_109, %scan3A_98#2 : i32
    %while3A_216 = arith.addi %scan3A_98#2, %while3A_215 : i32
    %while3A_217 = arith.constant 1 : i32
    %while3A_218 = arith.divsi %while3A_215, %while3A_217 : i32
    %while3A_219 = arith.muli %while3A_218, %while3A_217 : i32
    %while3A_220 = arith.addi %scan3A_98#2, %while3A_219 : i32
    %while3A_221 = arith.constant 1 : i32
    scf.for %while3A_466 = %scan3A_98#2 to %while3A_220 step %while3A_221  : i32 {
      %and3A_467 = arith.constant 31 : i32
      %and3A_468 = arith.andi %while3A_466, %and3A_467 : i32
      %and3A_469 = arith.constant 1 : i32
      %and3A_470 = arith.andi %while3A_466, %and3A_469 : i32
      %eq3A = arith.constant 0 : i32
      %eq3A_471 = arith.cmpi eq, %and3A_470, %eq3A : i32
      %convert_element_type3A_472 = arith.extui %eq3A_471 : i1 to i32
      %cond3A_473 = arith.constant 0 : i32
      %cond3A_474 = arith.cmpi ne, %convert_element_type3A_472, %cond3A_473 : i32
      scf.if %cond3A_474 {
        %dma_wait3A = arith.constant 0 : i32
        %dma_wait3A_480 = arith.constant 0 : i32
        %dma_wait3A_481 = tpu.memref_slice %arg11[%dma_wait3A, %dma_wait3A_480] : memref<256x128xbf16, #tpu.memory_space<vmem>> -> memref<128x128xbf16, #tpu.memory_space<vmem>>
        %dma_wait3A_482 = arith.constant 0 : i32
        %dma_wait3A_483 = tpu.memref_slice %arg9[%and3A_468, %dma_wait3A_482] : memref<32x128xi32, #tpu.memory_space<vmem>> -> memref<1x128xi32, #tpu.memory_space<vmem>>
        %dma_wait3A_484 = tpu.memref_squeeze %dma_wait3A_483 : memref<1x128xi32, #tpu.memory_space<vmem>> -> memref<128xi32, #tpu.memory_space<vmem>>
        %dma_wait3A_485 = arith.constant 0 : i32
        %dma_wait3A_486 = arith.constant 0 : i32
        %dma_wait3A_487 = tpu.memref_slice %arg4[%dma_wait3A_485, %dma_wait3A_486] : memref<50688x128xbf16, #tpu.memory_space<hbm>> -> memref<50688x128xbf16, #tpu.memory_space<hbm>>
        tpu.wait_indirect_dma semaphore(%arg13 : memref<!tpu.dma_semaphore, #tpu.memory_space<semaphore_mem>>) src(%dma_wait3A_487 : memref<50688x128xbf16, #tpu.memory_space<hbm>>) dst(%dma_wait3A_481 : memref<128x128xbf16, #tpu.memory_space<vmem>>)
        "tpu.region"() ({
          %run_scoped3A = tpu.sem_alloc : memref<!tpu.dma_semaphore, #tpu.memory_space<semaphore_mem>>
          %dma_start3A_488 = arith.constant 0 : i32
          %dma_start3A_489 = arith.constant 0 : i32
          %dma_start3A_490 = tpu.memref_slice %arg11[%dma_start3A_488, %dma_start3A_489] : memref<256x128xbf16, #tpu.memory_space<vmem>> -> memref<128x128xbf16, #tpu.memory_space<vmem>>
          %dma_start3A_491 = arith.constant 0 : i32
          %dma_start3A_492 = tpu.memref_slice %arg10[%and3A_468, %dma_start3A_491] : memref<32x128xi32, #tpu.memory_space<vmem>> -> memref<1x128xi32, #tpu.memory_space<vmem>>
          %dma_start3A_493 = tpu.memref_squeeze %dma_start3A_492 : memref<1x128xi32, #tpu.memory_space<vmem>> -> memref<128xi32, #tpu.memory_space<vmem>>
          %dma_start3A_494 = arith.constant 0 : i32
          %dma_start3A_495 = arith.constant 0 : i32
          %dma_start3A_496 = tpu.memref_slice %arg12[%dma_start3A_494, %dma_start3A_495] : memref<12800x128xbf16, #tpu.memory_space<vmem_shared>> -> memref<12800x128xbf16, #tpu.memory_space<vmem_shared>>
          tpu.enqueue_indirect_dma source(%dma_start3A_490 : memref<128x128xbf16, #tpu.memory_space<vmem>>) target(%dma_start3A_496 : memref<12800x128xbf16, #tpu.memory_space<vmem_shared>>) offsets(%dma_start3A_493 : memref<128xi32, #tpu.memory_space<vmem>>) semaphore(%run_scoped3A : memref<!tpu.dma_semaphore, #tpu.memory_space<semaphore_mem>>) {add = true}
          %dma_wait3A_497 = arith.constant 0 : i32
          %dma_wait3A_498 = arith.constant 0 : i32
          %dma_wait3A_499 = tpu.memref_slice %arg11[%dma_wait3A_497, %dma_wait3A_498] : memref<256x128xbf16, #tpu.memory_space<vmem>> -> memref<128x128xbf16, #tpu.memory_space<vmem>>
          %dma_wait3A_500 = arith.constant 0 : i32
          %dma_wait3A_501 = tpu.memref_slice %arg10[%and3A_468, %dma_wait3A_500] : memref<32x128xi32, #tpu.memory_space<vmem>> -> memref<1x128xi32, #tpu.memory_space<vmem>>
          %dma_wait3A_502 = tpu.memref_squeeze %dma_wait3A_501 : memref<1x128xi32, #tpu.memory_space<vmem>> -> memref<128xi32, #tpu.memory_space<vmem>>
          %dma_wait3A_503 = arith.constant 0 : i32
          %dma_wait3A_504 = arith.constant 0 : i32
          %dma_wait3A_505 = tpu.memref_slice %arg12[%dma_wait3A_503, %dma_wait3A_504] : memref<12800x128xbf16, #tpu.memory_space<vmem_shared>> -> memref<12800x128xbf16, #tpu.memory_space<vmem_shared>>
          tpu.wait_indirect_dma semaphore(%run_scoped3A : memref<!tpu.dma_semaphore, #tpu.memory_space<semaphore_mem>>) src(%dma_wait3A_499 : memref<128x128xbf16, #tpu.memory_space<vmem>>) dst(%dma_wait3A_505 : memref<12800x128xbf16, #tpu.memory_space<vmem_shared>>)
          tpu.yield
        }) : () -> ()
      } else {
      }
      %eq3A_475 = arith.constant 1 : i32
      %eq3A_476 = arith.cmpi eq, %and3A_470, %eq3A_475 : i32
      %convert_element_type3A_477 = arith.extui %eq3A_476 : i1 to i32
      %cond3A_478 = arith.constant 0 : i32
      %cond3A_479 = arith.cmpi ne, %convert_element_type3A_477, %cond3A_478 : i32
      scf.if %cond3A_479 {
        %dma_wait3A = arith.constant 128 : i32
        %dma_wait3A_480 = arith.constant 0 : i32
        %dma_wait3A_481 = tpu.memref_slice %arg11[%dma_wait3A, %dma_wait3A_480] : memref<256x128xbf16, #tpu.memory_space<vmem>> -> memref<128x128xbf16, #tpu.memory_space<vmem>>
        %dma_wait3A_482 = arith.constant 0 : i32
        %dma_wait3A_483 = tpu.memref_slice %arg9[%and3A_468, %dma_wait3A_482] : memref<32x128xi32, #tpu.memory_space<vmem>> -> memref<1x128xi32, #tpu.memory_space<vmem>>
        %dma_wait3A_484 = tpu.memref_squeeze %dma_wait3A_483 : memref<1x128xi32, #tpu.memory_space<vmem>> -> memref<128xi32, #tpu.memory_space<vmem>>
        %dma_wait3A_485 = arith.constant 0 : i32
        %dma_wait3A_486 = arith.constant 0 : i32
        %dma_wait3A_487 = tpu.memref_slice %arg4[%dma_wait3A_485, %dma_wait3A_486] : memref<50688x128xbf16, #tpu.memory_space<hbm>> -> memref<50688x128xbf16, #tpu.memory_space<hbm>>
        tpu.wait_indirect_dma semaphore(%arg14 : memref<!tpu.dma_semaphore, #tpu.memory_space<semaphore_mem>>) src(%dma_wait3A_487 : memref<50688x128xbf16, #tpu.memory_space<hbm>>) dst(%dma_wait3A_481 : memref<128x128xbf16, #tpu.memory_space<vmem>>)
        "tpu.region"() ({
          %run_scoped3A = tpu.sem_alloc : memref<!tpu.dma_semaphore, #tpu.memory_space<semaphore_mem>>
          %dma_start3A_488 = arith.constant 128 : i32
          %dma_start3A_489 = arith.constant 0 : i32
          %dma_start3A_490 = tpu.memref_slice %arg11[%dma_start3A_488, %dma_start3A_489] : memref<256x128xbf16, #tpu.memory_space<vmem>> -> memref<128x128xbf16, #tpu.memory_space<vmem>>
          %dma_start3A_491 = arith.constant 0 : i32
          %dma_start3A_492 = tpu.memref_slice %arg10[%and3A_468, %dma_start3A_491] : memref<32x128xi32, #tpu.memory_space<vmem>> -> memref<1x128xi32, #tpu.memory_space<vmem>>
          %dma_start3A_493 = tpu.memref_squeeze %dma_start3A_492 : memref<1x128xi32, #tpu.memory_space<vmem>> -> memref<128xi32, #tpu.memory_space<vmem>>
          %dma_start3A_494 = arith.constant 0 : i32
          %dma_start3A_495 = arith.constant 0 : i32
          %dma_start3A_496 = tpu.memref_slice %arg12[%dma_start3A_494, %dma_start3A_495] : memref<12800x128xbf16, #tpu.memory_space<vmem_shared>> -> memref<12800x128xbf16, #tpu.memory_space<vmem_shared>>
          tpu.enqueue_indirect_dma source(%dma_start3A_490 : memref<128x128xbf16, #tpu.memory_space<vmem>>) target(%dma_start3A_496 : memref<12800x128xbf16, #tpu.memory_space<vmem_shared>>) offsets(%dma_start3A_493 : memref<128xi32, #tpu.memory_space<vmem>>) semaphore(%run_scoped3A : memref<!tpu.dma_semaphore, #tpu.memory_space<semaphore_mem>>) {add = true}
          %dma_wait3A_497 = arith.constant 128 : i32
          %dma_wait3A_498 = arith.constant 0 : i32
          %dma_wait3A_499 = tpu.memref_slice %arg11[%dma_wait3A_497, %dma_wait3A_498] : memref<256x128xbf16, #tpu.memory_space<vmem>> -> memref<128x128xbf16, #tpu.memory_space<vmem>>
          %dma_wait3A_500 = arith.constant 0 : i32
          %dma_wait3A_501 = tpu.memref_slice %arg10[%and3A_468, %dma_wait3A_500] : memref<32x128xi32, #tpu.memory_space<vmem>> -> memref<1x128xi32, #tpu.memory_space<vmem>>
          %dma_wait3A_502 = tpu.memref_squeeze %dma_wait3A_501 : memref<1x128xi32, #tpu.memory_space<vmem>> -> memref<128xi32, #tpu.memory_space<vmem>>
          %dma_wait3A_503 = arith.constant 0 : i32
          %dma_wait3A_504 = arith.constant 0 : i32
          %dma_wait3A_505 = tpu.memref_slice %arg12[%dma_wait3A_503, %dma_wait3A_504] : memref<12800x128xbf16, #tpu.memory_space<vmem_shared>> -> memref<12800x128xbf16, #tpu.memory_space<vmem_shared>>
          tpu.wait_indirect_dma semaphore(%run_scoped3A : memref<!tpu.dma_semaphore, #tpu.memory_space<semaphore_mem>>) src(%dma_wait3A_499 : memref<128x128xbf16, #tpu.memory_space<vmem>>) dst(%dma_wait3A_505 : memref<12800x128xbf16, #tpu.memory_space<vmem_shared>>)
          tpu.yield
        }) : () -> ()
      } else {
      }
    }
    %while3A_222 = arith.constant 1 : i32
    scf.for %while3A_466 = %while3A_220 to %while3A_216 step %while3A_222  : i32 {
      %and3A_467 = arith.constant 31 : i32
      %and3A_468 = arith.andi %while3A_466, %and3A_467 : i32
      %and3A_469 = arith.constant 1 : i32
      %and3A_470 = arith.andi %while3A_466, %and3A_469 : i32
      %eq3A = arith.constant 0 : i32
      %eq3A_471 = arith.cmpi eq, %and3A_470, %eq3A : i32
      %convert_element_type3A_472 = arith.extui %eq3A_471 : i1 to i32
      %cond3A_473 = arith.constant 0 : i32
      %cond3A_474 = arith.cmpi ne, %convert_element_type3A_472, %cond3A_473 : i32
      scf.if %cond3A_474 {
        %dma_wait3A = arith.constant 0 : i32
        %dma_wait3A_480 = arith.constant 0 : i32
        %dma_wait3A_481 = tpu.memref_slice %arg11[%dma_wait3A, %dma_wait3A_480] : memref<256x128xbf16, #tpu.memory_space<vmem>> -> memref<128x128xbf16, #tpu.memory_space<vmem>>
        %dma_wait3A_482 = arith.constant 0 : i32
        %dma_wait3A_483 = tpu.memref_slice %arg9[%and3A_468, %dma_wait3A_482] : memref<32x128xi32, #tpu.memory_space<vmem>> -> memref<1x128xi32, #tpu.memory_space<vmem>>
        %dma_wait3A_484 = tpu.memref_squeeze %dma_wait3A_483 : memref<1x128xi32, #tpu.memory_space<vmem>> -> memref<128xi32, #tpu.memory_space<vmem>>
        %dma_wait3A_485 = arith.constant 0 : i32
        %dma_wait3A_486 = arith.constant 0 : i32
        %dma_wait3A_487 = tpu.memref_slice %arg4[%dma_wait3A_485, %dma_wait3A_486] : memref<50688x128xbf16, #tpu.memory_space<hbm>> -> memref<50688x128xbf16, #tpu.memory_space<hbm>>
        tpu.wait_indirect_dma semaphore(%arg13 : memref<!tpu.dma_semaphore, #tpu.memory_space<semaphore_mem>>) src(%dma_wait3A_487 : memref<50688x128xbf16, #tpu.memory_space<hbm>>) dst(%dma_wait3A_481 : memref<128x128xbf16, #tpu.memory_space<vmem>>)
        "tpu.region"() ({
          %run_scoped3A = tpu.sem_alloc : memref<!tpu.dma_semaphore, #tpu.memory_space<semaphore_mem>>
          %dma_start3A_488 = arith.constant 0 : i32
          %dma_start3A_489 = arith.constant 0 : i32
          %dma_start3A_490 = tpu.memref_slice %arg11[%dma_start3A_488, %dma_start3A_489] : memref<256x128xbf16, #tpu.memory_space<vmem>> -> memref<128x128xbf16, #tpu.memory_space<vmem>>
          %dma_start3A_491 = arith.constant 0 : i32
          %dma_start3A_492 = tpu.memref_slice %arg10[%and3A_468, %dma_start3A_491] : memref<32x128xi32, #tpu.memory_space<vmem>> -> memref<1x128xi32, #tpu.memory_space<vmem>>
          %dma_start3A_493 = tpu.memref_squeeze %dma_start3A_492 : memref<1x128xi32, #tpu.memory_space<vmem>> -> memref<128xi32, #tpu.memory_space<vmem>>
          %dma_start3A_494 = arith.constant 0 : i32
          %dma_start3A_495 = arith.constant 0 : i32
          %dma_start3A_496 = tpu.memref_slice %arg12[%dma_start3A_494, %dma_start3A_495] : memref<12800x128xbf16, #tpu.memory_space<vmem_shared>> -> memref<12800x128xbf16, #tpu.memory_space<vmem_shared>>
          tpu.enqueue_indirect_dma source(%dma_start3A_490 : memref<128x128xbf16, #tpu.memory_space<vmem>>) target(%dma_start3A_496 : memref<12800x128xbf16, #tpu.memory_space<vmem_shared>>) offsets(%dma_start3A_493 : memref<128xi32, #tpu.memory_space<vmem>>) semaphore(%run_scoped3A : memref<!tpu.dma_semaphore, #tpu.memory_space<semaphore_mem>>) {add = true}
          %dma_wait3A_497 = arith.constant 0 : i32
          %dma_wait3A_498 = arith.constant 0 : i32
          %dma_wait3A_499 = tpu.memref_slice %arg11[%dma_wait3A_497, %dma_wait3A_498] : memref<256x128xbf16, #tpu.memory_space<vmem>> -> memref<128x128xbf16, #tpu.memory_space<vmem>>
          %dma_wait3A_500 = arith.constant 0 : i32
          %dma_wait3A_501 = tpu.memref_slice %arg10[%and3A_468, %dma_wait3A_500] : memref<32x128xi32, #tpu.memory_space<vmem>> -> memref<1x128xi32, #tpu.memory_space<vmem>>
          %dma_wait3A_502 = tpu.memref_squeeze %dma_wait3A_501 : memref<1x128xi32, #tpu.memory_space<vmem>> -> memref<128xi32, #tpu.memory_space<vmem>>
          %dma_wait3A_503 = arith.constant 0 : i32
          %dma_wait3A_504 = arith.constant 0 : i32
          %dma_wait3A_505 = tpu.memref_slice %arg12[%dma_wait3A_503, %dma_wait3A_504] : memref<12800x128xbf16, #tpu.memory_space<vmem_shared>> -> memref<12800x128xbf16, #tpu.memory_space<vmem_shared>>
          tpu.wait_indirect_dma semaphore(%run_scoped3A : memref<!tpu.dma_semaphore, #tpu.memory_space<semaphore_mem>>) src(%dma_wait3A_499 : memref<128x128xbf16, #tpu.memory_space<vmem>>) dst(%dma_wait3A_505 : memref<12800x128xbf16, #tpu.memory_space<vmem_shared>>)
          tpu.yield
        }) : () -> ()
      } else {
      }
      %eq3A_475 = arith.constant 1 : i32
      %eq3A_476 = arith.cmpi eq, %and3A_470, %eq3A_475 : i32
      %convert_element_type3A_477 = arith.extui %eq3A_476 : i1 to i32
      %cond3A_478 = arith.constant 0 : i32
      %cond3A_479 = arith.cmpi ne, %convert_element_type3A_477, %cond3A_478 : i32
      scf.if %cond3A_479 {
        %dma_wait3A = arith.constant 128 : i32
        %dma_wait3A_480 = arith.constant 0 : i32
        %dma_wait3A_481 = tpu.memref_slice %arg11[%dma_wait3A, %dma_wait3A_480] : memref<256x128xbf16, #tpu.memory_space<vmem>> -> memref<128x128xbf16, #tpu.memory_space<vmem>>
        %dma_wait3A_482 = arith.constant 0 : i32
        %dma_wait3A_483 = tpu.memref_slice %arg9[%and3A_468, %dma_wait3A_482] : memref<32x128xi32, #tpu.memory_space<vmem>> -> memref<1x128xi32, #tpu.memory_space<vmem>>
        %dma_wait3A_484 = tpu.memref_squeeze %dma_wait3A_483 : memref<1x128xi32, #tpu.memory_space<vmem>> -> memref<128xi32, #tpu.memory_space<vmem>>
        %dma_wait3A_485 = arith.constant 0 : i32
        %dma_wait3A_486 = arith.constant 0 : i32
        %dma_wait3A_487 = tpu.memref_slice %arg4[%dma_wait3A_485, %dma_wait3A_486] : memref<50688x128xbf16, #tpu.memory_space<hbm>> -> memref<50688x128xbf16, #tpu.memory_space<hbm>>
        tpu.wait_indirect_dma semaphore(%arg14 : memref<!tpu.dma_semaphore, #tpu.memory_space<semaphore_mem>>) src(%dma_wait3A_487 : memref<50688x128xbf16, #tpu.memory_space<hbm>>) dst(%dma_wait3A_481 : memref<128x128xbf16, #tpu.memory_space<vmem>>)
        "tpu.region"() ({
          %run_scoped3A = tpu.sem_alloc : memref<!tpu.dma_semaphore, #tpu.memory_space<semaphore_mem>>
          %dma_start3A_488 = arith.constant 128 : i32
          %dma_start3A_489 = arith.constant 0 : i32
          %dma_start3A_490 = tpu.memref_slice %arg11[%dma_start3A_488, %dma_start3A_489] : memref<256x128xbf16, #tpu.memory_space<vmem>> -> memref<128x128xbf16, #tpu.memory_space<vmem>>
          %dma_start3A_491 = arith.constant 0 : i32
          %dma_start3A_492 = tpu.memref_slice %arg10[%and3A_468, %dma_start3A_491] : memref<32x128xi32, #tpu.memory_space<vmem>> -> memref<1x128xi32, #tpu.memory_space<vmem>>
          %dma_start3A_493 = tpu.memref_squeeze %dma_start3A_492 : memref<1x128xi32, #tpu.memory_space<vmem>> -> memref<128xi32, #tpu.memory_space<vmem>>
          %dma_start3A_494 = arith.constant 0 : i32
          %dma_start3A_495 = arith.constant 0 : i32
          %dma_start3A_496 = tpu.memref_slice %arg12[%dma_start3A_494, %dma_start3A_495] : memref<12800x128xbf16, #tpu.memory_space<vmem_shared>> -> memref<12800x128xbf16, #tpu.memory_space<vmem_shared>>
          tpu.enqueue_indirect_dma source(%dma_start3A_490 : memref<128x128xbf16, #tpu.memory_space<vmem>>) target(%dma_start3A_496 : memref<12800x128xbf16, #tpu.memory_space<vmem_shared>>) offsets(%dma_start3A_493 : memref<128xi32, #tpu.memory_space<vmem>>) semaphore(%run_scoped3A : memref<!tpu.dma_semaphore, #tpu.memory_space<semaphore_mem>>) {add = true}
          %dma_wait3A_497 = arith.constant 128 : i32
          %dma_wait3A_498 = arith.constant 0 : i32
          %dma_wait3A_499 = tpu.memref_slice %arg11[%dma_wait3A_497, %dma_wait3A_498] : memref<256x128xbf16, #tpu.memory_space<vmem>> -> memref<128x128xbf16, #tpu.memory_space<vmem>>
          %dma_wait3A_500 = arith.constant 0 : i32
          %dma_wait3A_501 = tpu.memref_slice %arg10[%and3A_468, %dma_wait3A_500] : memref<32x128xi32, #tpu.memory_space<vmem>> -> memref<1x128xi32, #tpu.memory_space<vmem>>
          %dma_wait3A_502 = tpu.memref_squeeze %dma_wait3A_501 : memref<1x128xi32, #tpu.memory_space<vmem>> -> memref<128xi32, #tpu.memory_space<vmem>>
          %dma_wait3A_503 = arith.constant 0 : i32
          %dma_wait3A_504 = arith.constant 0 : i32
          %dma_wait3A_505 = tpu.memref_slice %arg12[%dma_wait3A_503, %dma_wait3A_504] : memref<12800x128xbf16, #tpu.memory_space<vmem_shared>> -> memref<12800x128xbf16, #tpu.memory_space<vmem_shared>>
          tpu.wait_indirect_dma semaphore(%run_scoped3A : memref<!tpu.dma_semaphore, #tpu.memory_space<semaphore_mem>>) src(%dma_wait3A_499 : memref<128x128xbf16, #tpu.memory_space<vmem>>) dst(%dma_wait3A_505 : memref<12800x128xbf16, #tpu.memory_space<vmem_shared>>)
          tpu.yield
        }) : () -> ()
      } else {
      }
    }
    %barrier3A_223 = arith.constant 0 : index
    tpu.barrier barrier_id(%barrier3A_223)
    %mul3A_224 = arith.constant 792 : i32
    %mul3A_225 = arith.muli %arg1, %mul3A_224 : i32
    %mul3A_226 = arith.constant 792 : i32
    %mul3A_227 = arith.muli %arg1, %mul3A_226 : i32
    %add3A_228 = arith.addi %mul3A_10, %mul3A_227 : i32
    "tpu.region"() ({
      %run_scoped3A = tpu.sem_alloc : memref<!tpu.dma_semaphore, #tpu.memory_space<semaphore_mem>>
      %dma_start3A_466 = arith.constant 0 : i32
      %dma_start3A_467 = tpu.memref_slice %arg6[%add3A_228, %dma_start3A_466] : memref<50688x128xbf16, #tpu.memory_space<hbm>> -> memref<792x128xbf16, #tpu.memory_space<hbm>>
      %dma_start3A_468 = arith.constant 0 : i32
      %dma_start3A_469 = tpu.memref_slice %arg12[%mul3A_225, %dma_start3A_468] : memref<12800x128xbf16, #tpu.memory_space<vmem_shared>> -> memref<792x128xbf16, #tpu.memory_space<vmem_shared>>
      tpu.enqueue_dma source(%dma_start3A_469 : memref<792x128xbf16, #tpu.memory_space<vmem_shared>>) target(%dma_start3A_467 : memref<792x128xbf16, #tpu.memory_space<hbm>>) target_semaphore(%run_scoped3A : memref<!tpu.dma_semaphore, #tpu.memory_space<semaphore_mem>>)
      %dma_wait3A = arith.constant 0 : i32
      %dma_wait3A_470 = tpu.memref_slice %arg6[%add3A_228, %dma_wait3A] : memref<50688x128xbf16, #tpu.memory_space<hbm>> -> memref<792x128xbf16, #tpu.memory_space<hbm>>
      %dma_wait3A_471 = arith.constant 0 : i32
      %dma_wait3A_472 = tpu.memref_slice %arg12[%mul3A_225, %dma_wait3A_471] : memref<12800x128xbf16, #tpu.memory_space<vmem_shared>> -> memref<792x128xbf16, #tpu.memory_space<vmem_shared>>
      tpu.wait_dma2 semaphore(%run_scoped3A : memref<!tpu.dma_semaphore, #tpu.memory_space<semaphore_mem>>) src(%dma_wait3A_472 : memref<792x128xbf16, #tpu.memory_space<vmem_shared>>) dst(%dma_wait3A_470 : memref<792x128xbf16, #tpu.memory_space<hbm>>)
      tpu.yield
    }) : () -> ()
    %barrier3A_229 = arith.constant 0 : index
    tpu.barrier barrier_id(%barrier3A_229)
    %mul3A_230 = arith.constant 2 : i32
    %mul3A_231 = arith.muli %arg0, %mul3A_230 : i32
    %add3A_232 = arith.constant 1 : i32
    %add3A_233 = arith.addi %mul3A_231, %add3A_232 : i32
    %mul3A_234 = arith.constant 12672 : i32
    %mul3A_235 = arith.muli %add3A_233, %mul3A_234 : i32
    %broadcast_in_dim3A_236 = arith.constant 1 : i32
    %broadcast_in_dim3A_237 = vector.broadcast %broadcast_in_dim3A_236 : i32 to vector<16xi32>
    %mul3A_238 = vector.broadcast %mul3A_235 : i32 to vector<16xi32>
    %mul3A_239 = arith.muli %broadcast_in_dim3A_237, %mul3A_238 : vector<16xi32>
    %add3A_240 = arith.constant 12672 : i32
    %add3A_241 = vector.broadcast %add3A_240 : i32 to vector<16xi32>
    %add3A_242 = arith.addi %mul3A_239, %add3A_241 : vector<16xi32>
    "tpu.region"() ({
      %run_scoped3A = tpu.sem_alloc : memref<!tpu.dma_semaphore, #tpu.memory_space<semaphore_mem>>
      %dma_start3A_466 = arith.constant 0 : i32
      %dma_start3A_467 = arith.constant 0 : i32
      %dma_start3A_468 = tpu.memref_slice %arg11[%dma_start3A_466, %dma_start3A_467] : memref<256x128xbf16, #tpu.memory_space<vmem>> -> memref<128x128xbf16, #tpu.memory_space<vmem>>
      %dma_start3A_469 = arith.constant 0 : i32
      %dma_start3A_470 = arith.constant 0 : i32
      %dma_start3A_471 = tpu.memref_slice %arg11[%dma_start3A_469, %dma_start3A_470] : memref<256x128xbf16, #tpu.memory_space<vmem>> -> memref<128x128xbf16, #tpu.memory_space<vmem>>
      tpu.enqueue_dma source(%arg5 : memref<128x128xbf16, #tpu.memory_space<hbm>>) target(%dma_start3A_471 : memref<128x128xbf16, #tpu.memory_space<vmem>>) target_semaphore(%run_scoped3A : memref<!tpu.dma_semaphore, #tpu.memory_space<semaphore_mem>>)
      %dma_wait3A = arith.constant 0 : i32
      %dma_wait3A_472 = arith.constant 0 : i32
      %dma_wait3A_473 = tpu.memref_slice %arg11[%dma_wait3A, %dma_wait3A_472] : memref<256x128xbf16, #tpu.memory_space<vmem>> -> memref<128x128xbf16, #tpu.memory_space<vmem>>
      %dma_wait3A_474 = arith.constant 0 : i32
      %dma_wait3A_475 = arith.constant 0 : i32
      %dma_wait3A_476 = tpu.memref_slice %arg11[%dma_wait3A_474, %dma_wait3A_475] : memref<256x128xbf16, #tpu.memory_space<vmem>> -> memref<128x128xbf16, #tpu.memory_space<vmem>>
      tpu.wait_dma2 semaphore(%run_scoped3A : memref<!tpu.dma_semaphore, #tpu.memory_space<semaphore_mem>>) src(%arg5 : memref<128x128xbf16, #tpu.memory_space<hbm>>) dst(%dma_wait3A_476 : memref<128x128xbf16, #tpu.memory_space<vmem>>)
      tpu.yield
    }) : () -> ()
    %mul3A_243 = arith.constant 7 : i32
    %mul3A_244 = arith.muli %arg1, %mul3A_243 : i32
    %add3A_245 = arith.constant 0 : i32
    %add3A_246 = arith.addi %mul3A_244, %add3A_245 : i32
    %lt3A_247 = arith.constant 100 : i32
    %lt3A_248 = arith.cmpi slt, %add3A_246, %lt3A_247 : i32
    %convert_element_type3A_249 = arith.extui %lt3A_248 : i1 to i32
    %cond3A_250 = arith.constant 0 : i32
    %cond3A_251 = arith.cmpi ne, %convert_element_type3A_249, %cond3A_250 : i32
    scf.if %cond3A_251 {
      %mul3A_466 = arith.constant 128 : i32
      %mul3A_467 = arith.muli %add3A_246, %mul3A_466 : i32
      "tpu.region"() ({
        %run_scoped3A = tpu.sem_alloc : memref<!tpu.dma_semaphore, #tpu.memory_space<semaphore_mem>>
        %dma_start3A_468 = arith.constant 0 : i32
        %dma_start3A_469 = arith.constant 0 : i32
        %dma_start3A_470 = tpu.memref_slice %arg11[%dma_start3A_468, %dma_start3A_469] : memref<256x128xbf16, #tpu.memory_space<vmem>> -> memref<128x128xbf16, #tpu.memory_space<vmem>>
        %dma_start3A_471 = arith.constant 0 : i32
        %dma_start3A_472 = tpu.memref_slice %arg12[%mul3A_467, %dma_start3A_471] : memref<12800x128xbf16, #tpu.memory_space<vmem_shared>> -> memref<128x128xbf16, #tpu.memory_space<vmem_shared>>
        %dma_start3A_473 = arith.constant 0 : i32
        %dma_start3A_474 = tpu.memref_slice %arg12[%mul3A_467, %dma_start3A_473] : memref<12800x128xbf16, #tpu.memory_space<vmem_shared>> -> memref<128x128xbf16, #tpu.memory_space<vmem_shared>>
        %dma_start3A_475 = arith.constant 0 : i32
        %dma_start3A_476 = arith.constant 0 : i32
        %dma_start3A_477 = tpu.memref_slice %arg11[%dma_start3A_475, %dma_start3A_476] : memref<256x128xbf16, #tpu.memory_space<vmem>> -> memref<128x128xbf16, #tpu.memory_space<vmem>>
        tpu.enqueue_dma source(%dma_start3A_477 : memref<128x128xbf16, #tpu.memory_space<vmem>>) target(%dma_start3A_474 : memref<128x128xbf16, #tpu.memory_space<vmem_shared>>) target_semaphore(%run_scoped3A : memref<!tpu.dma_semaphore, #tpu.memory_space<semaphore_mem>>)
        %dma_wait3A = arith.constant 0 : i32
        %dma_wait3A_478 = arith.constant 0 : i32
        %dma_wait3A_479 = tpu.memref_slice %arg11[%dma_wait3A, %dma_wait3A_478] : memref<256x128xbf16, #tpu.memory_space<vmem>> -> memref<128x128xbf16, #tpu.memory_space<vmem>>
        %dma_wait3A_480 = arith.constant 0 : i32
        %dma_wait3A_481 = tpu.memref_slice %arg12[%mul3A_467, %dma_wait3A_480] : memref<12800x128xbf16, #tpu.memory_space<vmem_shared>> -> memref<128x128xbf16, #tpu.memory_space<vmem_shared>>
        %dma_wait3A_482 = arith.constant 0 : i32
        %dma_wait3A_483 = tpu.memref_slice %arg12[%mul3A_467, %dma_wait3A_482] : memref<12800x128xbf16, #tpu.memory_space<vmem_shared>> -> memref<128x128xbf16, #tpu.memory_space<vmem_shared>>
        %dma_wait3A_484 = arith.constant 0 : i32
        %dma_wait3A_485 = arith.constant 0 : i32
        %dma_wait3A_486 = tpu.memref_slice %arg11[%dma_wait3A_484, %dma_wait3A_485] : memref<256x128xbf16, #tpu.memory_space<vmem>> -> memref<128x128xbf16, #tpu.memory_space<vmem>>
        tpu.wait_dma2 semaphore(%run_scoped3A : memref<!tpu.dma_semaphore, #tpu.memory_space<semaphore_mem>>) src(%dma_wait3A_486 : memref<128x128xbf16, #tpu.memory_space<vmem>>) dst(%dma_wait3A_483 : memref<128x128xbf16, #tpu.memory_space<vmem_shared>>)
        tpu.yield
      }) : () -> ()
    } else {
    }
    %mul3A_252 = arith.constant 7 : i32
    %mul3A_253 = arith.muli %arg1, %mul3A_252 : i32
    %add3A_254 = arith.constant 1 : i32
    %add3A_255 = arith.addi %mul3A_253, %add3A_254 : i32
    %lt3A_256 = arith.constant 100 : i32
    %lt3A_257 = arith.cmpi slt, %add3A_255, %lt3A_256 : i32
    %convert_element_type3A_258 = arith.extui %lt3A_257 : i1 to i32
    %cond3A_259 = arith.constant 0 : i32
    %cond3A_260 = arith.cmpi ne, %convert_element_type3A_258, %cond3A_259 : i32
    scf.if %cond3A_260 {
      %mul3A_466 = arith.constant 128 : i32
      %mul3A_467 = arith.muli %add3A_255, %mul3A_466 : i32
      "tpu.region"() ({
        %run_scoped3A = tpu.sem_alloc : memref<!tpu.dma_semaphore, #tpu.memory_space<semaphore_mem>>
        %dma_start3A_468 = arith.constant 0 : i32
        %dma_start3A_469 = arith.constant 0 : i32
        %dma_start3A_470 = tpu.memref_slice %arg11[%dma_start3A_468, %dma_start3A_469] : memref<256x128xbf16, #tpu.memory_space<vmem>> -> memref<128x128xbf16, #tpu.memory_space<vmem>>
        %dma_start3A_471 = arith.constant 0 : i32
        %dma_start3A_472 = tpu.memref_slice %arg12[%mul3A_467, %dma_start3A_471] : memref<12800x128xbf16, #tpu.memory_space<vmem_shared>> -> memref<128x128xbf16, #tpu.memory_space<vmem_shared>>
        %dma_start3A_473 = arith.constant 0 : i32
        %dma_start3A_474 = tpu.memref_slice %arg12[%mul3A_467, %dma_start3A_473] : memref<12800x128xbf16, #tpu.memory_space<vmem_shared>> -> memref<128x128xbf16, #tpu.memory_space<vmem_shared>>
        %dma_start3A_475 = arith.constant 0 : i32
        %dma_start3A_476 = arith.constant 0 : i32
        %dma_start3A_477 = tpu.memref_slice %arg11[%dma_start3A_475, %dma_start3A_476] : memref<256x128xbf16, #tpu.memory_space<vmem>> -> memref<128x128xbf16, #tpu.memory_space<vmem>>
        tpu.enqueue_dma source(%dma_start3A_477 : memref<128x128xbf16, #tpu.memory_space<vmem>>) target(%dma_start3A_474 : memref<128x128xbf16, #tpu.memory_space<vmem_shared>>) target_semaphore(%run_scoped3A : memref<!tpu.dma_semaphore, #tpu.memory_space<semaphore_mem>>)
        %dma_wait3A = arith.constant 0 : i32
        %dma_wait3A_478 = arith.constant 0 : i32
        %dma_wait3A_479 = tpu.memref_slice %arg11[%dma_wait3A, %dma_wait3A_478] : memref<256x128xbf16, #tpu.memory_space<vmem>> -> memref<128x128xbf16, #tpu.memory_space<vmem>>
        %dma_wait3A_480 = arith.constant 0 : i32
        %dma_wait3A_481 = tpu.memref_slice %arg12[%mul3A_467, %dma_wait3A_480] : memref<12800x128xbf16, #tpu.memory_space<vmem_shared>> -> memref<128x128xbf16, #tpu.memory_space<vmem_shared>>
        %dma_wait3A_482 = arith.constant 0 : i32
        %dma_wait3A_483 = tpu.memref_slice %arg12[%mul3A_467, %dma_wait3A_482] : memref<12800x128xbf16, #tpu.memory_space<vmem_shared>> -> memref<128x128xbf16, #tpu.memory_space<vmem_shared>>
        %dma_wait3A_484 = arith.constant 0 : i32
        %dma_wait3A_485 = arith.constant 0 : i32
        %dma_wait3A_486 = tpu.memref_slice %arg11[%dma_wait3A_484, %dma_wait3A_485] : memref<256x128xbf16, #tpu.memory_space<vmem>> -> memref<128x128xbf16, #tpu.memory_space<vmem>>
        tpu.wait_dma2 semaphore(%run_scoped3A : memref<!tpu.dma_semaphore, #tpu.memory_space<semaphore_mem>>) src(%dma_wait3A_486 : memref<128x128xbf16, #tpu.memory_space<vmem>>) dst(%dma_wait3A_483 : memref<128x128xbf16, #tpu.memory_space<vmem_shared>>)
        tpu.yield
      }) : () -> ()
    } else {
    }
    %mul3A_261 = arith.constant 7 : i32
    %mul3A_262 = arith.muli %arg1, %mul3A_261 : i32
    %add3A_263 = arith.constant 2 : i32
    %add3A_264 = arith.addi %mul3A_262, %add3A_263 : i32
    %lt3A_265 = arith.constant 100 : i32
    %lt3A_266 = arith.cmpi slt, %add3A_264, %lt3A_265 : i32
    %convert_element_type3A_267 = arith.extui %lt3A_266 : i1 to i32
    %cond3A_268 = arith.constant 0 : i32
    %cond3A_269 = arith.cmpi ne, %convert_element_type3A_267, %cond3A_268 : i32
    scf.if %cond3A_269 {
      %mul3A_466 = arith.constant 128 : i32
      %mul3A_467 = arith.muli %add3A_264, %mul3A_466 : i32
      "tpu.region"() ({
        %run_scoped3A = tpu.sem_alloc : memref<!tpu.dma_semaphore, #tpu.memory_space<semaphore_mem>>
        %dma_start3A_468 = arith.constant 0 : i32
        %dma_start3A_469 = arith.constant 0 : i32
        %dma_start3A_470 = tpu.memref_slice %arg11[%dma_start3A_468, %dma_start3A_469] : memref<256x128xbf16, #tpu.memory_space<vmem>> -> memref<128x128xbf16, #tpu.memory_space<vmem>>
        %dma_start3A_471 = arith.constant 0 : i32
        %dma_start3A_472 = tpu.memref_slice %arg12[%mul3A_467, %dma_start3A_471] : memref<12800x128xbf16, #tpu.memory_space<vmem_shared>> -> memref<128x128xbf16, #tpu.memory_space<vmem_shared>>
        %dma_start3A_473 = arith.constant 0 : i32
        %dma_start3A_474 = tpu.memref_slice %arg12[%mul3A_467, %dma_start3A_473] : memref<12800x128xbf16, #tpu.memory_space<vmem_shared>> -> memref<128x128xbf16, #tpu.memory_space<vmem_shared>>
        %dma_start3A_475 = arith.constant 0 : i32
        %dma_start3A_476 = arith.constant 0 : i32
        %dma_start3A_477 = tpu.memref_slice %arg11[%dma_start3A_475, %dma_start3A_476] : memref<256x128xbf16, #tpu.memory_space<vmem>> -> memref<128x128xbf16, #tpu.memory_space<vmem>>
        tpu.enqueue_dma source(%dma_start3A_477 : memref<128x128xbf16, #tpu.memory_space<vmem>>) target(%dma_start3A_474 : memref<128x128xbf16, #tpu.memory_space<vmem_shared>>) target_semaphore(%run_scoped3A : memref<!tpu.dma_semaphore, #tpu.memory_space<semaphore_mem>>)
        %dma_wait3A = arith.constant 0 : i32
        %dma_wait3A_478 = arith.constant 0 : i32
        %dma_wait3A_479 = tpu.memref_slice %arg11[%dma_wait3A, %dma_wait3A_478] : memref<256x128xbf16, #tpu.memory_space<vmem>> -> memref<128x128xbf16, #tpu.memory_space<vmem>>
        %dma_wait3A_480 = arith.constant 0 : i32
        %dma_wait3A_481 = tpu.memref_slice %arg12[%mul3A_467, %dma_wait3A_480] : memref<12800x128xbf16, #tpu.memory_space<vmem_shared>> -> memref<128x128xbf16, #tpu.memory_space<vmem_shared>>
        %dma_wait3A_482 = arith.constant 0 : i32
        %dma_wait3A_483 = tpu.memref_slice %arg12[%mul3A_467, %dma_wait3A_482] : memref<12800x128xbf16, #tpu.memory_space<vmem_shared>> -> memref<128x128xbf16, #tpu.memory_space<vmem_shared>>
        %dma_wait3A_484 = arith.constant 0 : i32
        %dma_wait3A_485 = arith.constant 0 : i32
        %dma_wait3A_486 = tpu.memref_slice %arg11[%dma_wait3A_484, %dma_wait3A_485] : memref<256x128xbf16, #tpu.memory_space<vmem>> -> memref<128x128xbf16, #tpu.memory_space<vmem>>
        tpu.wait_dma2 semaphore(%run_scoped3A : memref<!tpu.dma_semaphore, #tpu.memory_space<semaphore_mem>>) src(%dma_wait3A_486 : memref<128x128xbf16, #tpu.memory_space<vmem>>) dst(%dma_wait3A_483 : memref<128x128xbf16, #tpu.memory_space<vmem_shared>>)
        tpu.yield
      }) : () -> ()
    } else {
    }
    %mul3A_270 = arith.constant 7 : i32
    %mul3A_271 = arith.muli %arg1, %mul3A_270 : i32
    %add3A_272 = arith.constant 3 : i32
    %add3A_273 = arith.addi %mul3A_271, %add3A_272 : i32
    %lt3A_274 = arith.constant 100 : i32
    %lt3A_275 = arith.cmpi slt, %add3A_273, %lt3A_274 : i32
    %convert_element_type3A_276 = arith.extui %lt3A_275 : i1 to i32
    %cond3A_277 = arith.constant 0 : i32
    %cond3A_278 = arith.cmpi ne, %convert_element_type3A_276, %cond3A_277 : i32
    scf.if %cond3A_278 {
      %mul3A_466 = arith.constant 128 : i32
      %mul3A_467 = arith.muli %add3A_273, %mul3A_466 : i32
      "tpu.region"() ({
        %run_scoped3A = tpu.sem_alloc : memref<!tpu.dma_semaphore, #tpu.memory_space<semaphore_mem>>
        %dma_start3A_468 = arith.constant 0 : i32
        %dma_start3A_469 = arith.constant 0 : i32
        %dma_start3A_470 = tpu.memref_slice %arg11[%dma_start3A_468, %dma_start3A_469] : memref<256x128xbf16, #tpu.memory_space<vmem>> -> memref<128x128xbf16, #tpu.memory_space<vmem>>
        %dma_start3A_471 = arith.constant 0 : i32
        %dma_start3A_472 = tpu.memref_slice %arg12[%mul3A_467, %dma_start3A_471] : memref<12800x128xbf16, #tpu.memory_space<vmem_shared>> -> memref<128x128xbf16, #tpu.memory_space<vmem_shared>>
        %dma_start3A_473 = arith.constant 0 : i32
        %dma_start3A_474 = tpu.memref_slice %arg12[%mul3A_467, %dma_start3A_473] : memref<12800x128xbf16, #tpu.memory_space<vmem_shared>> -> memref<128x128xbf16, #tpu.memory_space<vmem_shared>>
        %dma_start3A_475 = arith.constant 0 : i32
        %dma_start3A_476 = arith.constant 0 : i32
        %dma_start3A_477 = tpu.memref_slice %arg11[%dma_start3A_475, %dma_start3A_476] : memref<256x128xbf16, #tpu.memory_space<vmem>> -> memref<128x128xbf16, #tpu.memory_space<vmem>>
        tpu.enqueue_dma source(%dma_start3A_477 : memref<128x128xbf16, #tpu.memory_space<vmem>>) target(%dma_start3A_474 : memref<128x128xbf16, #tpu.memory_space<vmem_shared>>) target_semaphore(%run_scoped3A : memref<!tpu.dma_semaphore, #tpu.memory_space<semaphore_mem>>)
        %dma_wait3A = arith.constant 0 : i32
        %dma_wait3A_478 = arith.constant 0 : i32
        %dma_wait3A_479 = tpu.memref_slice %arg11[%dma_wait3A, %dma_wait3A_478] : memref<256x128xbf16, #tpu.memory_space<vmem>> -> memref<128x128xbf16, #tpu.memory_space<vmem>>
        %dma_wait3A_480 = arith.constant 0 : i32
        %dma_wait3A_481 = tpu.memref_slice %arg12[%mul3A_467, %dma_wait3A_480] : memref<12800x128xbf16, #tpu.memory_space<vmem_shared>> -> memref<128x128xbf16, #tpu.memory_space<vmem_shared>>
        %dma_wait3A_482 = arith.constant 0 : i32
        %dma_wait3A_483 = tpu.memref_slice %arg12[%mul3A_467, %dma_wait3A_482] : memref<12800x128xbf16, #tpu.memory_space<vmem_shared>> -> memref<128x128xbf16, #tpu.memory_space<vmem_shared>>
        %dma_wait3A_484 = arith.constant 0 : i32
        %dma_wait3A_485 = arith.constant 0 : i32
        %dma_wait3A_486 = tpu.memref_slice %arg11[%dma_wait3A_484, %dma_wait3A_485] : memref<256x128xbf16, #tpu.memory_space<vmem>> -> memref<128x128xbf16, #tpu.memory_space<vmem>>
        tpu.wait_dma2 semaphore(%run_scoped3A : memref<!tpu.dma_semaphore, #tpu.memory_space<semaphore_mem>>) src(%dma_wait3A_486 : memref<128x128xbf16, #tpu.memory_space<vmem>>) dst(%dma_wait3A_483 : memref<128x128xbf16, #tpu.memory_space<vmem_shared>>)
        tpu.yield
      }) : () -> ()
    } else {
    }
    %mul3A_279 = arith.constant 7 : i32
    %mul3A_280 = arith.muli %arg1, %mul3A_279 : i32
    %add3A_281 = arith.constant 4 : i32
    %add3A_282 = arith.addi %mul3A_280, %add3A_281 : i32
    %lt3A_283 = arith.constant 100 : i32
    %lt3A_284 = arith.cmpi slt, %add3A_282, %lt3A_283 : i32
    %convert_element_type3A_285 = arith.extui %lt3A_284 : i1 to i32
    %cond3A_286 = arith.constant 0 : i32
    %cond3A_287 = arith.cmpi ne, %convert_element_type3A_285, %cond3A_286 : i32
    scf.if %cond3A_287 {
      %mul3A_466 = arith.constant 128 : i32
      %mul3A_467 = arith.muli %add3A_282, %mul3A_466 : i32
      "tpu.region"() ({
        %run_scoped3A = tpu.sem_alloc : memref<!tpu.dma_semaphore, #tpu.memory_space<semaphore_mem>>
        %dma_start3A_468 = arith.constant 0 : i32
        %dma_start3A_469 = arith.constant 0 : i32
        %dma_start3A_470 = tpu.memref_slice %arg11[%dma_start3A_468, %dma_start3A_469] : memref<256x128xbf16, #tpu.memory_space<vmem>> -> memref<128x128xbf16, #tpu.memory_space<vmem>>
        %dma_start3A_471 = arith.constant 0 : i32
        %dma_start3A_472 = tpu.memref_slice %arg12[%mul3A_467, %dma_start3A_471] : memref<12800x128xbf16, #tpu.memory_space<vmem_shared>> -> memref<128x128xbf16, #tpu.memory_space<vmem_shared>>
        %dma_start3A_473 = arith.constant 0 : i32
        %dma_start3A_474 = tpu.memref_slice %arg12[%mul3A_467, %dma_start3A_473] : memref<12800x128xbf16, #tpu.memory_space<vmem_shared>> -> memref<128x128xbf16, #tpu.memory_space<vmem_shared>>
        %dma_start3A_475 = arith.constant 0 : i32
        %dma_start3A_476 = arith.constant 0 : i32
        %dma_start3A_477 = tpu.memref_slice %arg11[%dma_start3A_475, %dma_start3A_476] : memref<256x128xbf16, #tpu.memory_space<vmem>> -> memref<128x128xbf16, #tpu.memory_space<vmem>>
        tpu.enqueue_dma source(%dma_start3A_477 : memref<128x128xbf16, #tpu.memory_space<vmem>>) target(%dma_start3A_474 : memref<128x128xbf16, #tpu.memory_space<vmem_shared>>) target_semaphore(%run_scoped3A : memref<!tpu.dma_semaphore, #tpu.memory_space<semaphore_mem>>)
        %dma_wait3A = arith.constant 0 : i32
        %dma_wait3A_478 = arith.constant 0 : i32
        %dma_wait3A_479 = tpu.memref_slice %arg11[%dma_wait3A, %dma_wait3A_478] : memref<256x128xbf16, #tpu.memory_space<vmem>> -> memref<128x128xbf16, #tpu.memory_space<vmem>>
        %dma_wait3A_480 = arith.constant 0 : i32
        %dma_wait3A_481 = tpu.memref_slice %arg12[%mul3A_467, %dma_wait3A_480] : memref<12800x128xbf16, #tpu.memory_space<vmem_shared>> -> memref<128x128xbf16, #tpu.memory_space<vmem_shared>>
        %dma_wait3A_482 = arith.constant 0 : i32
        %dma_wait3A_483 = tpu.memref_slice %arg12[%mul3A_467, %dma_wait3A_482] : memref<12800x128xbf16, #tpu.memory_space<vmem_shared>> -> memref<128x128xbf16, #tpu.memory_space<vmem_shared>>
        %dma_wait3A_484 = arith.constant 0 : i32
        %dma_wait3A_485 = arith.constant 0 : i32
        %dma_wait3A_486 = tpu.memref_slice %arg11[%dma_wait3A_484, %dma_wait3A_485] : memref<256x128xbf16, #tpu.memory_space<vmem>> -> memref<128x128xbf16, #tpu.memory_space<vmem>>
        tpu.wait_dma2 semaphore(%run_scoped3A : memref<!tpu.dma_semaphore, #tpu.memory_space<semaphore_mem>>) src(%dma_wait3A_486 : memref<128x128xbf16, #tpu.memory_space<vmem>>) dst(%dma_wait3A_483 : memref<128x128xbf16, #tpu.memory_space<vmem_shared>>)
        tpu.yield
      }) : () -> ()
    } else {
    }
    %mul3A_288 = arith.constant 7 : i32
    %mul3A_289 = arith.muli %arg1, %mul3A_288 : i32
    %add3A_290 = arith.constant 5 : i32
    %add3A_291 = arith.addi %mul3A_289, %add3A_290 : i32
    %lt3A_292 = arith.constant 100 : i32
    %lt3A_293 = arith.cmpi slt, %add3A_291, %lt3A_292 : i32
    %convert_element_type3A_294 = arith.extui %lt3A_293 : i1 to i32
    %cond3A_295 = arith.constant 0 : i32
    %cond3A_296 = arith.cmpi ne, %convert_element_type3A_294, %cond3A_295 : i32
    scf.if %cond3A_296 {
      %mul3A_466 = arith.constant 128 : i32
      %mul3A_467 = arith.muli %add3A_291, %mul3A_466 : i32
      "tpu.region"() ({
        %run_scoped3A = tpu.sem_alloc : memref<!tpu.dma_semaphore, #tpu.memory_space<semaphore_mem>>
        %dma_start3A_468 = arith.constant 0 : i32
        %dma_start3A_469 = arith.constant 0 : i32
        %dma_start3A_470 = tpu.memref_slice %arg11[%dma_start3A_468, %dma_start3A_469] : memref<256x128xbf16, #tpu.memory_space<vmem>> -> memref<128x128xbf16, #tpu.memory_space<vmem>>
        %dma_start3A_471 = arith.constant 0 : i32
        %dma_start3A_472 = tpu.memref_slice %arg12[%mul3A_467, %dma_start3A_471] : memref<12800x128xbf16, #tpu.memory_space<vmem_shared>> -> memref<128x128xbf16, #tpu.memory_space<vmem_shared>>
        %dma_start3A_473 = arith.constant 0 : i32
        %dma_start3A_474 = tpu.memref_slice %arg12[%mul3A_467, %dma_start3A_473] : memref<12800x128xbf16, #tpu.memory_space<vmem_shared>> -> memref<128x128xbf16, #tpu.memory_space<vmem_shared>>
        %dma_start3A_475 = arith.constant 0 : i32
        %dma_start3A_476 = arith.constant 0 : i32
        %dma_start3A_477 = tpu.memref_slice %arg11[%dma_start3A_475, %dma_start3A_476] : memref<256x128xbf16, #tpu.memory_space<vmem>> -> memref<128x128xbf16, #tpu.memory_space<vmem>>
        tpu.enqueue_dma source(%dma_start3A_477 : memref<128x128xbf16, #tpu.memory_space<vmem>>) target(%dma_start3A_474 : memref<128x128xbf16, #tpu.memory_space<vmem_shared>>) target_semaphore(%run_scoped3A : memref<!tpu.dma_semaphore, #tpu.memory_space<semaphore_mem>>)
        %dma_wait3A = arith.constant 0 : i32
        %dma_wait3A_478 = arith.constant 0 : i32
        %dma_wait3A_479 = tpu.memref_slice %arg11[%dma_wait3A, %dma_wait3A_478] : memref<256x128xbf16, #tpu.memory_space<vmem>> -> memref<128x128xbf16, #tpu.memory_space<vmem>>
        %dma_wait3A_480 = arith.constant 0 : i32
        %dma_wait3A_481 = tpu.memref_slice %arg12[%mul3A_467, %dma_wait3A_480] : memref<12800x128xbf16, #tpu.memory_space<vmem_shared>> -> memref<128x128xbf16, #tpu.memory_space<vmem_shared>>
        %dma_wait3A_482 = arith.constant 0 : i32
        %dma_wait3A_483 = tpu.memref_slice %arg12[%mul3A_467, %dma_wait3A_482] : memref<12800x128xbf16, #tpu.memory_space<vmem_shared>> -> memref<128x128xbf16, #tpu.memory_space<vmem_shared>>
        %dma_wait3A_484 = arith.constant 0 : i32
        %dma_wait3A_485 = arith.constant 0 : i32
        %dma_wait3A_486 = tpu.memref_slice %arg11[%dma_wait3A_484, %dma_wait3A_485] : memref<256x128xbf16, #tpu.memory_space<vmem>> -> memref<128x128xbf16, #tpu.memory_space<vmem>>
        tpu.wait_dma2 semaphore(%run_scoped3A : memref<!tpu.dma_semaphore, #tpu.memory_space<semaphore_mem>>) src(%dma_wait3A_486 : memref<128x128xbf16, #tpu.memory_space<vmem>>) dst(%dma_wait3A_483 : memref<128x128xbf16, #tpu.memory_space<vmem_shared>>)
        tpu.yield
      }) : () -> ()
    } else {
    }
    %mul3A_297 = arith.constant 7 : i32
    %mul3A_298 = arith.muli %arg1, %mul3A_297 : i32
    %add3A_299 = arith.constant 6 : i32
    %add3A_300 = arith.addi %mul3A_298, %add3A_299 : i32
    %lt3A_301 = arith.constant 100 : i32
    %lt3A_302 = arith.cmpi slt, %add3A_300, %lt3A_301 : i32
    %convert_element_type3A_303 = arith.extui %lt3A_302 : i1 to i32
    %cond3A_304 = arith.constant 0 : i32
    %cond3A_305 = arith.cmpi ne, %convert_element_type3A_303, %cond3A_304 : i32
    scf.if %cond3A_305 {
      %mul3A_466 = arith.constant 128 : i32
      %mul3A_467 = arith.muli %add3A_300, %mul3A_466 : i32
      "tpu.region"() ({
        %run_scoped3A = tpu.sem_alloc : memref<!tpu.dma_semaphore, #tpu.memory_space<semaphore_mem>>
        %dma_start3A_468 = arith.constant 0 : i32
        %dma_start3A_469 = arith.constant 0 : i32
        %dma_start3A_470 = tpu.memref_slice %arg11[%dma_start3A_468, %dma_start3A_469] : memref<256x128xbf16, #tpu.memory_space<vmem>> -> memref<128x128xbf16, #tpu.memory_space<vmem>>
        %dma_start3A_471 = arith.constant 0 : i32
        %dma_start3A_472 = tpu.memref_slice %arg12[%mul3A_467, %dma_start3A_471] : memref<12800x128xbf16, #tpu.memory_space<vmem_shared>> -> memref<128x128xbf16, #tpu.memory_space<vmem_shared>>
        %dma_start3A_473 = arith.constant 0 : i32
        %dma_start3A_474 = tpu.memref_slice %arg12[%mul3A_467, %dma_start3A_473] : memref<12800x128xbf16, #tpu.memory_space<vmem_shared>> -> memref<128x128xbf16, #tpu.memory_space<vmem_shared>>
        %dma_start3A_475 = arith.constant 0 : i32
        %dma_start3A_476 = arith.constant 0 : i32
        %dma_start3A_477 = tpu.memref_slice %arg11[%dma_start3A_475, %dma_start3A_476] : memref<256x128xbf16, #tpu.memory_space<vmem>> -> memref<128x128xbf16, #tpu.memory_space<vmem>>
        tpu.enqueue_dma source(%dma_start3A_477 : memref<128x128xbf16, #tpu.memory_space<vmem>>) target(%dma_start3A_474 : memref<128x128xbf16, #tpu.memory_space<vmem_shared>>) target_semaphore(%run_scoped3A : memref<!tpu.dma_semaphore, #tpu.memory_space<semaphore_mem>>)
        %dma_wait3A = arith.constant 0 : i32
        %dma_wait3A_478 = arith.constant 0 : i32
        %dma_wait3A_479 = tpu.memref_slice %arg11[%dma_wait3A, %dma_wait3A_478] : memref<256x128xbf16, #tpu.memory_space<vmem>> -> memref<128x128xbf16, #tpu.memory_space<vmem>>
        %dma_wait3A_480 = arith.constant 0 : i32
        %dma_wait3A_481 = tpu.memref_slice %arg12[%mul3A_467, %dma_wait3A_480] : memref<12800x128xbf16, #tpu.memory_space<vmem_shared>> -> memref<128x128xbf16, #tpu.memory_space<vmem_shared>>
        %dma_wait3A_482 = arith.constant 0 : i32
        %dma_wait3A_483 = tpu.memref_slice %arg12[%mul3A_467, %dma_wait3A_482] : memref<12800x128xbf16, #tpu.memory_space<vmem_shared>> -> memref<128x128xbf16, #tpu.memory_space<vmem_shared>>
        %dma_wait3A_484 = arith.constant 0 : i32
        %dma_wait3A_485 = arith.constant 0 : i32
        %dma_wait3A_486 = tpu.memref_slice %arg11[%dma_wait3A_484, %dma_wait3A_485] : memref<256x128xbf16, #tpu.memory_space<vmem>> -> memref<128x128xbf16, #tpu.memory_space<vmem>>
        tpu.wait_dma2 semaphore(%run_scoped3A : memref<!tpu.dma_semaphore, #tpu.memory_space<semaphore_mem>>) src(%dma_wait3A_486 : memref<128x128xbf16, #tpu.memory_space<vmem>>) dst(%dma_wait3A_483 : memref<128x128xbf16, #tpu.memory_space<vmem_shared>>)
        tpu.yield
      }) : () -> ()
    } else {
    }
    %barrier3A_306 = arith.constant 0 : index
    tpu.barrier barrier_id(%barrier3A_306)
    %and3A_307 = arith.constant 0 : i32
    %and3A_308 = arith.constant 1 : i32
    %and3A_309 = arith.andi %and3A_307, %and3A_308 : i32
    %mul3A_310 = arith.constant 2000 : i32
    %mul3A_311 = arith.muli %and3A_309, %mul3A_310 : i32
    %add3A_312 = arith.constant 0 : i32
    %add3A_313 = arith.addi %mul3A_0, %add3A_312 : i32
    %dma_start3A_314 = tpu.memref_slice %arg7[%mul3A_311] : memref<4000xi32, #tpu.memory_space<vmem>> -> memref<2000xi32, #tpu.memory_space<vmem>>
    %dma_start3A_315 = tpu.memref_slice %arg2[%add3A_313] : memref<800000xi32, #tpu.memory_space<hbm>> -> memref<2000xi32, #tpu.memory_space<hbm>>
    %dma_start3A_316 = tpu.memref_slice %arg7[%mul3A_311] : memref<4000xi32, #tpu.memory_space<vmem>> -> memref<2000xi32, #tpu.memory_space<vmem>>
    %dma_start3A_317 = tpu.memref_slice %arg2[%add3A_313] : memref<800000xi32, #tpu.memory_space<hbm>> -> memref<2000xi32, #tpu.memory_space<hbm>>
    tpu.enqueue_dma source(%dma_start3A_317 : memref<2000xi32, #tpu.memory_space<hbm>>) target(%dma_start3A_316 : memref<2000xi32, #tpu.memory_space<vmem>>) target_semaphore(%arg15 : memref<!tpu.dma_semaphore, #tpu.memory_space<semaphore_mem>>)
    %dma_start3A_318 = tpu.memref_slice %arg8[%mul3A_311] : memref<4000xi32, #tpu.memory_space<vmem>> -> memref<2000xi32, #tpu.memory_space<vmem>>
    %dma_start3A_319 = tpu.memref_slice %arg3[%add3A_313] : memref<800000xi32, #tpu.memory_space<hbm>> -> memref<2000xi32, #tpu.memory_space<hbm>>
    %dma_start3A_320 = tpu.memref_slice %arg8[%mul3A_311] : memref<4000xi32, #tpu.memory_space<vmem>> -> memref<2000xi32, #tpu.memory_space<vmem>>
    %dma_start3A_321 = tpu.memref_slice %arg3[%add3A_313] : memref<800000xi32, #tpu.memory_space<hbm>> -> memref<2000xi32, #tpu.memory_space<hbm>>
    tpu.enqueue_dma source(%dma_start3A_321 : memref<2000xi32, #tpu.memory_space<hbm>>) target(%dma_start3A_320 : memref<2000xi32, #tpu.memory_space<vmem>>) target_semaphore(%arg15 : memref<!tpu.dma_semaphore, #tpu.memory_space<semaphore_mem>>)
    %broadcast_in_dim3A_322 = arith.constant 0 : i32
    %broadcast_in_dim3A_323 = vector.broadcast %broadcast_in_dim3A_322 : i32 to vector<16xi32>
    %scan3A_324 = arith.constant 0 : i32
    %scan3A_325 = arith.constant 0 : i32
    %scan3A_326 = arith.constant 0 : i32
    %scan3A_327 = arith.constant 25 : i32
    %scan3A_328 = arith.addi %scan3A_326, %scan3A_327 : i32
    %scan3A_329 = arith.constant 1 : i32
    %scan3A_330:3 = scf.for %scan3A_466 = %scan3A_326 to %scan3A_328 step %scan3A_329 iter_args(%scan3A_467 = %broadcast_in_dim3A_323, %scan3A_468 = %scan3A_324, %scan3A_469 = %scan3A_325) -> (vector<16xi32>, i32, i32)  : i32 {
      %and3A_470 = arith.constant 1 : i32
      %and3A_471 = arith.andi %scan3A_466, %and3A_470 : i32
      %mul3A_472 = arith.constant 2000 : i32
      %mul3A_473 = arith.muli %and3A_471, %mul3A_472 : i32
      %mul3A_474 = arith.constant 2000 : i32
      %mul3A_475 = arith.muli %scan3A_466, %mul3A_474 : i32
      %add3A_476 = arith.addi %mul3A_0, %mul3A_475 : i32
      %dma_wait3A = tpu.memref_slice %arg7[%mul3A_473] : memref<4000xi32, #tpu.memory_space<vmem>> -> memref<2000xi32, #tpu.memory_space<vmem>>
      %dma_wait3A_477 = tpu.memref_slice %arg2[%add3A_476] : memref<800000xi32, #tpu.memory_space<hbm>> -> memref<2000xi32, #tpu.memory_space<hbm>>
      %dma_wait3A_478 = tpu.memref_slice %arg7[%mul3A_473] : memref<4000xi32, #tpu.memory_space<vmem>> -> memref<2000xi32, #tpu.memory_space<vmem>>
      %dma_wait3A_479 = tpu.memref_slice %arg2[%add3A_476] : memref<800000xi32, #tpu.memory_space<hbm>> -> memref<2000xi32, #tpu.memory_space<hbm>>
      tpu.wait_dma2 semaphore(%arg15 : memref<!tpu.dma_semaphore, #tpu.memory_space<semaphore_mem>>) src(%dma_wait3A_479 : memref<2000xi32, #tpu.memory_space<hbm>>) dst(%dma_wait3A_478 : memref<2000xi32, #tpu.memory_space<vmem>>)
      %dma_wait3A_480 = tpu.memref_slice %arg8[%mul3A_473] : memref<4000xi32, #tpu.memory_space<vmem>> -> memref<2000xi32, #tpu.memory_space<vmem>>
      %dma_wait3A_481 = tpu.memref_slice %arg3[%add3A_476] : memref<800000xi32, #tpu.memory_space<hbm>> -> memref<2000xi32, #tpu.memory_space<hbm>>
      %dma_wait3A_482 = tpu.memref_slice %arg8[%mul3A_473] : memref<4000xi32, #tpu.memory_space<vmem>> -> memref<2000xi32, #tpu.memory_space<vmem>>
      %dma_wait3A_483 = tpu.memref_slice %arg3[%add3A_476] : memref<800000xi32, #tpu.memory_space<hbm>> -> memref<2000xi32, #tpu.memory_space<hbm>>
      tpu.wait_dma2 semaphore(%arg15 : memref<!tpu.dma_semaphore, #tpu.memory_space<semaphore_mem>>) src(%dma_wait3A_483 : memref<2000xi32, #tpu.memory_space<hbm>>) dst(%dma_wait3A_482 : memref<2000xi32, #tpu.memory_space<vmem>>)
      %add3A_484 = arith.constant 1 : i32
      %add3A_485 = arith.addi %scan3A_466, %add3A_484 : i32
      %lt3A_486 = arith.constant 25 : i32
      %lt3A_487 = arith.cmpi slt, %add3A_485, %lt3A_486 : i32
      %convert_element_type3A_488 = arith.extui %lt3A_487 : i1 to i32
      %cond3A_489 = arith.constant 0 : i32
      %cond3A_490 = arith.cmpi ne, %convert_element_type3A_488, %cond3A_489 : i32
      scf.if %cond3A_490 {
        %add3A_497 = arith.constant 1 : i32
        %add3A_498 = arith.addi %scan3A_466, %add3A_497 : i32
        %and3A_499 = arith.constant 1 : i32
        %and3A_500 = arith.andi %add3A_498, %and3A_499 : i32
        %mul3A_501 = arith.constant 2000 : i32
        %mul3A_502 = arith.muli %and3A_500, %mul3A_501 : i32
        %mul3A_503 = arith.constant 2000 : i32
        %mul3A_504 = arith.muli %add3A_498, %mul3A_503 : i32
        %add3A_505 = arith.addi %mul3A_0, %mul3A_504 : i32
        %dma_start3A_506 = tpu.memref_slice %arg7[%mul3A_502] : memref<4000xi32, #tpu.memory_space<vmem>> -> memref<2000xi32, #tpu.memory_space<vmem>>
        %dma_start3A_507 = tpu.memref_slice %arg2[%add3A_505] : memref<800000xi32, #tpu.memory_space<hbm>> -> memref<2000xi32, #tpu.memory_space<hbm>>
        %dma_start3A_508 = tpu.memref_slice %arg7[%mul3A_502] : memref<4000xi32, #tpu.memory_space<vmem>> -> memref<2000xi32, #tpu.memory_space<vmem>>
        %dma_start3A_509 = tpu.memref_slice %arg2[%add3A_505] : memref<800000xi32, #tpu.memory_space<hbm>> -> memref<2000xi32, #tpu.memory_space<hbm>>
        tpu.enqueue_dma source(%dma_start3A_509 : memref<2000xi32, #tpu.memory_space<hbm>>) target(%dma_start3A_508 : memref<2000xi32, #tpu.memory_space<vmem>>) target_semaphore(%arg15 : memref<!tpu.dma_semaphore, #tpu.memory_space<semaphore_mem>>)
        %dma_start3A_510 = tpu.memref_slice %arg8[%mul3A_502] : memref<4000xi32, #tpu.memory_space<vmem>> -> memref<2000xi32, #tpu.memory_space<vmem>>
        %dma_start3A_511 = tpu.memref_slice %arg3[%add3A_505] : memref<800000xi32, #tpu.memory_space<hbm>> -> memref<2000xi32, #tpu.memory_space<hbm>>
        %dma_start3A_512 = tpu.memref_slice %arg8[%mul3A_502] : memref<4000xi32, #tpu.memory_space<vmem>> -> memref<2000xi32, #tpu.memory_space<vmem>>
        %dma_start3A_513 = tpu.memref_slice %arg3[%add3A_505] : memref<800000xi32, #tpu.memory_space<hbm>> -> memref<2000xi32, #tpu.memory_space<hbm>>
        tpu.enqueue_dma source(%dma_start3A_513 : memref<2000xi32, #tpu.memory_space<hbm>>) target(%dma_start3A_512 : memref<2000xi32, #tpu.memory_space<vmem>>) target_semaphore(%arg15 : memref<!tpu.dma_semaphore, #tpu.memory_space<semaphore_mem>>)
      } else {
      }
      %scan3A_491 = arith.constant 0 : i32
      %scan3A_492 = arith.constant 125 : i32
      %scan3A_493 = arith.addi %scan3A_491, %scan3A_492 : i32
      %scan3A_494 = arith.constant 1 : i32
      %scan3A_495:3 = scf.for %scan3A_497 = %scan3A_491 to %scan3A_493 step %scan3A_494 iter_args(%scan3A_498 = %scan3A_467, %scan3A_499 = %scan3A_468, %scan3A_500 = %scan3A_469) -> (vector<16xi32>, i32, i32)  : i32 {
        %mul3A_501 = arith.constant 16 : i32
        %mul3A_502 = arith.muli %scan3A_497, %mul3A_501 : i32
        %add3A_503 = arith.addi %mul3A_473, %mul3A_502 : i32
        %get3A = arith.index_cast %add3A_503 : i32 to index
        %get3A_504 = tpu.vector_load %arg8[%get3A] {strides = array<i32>} : memref<4000xi32, #tpu.memory_space<vmem>>, vector<16xi32>,
        %mul3A_505 = arith.constant 16 : i32
        %mul3A_506 = arith.muli %scan3A_497, %mul3A_505 : i32
        %add3A_507 = arith.addi %mul3A_473, %mul3A_506 : i32
        %get3A_508 = arith.index_cast %add3A_507 : i32 to index
        %get3A_509 = tpu.vector_load %arg7[%get3A_508] {strides = array<i32>} : memref<4000xi32, #tpu.memory_space<vmem>>, vector<16xi32>,
        %ge3A = arith.cmpi sge, %get3A_504, %mul3A_239 : vector<16xi32>
        %lt3A_510 = arith.cmpi slt, %get3A_504, %add3A_242 : vector<16xi32>
        %and3A_511 = arith.andi %ge3A, %lt3A_510 : vector<16xi1>
        %jit3A = arith.constant 1 : i32
        %jit3A_512 = arith.constant 0 : i32
        %broadcast_in_dim3A_513 = vector.broadcast %jit3A : i32 to vector<16xi32>
        %broadcast_in_dim3A_514 = vector.broadcast %jit3A_512 : i32 to vector<16xi32>
        %select_n3A = arith.select %and3A_511, %broadcast_in_dim3A_513, %broadcast_in_dim3A_514 : vector<16xi1>, vector<16xi32>
        %broadcast_in_dim3A_515 = arith.constant true
        %broadcast_in_dim3A_516 = vector.broadcast %broadcast_in_dim3A_515 : i1 to vector<16xi1>
        %masked_cumsum3A = tpu.scan <sum>, %select_n3A masked %broadcast_in_dim3A_516 : vector<16xi32>, vector<16xi1> -> vector<16xi32>
        %add3A_517 = arith.addi %scan3A_498, %masked_cumsum3A : vector<16xi32>
        %sub3A = arith.constant 1 : i32
        %sub3A_518 = vector.broadcast %sub3A : i32 to vector<16xi32>
        %sub3A_519 = arith.subi %add3A_517, %sub3A_518 : vector<16xi32>
        %shift_right_logical3A_520 = arith.constant 7 : i32
        %shift_right_logical3A_521 = vector.broadcast %shift_right_logical3A_520 : i32 to vector<16xi32>
        %shift_right_logical3A_522 = arith.shrui %sub3A_519, %shift_right_logical3A_521 : vector<16xi32>
        %and3A_523 = arith.constant 31 : i32
        %and3A_524 = vector.broadcast %and3A_523 : i32 to vector<16xi32>
        %and3A_525 = arith.andi %shift_right_logical3A_522, %and3A_524 : vector<16xi32>
        %and3A_526 = arith.andi %sub3A_519, %broadcast_in_dim3A_1 : vector<16xi32>
        tpu.vector_store_idx %arg9[%and3A_525, %and3A_526], %get3A_509 masked %and3A_511 : memref<32x128xi32, #tpu.memory_space<vmem>>[vector<16xi32>, vector<16xi32>], vector<16xi32>, vector<16xi1>
        %sub3A_527 = arith.subi %get3A_504, %mul3A_239 : vector<16xi32>
        tpu.vector_store_idx %arg10[%and3A_525, %and3A_526], %sub3A_527 masked %and3A_511 : memref<32x128xi32, #tpu.memory_space<vmem>>[vector<16xi32>, vector<16xi32>], vector<16xi32>, vector<16xi1>
        %all_reduce_population_count3A = tpu.all_reduce %and3A_511 {dim = 0 : i64, kind = #tpu.reduction_kind<sum>} : vector<16xi1> -> vector<16xi32>
        %add3A_528 = arith.addi %scan3A_498, %all_reduce_population_count3A : vector<16xi32>
        %add3A_529 = arith.constant 1 : i32
        %add3A_530 = arith.addi %scan3A_499, %add3A_529 : i32
        %mul3A_531 = arith.constant 128 : i32
        %mul3A_532 = arith.muli %add3A_530, %mul3A_531 : i32
        %ge3A_533 = vector.broadcast %mul3A_532 : i32 to vector<16xi32>
        %ge3A_534 = arith.cmpi sge, %add3A_528, %ge3A_533 : vector<16xi32>
        %reduce_or3A = arith.constant 1.000000e+00 : f32
        %reduce_or3A_535 = arith.constant 0.000000e+00 : f32
        %reduce_or3A_536 = vector.broadcast %reduce_or3A : f32 to vector<16xf32>
        %reduce_or3A_537 = vector.broadcast %reduce_or3A_535 : f32 to vector<16xf32>
        %reduce_or3A_538 = arith.select %ge3A_534, %reduce_or3A_536, %reduce_or3A_537 : vector<16xi1>, vector<16xf32>
        %reduce_or3A_539 = arith.constant true
        %reduce_or3A_540 = vector.broadcast %reduce_or3A_539 : i1 to vector<16xi1>
        %reduce_or3A_541 = tpu.scan <max>, %reduce_or3A_538 masked %reduce_or3A_540 : vector<16xf32>, vector<16xi1> -> vector<16xf32>
        %reduce_or3A_542 = vector.extract %reduce_or3A_541[15] : f32 from vector<16xf32>
        %reduce_or3A_543 = arith.constant 0.000000e+00 : f32
        %reduce_or3A_544 = arith.cmpf ogt, %reduce_or3A_542, %reduce_or3A_543 : f32
        %sub3A_545 = arith.subi %scan3A_499, %scan3A_500 : i32
        %ge3A_546 = arith.constant 2 : i32
        %ge3A_547 = arith.cmpi sge, %sub3A_545, %ge3A_546 : i32
        %and3A_548 = arith.andi %reduce_or3A_544, %ge3A_547 : i1
        %convert_element_type3A_549 = arith.extui %and3A_548 : i1 to i32
        %cond3A_550 = arith.constant 0 : i32
        %cond3A_551 = arith.cmpi ne, %convert_element_type3A_549, %cond3A_550 : i32
        scf.if %cond3A_551 {
          %and3A_561 = arith.constant 31 : i32
          %and3A_562 = arith.andi %scan3A_500, %and3A_561 : i32
          %and3A_563 = arith.constant 1 : i32
          %and3A_564 = arith.andi %scan3A_500, %and3A_563 : i32
          %eq3A = arith.constant 0 : i32
          %eq3A_565 = arith.cmpi eq, %and3A_564, %eq3A : i32
          %convert_element_type3A_566 = arith.extui %eq3A_565 : i1 to i32
          %cond3A_567 = arith.constant 0 : i32
          %cond3A_568 = arith.cmpi ne, %convert_element_type3A_566, %cond3A_567 : i32
          scf.if %cond3A_568 {
            %dma_wait3A_574 = arith.constant 0 : i32
            %dma_wait3A_575 = arith.constant 0 : i32
            %dma_wait3A_576 = tpu.memref_slice %arg11[%dma_wait3A_574, %dma_wait3A_575] : memref<256x128xbf16, #tpu.memory_space<vmem>> -> memref<128x128xbf16, #tpu.memory_space<vmem>>
            %dma_wait3A_577 = arith.constant 0 : i32
            %dma_wait3A_578 = tpu.memref_slice %arg9[%and3A_562, %dma_wait3A_577] : memref<32x128xi32, #tpu.memory_space<vmem>> -> memref<1x128xi32, #tpu.memory_space<vmem>>
            %dma_wait3A_579 = tpu.memref_squeeze %dma_wait3A_578 : memref<1x128xi32, #tpu.memory_space<vmem>> -> memref<128xi32, #tpu.memory_space<vmem>>
            %dma_wait3A_580 = arith.constant 0 : i32
            %dma_wait3A_581 = arith.constant 0 : i32
            %dma_wait3A_582 = tpu.memref_slice %arg4[%dma_wait3A_580, %dma_wait3A_581] : memref<50688x128xbf16, #tpu.memory_space<hbm>> -> memref<50688x128xbf16, #tpu.memory_space<hbm>>
            tpu.wait_indirect_dma semaphore(%arg13 : memref<!tpu.dma_semaphore, #tpu.memory_space<semaphore_mem>>) src(%dma_wait3A_582 : memref<50688x128xbf16, #tpu.memory_space<hbm>>) dst(%dma_wait3A_576 : memref<128x128xbf16, #tpu.memory_space<vmem>>)
            "tpu.region"() ({
              %run_scoped3A = tpu.sem_alloc : memref<!tpu.dma_semaphore, #tpu.memory_space<semaphore_mem>>
              %dma_start3A_583 = arith.constant 0 : i32
              %dma_start3A_584 = arith.constant 0 : i32
              %dma_start3A_585 = tpu.memref_slice %arg11[%dma_start3A_583, %dma_start3A_584] : memref<256x128xbf16, #tpu.memory_space<vmem>> -> memref<128x128xbf16, #tpu.memory_space<vmem>>
              %dma_start3A_586 = arith.constant 0 : i32
              %dma_start3A_587 = tpu.memref_slice %arg10[%and3A_562, %dma_start3A_586] : memref<32x128xi32, #tpu.memory_space<vmem>> -> memref<1x128xi32, #tpu.memory_space<vmem>>
              %dma_start3A_588 = tpu.memref_squeeze %dma_start3A_587 : memref<1x128xi32, #tpu.memory_space<vmem>> -> memref<128xi32, #tpu.memory_space<vmem>>
              %dma_start3A_589 = arith.constant 0 : i32
              %dma_start3A_590 = arith.constant 0 : i32
              %dma_start3A_591 = tpu.memref_slice %arg12[%dma_start3A_589, %dma_start3A_590] : memref<12800x128xbf16, #tpu.memory_space<vmem_shared>> -> memref<12800x128xbf16, #tpu.memory_space<vmem_shared>>
              tpu.enqueue_indirect_dma source(%dma_start3A_585 : memref<128x128xbf16, #tpu.memory_space<vmem>>) target(%dma_start3A_591 : memref<12800x128xbf16, #tpu.memory_space<vmem_shared>>) offsets(%dma_start3A_588 : memref<128xi32, #tpu.memory_space<vmem>>) semaphore(%run_scoped3A : memref<!tpu.dma_semaphore, #tpu.memory_space<semaphore_mem>>) {add = true}
              %dma_wait3A_592 = arith.constant 0 : i32
              %dma_wait3A_593 = arith.constant 0 : i32
              %dma_wait3A_594 = tpu.memref_slice %arg11[%dma_wait3A_592, %dma_wait3A_593] : memref<256x128xbf16, #tpu.memory_space<vmem>> -> memref<128x128xbf16, #tpu.memory_space<vmem>>
              %dma_wait3A_595 = arith.constant 0 : i32
              %dma_wait3A_596 = tpu.memref_slice %arg10[%and3A_562, %dma_wait3A_595] : memref<32x128xi32, #tpu.memory_space<vmem>> -> memref<1x128xi32, #tpu.memory_space<vmem>>
              %dma_wait3A_597 = tpu.memref_squeeze %dma_wait3A_596 : memref<1x128xi32, #tpu.memory_space<vmem>> -> memref<128xi32, #tpu.memory_space<vmem>>
              %dma_wait3A_598 = arith.constant 0 : i32
              %dma_wait3A_599 = arith.constant 0 : i32
              %dma_wait3A_600 = tpu.memref_slice %arg12[%dma_wait3A_598, %dma_wait3A_599] : memref<12800x128xbf16, #tpu.memory_space<vmem_shared>> -> memref<12800x128xbf16, #tpu.memory_space<vmem_shared>>
              tpu.wait_indirect_dma semaphore(%run_scoped3A : memref<!tpu.dma_semaphore, #tpu.memory_space<semaphore_mem>>) src(%dma_wait3A_594 : memref<128x128xbf16, #tpu.memory_space<vmem>>) dst(%dma_wait3A_600 : memref<12800x128xbf16, #tpu.memory_space<vmem_shared>>)
              tpu.yield
            }) : () -> ()
          } else {
          }
          %eq3A_569 = arith.constant 1 : i32
          %eq3A_570 = arith.cmpi eq, %and3A_564, %eq3A_569 : i32
          %convert_element_type3A_571 = arith.extui %eq3A_570 : i1 to i32
          %cond3A_572 = arith.constant 0 : i32
          %cond3A_573 = arith.cmpi ne, %convert_element_type3A_571, %cond3A_572 : i32
          scf.if %cond3A_573 {
            %dma_wait3A_574 = arith.constant 128 : i32
            %dma_wait3A_575 = arith.constant 0 : i32
            %dma_wait3A_576 = tpu.memref_slice %arg11[%dma_wait3A_574, %dma_wait3A_575] : memref<256x128xbf16, #tpu.memory_space<vmem>> -> memref<128x128xbf16, #tpu.memory_space<vmem>>
            %dma_wait3A_577 = arith.constant 0 : i32
            %dma_wait3A_578 = tpu.memref_slice %arg9[%and3A_562, %dma_wait3A_577] : memref<32x128xi32, #tpu.memory_space<vmem>> -> memref<1x128xi32, #tpu.memory_space<vmem>>
            %dma_wait3A_579 = tpu.memref_squeeze %dma_wait3A_578 : memref<1x128xi32, #tpu.memory_space<vmem>> -> memref<128xi32, #tpu.memory_space<vmem>>
            %dma_wait3A_580 = arith.constant 0 : i32
            %dma_wait3A_581 = arith.constant 0 : i32
            %dma_wait3A_582 = tpu.memref_slice %arg4[%dma_wait3A_580, %dma_wait3A_581] : memref<50688x128xbf16, #tpu.memory_space<hbm>> -> memref<50688x128xbf16, #tpu.memory_space<hbm>>
            tpu.wait_indirect_dma semaphore(%arg14 : memref<!tpu.dma_semaphore, #tpu.memory_space<semaphore_mem>>) src(%dma_wait3A_582 : memref<50688x128xbf16, #tpu.memory_space<hbm>>) dst(%dma_wait3A_576 : memref<128x128xbf16, #tpu.memory_space<vmem>>)
            "tpu.region"() ({
              %run_scoped3A = tpu.sem_alloc : memref<!tpu.dma_semaphore, #tpu.memory_space<semaphore_mem>>
              %dma_start3A_583 = arith.constant 128 : i32
              %dma_start3A_584 = arith.constant 0 : i32
              %dma_start3A_585 = tpu.memref_slice %arg11[%dma_start3A_583, %dma_start3A_584] : memref<256x128xbf16, #tpu.memory_space<vmem>> -> memref<128x128xbf16, #tpu.memory_space<vmem>>
              %dma_start3A_586 = arith.constant 0 : i32
              %dma_start3A_587 = tpu.memref_slice %arg10[%and3A_562, %dma_start3A_586] : memref<32x128xi32, #tpu.memory_space<vmem>> -> memref<1x128xi32, #tpu.memory_space<vmem>>
              %dma_start3A_588 = tpu.memref_squeeze %dma_start3A_587 : memref<1x128xi32, #tpu.memory_space<vmem>> -> memref<128xi32, #tpu.memory_space<vmem>>
              %dma_start3A_589 = arith.constant 0 : i32
              %dma_start3A_590 = arith.constant 0 : i32
              %dma_start3A_591 = tpu.memref_slice %arg12[%dma_start3A_589, %dma_start3A_590] : memref<12800x128xbf16, #tpu.memory_space<vmem_shared>> -> memref<12800x128xbf16, #tpu.memory_space<vmem_shared>>
              tpu.enqueue_indirect_dma source(%dma_start3A_585 : memref<128x128xbf16, #tpu.memory_space<vmem>>) target(%dma_start3A_591 : memref<12800x128xbf16, #tpu.memory_space<vmem_shared>>) offsets(%dma_start3A_588 : memref<128xi32, #tpu.memory_space<vmem>>) semaphore(%run_scoped3A : memref<!tpu.dma_semaphore, #tpu.memory_space<semaphore_mem>>) {add = true}
              %dma_wait3A_592 = arith.constant 128 : i32
              %dma_wait3A_593 = arith.constant 0 : i32
              %dma_wait3A_594 = tpu.memref_slice %arg11[%dma_wait3A_592, %dma_wait3A_593] : memref<256x128xbf16, #tpu.memory_space<vmem>> -> memref<128x128xbf16, #tpu.memory_space<vmem>>
              %dma_wait3A_595 = arith.constant 0 : i32
              %dma_wait3A_596 = tpu.memref_slice %arg10[%and3A_562, %dma_wait3A_595] : memref<32x128xi32, #tpu.memory_space<vmem>> -> memref<1x128xi32, #tpu.memory_space<vmem>>
              %dma_wait3A_597 = tpu.memref_squeeze %dma_wait3A_596 : memref<1x128xi32, #tpu.memory_space<vmem>> -> memref<128xi32, #tpu.memory_space<vmem>>
              %dma_wait3A_598 = arith.constant 0 : i32
              %dma_wait3A_599 = arith.constant 0 : i32
              %dma_wait3A_600 = tpu.memref_slice %arg12[%dma_wait3A_598, %dma_wait3A_599] : memref<12800x128xbf16, #tpu.memory_space<vmem_shared>> -> memref<12800x128xbf16, #tpu.memory_space<vmem_shared>>
              tpu.wait_indirect_dma semaphore(%run_scoped3A : memref<!tpu.dma_semaphore, #tpu.memory_space<semaphore_mem>>) src(%dma_wait3A_594 : memref<128x128xbf16, #tpu.memory_space<vmem>>) dst(%dma_wait3A_600 : memref<12800x128xbf16, #tpu.memory_space<vmem_shared>>)
              tpu.yield
            }) : () -> ()
          } else {
          }
        } else {
        }
        %convert_element_type3A_552 = arith.extui %reduce_or3A_544 : i1 to i32
        %cond3A_553 = arith.constant 0 : i32
        %cond3A_554 = arith.cmpi ne, %convert_element_type3A_552, %cond3A_553 : i32
        scf.if %cond3A_554 {
          %and3A_561 = arith.constant 31 : i32
          %and3A_562 = arith.andi %scan3A_499, %and3A_561 : i32
          %and3A_563 = arith.constant 1 : i32
          %and3A_564 = arith.andi %scan3A_499, %and3A_563 : i32
          %eq3A = arith.constant 0 : i32
          %eq3A_565 = arith.cmpi eq, %and3A_564, %eq3A : i32
          %convert_element_type3A_566 = arith.extui %eq3A_565 : i1 to i32
          %cond3A_567 = arith.constant 0 : i32
          %cond3A_568 = arith.cmpi ne, %convert_element_type3A_566, %cond3A_567 : i32
          scf.if %cond3A_568 {
            %dma_start3A_574 = arith.constant 0 : i32
            %dma_start3A_575 = arith.constant 0 : i32
            %dma_start3A_576 = tpu.memref_slice %arg11[%dma_start3A_574, %dma_start3A_575] : memref<256x128xbf16, #tpu.memory_space<vmem>> -> memref<128x128xbf16, #tpu.memory_space<vmem>>
            %dma_start3A_577 = arith.constant 0 : i32
            %dma_start3A_578 = tpu.memref_slice %arg9[%and3A_562, %dma_start3A_577] : memref<32x128xi32, #tpu.memory_space<vmem>> -> memref<1x128xi32, #tpu.memory_space<vmem>>
            %dma_start3A_579 = tpu.memref_squeeze %dma_start3A_578 : memref<1x128xi32, #tpu.memory_space<vmem>> -> memref<128xi32, #tpu.memory_space<vmem>>
            %dma_start3A_580 = arith.constant 0 : i32
            %dma_start3A_581 = arith.constant 0 : i32
            %dma_start3A_582 = tpu.memref_slice %arg4[%dma_start3A_580, %dma_start3A_581] : memref<50688x128xbf16, #tpu.memory_space<hbm>> -> memref<50688x128xbf16, #tpu.memory_space<hbm>>
            tpu.enqueue_indirect_dma source(%dma_start3A_582 : memref<50688x128xbf16, #tpu.memory_space<hbm>>) target(%dma_start3A_576 : memref<128x128xbf16, #tpu.memory_space<vmem>>) offsets(%dma_start3A_579 : memref<128xi32, #tpu.memory_space<vmem>>) semaphore(%arg13 : memref<!tpu.dma_semaphore, #tpu.memory_space<semaphore_mem>>)
          } else {
          }
          %eq3A_569 = arith.constant 1 : i32
          %eq3A_570 = arith.cmpi eq, %and3A_564, %eq3A_569 : i32
          %convert_element_type3A_571 = arith.extui %eq3A_570 : i1 to i32
          %cond3A_572 = arith.constant 0 : i32
          %cond3A_573 = arith.cmpi ne, %convert_element_type3A_571, %cond3A_572 : i32
          scf.if %cond3A_573 {
            %dma_start3A_574 = arith.constant 128 : i32
            %dma_start3A_575 = arith.constant 0 : i32
            %dma_start3A_576 = tpu.memref_slice %arg11[%dma_start3A_574, %dma_start3A_575] : memref<256x128xbf16, #tpu.memory_space<vmem>> -> memref<128x128xbf16, #tpu.memory_space<vmem>>
            %dma_start3A_577 = arith.constant 0 : i32
            %dma_start3A_578 = tpu.memref_slice %arg9[%and3A_562, %dma_start3A_577] : memref<32x128xi32, #tpu.memory_space<vmem>> -> memref<1x128xi32, #tpu.memory_space<vmem>>
            %dma_start3A_579 = tpu.memref_squeeze %dma_start3A_578 : memref<1x128xi32, #tpu.memory_space<vmem>> -> memref<128xi32, #tpu.memory_space<vmem>>
            %dma_start3A_580 = arith.constant 0 : i32
            %dma_start3A_581 = arith.constant 0 : i32
            %dma_start3A_582 = tpu.memref_slice %arg4[%dma_start3A_580, %dma_start3A_581] : memref<50688x128xbf16, #tpu.memory_space<hbm>> -> memref<50688x128xbf16, #tpu.memory_space<hbm>>
            tpu.enqueue_indirect_dma source(%dma_start3A_582 : memref<50688x128xbf16, #tpu.memory_space<hbm>>) target(%dma_start3A_576 : memref<128x128xbf16, #tpu.memory_space<vmem>>) offsets(%dma_start3A_579 : memref<128xi32, #tpu.memory_space<vmem>>) semaphore(%arg14 : memref<!tpu.dma_semaphore, #tpu.memory_space<semaphore_mem>>)
          } else {
          }
        } else {
        }
        %add3A_555 = arith.constant 1 : i32
        %add3A_556 = arith.addi %scan3A_500, %add3A_555 : i32
        %select_n3A_557 = arith.select %and3A_548, %add3A_556, %scan3A_500 : i32
        %add3A_558 = arith.constant 1 : i32
        %add3A_559 = arith.addi %scan3A_499, %add3A_558 : i32
        %select_n3A_560 = arith.select %reduce_or3A_544, %add3A_559, %scan3A_499 : i32
        scf.yield %add3A_528, %select_n3A_560, %select_n3A_557 : vector<16xi32>, i32, i32
      }
      %scan3A_496 = arith.constant 125 : i32
      scf.yield %scan3A_495#0, %scan3A_495#1, %scan3A_495#2 : vector<16xi32>, i32, i32
    }
    %scan3A_331 = arith.constant 25 : i32
    %reduce_max3A_332 = arith.constant true
    %reduce_max3A_333 = vector.broadcast %reduce_max3A_332 : i1 to vector<16xi1>
    %reduce_max3A_334 = arith.constant -2147483648 : i32
    %reduce_max3A_335 = vector.broadcast %reduce_max3A_334 : i32 to vector<16xi32>
    %reduce_max3A_336 = arith.xori %scan3A_330#0, %reduce_max3A_335 : vector<16xi32>
    %reduce_max3A_337 = tpu.scan <max>, %reduce_max3A_336 masked %reduce_max3A_333 : vector<16xi32>, vector<16xi1> -> vector<16xi32>
    %reduce_max3A_338 = arith.xori %reduce_max3A_337, %reduce_max3A_335 : vector<16xi32>
    %reduce_max3A_339 = vector.extract %reduce_max3A_338[15] : i32 from vector<16xi32>
    %add3A_340 = arith.constant 127 : i32
    %add3A_341 = arith.addi %reduce_max3A_339, %add3A_340 : i32
    %shift_right_logical3A_342 = arith.constant 7 : i32
    %shift_right_logical3A_343 = arith.shrui %add3A_341, %shift_right_logical3A_342 : i32
    %broadcast_in_dim3A_344 = arith.constant 0 : i32
    %broadcast_in_dim3A_345 = vector.broadcast %broadcast_in_dim3A_344 : i32 to vector<16xi32>
    %mul3A_346 = arith.constant 128 : i32
    %mul3A_347 = arith.muli %shift_right_logical3A_343, %mul3A_346 : i32
    %add3A_348 = vector.broadcast %mul3A_347 : i32 to vector<16xi32>
    %add3A_349 = arith.addi %broadcast_in_dim3A_345, %add3A_348 : vector<16xi32>
    %add3A_350 = arith.constant 0 : i32
    %add3A_351 = vector.broadcast %add3A_350 : i32 to vector<16xi32>
    %add3A_352 = arith.addi %scan3A_330#0, %add3A_351 : vector<16xi32>
    %add3A_353 = arith.addi %add3A_352, %iota3A : vector<16xi32>
    %lt3A_354 = arith.cmpi slt, %add3A_353, %add3A_349 : vector<16xi32>
    %shift_right_logical3A_355 = arith.constant 7 : i32
    %shift_right_logical3A_356 = vector.broadcast %shift_right_logical3A_355 : i32 to vector<16xi32>
    %shift_right_logical3A_357 = arith.shrui %add3A_353, %shift_right_logical3A_356 : vector<16xi32>
    %and3A_358 = arith.constant 31 : i32
    %and3A_359 = vector.broadcast %and3A_358 : i32 to vector<16xi32>
    %and3A_360 = arith.andi %shift_right_logical3A_357, %and3A_359 : vector<16xi32>
    %and3A_361 = arith.andi %add3A_353, %broadcast_in_dim3A_1 : vector<16xi32>
    tpu.vector_store_idx %arg9[%and3A_360, %and3A_361], %broadcast_in_dim3A_5 masked %lt3A_354 : memref<32x128xi32, #tpu.memory_space<vmem>>[vector<16xi32>, vector<16xi32>], vector<16xi32>, vector<16xi1>
    tpu.vector_store_idx %arg10[%and3A_360, %and3A_361], %broadcast_in_dim3A_3 masked %lt3A_354 : memref<32x128xi32, #tpu.memory_space<vmem>>[vector<16xi32>, vector<16xi32>], vector<16xi32>, vector<16xi1>
    %add3A_362 = arith.constant 16 : i32
    %add3A_363 = vector.broadcast %add3A_362 : i32 to vector<16xi32>
    %add3A_364 = arith.addi %scan3A_330#0, %add3A_363 : vector<16xi32>
    %add3A_365 = arith.addi %add3A_364, %iota3A : vector<16xi32>
    %lt3A_366 = arith.cmpi slt, %add3A_365, %add3A_349 : vector<16xi32>
    %shift_right_logical3A_367 = arith.constant 7 : i32
    %shift_right_logical3A_368 = vector.broadcast %shift_right_logical3A_367 : i32 to vector<16xi32>
    %shift_right_logical3A_369 = arith.shrui %add3A_365, %shift_right_logical3A_368 : vector<16xi32>
    %and3A_370 = arith.constant 31 : i32
    %and3A_371 = vector.broadcast %and3A_370 : i32 to vector<16xi32>
    %and3A_372 = arith.andi %shift_right_logical3A_369, %and3A_371 : vector<16xi32>
    %and3A_373 = arith.andi %add3A_365, %broadcast_in_dim3A_1 : vector<16xi32>
    tpu.vector_store_idx %arg9[%and3A_372, %and3A_373], %broadcast_in_dim3A_5 masked %lt3A_366 : memref<32x128xi32, #tpu.memory_space<vmem>>[vector<16xi32>, vector<16xi32>], vector<16xi32>, vector<16xi1>
    tpu.vector_store_idx %arg10[%and3A_372, %and3A_373], %broadcast_in_dim3A_3 masked %lt3A_366 : memref<32x128xi32, #tpu.memory_space<vmem>>[vector<16xi32>, vector<16xi32>], vector<16xi32>, vector<16xi1>
    %add3A_374 = arith.constant 32 : i32
    %add3A_375 = vector.broadcast %add3A_374 : i32 to vector<16xi32>
    %add3A_376 = arith.addi %scan3A_330#0, %add3A_375 : vector<16xi32>
    %add3A_377 = arith.addi %add3A_376, %iota3A : vector<16xi32>
    %lt3A_378 = arith.cmpi slt, %add3A_377, %add3A_349 : vector<16xi32>
    %shift_right_logical3A_379 = arith.constant 7 : i32
    %shift_right_logical3A_380 = vector.broadcast %shift_right_logical3A_379 : i32 to vector<16xi32>
    %shift_right_logical3A_381 = arith.shrui %add3A_377, %shift_right_logical3A_380 : vector<16xi32>
    %and3A_382 = arith.constant 31 : i32
    %and3A_383 = vector.broadcast %and3A_382 : i32 to vector<16xi32>
    %and3A_384 = arith.andi %shift_right_logical3A_381, %and3A_383 : vector<16xi32>
    %and3A_385 = arith.andi %add3A_377, %broadcast_in_dim3A_1 : vector<16xi32>
    tpu.vector_store_idx %arg9[%and3A_384, %and3A_385], %broadcast_in_dim3A_5 masked %lt3A_378 : memref<32x128xi32, #tpu.memory_space<vmem>>[vector<16xi32>, vector<16xi32>], vector<16xi32>, vector<16xi1>
    tpu.vector_store_idx %arg10[%and3A_384, %and3A_385], %broadcast_in_dim3A_3 masked %lt3A_378 : memref<32x128xi32, #tpu.memory_space<vmem>>[vector<16xi32>, vector<16xi32>], vector<16xi32>, vector<16xi1>
    %add3A_386 = arith.constant 48 : i32
    %add3A_387 = vector.broadcast %add3A_386 : i32 to vector<16xi32>
    %add3A_388 = arith.addi %scan3A_330#0, %add3A_387 : vector<16xi32>
    %add3A_389 = arith.addi %add3A_388, %iota3A : vector<16xi32>
    %lt3A_390 = arith.cmpi slt, %add3A_389, %add3A_349 : vector<16xi32>
    %shift_right_logical3A_391 = arith.constant 7 : i32
    %shift_right_logical3A_392 = vector.broadcast %shift_right_logical3A_391 : i32 to vector<16xi32>
    %shift_right_logical3A_393 = arith.shrui %add3A_389, %shift_right_logical3A_392 : vector<16xi32>
    %and3A_394 = arith.constant 31 : i32
    %and3A_395 = vector.broadcast %and3A_394 : i32 to vector<16xi32>
    %and3A_396 = arith.andi %shift_right_logical3A_393, %and3A_395 : vector<16xi32>
    %and3A_397 = arith.andi %add3A_389, %broadcast_in_dim3A_1 : vector<16xi32>
    tpu.vector_store_idx %arg9[%and3A_396, %and3A_397], %broadcast_in_dim3A_5 masked %lt3A_390 : memref<32x128xi32, #tpu.memory_space<vmem>>[vector<16xi32>, vector<16xi32>], vector<16xi32>, vector<16xi1>
    tpu.vector_store_idx %arg10[%and3A_396, %and3A_397], %broadcast_in_dim3A_3 masked %lt3A_390 : memref<32x128xi32, #tpu.memory_space<vmem>>[vector<16xi32>, vector<16xi32>], vector<16xi32>, vector<16xi1>
    %add3A_398 = arith.constant 64 : i32
    %add3A_399 = vector.broadcast %add3A_398 : i32 to vector<16xi32>
    %add3A_400 = arith.addi %scan3A_330#0, %add3A_399 : vector<16xi32>
    %add3A_401 = arith.addi %add3A_400, %iota3A : vector<16xi32>
    %lt3A_402 = arith.cmpi slt, %add3A_401, %add3A_349 : vector<16xi32>
    %shift_right_logical3A_403 = arith.constant 7 : i32
    %shift_right_logical3A_404 = vector.broadcast %shift_right_logical3A_403 : i32 to vector<16xi32>
    %shift_right_logical3A_405 = arith.shrui %add3A_401, %shift_right_logical3A_404 : vector<16xi32>
    %and3A_406 = arith.constant 31 : i32
    %and3A_407 = vector.broadcast %and3A_406 : i32 to vector<16xi32>
    %and3A_408 = arith.andi %shift_right_logical3A_405, %and3A_407 : vector<16xi32>
    %and3A_409 = arith.andi %add3A_401, %broadcast_in_dim3A_1 : vector<16xi32>
    tpu.vector_store_idx %arg9[%and3A_408, %and3A_409], %broadcast_in_dim3A_5 masked %lt3A_402 : memref<32x128xi32, #tpu.memory_space<vmem>>[vector<16xi32>, vector<16xi32>], vector<16xi32>, vector<16xi1>
    tpu.vector_store_idx %arg10[%and3A_408, %and3A_409], %broadcast_in_dim3A_3 masked %lt3A_402 : memref<32x128xi32, #tpu.memory_space<vmem>>[vector<16xi32>, vector<16xi32>], vector<16xi32>, vector<16xi1>
    %add3A_410 = arith.constant 80 : i32
    %add3A_411 = vector.broadcast %add3A_410 : i32 to vector<16xi32>
    %add3A_412 = arith.addi %scan3A_330#0, %add3A_411 : vector<16xi32>
    %add3A_413 = arith.addi %add3A_412, %iota3A : vector<16xi32>
    %lt3A_414 = arith.cmpi slt, %add3A_413, %add3A_349 : vector<16xi32>
    %shift_right_logical3A_415 = arith.constant 7 : i32
    %shift_right_logical3A_416 = vector.broadcast %shift_right_logical3A_415 : i32 to vector<16xi32>
    %shift_right_logical3A_417 = arith.shrui %add3A_413, %shift_right_logical3A_416 : vector<16xi32>
    %and3A_418 = arith.constant 31 : i32
    %and3A_419 = vector.broadcast %and3A_418 : i32 to vector<16xi32>
    %and3A_420 = arith.andi %shift_right_logical3A_417, %and3A_419 : vector<16xi32>
    %and3A_421 = arith.andi %add3A_413, %broadcast_in_dim3A_1 : vector<16xi32>
    tpu.vector_store_idx %arg9[%and3A_420, %and3A_421], %broadcast_in_dim3A_5 masked %lt3A_414 : memref<32x128xi32, #tpu.memory_space<vmem>>[vector<16xi32>, vector<16xi32>], vector<16xi32>, vector<16xi1>
    tpu.vector_store_idx %arg10[%and3A_420, %and3A_421], %broadcast_in_dim3A_3 masked %lt3A_414 : memref<32x128xi32, #tpu.memory_space<vmem>>[vector<16xi32>, vector<16xi32>], vector<16xi32>, vector<16xi1>
    %add3A_422 = arith.constant 96 : i32
    %add3A_423 = vector.broadcast %add3A_422 : i32 to vector<16xi32>
    %add3A_424 = arith.addi %scan3A_330#0, %add3A_423 : vector<16xi32>
    %add3A_425 = arith.addi %add3A_424, %iota3A : vector<16xi32>
    %lt3A_426 = arith.cmpi slt, %add3A_425, %add3A_349 : vector<16xi32>
    %shift_right_logical3A_427 = arith.constant 7 : i32
    %shift_right_logical3A_428 = vector.broadcast %shift_right_logical3A_427 : i32 to vector<16xi32>
    %shift_right_logical3A_429 = arith.shrui %add3A_425, %shift_right_logical3A_428 : vector<16xi32>
    %and3A_430 = arith.constant 31 : i32
    %and3A_431 = vector.broadcast %and3A_430 : i32 to vector<16xi32>
    %and3A_432 = arith.andi %shift_right_logical3A_429, %and3A_431 : vector<16xi32>
    %and3A_433 = arith.andi %add3A_425, %broadcast_in_dim3A_1 : vector<16xi32>
    tpu.vector_store_idx %arg9[%and3A_432, %and3A_433], %broadcast_in_dim3A_5 masked %lt3A_426 : memref<32x128xi32, #tpu.memory_space<vmem>>[vector<16xi32>, vector<16xi32>], vector<16xi32>, vector<16xi1>
    tpu.vector_store_idx %arg10[%and3A_432, %and3A_433], %broadcast_in_dim3A_3 masked %lt3A_426 : memref<32x128xi32, #tpu.memory_space<vmem>>[vector<16xi32>, vector<16xi32>], vector<16xi32>, vector<16xi1>
    %add3A_434 = arith.constant 112 : i32
    %add3A_435 = vector.broadcast %add3A_434 : i32 to vector<16xi32>
    %add3A_436 = arith.addi %scan3A_330#0, %add3A_435 : vector<16xi32>
    %add3A_437 = arith.addi %add3A_436, %iota3A : vector<16xi32>
    %lt3A_438 = arith.cmpi slt, %add3A_437, %add3A_349 : vector<16xi32>
    %shift_right_logical3A_439 = arith.constant 7 : i32
    %shift_right_logical3A_440 = vector.broadcast %shift_right_logical3A_439 : i32 to vector<16xi32>
    %shift_right_logical3A_441 = arith.shrui %add3A_437, %shift_right_logical3A_440 : vector<16xi32>
    %and3A_442 = arith.constant 31 : i32
    %and3A_443 = vector.broadcast %and3A_442 : i32 to vector<16xi32>
    %and3A_444 = arith.andi %shift_right_logical3A_441, %and3A_443 : vector<16xi32>
    %and3A_445 = arith.andi %add3A_437, %broadcast_in_dim3A_1 : vector<16xi32>
    tpu.vector_store_idx %arg9[%and3A_444, %and3A_445], %broadcast_in_dim3A_5 masked %lt3A_438 : memref<32x128xi32, #tpu.memory_space<vmem>>[vector<16xi32>, vector<16xi32>], vector<16xi32>, vector<16xi1>
    tpu.vector_store_idx %arg10[%and3A_444, %and3A_445], %broadcast_in_dim3A_3 masked %lt3A_438 : memref<32x128xi32, #tpu.memory_space<vmem>>[vector<16xi32>, vector<16xi32>], vector<16xi32>, vector<16xi1>
    %gt3A_446 = arith.cmpi sgt, %shift_right_logical3A_343, %scan3A_330#1 : i32
    %convert_element_type3A_447 = arith.extui %gt3A_446 : i1 to i32
    %cond3A_448 = arith.constant 0 : i32
    %cond3A_449 = arith.cmpi ne, %convert_element_type3A_447, %cond3A_448 : i32
    scf.if %cond3A_449 {
      %and3A_466 = arith.constant 31 : i32
      %and3A_467 = arith.andi %scan3A_330#1, %and3A_466 : i32
      %and3A_468 = arith.constant 1 : i32
      %and3A_469 = arith.andi %scan3A_330#1, %and3A_468 : i32
      %eq3A = arith.constant 0 : i32
      %eq3A_470 = arith.cmpi eq, %and3A_469, %eq3A : i32
      %convert_element_type3A_471 = arith.extui %eq3A_470 : i1 to i32
      %cond3A_472 = arith.constant 0 : i32
      %cond3A_473 = arith.cmpi ne, %convert_element_type3A_471, %cond3A_472 : i32
      scf.if %cond3A_473 {
        %dma_start3A_479 = arith.constant 0 : i32
        %dma_start3A_480 = arith.constant 0 : i32
        %dma_start3A_481 = tpu.memref_slice %arg11[%dma_start3A_479, %dma_start3A_480] : memref<256x128xbf16, #tpu.memory_space<vmem>> -> memref<128x128xbf16, #tpu.memory_space<vmem>>
        %dma_start3A_482 = arith.constant 0 : i32
        %dma_start3A_483 = tpu.memref_slice %arg9[%and3A_467, %dma_start3A_482] : memref<32x128xi32, #tpu.memory_space<vmem>> -> memref<1x128xi32, #tpu.memory_space<vmem>>
        %dma_start3A_484 = tpu.memref_squeeze %dma_start3A_483 : memref<1x128xi32, #tpu.memory_space<vmem>> -> memref<128xi32, #tpu.memory_space<vmem>>
        %dma_start3A_485 = arith.constant 0 : i32
        %dma_start3A_486 = arith.constant 0 : i32
        %dma_start3A_487 = tpu.memref_slice %arg4[%dma_start3A_485, %dma_start3A_486] : memref<50688x128xbf16, #tpu.memory_space<hbm>> -> memref<50688x128xbf16, #tpu.memory_space<hbm>>
        tpu.enqueue_indirect_dma source(%dma_start3A_487 : memref<50688x128xbf16, #tpu.memory_space<hbm>>) target(%dma_start3A_481 : memref<128x128xbf16, #tpu.memory_space<vmem>>) offsets(%dma_start3A_484 : memref<128xi32, #tpu.memory_space<vmem>>) semaphore(%arg13 : memref<!tpu.dma_semaphore, #tpu.memory_space<semaphore_mem>>)
      } else {
      }
      %eq3A_474 = arith.constant 1 : i32
      %eq3A_475 = arith.cmpi eq, %and3A_469, %eq3A_474 : i32
      %convert_element_type3A_476 = arith.extui %eq3A_475 : i1 to i32
      %cond3A_477 = arith.constant 0 : i32
      %cond3A_478 = arith.cmpi ne, %convert_element_type3A_476, %cond3A_477 : i32
      scf.if %cond3A_478 {
        %dma_start3A_479 = arith.constant 128 : i32
        %dma_start3A_480 = arith.constant 0 : i32
        %dma_start3A_481 = tpu.memref_slice %arg11[%dma_start3A_479, %dma_start3A_480] : memref<256x128xbf16, #tpu.memory_space<vmem>> -> memref<128x128xbf16, #tpu.memory_space<vmem>>
        %dma_start3A_482 = arith.constant 0 : i32
        %dma_start3A_483 = tpu.memref_slice %arg9[%and3A_467, %dma_start3A_482] : memref<32x128xi32, #tpu.memory_space<vmem>> -> memref<1x128xi32, #tpu.memory_space<vmem>>
        %dma_start3A_484 = tpu.memref_squeeze %dma_start3A_483 : memref<1x128xi32, #tpu.memory_space<vmem>> -> memref<128xi32, #tpu.memory_space<vmem>>
        %dma_start3A_485 = arith.constant 0 : i32
        %dma_start3A_486 = arith.constant 0 : i32
        %dma_start3A_487 = tpu.memref_slice %arg4[%dma_start3A_485, %dma_start3A_486] : memref<50688x128xbf16, #tpu.memory_space<hbm>> -> memref<50688x128xbf16, #tpu.memory_space<hbm>>
        tpu.enqueue_indirect_dma source(%dma_start3A_487 : memref<50688x128xbf16, #tpu.memory_space<hbm>>) target(%dma_start3A_481 : memref<128x128xbf16, #tpu.memory_space<vmem>>) offsets(%dma_start3A_484 : memref<128xi32, #tpu.memory_space<vmem>>) semaphore(%arg14 : memref<!tpu.dma_semaphore, #tpu.memory_space<semaphore_mem>>)
      } else {
      }
    } else {
    }
    %while3A_450 = arith.constant 0 : i32
    %while3A_451 = arith.subi %shift_right_logical3A_343, %scan3A_330#2 : i32
    %while3A_452 = arith.addi %scan3A_330#2, %while3A_451 : i32
    %while3A_453 = arith.constant 1 : i32
    %while3A_454 = arith.divsi %while3A_451, %while3A_453 : i32
    %while3A_455 = arith.muli %while3A_454, %while3A_453 : i32
    %while3A_456 = arith.addi %scan3A_330#2, %while3A_455 : i32
    %while3A_457 = arith.constant 1 : i32
    scf.for %while3A_466 = %scan3A_330#2 to %while3A_456 step %while3A_457  : i32 {
      %and3A_467 = arith.constant 31 : i32
      %and3A_468 = arith.andi %while3A_466, %and3A_467 : i32
      %and3A_469 = arith.constant 1 : i32
      %and3A_470 = arith.andi %while3A_466, %and3A_469 : i32
      %eq3A = arith.constant 0 : i32
      %eq3A_471 = arith.cmpi eq, %and3A_470, %eq3A : i32
      %convert_element_type3A_472 = arith.extui %eq3A_471 : i1 to i32
      %cond3A_473 = arith.constant 0 : i32
      %cond3A_474 = arith.cmpi ne, %convert_element_type3A_472, %cond3A_473 : i32
      scf.if %cond3A_474 {
        %dma_wait3A = arith.constant 0 : i32
        %dma_wait3A_480 = arith.constant 0 : i32
        %dma_wait3A_481 = tpu.memref_slice %arg11[%dma_wait3A, %dma_wait3A_480] : memref<256x128xbf16, #tpu.memory_space<vmem>> -> memref<128x128xbf16, #tpu.memory_space<vmem>>
        %dma_wait3A_482 = arith.constant 0 : i32
        %dma_wait3A_483 = tpu.memref_slice %arg9[%and3A_468, %dma_wait3A_482] : memref<32x128xi32, #tpu.memory_space<vmem>> -> memref<1x128xi32, #tpu.memory_space<vmem>>
        %dma_wait3A_484 = tpu.memref_squeeze %dma_wait3A_483 : memref<1x128xi32, #tpu.memory_space<vmem>> -> memref<128xi32, #tpu.memory_space<vmem>>
        %dma_wait3A_485 = arith.constant 0 : i32
        %dma_wait3A_486 = arith.constant 0 : i32
        %dma_wait3A_487 = tpu.memref_slice %arg4[%dma_wait3A_485, %dma_wait3A_486] : memref<50688x128xbf16, #tpu.memory_space<hbm>> -> memref<50688x128xbf16, #tpu.memory_space<hbm>>
        tpu.wait_indirect_dma semaphore(%arg13 : memref<!tpu.dma_semaphore, #tpu.memory_space<semaphore_mem>>) src(%dma_wait3A_487 : memref<50688x128xbf16, #tpu.memory_space<hbm>>) dst(%dma_wait3A_481 : memref<128x128xbf16, #tpu.memory_space<vmem>>)
        "tpu.region"() ({
          %run_scoped3A = tpu.sem_alloc : memref<!tpu.dma_semaphore, #tpu.memory_space<semaphore_mem>>
          %dma_start3A_488 = arith.constant 0 : i32
          %dma_start3A_489 = arith.constant 0 : i32
          %dma_start3A_490 = tpu.memref_slice %arg11[%dma_start3A_488, %dma_start3A_489] : memref<256x128xbf16, #tpu.memory_space<vmem>> -> memref<128x128xbf16, #tpu.memory_space<vmem>>
          %dma_start3A_491 = arith.constant 0 : i32
          %dma_start3A_492 = tpu.memref_slice %arg10[%and3A_468, %dma_start3A_491] : memref<32x128xi32, #tpu.memory_space<vmem>> -> memref<1x128xi32, #tpu.memory_space<vmem>>
          %dma_start3A_493 = tpu.memref_squeeze %dma_start3A_492 : memref<1x128xi32, #tpu.memory_space<vmem>> -> memref<128xi32, #tpu.memory_space<vmem>>
          %dma_start3A_494 = arith.constant 0 : i32
          %dma_start3A_495 = arith.constant 0 : i32
          %dma_start3A_496 = tpu.memref_slice %arg12[%dma_start3A_494, %dma_start3A_495] : memref<12800x128xbf16, #tpu.memory_space<vmem_shared>> -> memref<12800x128xbf16, #tpu.memory_space<vmem_shared>>
          tpu.enqueue_indirect_dma source(%dma_start3A_490 : memref<128x128xbf16, #tpu.memory_space<vmem>>) target(%dma_start3A_496 : memref<12800x128xbf16, #tpu.memory_space<vmem_shared>>) offsets(%dma_start3A_493 : memref<128xi32, #tpu.memory_space<vmem>>) semaphore(%run_scoped3A : memref<!tpu.dma_semaphore, #tpu.memory_space<semaphore_mem>>) {add = true}
          %dma_wait3A_497 = arith.constant 0 : i32
          %dma_wait3A_498 = arith.constant 0 : i32
          %dma_wait3A_499 = tpu.memref_slice %arg11[%dma_wait3A_497, %dma_wait3A_498] : memref<256x128xbf16, #tpu.memory_space<vmem>> -> memref<128x128xbf16, #tpu.memory_space<vmem>>
          %dma_wait3A_500 = arith.constant 0 : i32
          %dma_wait3A_501 = tpu.memref_slice %arg10[%and3A_468, %dma_wait3A_500] : memref<32x128xi32, #tpu.memory_space<vmem>> -> memref<1x128xi32, #tpu.memory_space<vmem>>
          %dma_wait3A_502 = tpu.memref_squeeze %dma_wait3A_501 : memref<1x128xi32, #tpu.memory_space<vmem>> -> memref<128xi32, #tpu.memory_space<vmem>>
          %dma_wait3A_503 = arith.constant 0 : i32
          %dma_wait3A_504 = arith.constant 0 : i32
          %dma_wait3A_505 = tpu.memref_slice %arg12[%dma_wait3A_503, %dma_wait3A_504] : memref<12800x128xbf16, #tpu.memory_space<vmem_shared>> -> memref<12800x128xbf16, #tpu.memory_space<vmem_shared>>
          tpu.wait_indirect_dma semaphore(%run_scoped3A : memref<!tpu.dma_semaphore, #tpu.memory_space<semaphore_mem>>) src(%dma_wait3A_499 : memref<128x128xbf16, #tpu.memory_space<vmem>>) dst(%dma_wait3A_505 : memref<12800x128xbf16, #tpu.memory_space<vmem_shared>>)
          tpu.yield
        }) : () -> ()
      } else {
      }
      %eq3A_475 = arith.constant 1 : i32
      %eq3A_476 = arith.cmpi eq, %and3A_470, %eq3A_475 : i32
      %convert_element_type3A_477 = arith.extui %eq3A_476 : i1 to i32
      %cond3A_478 = arith.constant 0 : i32
      %cond3A_479 = arith.cmpi ne, %convert_element_type3A_477, %cond3A_478 : i32
      scf.if %cond3A_479 {
        %dma_wait3A = arith.constant 128 : i32
        %dma_wait3A_480 = arith.constant 0 : i32
        %dma_wait3A_481 = tpu.memref_slice %arg11[%dma_wait3A, %dma_wait3A_480] : memref<256x128xbf16, #tpu.memory_space<vmem>> -> memref<128x128xbf16, #tpu.memory_space<vmem>>
        %dma_wait3A_482 = arith.constant 0 : i32
        %dma_wait3A_483 = tpu.memref_slice %arg9[%and3A_468, %dma_wait3A_482] : memref<32x128xi32, #tpu.memory_space<vmem>> -> memref<1x128xi32, #tpu.memory_space<vmem>>
        %dma_wait3A_484 = tpu.memref_squeeze %dma_wait3A_483 : memref<1x128xi32, #tpu.memory_space<vmem>> -> memref<128xi32, #tpu.memory_space<vmem>>
        %dma_wait3A_485 = arith.constant 0 : i32
        %dma_wait3A_486 = arith.constant 0 : i32
        %dma_wait3A_487 = tpu.memref_slice %arg4[%dma_wait3A_485, %dma_wait3A_486] : memref<50688x128xbf16, #tpu.memory_space<hbm>> -> memref<50688x128xbf16, #tpu.memory_space<hbm>>
        tpu.wait_indirect_dma semaphore(%arg14 : memref<!tpu.dma_semaphore, #tpu.memory_space<semaphore_mem>>) src(%dma_wait3A_487 : memref<50688x128xbf16, #tpu.memory_space<hbm>>) dst(%dma_wait3A_481 : memref<128x128xbf16, #tpu.memory_space<vmem>>)
        "tpu.region"() ({
          %run_scoped3A = tpu.sem_alloc : memref<!tpu.dma_semaphore, #tpu.memory_space<semaphore_mem>>
          %dma_start3A_488 = arith.constant 128 : i32
          %dma_start3A_489 = arith.constant 0 : i32
          %dma_start3A_490 = tpu.memref_slice %arg11[%dma_start3A_488, %dma_start3A_489] : memref<256x128xbf16, #tpu.memory_space<vmem>> -> memref<128x128xbf16, #tpu.memory_space<vmem>>
          %dma_start3A_491 = arith.constant 0 : i32
          %dma_start3A_492 = tpu.memref_slice %arg10[%and3A_468, %dma_start3A_491] : memref<32x128xi32, #tpu.memory_space<vmem>> -> memref<1x128xi32, #tpu.memory_space<vmem>>
          %dma_start3A_493 = tpu.memref_squeeze %dma_start3A_492 : memref<1x128xi32, #tpu.memory_space<vmem>> -> memref<128xi32, #tpu.memory_space<vmem>>
          %dma_start3A_494 = arith.constant 0 : i32
          %dma_start3A_495 = arith.constant 0 : i32
          %dma_start3A_496 = tpu.memref_slice %arg12[%dma_start3A_494, %dma_start3A_495] : memref<12800x128xbf16, #tpu.memory_space<vmem_shared>> -> memref<12800x128xbf16, #tpu.memory_space<vmem_shared>>
          tpu.enqueue_indirect_dma source(%dma_start3A_490 : memref<128x128xbf16, #tpu.memory_space<vmem>>) target(%dma_start3A_496 : memref<12800x128xbf16, #tpu.memory_space<vmem_shared>>) offsets(%dma_start3A_493 : memref<128xi32, #tpu.memory_space<vmem>>) semaphore(%run_scoped3A : memref<!tpu.dma_semaphore, #tpu.memory_space<semaphore_mem>>) {add = true}
          %dma_wait3A_497 = arith.constant 128 : i32
          %dma_wait3A_498 = arith.constant 0 : i32
          %dma_wait3A_499 = tpu.memref_slice %arg11[%dma_wait3A_497, %dma_wait3A_498] : memref<256x128xbf16, #tpu.memory_space<vmem>> -> memref<128x128xbf16, #tpu.memory_space<vmem>>
          %dma_wait3A_500 = arith.constant 0 : i32
          %dma_wait3A_501 = tpu.memref_slice %arg10[%and3A_468, %dma_wait3A_500] : memref<32x128xi32, #tpu.memory_space<vmem>> -> memref<1x128xi32, #tpu.memory_space<vmem>>
          %dma_wait3A_502 = tpu.memref_squeeze %dma_wait3A_501 : memref<1x128xi32, #tpu.memory_space<vmem>> -> memref<128xi32, #tpu.memory_space<vmem>>
          %dma_wait3A_503 = arith.constant 0 : i32
          %dma_wait3A_504 = arith.constant 0 : i32
          %dma_wait3A_505 = tpu.memref_slice %arg12[%dma_wait3A_503, %dma_wait3A_504] : memref<12800x128xbf16, #tpu.memory_space<vmem_shared>> -> memref<12800x128xbf16, #tpu.memory_space<vmem_shared>>
          tpu.wait_indirect_dma semaphore(%run_scoped3A : memref<!tpu.dma_semaphore, #tpu.memory_space<semaphore_mem>>) src(%dma_wait3A_499 : memref<128x128xbf16, #tpu.memory_space<vmem>>) dst(%dma_wait3A_505 : memref<12800x128xbf16, #tpu.memory_space<vmem_shared>>)
          tpu.yield
        }) : () -> ()
      } else {
      }
    }
    %while3A_458 = arith.constant 1 : i32
    scf.for %while3A_466 = %while3A_456 to %while3A_452 step %while3A_458  : i32 {
      %and3A_467 = arith.constant 31 : i32
      %and3A_468 = arith.andi %while3A_466, %and3A_467 : i32
      %and3A_469 = arith.constant 1 : i32
      %and3A_470 = arith.andi %while3A_466, %and3A_469 : i32
      %eq3A = arith.constant 0 : i32
      %eq3A_471 = arith.cmpi eq, %and3A_470, %eq3A : i32
      %convert_element_type3A_472 = arith.extui %eq3A_471 : i1 to i32
      %cond3A_473 = arith.constant 0 : i32
      %cond3A_474 = arith.cmpi ne, %convert_element_type3A_472, %cond3A_473 : i32
      scf.if %cond3A_474 {
        %dma_wait3A = arith.constant 0 : i32
        %dma_wait3A_480 = arith.constant 0 : i32
        %dma_wait3A_481 = tpu.memref_slice %arg11[%dma_wait3A, %dma_wait3A_480] : memref<256x128xbf16, #tpu.memory_space<vmem>> -> memref<128x128xbf16, #tpu.memory_space<vmem>>
        %dma_wait3A_482 = arith.constant 0 : i32
        %dma_wait3A_483 = tpu.memref_slice %arg9[%and3A_468, %dma_wait3A_482] : memref<32x128xi32, #tpu.memory_space<vmem>> -> memref<1x128xi32, #tpu.memory_space<vmem>>
        %dma_wait3A_484 = tpu.memref_squeeze %dma_wait3A_483 : memref<1x128xi32, #tpu.memory_space<vmem>> -> memref<128xi32, #tpu.memory_space<vmem>>
        %dma_wait3A_485 = arith.constant 0 : i32
        %dma_wait3A_486 = arith.constant 0 : i32
        %dma_wait3A_487 = tpu.memref_slice %arg4[%dma_wait3A_485, %dma_wait3A_486] : memref<50688x128xbf16, #tpu.memory_space<hbm>> -> memref<50688x128xbf16, #tpu.memory_space<hbm>>
        tpu.wait_indirect_dma semaphore(%arg13 : memref<!tpu.dma_semaphore, #tpu.memory_space<semaphore_mem>>) src(%dma_wait3A_487 : memref<50688x128xbf16, #tpu.memory_space<hbm>>) dst(%dma_wait3A_481 : memref<128x128xbf16, #tpu.memory_space<vmem>>)
        "tpu.region"() ({
          %run_scoped3A = tpu.sem_alloc : memref<!tpu.dma_semaphore, #tpu.memory_space<semaphore_mem>>
          %dma_start3A_488 = arith.constant 0 : i32
          %dma_start3A_489 = arith.constant 0 : i32
          %dma_start3A_490 = tpu.memref_slice %arg11[%dma_start3A_488, %dma_start3A_489] : memref<256x128xbf16, #tpu.memory_space<vmem>> -> memref<128x128xbf16, #tpu.memory_space<vmem>>
          %dma_start3A_491 = arith.constant 0 : i32
          %dma_start3A_492 = tpu.memref_slice %arg10[%and3A_468, %dma_start3A_491] : memref<32x128xi32, #tpu.memory_space<vmem>> -> memref<1x128xi32, #tpu.memory_space<vmem>>
          %dma_start3A_493 = tpu.memref_squeeze %dma_start3A_492 : memref<1x128xi32, #tpu.memory_space<vmem>> -> memref<128xi32, #tpu.memory_space<vmem>>
          %dma_start3A_494 = arith.constant 0 : i32
          %dma_start3A_495 = arith.constant 0 : i32
          %dma_start3A_496 = tpu.memref_slice %arg12[%dma_start3A_494, %dma_start3A_495] : memref<12800x128xbf16, #tpu.memory_space<vmem_shared>> -> memref<12800x128xbf16, #tpu.memory_space<vmem_shared>>
          tpu.enqueue_indirect_dma source(%dma_start3A_490 : memref<128x128xbf16, #tpu.memory_space<vmem>>) target(%dma_start3A_496 : memref<12800x128xbf16, #tpu.memory_space<vmem_shared>>) offsets(%dma_start3A_493 : memref<128xi32, #tpu.memory_space<vmem>>) semaphore(%run_scoped3A : memref<!tpu.dma_semaphore, #tpu.memory_space<semaphore_mem>>) {add = true}
          %dma_wait3A_497 = arith.constant 0 : i32
          %dma_wait3A_498 = arith.constant 0 : i32
          %dma_wait3A_499 = tpu.memref_slice %arg11[%dma_wait3A_497, %dma_wait3A_498] : memref<256x128xbf16, #tpu.memory_space<vmem>> -> memref<128x128xbf16, #tpu.memory_space<vmem>>
          %dma_wait3A_500 = arith.constant 0 : i32
          %dma_wait3A_501 = tpu.memref_slice %arg10[%and3A_468, %dma_wait3A_500] : memref<32x128xi32, #tpu.memory_space<vmem>> -> memref<1x128xi32, #tpu.memory_space<vmem>>
          %dma_wait3A_502 = tpu.memref_squeeze %dma_wait3A_501 : memref<1x128xi32, #tpu.memory_space<vmem>> -> memref<128xi32, #tpu.memory_space<vmem>>
          %dma_wait3A_503 = arith.constant 0 : i32
          %dma_wait3A_504 = arith.constant 0 : i32
          %dma_wait3A_505 = tpu.memref_slice %arg12[%dma_wait3A_503, %dma_wait3A_504] : memref<12800x128xbf16, #tpu.memory_space<vmem_shared>> -> memref<12800x128xbf16, #tpu.memory_space<vmem_shared>>
          tpu.wait_indirect_dma semaphore(%run_scoped3A : memref<!tpu.dma_semaphore, #tpu.memory_space<semaphore_mem>>) src(%dma_wait3A_499 : memref<128x128xbf16, #tpu.memory_space<vmem>>) dst(%dma_wait3A_505 : memref<12800x128xbf16, #tpu.memory_space<vmem_shared>>)
          tpu.yield
        }) : () -> ()
      } else {
      }
      %eq3A_475 = arith.constant 1 : i32
      %eq3A_476 = arith.cmpi eq, %and3A_470, %eq3A_475 : i32
      %convert_element_type3A_477 = arith.extui %eq3A_476 : i1 to i32
      %cond3A_478 = arith.constant 0 : i32
      %cond3A_479 = arith.cmpi ne, %convert_element_type3A_477, %cond3A_478 : i32
      scf.if %cond3A_479 {
        %dma_wait3A = arith.constant 128 : i32
        %dma_wait3A_480 = arith.constant 0 : i32
        %dma_wait3A_481 = tpu.memref_slice %arg11[%dma_wait3A, %dma_wait3A_480] : memref<256x128xbf16, #tpu.memory_space<vmem>> -> memref<128x128xbf16, #tpu.memory_space<vmem>>
        %dma_wait3A_482 = arith.constant 0 : i32
        %dma_wait3A_483 = tpu.memref_slice %arg9[%and3A_468, %dma_wait3A_482] : memref<32x128xi32, #tpu.memory_space<vmem>> -> memref<1x128xi32, #tpu.memory_space<vmem>>
        %dma_wait3A_484 = tpu.memref_squeeze %dma_wait3A_483 : memref<1x128xi32, #tpu.memory_space<vmem>> -> memref<128xi32, #tpu.memory_space<vmem>>
        %dma_wait3A_485 = arith.constant 0 : i32
        %dma_wait3A_486 = arith.constant 0 : i32
        %dma_wait3A_487 = tpu.memref_slice %arg4[%dma_wait3A_485, %dma_wait3A_486] : memref<50688x128xbf16, #tpu.memory_space<hbm>> -> memref<50688x128xbf16, #tpu.memory_space<hbm>>
        tpu.wait_indirect_dma semaphore(%arg14 : memref<!tpu.dma_semaphore, #tpu.memory_space<semaphore_mem>>) src(%dma_wait3A_487 : memref<50688x128xbf16, #tpu.memory_space<hbm>>) dst(%dma_wait3A_481 : memref<128x128xbf16, #tpu.memory_space<vmem>>)
        "tpu.region"() ({
          %run_scoped3A = tpu.sem_alloc : memref<!tpu.dma_semaphore, #tpu.memory_space<semaphore_mem>>
          %dma_start3A_488 = arith.constant 128 : i32
          %dma_start3A_489 = arith.constant 0 : i32
          %dma_start3A_490 = tpu.memref_slice %arg11[%dma_start3A_488, %dma_start3A_489] : memref<256x128xbf16, #tpu.memory_space<vmem>> -> memref<128x128xbf16, #tpu.memory_space<vmem>>
          %dma_start3A_491 = arith.constant 0 : i32
          %dma_start3A_492 = tpu.memref_slice %arg10[%and3A_468, %dma_start3A_491] : memref<32x128xi32, #tpu.memory_space<vmem>> -> memref<1x128xi32, #tpu.memory_space<vmem>>
          %dma_start3A_493 = tpu.memref_squeeze %dma_start3A_492 : memref<1x128xi32, #tpu.memory_space<vmem>> -> memref<128xi32, #tpu.memory_space<vmem>>
          %dma_start3A_494 = arith.constant 0 : i32
          %dma_start3A_495 = arith.constant 0 : i32
          %dma_start3A_496 = tpu.memref_slice %arg12[%dma_start3A_494, %dma_start3A_495] : memref<12800x128xbf16, #tpu.memory_space<vmem_shared>> -> memref<12800x128xbf16, #tpu.memory_space<vmem_shared>>
          tpu.enqueue_indirect_dma source(%dma_start3A_490 : memref<128x128xbf16, #tpu.memory_space<vmem>>) target(%dma_start3A_496 : memref<12800x128xbf16, #tpu.memory_space<vmem_shared>>) offsets(%dma_start3A_493 : memref<128xi32, #tpu.memory_space<vmem>>) semaphore(%run_scoped3A : memref<!tpu.dma_semaphore, #tpu.memory_space<semaphore_mem>>) {add = true}
          %dma_wait3A_497 = arith.constant 128 : i32
          %dma_wait3A_498 = arith.constant 0 : i32
          %dma_wait3A_499 = tpu.memref_slice %arg11[%dma_wait3A_497, %dma_wait3A_498] : memref<256x128xbf16, #tpu.memory_space<vmem>> -> memref<128x128xbf16, #tpu.memory_space<vmem>>
          %dma_wait3A_500 = arith.constant 0 : i32
          %dma_wait3A_501 = tpu.memref_slice %arg10[%and3A_468, %dma_wait3A_500] : memref<32x128xi32, #tpu.memory_space<vmem>> -> memref<1x128xi32, #tpu.memory_space<vmem>>
          %dma_wait3A_502 = tpu.memref_squeeze %dma_wait3A_501 : memref<1x128xi32, #tpu.memory_space<vmem>> -> memref<128xi32, #tpu.memory_space<vmem>>
          %dma_wait3A_503 = arith.constant 0 : i32
          %dma_wait3A_504 = arith.constant 0 : i32
          %dma_wait3A_505 = tpu.memref_slice %arg12[%dma_wait3A_503, %dma_wait3A_504] : memref<12800x128xbf16, #tpu.memory_space<vmem_shared>> -> memref<12800x128xbf16, #tpu.memory_space<vmem_shared>>
          tpu.wait_indirect_dma semaphore(%run_scoped3A : memref<!tpu.dma_semaphore, #tpu.memory_space<semaphore_mem>>) src(%dma_wait3A_499 : memref<128x128xbf16, #tpu.memory_space<vmem>>) dst(%dma_wait3A_505 : memref<12800x128xbf16, #tpu.memory_space<vmem_shared>>)
          tpu.yield
        }) : () -> ()
      } else {
      }
    }
    %barrier3A_459 = arith.constant 0 : index
    tpu.barrier barrier_id(%barrier3A_459)
    %mul3A_460 = arith.constant 792 : i32
    %mul3A_461 = arith.muli %arg1, %mul3A_460 : i32
    %mul3A_462 = arith.constant 792 : i32
    %mul3A_463 = arith.muli %arg1, %mul3A_462 : i32
    %add3A_464 = arith.addi %mul3A_235, %mul3A_463 : i32
    "tpu.region"() ({
      %run_scoped3A = tpu.sem_alloc : memref<!tpu.dma_semaphore, #tpu.memory_space<semaphore_mem>>
      %dma_start3A_466 = arith.constant 0 : i32
      %dma_start3A_467 = tpu.memref_slice %arg6[%add3A_464, %dma_start3A_466] : memref<50688x128xbf16, #tpu.memory_space<hbm>> -> memref<792x128xbf16, #tpu.memory_space<hbm>>
      %dma_start3A_468 = arith.constant 0 : i32
      %dma_start3A_469 = tpu.memref_slice %arg12[%mul3A_461, %dma_start3A_468] : memref<12800x128xbf16, #tpu.memory_space<vmem_shared>> -> memref<792x128xbf16, #tpu.memory_space<vmem_shared>>
      tpu.enqueue_dma source(%dma_start3A_469 : memref<792x128xbf16, #tpu.memory_space<vmem_shared>>) target(%dma_start3A_467 : memref<792x128xbf16, #tpu.memory_space<hbm>>) target_semaphore(%run_scoped3A : memref<!tpu.dma_semaphore, #tpu.memory_space<semaphore_mem>>)
      %dma_wait3A = arith.constant 0 : i32
      %dma_wait3A_470 = tpu.memref_slice %arg6[%add3A_464, %dma_wait3A] : memref<50688x128xbf16, #tpu.memory_space<hbm>> -> memref<792x128xbf16, #tpu.memory_space<hbm>>
      %dma_wait3A_471 = arith.constant 0 : i32
      %dma_wait3A_472 = tpu.memref_slice %arg12[%mul3A_461, %dma_wait3A_471] : memref<12800x128xbf16, #tpu.memory_space<vmem_shared>> -> memref<792x128xbf16, #tpu.memory_space<vmem_shared>>
      tpu.wait_dma2 semaphore(%run_scoped3A : memref<!tpu.dma_semaphore, #tpu.memory_space<semaphore_mem>>) src(%dma_wait3A_472 : memref<792x128xbf16, #tpu.memory_space<vmem_shared>>) dst(%dma_wait3A_470 : memref<792x128xbf16, #tpu.memory_space<hbm>>)
      tpu.yield
    }) : () -> ()
    %barrier3A_465 = arith.constant 0 : index
    tpu.barrier barrier_id(%barrier3A_465)
    return
  }
}

module attributes {stable_mosaic.version = 14 : i64} {
  func.func @body(%arg0: i32, %arg1: memref<1056x8xf32, #tpu.memory_space<vmem>>, %arg2: memref<1056x4xf32, #tpu.memory_space<vmem>>, %arg3: memref<128x8xf32, #tpu.memory_space<vmem>>, %arg4: memref<1x128xf32, #tpu.memory_space<vmem>>, %arg5: memref<1056x128xbf16, #tpu.memory_space<vmem>>) attributes {dimension_semantics = [#tpu.dimension_semantics<arbitrary>], iteration_bounds = array<i64: 48>, scalar_prefetch = 0 : i64, scratch_operands = 0 : i64, tpu.core_type = #tpu.core_type<tc>, window_params = [{transform_indices = @transform_0, window_bounds = array<i64: 1056, 8>}, {transform_indices = @transform_1, window_bounds = array<i64: 1056, 4>}, {pipeline_mode = #tpu.pipeline_mode<synchronous>, transform_indices = @transform_2, window_bounds = array<i64: 128, 8>}, {pipeline_mode = #tpu.pipeline_mode<synchronous>, transform_indices = @transform_3, window_bounds = array<i64: 1, 128>}, {transform_indices = @transform_4, window_bounds = array<i64: 1056, 128>}]} {
    %get3A = arith.constant 0 : index
    %get3A_0 = arith.constant 0 : index
    %get3A_1 = vector.load %arg1[%get3A, %get3A_0] : memref<1056x8xf32, #tpu.memory_space<vmem>>, vector<1056x8xf32>
    %slice3A = vector.extract_strided_slice %get3A_1 {offsets = [0, 4], sizes = [1056, 1], strides = [1, 1]} : vector<1056x8xf32> to vector<1056x1xf32>
    %max3A = arith.constant 1.000000e+00 : f32
    %max3A_2 = vector.broadcast %max3A : f32 to vector<1056x1xf32>
    %max3A_3 = arith.maximumf %slice3A, %max3A_2 : vector<1056x1xf32>
    %slice3A_4 = vector.extract_strided_slice %get3A_1 {offsets = [0, 0], sizes = [1056, 4], strides = [1, 1]} : vector<1056x8xf32> to vector<1056x4xf32>
    %div3A = vector.broadcast %max3A_3 : vector<1056x1xf32> to vector<1056x4xf32>
    %div3A_5 = arith.divf %slice3A_4, %div3A : vector<1056x4xf32>
    %get3A_6 = arith.constant 0 : index
    %get3A_7 = arith.constant 0 : index
    %get3A_8 = vector.load %arg2[%get3A_6, %get3A_7] : memref<1056x4xf32, #tpu.memory_space<vmem>>, vector<1056x4xf32>
    %concatenate3A = tpu.concatenate %div3A_5, %get3A_8 in 1 : vector<1056x4xf32>, vector<1056x4xf32> -> vector<1056x8xf32>
    %get3A_9 = arith.constant 0 : index
    %get3A_10 = arith.constant 0 : index
    %get3A_11 = vector.load %arg3[%get3A_9, %get3A_10] : memref<128x8xf32, #tpu.memory_space<vmem>>, vector<128x8xf32>
    %dot_general3A = arith.constant dense<0.000000e+00> : vector<1056x128xf32>
    %dot_general3A_12 = tpu.matmul %concatenate3A, %get3A_11, %dot_general3A {dimension_numbers = #tpu.dot_dimension_numbers<[1], [1], [0], [0], [0, 0, 1, 0], [], []>, transpose_lhs_hint = false} : vector<1056x8xf32>, vector<128x8xf32>, vector<1056x128xf32> -> vector<1056x128xf32>
    %get3A_13 = arith.constant 0 : index
    %get3A_14 = arith.constant 0 : index
    %get3A_15 = vector.load %arg4[%get3A_13, %get3A_14] : memref<1x128xf32, #tpu.memory_space<vmem>>, vector<1x128xf32>
    %add3A = vector.broadcast %get3A_15 : vector<1x128xf32> to vector<1056x128xf32>
    %add3A_16 = arith.addf %dot_general3A_12, %add3A : vector<1056x128xf32>
    %max3A_17 = arith.constant 0.000000e+00 : f32
    %max3A_18 = vector.broadcast %max3A_17 : f32 to vector<1056x128xf32>
    %max3A_19 = arith.maximumf %add3A_16, %max3A_18 : vector<1056x128xf32>
    %convert_element_type3A = arith.truncf %max3A_19 : vector<1056x128xf32> to vector<1056x128xbf16>
    %swap3A = arith.constant 0 : index
    %swap3A_20 = arith.constant 0 : index
    %swap3A_21 = vector.load %arg5[%swap3A, %swap3A_20] : memref<1056x128xbf16, #tpu.memory_space<vmem>>, vector<1056x128xbf16>
    tpu.vector_store %arg5[%swap3A, %swap3A_20], %convert_element_type3A {strides = array<i32>} : memref<1056x128xbf16, #tpu.memory_space<vmem>>, vector<1056x128xbf16>,
    return
  }
  func.func @transform_0(%arg0: i32) -> (i32, i32) {
    %c0_i32 = arith.constant 0 : i32
    %c0_i32_0 = arith.constant 0 : i32
    return %arg0, %c0_i32 : i32, i32
  }
  func.func @transform_1(%arg0: i32) -> (i32, i32) {
    %c0_i32 = arith.constant 0 : i32
    %c0_i32_0 = arith.constant 0 : i32
    return %arg0, %c0_i32 : i32, i32
  }
  func.func @transform_2(%arg0: i32) -> (i32, i32) {
    %c0_i32 = arith.constant 0 : i32
    %c0_i32_0 = arith.constant 0 : i32
    %c0_i32_1 = arith.constant 0 : i32
    return %c0_i32, %c0_i32_0 : i32, i32
  }
  func.func @transform_3(%arg0: i32) -> (i32, i32) {
    %c0_i32 = arith.constant 0 : i32
    %c0_i32_0 = arith.constant 0 : i32
    %c0_i32_1 = arith.constant 0 : i32
    return %c0_i32, %c0_i32_0 : i32, i32
  }
  func.func @transform_4(%arg0: i32) -> (i32, i32) {
    %c0_i32 = arith.constant 0 : i32
    %c0_i32_0 = arith.constant 0 : i32
    return %arg0, %c0_i32 : i32, i32
  }
}

module attributes {stable_mosaic.version = 14 : i64} {
  func.func @body(%arg0: i32, %arg1: memref<1056x128xbf16, #tpu.memory_space<vmem>>, %arg2: memref<1056x128xbf16, #tpu.memory_space<vmem>>, %arg3: memref<1056x1xf32, #tpu.memory_space<vmem>>, %arg4: memref<128x128xf32, #tpu.memory_space<vmem>>, %arg5: memref<128x128xf32, #tpu.memory_space<vmem>>, %arg6: memref<1x128xf32, #tpu.memory_space<vmem>>, %arg7: memref<256x128xf32, #tpu.memory_space<vmem>>, %arg8: memref<1x256xf32, #tpu.memory_space<vmem>>, %arg9: memref<128x256xf32, #tpu.memory_space<vmem>>, %arg10: memref<1x128xf32, #tpu.memory_space<vmem>>, %arg11: memref<1x128xf32, #tpu.memory_space<vmem>>, %arg12: memref<1x1xf32, #tpu.memory_space<vmem>>, %arg13: memref<1x1xf32, #tpu.memory_space<vmem>>, %arg14: memref<1x128xf32, #tpu.memory_space<vmem>>) attributes {dimension_semantics = [#tpu.dimension_semantics<arbitrary>], iteration_bounds = array<i64: 48>, scalar_prefetch = 0 : i64, scratch_operands = 1 : i64, tpu.core_type = #tpu.core_type<tc>, window_params = [{transform_indices = @transform_0, window_bounds = array<i64: 1056, 128>}, {transform_indices = @transform_1, window_bounds = array<i64: 1056, 128>}, {transform_indices = @transform_2, window_bounds = array<i64: 1056, 1>}, {pipeline_mode = #tpu.pipeline_mode<synchronous>, transform_indices = @transform_3, window_bounds = array<i64: 128, 128>}, {pipeline_mode = #tpu.pipeline_mode<synchronous>, transform_indices = @transform_4, window_bounds = array<i64: 128, 128>}, {pipeline_mode = #tpu.pipeline_mode<synchronous>, transform_indices = @transform_5, window_bounds = array<i64: 1, 128>}, {pipeline_mode = #tpu.pipeline_mode<synchronous>, transform_indices = @transform_6, window_bounds = array<i64: 256, 128>}, {pipeline_mode = #tpu.pipeline_mode<synchronous>, transform_indices = @transform_7, window_bounds = array<i64: 1, 256>}, {pipeline_mode = #tpu.pipeline_mode<synchronous>, transform_indices = @transform_8, window_bounds = array<i64: 128, 256>}, {pipeline_mode = #tpu.pipeline_mode<synchronous>, transform_indices = @transform_9, window_bounds = array<i64: 1, 128>}, {pipeline_mode = #tpu.pipeline_mode<synchronous>, transform_indices = @transform_10, window_bounds = array<i64: 1, 128>}, {pipeline_mode = #tpu.pipeline_mode<synchronous>, transform_indices = @transform_11, window_bounds = array<i64: 1, 1>}, {pipeline_mode = #tpu.pipeline_mode<synchronous>, transform_indices = @transform_12, window_bounds = array<i64: 1, 1>}]} {
    %eq3A = arith.constant 0 : i32
    %eq3A_0 = arith.cmpi eq, %arg0, %eq3A : i32
    %convert_element_type3A = arith.extui %eq3A_0 : i1 to i32
    %cond3A = arith.constant 0 : i32
    %cond3A_1 = arith.cmpi ne, %convert_element_type3A, %cond3A : i32
    scf.if %cond3A_1 {
      %broadcast_in_dim3A_52 = arith.constant 0.000000e+00 : f32
      %broadcast_in_dim3A_53 = vector.broadcast %broadcast_in_dim3A_52 : f32 to vector<1x128xf32>
      %swap3A_54 = arith.constant 0 : index
      %swap3A_55 = arith.constant 0 : index
      %swap3A_56 = vector.load %arg14[%swap3A_54, %swap3A_55] : memref<1x128xf32, #tpu.memory_space<vmem>>, vector<1x128xf32>
      tpu.vector_store %arg14[%swap3A_54, %swap3A_55], %broadcast_in_dim3A_53 {strides = array<i32>} : memref<1x128xf32, #tpu.memory_space<vmem>>, vector<1x128xf32>,
    } else {
    }
    %get3A = arith.constant 0 : index
    %get3A_2 = arith.constant 0 : index
    %get3A_3 = vector.load %arg3[%get3A, %get3A_2] : memref<1056x1xf32, #tpu.memory_space<vmem>>, vector<1056x1xf32>
    %max3A = arith.constant 1.000000e+00 : f32
    %max3A_4 = vector.broadcast %max3A : f32 to vector<1056x1xf32>
    %max3A_5 = arith.maximumf %get3A_3, %max3A_4 : vector<1056x1xf32>
    %get3A_6 = arith.constant 0 : index
    %get3A_7 = arith.constant 0 : index
    %get3A_8 = vector.load %arg1[%get3A_6, %get3A_7] : memref<1056x128xbf16, #tpu.memory_space<vmem>>, vector<1056x128xbf16>
    %convert_element_type3A_9 = arith.extf %get3A_8 : vector<1056x128xbf16> to vector<1056x128xf32>
    %div3A = vector.broadcast %max3A_5 : vector<1056x1xf32> to vector<1056x128xf32>
    %div3A_10 = arith.divf %convert_element_type3A_9, %div3A : vector<1056x128xf32>
    %get3A_11 = arith.constant 0 : index
    %get3A_12 = arith.constant 0 : index
    %get3A_13 = vector.load %arg2[%get3A_11, %get3A_12] : memref<1056x128xbf16, #tpu.memory_space<vmem>>, vector<1056x128xbf16>
    %convert_element_type3A_14 = arith.extf %get3A_13 : vector<1056x128xbf16> to vector<1056x128xf32>
    %get3A_15 = arith.constant 0 : index
    %get3A_16 = arith.constant 0 : index
    %get3A_17 = vector.load %arg4[%get3A_15, %get3A_16] : memref<128x128xf32, #tpu.memory_space<vmem>>, vector<128x128xf32>
    %dot_general3A = arith.constant dense<0.000000e+00> : vector<1056x128xf32>
    %dot_general3A_18 = tpu.matmul %div3A_10, %get3A_17, %dot_general3A {dimension_numbers = #tpu.dot_dimension_numbers<[1], [1], [0], [0], [0, 0, 1, 0], [], []>, transpose_lhs_hint = false} : vector<1056x128xf32>, vector<128x128xf32>, vector<1056x128xf32> -> vector<1056x128xf32>
    %get3A_19 = arith.constant 0 : index
    %get3A_20 = arith.constant 0 : index
    %get3A_21 = vector.load %arg5[%get3A_19, %get3A_20] : memref<128x128xf32, #tpu.memory_space<vmem>>, vector<128x128xf32>
    %dot_general3A_22 = arith.constant dense<0.000000e+00> : vector<1056x128xf32>
    %dot_general3A_23 = tpu.matmul %convert_element_type3A_14, %get3A_21, %dot_general3A_22 {dimension_numbers = #tpu.dot_dimension_numbers<[1], [1], [0], [0], [0, 0, 1, 0], [], []>, transpose_lhs_hint = false} : vector<1056x128xf32>, vector<128x128xf32>, vector<1056x128xf32> -> vector<1056x128xf32>
    %add3A = arith.addf %dot_general3A_18, %dot_general3A_23 : vector<1056x128xf32>
    %get3A_24 = arith.constant 0 : index
    %get3A_25 = arith.constant 0 : index
    %get3A_26 = vector.load %arg6[%get3A_24, %get3A_25] : memref<1x128xf32, #tpu.memory_space<vmem>>, vector<1x128xf32>
    %add3A_27 = vector.broadcast %get3A_26 : vector<1x128xf32> to vector<1056x128xf32>
    %add3A_28 = arith.addf %add3A, %add3A_27 : vector<1056x128xf32>
    %max3A_29 = arith.constant 0.000000e+00 : f32
    %max3A_30 = vector.broadcast %max3A_29 : f32 to vector<1056x128xf32>
    %max3A_31 = arith.maximumf %add3A_28, %max3A_30 : vector<1056x128xf32>
    %iota3A = tpu.iota {dimensions = array<i32: 0>} : vector<1056x1xi32>
    %mul3A = arith.constant 1056 : i32
    %mul3A_32 = arith.muli %arg0, %mul3A : i32
    %add3A_33 = vector.broadcast %mul3A_32 : i32 to vector<1056x1xi32>
    %add3A_34 = arith.addi %iota3A, %add3A_33 : vector<1056x1xi32>
    %lt3A = arith.constant 50000 : i32
    %lt3A_35 = vector.broadcast %lt3A : i32 to vector<1056x1xi32>
    %lt3A_36 = arith.cmpi slt, %add3A_34, %lt3A_35 : vector<1056x1xi32>
    %jit3A = arith.constant 0.000000e+00 : f32
    %broadcast_in_dim3A = vector.shape_cast %lt3A_36 : vector<1056x1xi1> to vector<1056x1xi1>
    %broadcast_in_dim3A_37 = vector.broadcast %broadcast_in_dim3A : vector<1056x1xi1> to vector<1056x128xi1>
    %broadcast_in_dim3A_38 = vector.broadcast %jit3A : f32 to vector<1056x128xf32>
    %select_n3A = arith.select %broadcast_in_dim3A_37, %max3A_31, %broadcast_in_dim3A_38 : vector<1056x128xi1>, vector<1056x128xf32>
    %get3A_39 = arith.constant 0 : index
    %get3A_40 = arith.constant 0 : index
    %get3A_41 = vector.load %arg14[%get3A_39, %get3A_40] : memref<1x128xf32, #tpu.memory_space<vmem>>, vector<1x128xf32>
    %reduce_sum3A = arith.constant dense<0.000000e+00> : vector<128xf32>
    %reduce_sum3A_42 = vector.multi_reduction <add>, %select_n3A, %reduce_sum3A [0] : vector<1056x128xf32> to vector<128xf32>
    %broadcast_in_dim3A_43 = vector.shape_cast %reduce_sum3A_42 : vector<128xf32> to vector<1x128xf32>
    %add3A_44 = arith.addf %get3A_41, %broadcast_in_dim3A_43 : vector<1x128xf32>
    %swap3A = arith.constant 0 : index
    %swap3A_45 = arith.constant 0 : index
    %swap3A_46 = vector.load %arg14[%swap3A, %swap3A_45] : memref<1x128xf32, #tpu.memory_space<vmem>>, vector<1x128xf32>
    tpu.vector_store %arg14[%swap3A, %swap3A_45], %add3A_44 {strides = array<i32>} : memref<1x128xf32, #tpu.memory_space<vmem>>, vector<1x128xf32>,
    %eq3A_47 = arith.constant 47 : i32
    %eq3A_48 = arith.cmpi eq, %arg0, %eq3A_47 : i32
    %convert_element_type3A_49 = arith.extui %eq3A_48 : i1 to i32
    %cond3A_50 = arith.constant 0 : i32
    %cond3A_51 = arith.cmpi ne, %convert_element_type3A_49, %cond3A_50 : i32
    scf.if %cond3A_51 {
      %get3A_52 = arith.constant 0 : index
      %get3A_53 = arith.constant 0 : index
      %get3A_54 = vector.load %arg14[%get3A_52, %get3A_53] : memref<1x128xf32, #tpu.memory_space<vmem>>, vector<1x128xf32>
      %div3A_55 = arith.constant 5.000000e+04 : f32
      %div3A_56 = vector.broadcast %div3A_55 : f32 to vector<1x128xf32>
      %div3A_57 = arith.divf %get3A_54, %div3A_56 : vector<1x128xf32>
      %get3A_58 = arith.constant 0 : index
      %get3A_59 = arith.constant 0 : index
      %get3A_60 = vector.load %arg7[%get3A_58, %get3A_59] : memref<256x128xf32, #tpu.memory_space<vmem>>, vector<256x128xf32>
      %dot_general3A_61 = arith.constant dense<0.000000e+00> : vector<1x256xf32>
      %dot_general3A_62 = tpu.matmul %div3A_57, %get3A_60, %dot_general3A_61 {dimension_numbers = #tpu.dot_dimension_numbers<[1], [1], [0], [0], [0, 0, 1, 0], [], []>, transpose_lhs_hint = false} : vector<1x128xf32>, vector<256x128xf32>, vector<1x256xf32> -> vector<1x256xf32>
      %get3A_63 = arith.constant 0 : index
      %get3A_64 = arith.constant 0 : index
      %get3A_65 = vector.load %arg8[%get3A_63, %get3A_64] : memref<1x256xf32, #tpu.memory_space<vmem>>, vector<1x256xf32>
      %add3A_66 = arith.addf %dot_general3A_62, %get3A_65 : vector<1x256xf32>
      %max3A_67 = arith.constant 0.000000e+00 : f32
      %max3A_68 = vector.broadcast %max3A_67 : f32 to vector<1x256xf32>
      %max3A_69 = arith.maximumf %add3A_66, %max3A_68 : vector<1x256xf32>
      %get3A_70 = arith.constant 0 : index
      %get3A_71 = arith.constant 0 : index
      %get3A_72 = vector.load %arg9[%get3A_70, %get3A_71] : memref<128x256xf32, #tpu.memory_space<vmem>>, vector<128x256xf32>
      %dot_general3A_73 = arith.constant dense<0.000000e+00> : vector<1x128xf32>
      %dot_general3A_74 = tpu.matmul %max3A_69, %get3A_72, %dot_general3A_73 {dimension_numbers = #tpu.dot_dimension_numbers<[1], [1], [0], [0], [0, 0, 1, 0], [], []>, transpose_lhs_hint = false} : vector<1x256xf32>, vector<128x256xf32>, vector<1x128xf32> -> vector<1x128xf32>
      %get3A_75 = arith.constant 0 : index
      %get3A_76 = arith.constant 0 : index
      %get3A_77 = vector.load %arg10[%get3A_75, %get3A_76] : memref<1x128xf32, #tpu.memory_space<vmem>>, vector<1x128xf32>
      %add3A_78 = arith.addf %dot_general3A_74, %get3A_77 : vector<1x128xf32>
      %max3A_79 = arith.constant 0.000000e+00 : f32
      %max3A_80 = vector.broadcast %max3A_79 : f32 to vector<1x128xf32>
      %max3A_81 = arith.maximumf %add3A_78, %max3A_80 : vector<1x128xf32>
      %get3A_82 = arith.constant 0 : index
      %get3A_83 = arith.constant 0 : index
      %get3A_84 = vector.load %arg11[%get3A_82, %get3A_83] : memref<1x128xf32, #tpu.memory_space<vmem>>, vector<1x128xf32>
      %mul3A_85 = arith.mulf %max3A_81, %get3A_84 : vector<1x128xf32>
      %reduce_sum3A_86 = arith.constant dense<0.000000e+00> : vector<1xf32>
      %reduce_sum3A_87 = vector.multi_reduction <add>, %mul3A_85, %reduce_sum3A_86 [1] : vector<1x128xf32> to vector<1xf32>
      %broadcast_in_dim3A_88 = vector.shape_cast %reduce_sum3A_87 : vector<1xf32> to vector<1x1xf32>
      %get3A_89 = arith.constant 0 : index
      %get3A_90 = arith.constant 0 : index
      %get3A_91 = vector.load %arg12[%get3A_89, %get3A_90] : memref<1x1xf32, #tpu.memory_space<vmem>>, vector<1x1xf32>
      %add3A_92 = arith.addf %broadcast_in_dim3A_88, %get3A_91 : vector<1x1xf32>
      %logistic3A = arith.negf %add3A_92 : vector<1x1xf32>
      %logistic3A_93 = math.exp %logistic3A : vector<1x1xf32>
      %logistic3A_94 = arith.constant 1.000000e+00 : f32
      %logistic3A_95 = vector.broadcast %logistic3A_94 : f32 to vector<1x1xf32>
      %logistic3A_96 = arith.addf %logistic3A_95, %logistic3A_93 : vector<1x1xf32>
      %logistic3A_97 = arith.divf %logistic3A_95, %logistic3A_96 : vector<1x1xf32>
      %swap3A_98 = arith.constant 0 : index
      %swap3A_99 = arith.constant 0 : index
      %swap3A_100 = vector.load %arg13[%swap3A_98, %swap3A_99] : memref<1x1xf32, #tpu.memory_space<vmem>>, vector<1x1xf32>
      tpu.vector_store %arg13[%swap3A_98, %swap3A_99], %logistic3A_97 {strides = array<i32>} : memref<1x1xf32, #tpu.memory_space<vmem>>, vector<1x1xf32>,
    } else {
    }
    return
  }
  func.func @transform_0(%arg0: i32) -> (i32, i32) {
    %c0_i32 = arith.constant 0 : i32
    %c0_i32_0 = arith.constant 0 : i32
    return %arg0, %c0_i32 : i32, i32
  }
  func.func @transform_1(%arg0: i32) -> (i32, i32) {
    %c0_i32 = arith.constant 0 : i32
    %c0_i32_0 = arith.constant 0 : i32
    return %arg0, %c0_i32 : i32, i32
  }
  func.func @transform_2(%arg0: i32) -> (i32, i32) {
    %c0_i32 = arith.constant 0 : i32
    %c0_i32_0 = arith.constant 0 : i32
    return %arg0, %c0_i32 : i32, i32
  }
  func.func @transform_3(%arg0: i32) -> (i32, i32) {
    %c0_i32 = arith.constant 0 : i32
    %c0_i32_0 = arith.constant 0 : i32
    %c0_i32_1 = arith.constant 0 : i32
    return %c0_i32, %c0_i32_0 : i32, i32
  }
  func.func @transform_4(%arg0: i32) -> (i32, i32) {
    %c0_i32 = arith.constant 0 : i32
    %c0_i32_0 = arith.constant 0 : i32
    %c0_i32_1 = arith.constant 0 : i32
    return %c0_i32, %c0_i32_0 : i32, i32
  }
  func.func @transform_5(%arg0: i32) -> (i32, i32) {
    %c0_i32 = arith.constant 0 : i32
    %c0_i32_0 = arith.constant 0 : i32
    %c0_i32_1 = arith.constant 0 : i32
    return %c0_i32, %c0_i32_0 : i32, i32
  }
  func.func @transform_6(%arg0: i32) -> (i32, i32) {
    %c0_i32 = arith.constant 0 : i32
    %c0_i32_0 = arith.constant 0 : i32
    %c0_i32_1 = arith.constant 0 : i32
    return %c0_i32, %c0_i32_0 : i32, i32
  }
  func.func @transform_7(%arg0: i32) -> (i32, i32) {
    %c0_i32 = arith.constant 0 : i32
    %c0_i32_0 = arith.constant 0 : i32
    %c0_i32_1 = arith.constant 0 : i32
    return %c0_i32, %c0_i32_0 : i32, i32
  }
  func.func @transform_8(%arg0: i32) -> (i32, i32) {
    %c0_i32 = arith.constant 0 : i32
    %c0_i32_0 = arith.constant 0 : i32
    %c0_i32_1 = arith.constant 0 : i32
    return %c0_i32, %c0_i32_0 : i32, i32
  }
  func.func @transform_9(%arg0: i32) -> (i32, i32) {
    %c0_i32 = arith.constant 0 : i32
    %c0_i32_0 = arith.constant 0 : i32
    %c0_i32_1 = arith.constant 0 : i32
    return %c0_i32, %c0_i32_0 : i32, i32
  }
  func.func @transform_10(%arg0: i32) -> (i32, i32) {
    %c0_i32 = arith.constant 0 : i32
    %c0_i32_0 = arith.constant 0 : i32
    %c0_i32_1 = arith.constant 0 : i32
    return %c0_i32, %c0_i32_0 : i32, i32
  }
  func.func @transform_11(%arg0: i32) -> (i32, i32) {
    %c0_i32 = arith.constant 0 : i32
    %c0_i32_0 = arith.constant 0 : i32
    %c0_i32_1 = arith.constant 0 : i32
    return %c0_i32, %c0_i32_0 : i32, i32
  }
  func.func @transform_12(%arg0: i32) -> (i32, i32) {
    %c0_i32 = arith.constant 0 : i32
    %c0_i32_0 = arith.constant 0 : i32
    %c0_i32_1 = arith.constant 0 : i32
    return %c0_i32, %c0_i32_0 : i32, i32
  }
}

</mosaic_0001>

<sc_bundles>
// kernel: kernel.6.cloned.1.call-start
scs
__scs_entry_jumppad:
0x0: {  	(pc) =	sbr.rel $0x88, $3  }
0x1: {  	(tag) =	ssettag $0x0;
	lr =	simm.s32 $0x1  }
0x2: {  	[smem:$0x3F93] =	sst lr;
	_ =	strace $0xD0000000  }
0x3: {  	_ = 	snop  }
0x4: {  	_ = 	snop  }
0x5: {  	_ = 	snop  }
0x6: {  	_ = 	snop  }
0x7: {  	_ = 	snop  }
__scs_overlays_trampoline_lowered:
0x8: {  	[smem:$0x3FA2] =	sst s0  }
0x9: {  	[smem:$0x3FA3] =	sst s1  }
0xa: {  	[smem:$0x3FA4] =	sst s2  }
0xb: {  	[smem:$0x3FA5] =	sst s3  }
0xc: {  	[smem:$0x3FA6] =	sst s4  }
0xd: {  	[smem:$0x3FA7] =	sst s5  }
0xe: {  	[smem:$0x3FA8] =	sst s6  }
0xf: {  	[smem:$0x3FA9] =	sst s7  }
0x10: {  	[smem:$0x3FAA] =	sst s8  }
0x11: {  	[smem:$0x3FAB] =	sst s9;
	s0 =	simm.s32 @!p0 $0x0  }
0x12: {  	s1 =	sld [smem:$0x3F91];
	s0 =	simm.s32 @p0 $0x1  }
0x13: {  	[smem:$0x3FAC] =	sst s0;
	s0 =	simm.s32 @!p1 $0x0  }
0x14: {  	s2 =	sld [smem:$0x3F90];
	s0 =	simm.s32 @p1 $0x1  }
0x15: {  	[smem:$0x3FAD] =	sst s0;
	s0 =	simm.s32 @!p2 $0x0  }
0x16: {  	s3 =	sld [smem:$0x3FDB];
	s0 =	simm.s32 @p2 $0x1  }
0x17: {  	s4 =	simm.s32 $0x1BF5;
	[smem:$0x3FAF] =	sst s0  }
0x18: {  	s0 =	sld [smem:$0x3F92];
	_ =	swait.ge [sflag:s4], $0x0  }
0x19: {  	s7 =	sld [smem:$0x3F93]  }
0x1a: {  	s8 =	sadd.s32 $0xFFFFE003, lr  }
0x1b: {  	s9 =	sadd.s32 $0xFFFFFEF7, lr;
	s5 =	simm.s32 $0xFFFFFFFF;
	p2 =	slt.u32 s8, $0xFFFFF086  }
0x1c: {  	p1 =	slt.u32 s9, $0xF7A;
	s5 =	simm.s32 @!p2 $0x0  }
0x1d: {  	s5 =	simm.s32 @p1 $0x1;
	p0 =	seq.s32 s7, s2  }
0x1e: {  	s7 =	smul.u32 @!p0 $0xF7A, s2;
	p2 =	seq.s32 @!p0 s5, $0x0  }
0x1f: {  	s9 =	smul.u32 $0xF7A, s1;
	s8 =	simm.s32 @!p0 $0x1BF5;
	p2 =	por !p2, p0  }
0x20: {  	[sflag:s8] =	ssyncset.s32 @!p0 $0xFFFFF086;
	s6 =	sadd.s32 @!p0 s3, s7;
	s7 =	simm.s32 @!p0 $0x108  }
0x21: {  	s3 =	sadd.s32 s3, s9;
	s6 =	sadd.s32 @!p0 $0x88, s6;
	s7 =	simm.s32 @p2 $0x1082  }
0x22: {  	[simem:s7], [sflag:s8] =	dma.local @!p0 [hbm:s6], $0xF7A  }
0x23: {  	s9 =	sor.u32 $0xD0000000, s2;
	s6 =	simm.s32 $0x108;
	_ =	swait.ge @!p0 [sflag:s8], $0x0  }
0x24: {  	s3 =	sadd.s32 $0x88, s3;
	s6 =	simm.s32 @!p1 $0x1082;
	[sflag:s4] =	ssyncset.s32 $0xFFFFF086  }
0x25: {  	[simem:s6], [sflag:s4] =	dma.local [hbm:s3], $0xF7A  }
0x26: {  	[smem:$0x3F93] =	sst s1;
	(tag) =	ssettag s2;
	_ =	strace s9  }
0x27: {  	s1 =	sld [smem:$0x3FA3]  }
0x28: {  	s2 =	sld [smem:$0x3FA4]  }
0x29: {  	s4 =	sld [smem:$0x3FA6]  }
0x2a: {  	p0 =	seq.s32 s5, $0x0;
	s5 =	sld [smem:$0x3FA7]  }
0x2b: {  	s6 =	sld [smem:$0x3FA8]  }
0x2c: {  	s7 =	sld [smem:$0x3FA9]  }
0x2d: {  	s3 =	simm.s32 $0x108;
	s8 =	sld [smem:$0x3FAA]  }
0x2e: {  	s3 =	simm.s32 @!p0 $0x1082;
	s9 =	sld [smem:$0x3FAB]  }
0x2f: {  	lr =	sadd.s32 s0, s3;
	s0 =	sld [smem:$0x3FA2]  }
0x30: {  	s3 =	sld [smem:$0x3FA5]  }
0x31: {  	[smem:$0x3FAE] =	sst s10  }
0x32: {  	s10 =	sld [smem:$0x3FAC];
	_ =	sdelay $0x3  }
0x33: {  	p0 =	seq.s32 s10, $0x1;
	s10 =	sld [smem:$0x3FAE];
	_ =	sdelay $0x3  }
0x34: {  	[smem:$0x3FAE] =	sst s10  }
0x35: {  	s10 =	sld [smem:$0x3FAD];
	_ =	sdelay $0x3  }
0x36: {  	p1 =	seq.s32 s10, $0x1;
	s10 =	sld [smem:$0x3FAE];
	_ =	sdelay $0x3  }
0x37: {  	[smem:$0x3FAE] =	sst s10  }
0x38: {  	s10 =	sld [smem:$0x3FAF]  }
0x39: {  	_ = 	snop;
	(pc) =	sbr.ind lr, $3  }
0x3a: {  	_ = 	snop  }
0x3b: {  	_ = 	snop  }
0x3c: {  	p2 =	seq.s32 s10, $0x1;
	s10 =	sld [smem:$0x3FAE]  }
0x3d: {  	_ =	shalt  }
0x3e: {  	_ =	shalt  }
0x3f: {  	_ =	shalt  }
0x40: {  	_ =	shalt  }
0x41: {  	_ =	shalt  }
0x42: {  	_ =	shalt  }
0x43: {  	_ =	shalt  }
0x44: {  	_ =	shalt  }
0x45: {  	_ =	shalt  }
0x46: {  	_ =	shalt  }
0x47: {  	_ =	shalt  }
0x48: {  	_ =	shalt  }
0x49: {  	_ =	shalt  }
0x4a: {  	_ =	shalt  }
0x4b: {  	_ =	shalt  }
0x4c: {  	_ =	shalt  }
0x4d: {  	_ =	shalt  }
0x4e: {  	_ =	shalt  }
0x4f: {  	_ =	shalt  }
0x50: {  	_ =	shalt  }
0x51: {  	_ =	shalt  }
0x52: {  	_ =	shalt  }
0x53: {  	_ =	shalt  }
0x54: {  	_ =	shalt  }
0x55: {  	_ =	shalt  }
0x56: {  	_ =	shalt  }
0x57: {  	_ =	shalt  }
0x58: {  	_ =	shalt  }
0x59: {  	_ =	shalt  }
0x5a: {  	_ =	shalt  }
0x5b: {  	_ =	shalt  }
0x5c: {  	_ =	shalt  }
0x5d: {  	_ =	shalt  }
0x5e: {  	_ =	shalt  }
0x5f: {  	_ =	shalt  }
0x60: {  	_ =	shalt  }
0x61: {  	_ =	shalt  }
0x62: {  	_ =	shalt  }
0x63: {  	_ =	shalt  }
0x64: {  	_ =	shalt  }
0x65: {  	_ =	shalt  }
0x66: {  	_ =	shalt  }
0x67: {  	_ =	shalt  }
0x68: {  	_ =	shalt  }
0x69: {  	_ =	shalt  }
0x6a: {  	_ =	shalt  }
0x6b: {  	_ =	shalt  }
0x6c: {  	_ =	shalt  }
0x6d: {  	_ =	shalt  }
0x6e: {  	_ =	shalt  }
0x6f: {  	_ =	shalt  }
0x70: {  	_ =	shalt  }
0x71: {  	_ =	shalt  }
0x72: {  	_ =	shalt  }
0x73: {  	_ =	shalt  }
0x74: {  	_ =	shalt  }
0x75: {  	_ =	shalt  }
0x76: {  	_ =	shalt  }
0x77: {  	_ =	shalt  }
0x78: {  	_ =	shalt  }
0x79: {  	_ =	shalt  }
0x7a: {  	_ =	shalt  }
0x7b: {  	_ =	shalt  }
0x7c: {  	_ =	shalt  }
0x7d: {  	_ =	shalt  }
0x7e: {  	_ =	shalt  }
0x7f: {  	_ =	shalt  }
0x80: {  	_ =	shalt  }
0x81: {  	_ =	shalt  }
0x82: {  	_ =	shalt  }
0x83: {  	_ =	shalt  }
0x84: {  	_ =	shalt  }
0x85: {  	_ =	shalt  }
0x86: {  	_ =	shalt  }
0x87: {  	_ =	shalt  }
.Lfunc_end0:
.L_simem_size_0:
called_computation_lowered:
.L_overlay_start_0:
0x88: {  	s2 =	sld [smem:$0x3FD9]  }
0x89: {  	s3 =	sld [smem:$0x3FFE];
	_ =	sdelay $0x1  }
0x8a: {  	s1 =	srdreg.scid  }
0x8b: {  	s0 =	sand.u32 $0x1, s1  }
0x8c: {  	s16 =	sshll.u32 s0, $0xA;
	s2 =	sadd.s32 s3, s2  }
0x8d: {  	s2 =	sadd.s32 s2, s16  }
0x8e: {  	[smem:$0x3FBA] =	sst s2  }
0x8f: {  	_ = 	snop  }
0x90: {  	(tm) =	ssettm $0x1  }
0x91: {  	s17 =	sld [smem:$0x3FFB];
	_ =	sdelay $0x3  }
0x92: {  	_ =	strace s17  }
0x93: {  	s2 =	sld [smem:$0x3FFC];
	_ =	sdelay $0x3  }
0x94: {  	_ =	strace s2  }
0x95: {  	s2 =	sld [smem:$0x3FFD];
	_ =	sdelay $0x3  }
0x96: {  	_ =	strace s2  }
0x97: {  	_ =	strace $0x8FFFFFFF  }
0x98: {  	s18 =	sld [smem:$0x3FDB];
	_ =	sdelay $0x1  }
0x99: {  	s19 =	simm.s32 $_scs_section_size  }
0x9a: {  	s4 =	simm.s32 $_size__tile_overlayer_lowered;
	s5 =	simm.s32 $_tile_overlayer_lowered  }
0x9b: {  	s22 =	simm.s32 $0x1BFF;
	s21 =	sshll.u32 s5, $0x1;
	s2 =	sadd.s32 s19, s18  }
0x9c: {  	s6 =	simm.s32 $0x0;
	s20 =	sshll.u32 s4, $0x1;
	s4 =	sadd.s32 s21, s2  }
0x9d: {  	[timem:s6], [sflag:s22] =	dma.local [hbm:s4], s20  }
0x9e: {  	_ =	swait.ge [sflag:s22], s20  }
0x9f: {  	s3 =	ssub.s32 $0x0, s20;
	[sflag:s22] =	ssyncset.done $0x0  }
0xa0: {  	[sflag:s22] =	ssyncadd.s32 s3;
	_ =	sdelay $0x1  }
0xa1: {  	s23 =	simm.s32 $0x1B8B  }
0xa2: {  	_ =	swait.ge [sflag:s23], $0x1  }
0xa3: {  	[sflag:s23] =	ssyncset.done $0x0  }
0xa4: {  	s25 =	simm.s32 $0x1B8E;
	s24 =	sld [smem:$0x3FFE];
	[sflag:s23] =	ssyncadd.s32 $0xFFFFFFFF  }
0xa5: {  	s26 =	simm.s32 $execute0_lowered;
	[smem:$0x3FD2] =	sst s25  }
0xa6: {  	s4 =	sshll.u32 s26, $0x1;
	_ =	strace $0x80000046;
	[dreg:$0x1] =	wrdreg $0xFFFFFFFF  }
0xa7: {  	s28 =	simm.s32 $_size_execute0_lowered;
	s2 =	sadd.s32 s2, s4;
	[dreg:$0x0] =	wrdreg $0x0  }
0xa8: {  	s4 =	sshll.u32 s28, $0x1;
	[dreg:$0x2] =	wrdreg s2  }
0xa9: {  	[dreg:$0x3] =	wrdreg s4  }
0xaa: {  	[dreg:$0x4] =	wrdreg $0xC0  }
0xab: {  	_ =	task [dreg:s6], $0x5FFFF  }
0xac: {  	[dreg:$0x1] =	wrdreg $0xFFFFFFFF  }
0xad: {  	[dreg:$0x0] =	wrdreg $0x60  }
0xae: {  	[dreg:$0x2] =	wrdreg s24  }
0xaf: {  	[dreg:$0x3] =	wrdreg $0x47400  }
0xb0: {  	[dreg:$0x4] =	wrdreg $0x9  }
0xb1: {  	_ =	task.clear_ibuf [dreg:s6], $0x5FFFF;
	_ =	strace $0x90000046  }
0xb2: {  	s29 =	simm.s32 $0x9;
	_ =	strace $0x80000048  }
0xb3: {  	_ =	swait.ge [sflag:s29], $0x1  }
0xb4: {  	[sflag:s29] =	ssyncadd.s32 $0xFFFFFFFF  }
0xb5: {  	_ =	strace $0x90000048  }
0xb6: {  	_ =	sfence  }
0xb7: {  	s30 =	sld [smem:$0x0];
	_ =	sdelay $0x2  }
0xb8: {  	s31 =	sshll.u32 s1, $0xD;
	s1 =	sshrl.u32 s1, $0x2  }
0xb9: {  	s3 =	sand.u32 $0x4000, s31;
	s1 =	sadd.s32 s1, s30  }
0xba: {  	s0 =	sor.u32 s3, s0;
	s1 =	sshll.u32 s1, $0x11  }
0xbb: {  	s0 =	sor.u32 s1, s0  }
0xbc: {  	s0 =	sadd.s32 $0x8F2B, s0  }
0xbd: {  	[sflag:s0] =	ssyncadd.remote.s32 $0x1  }
0xbe: {  	_ =	sfence.sel $0xFFFF  }
0xbf: {  	[dreg:$0x0] =	wrdreg $0xFFFFFFFF;
	(pc) =	sbr.abs _section_cstart, $3  }
0xc0: {  	[dreg:$0x1] =	wrdreg $0xFFFFFFFF  }
0xc1: {  	_ =	task.clear_ibuf [dreg:s6], $0x2FFFF;
	_ =	strace $0x9FFFFFFF  }
0xc2: {  	(tm) =	ssettm $0x7FFFFFFF  }
0xc3: {  	_ =	shalt  }
tec
execute0_lowered:
.L_overlay_start_1:
0x0: {  	(tag) =	ssettag $0x1  }
0x1: {  	s0 =	rddreg [dreg:$0x0]  }
0x2: {  	s1 =	rddreg [dreg:$0x1];
	s3 =	simm.s32 $0x0;
	s18 =	stileid.u32  }
0x3: {  	s6 =	srdreg.scid;
	s25 =	simm.s32 $0x1;
	s28 =	simm.s32 $0x3F40  }
0x4: {  	s29 =	simm.s32 $0x4;
	s31 =	simm.s32 $0x3;
	s30 =	simm.s32 $0x2F40  }
0x5: {  	[smem:$0x7FF] =	sst s3;
	s4 =	sadd.s32 $0x1BE00, s0;
	s2 =	smul.u32 $0x630, s18  }
0x6: {  	s5 =	sadd.s32 $0x3600, s0;
	s7 =	sand.u32 $0x1, s6;
	s8 =	smul.u32 $0xD000, s18  }
0x7: {  	s6 =	sadd.s32 $0x34600, s0;
	s9 =	sadd.s32 $0x40A00, s0;
	s12 =	smul.u32 $0xC600, s18  }
0x8: {  	p0 =	seq.s32 s18, $0xF;
	_ =	strace $0x80000047;
	s10 =	sshrl.u32 s8, $0x2  }
0x9: {  	[dreg:$0x4] =	wrdreg s9;
	s14 =	ssub.s32 $0x2, s7;
	s9 =	sadd.s32 s10, s1  }
0xa: {  	s7 =	smul.u32 $0x6300, s7;
	[dreg:$0x3] =	wrdreg s25;
	s10 =	sadd.s32 $0x400, s9  }
0xb: {  	s0 =	sadd.s32 s2, s0;
	s16 =	sadd.s32 $0x800, s9;
	[dreg:$0x5] =	wrdreg s10  }
0xc: {  	s15 =	sshrl.u32 s14, $0x1;
	s17 =	sadd.s32 $0xC00, s9;
	[dreg:$0x6] =	wrdreg s16  }
0xd: {  	s8 =	smul.u32 $0xC350, s18;
	s19 =	sadd.s32 $0x1000, s9;
	[dreg:$0x7] =	wrdreg s17  }
0xe: {  	s26 =	sshrl.u32 s12, $0x2;
	s20 =	sadd.s32 $0x1400, s9;
	[dreg:$0x8] =	wrdreg s19  }
0xf: {  	s2 =	ssub.s32 s14, s15;
	s21 =	sadd.s32 $0x1800, s9;
	[dreg:$0x9] =	wrdreg s20  }
0x10: {  	s0 =	sadd.s32 s7, s0;
	s22 =	sadd.s32 $0x1C00, s9;
	[dreg:$0xa] =	wrdreg s21  }
0x11: {  	s23 =	sadd.s32 $0x2000, s9;
	s24 =	sadd.s32 $0x2400, s9;
	[dreg:$0xb] =	wrdreg s22  }
.Ltmp0:
0x12: {  	v2 =	vimm.s32 $0x0;
	s11 =	sshrl.u32 s8, $0x3;
	[dreg:$0xc] =	wrdreg s23;
	(pc) =	sbr.rel .LBB2_1-.Ltmp0, $4  }
0x13: {  	v3 =	vlaneseq.u32;
	v4 =	vimm.f32 $1.000000000e+00;
	v5 =	vimm.s32 $0x6300;
	[dreg:$0xd] =	wrdreg s24;
	s19 =	sadd.s32 $0x2800, s9;
	s20 =	sadd.s32 $0x2C00, s9  }
0x14: {  	v6 =	vor.u32 $0x10, v3;
	v7 =	vor.u32 $0x20, v3;
	v8 =	vor.u32 $0x30, v3;
	s21 =	sadd.s32 s4, s11;
	s22 =	sadd.s32 s5, s11;
	s23 =	sadd.s32 $0x40C00, s0  }
0x15: {  	v9 =	vor.u32 $0x40, v3;
	v10 =	vor.u32 $0x50, v3;
	v0 =	vmov s7;
	s0 =	sadd.s32 s26, s1;
	s24 =	smax.u32 s2, $0x1;
	s26 =	sadd.s32 $0x3000, s9  }
0x16: {  	v11 =	vor.u32 $0x60, v3;
	v12 =	vor.u32 $0x70, v3;
	v1 =	vadd.s32 $0x6300, v0;
	s2 =	simm.s32 $0x0;
	s25 =	sshrl.u32 s0, $0x3;
	s0 =	simm.s32 $0x1F40  }
.LBB2_8:
0x17: {  	_ = 	snop  }
.LBB2_13:
0x18: {  	p2 =	seq.s32 s14, $0x1  }
0x19: {  	[sflag:s10] =	ssyncadd.s32 @p1 $0xFFFFFC00;
	s7 =	simm.s32 @p2 $0x2  }
0x1a: {  	s10 =	sshll.u32 @p2 s12, $0x7;
	_ =	swait.ge @p2 [sflag:s7], $0x400  }
0x1b: {  	s11 =	simm.s32 @!p2 $0x1;
	s13 =	simm.s32 @p2 $0x4340;
	[sflag:s7] =	ssyncset.done @p2 $0x0  }
0x1c: {  	s10 =	sadd.s32 @p2 $0x2F40, s10;
	[sflag:s7] =	ssyncadd.s32 @p2 $0xFFFFFC00;
	s7 =	simm.s32 @p2 $0x80  }
0x1d: {  	[spmem:s1] =	stream.indirect.scatter.add.f32 @p2 [tilespmem:s13], [sflag:$0x4], $0x8, s10, s7, $0xb8;
	[tilespmem:$0x7900] =	vst v63  }
0x1e: {  	s7 =	sshll.u32 @!p2 s12, $0x7;
	s10 =	simm.s32 @!p2 $0x5;
	_ =	swait.ge @!p2 [sflag:s11], $0x400  }
0x1f: {  	s12 =	simm.s32 @!p2 $0x3F40;
	s7 =	sadd.s32 @!p2 $0x2F40, s7;
	[sflag:s11] =	ssyncset.done @!p2 $0x0  }
0x20: {  	s10 =	simm.s32 @p2 $0x4;
	[sflag:s11] =	ssyncadd.s32 @!p2 $0xFFFFFC00;
	s11 =	simm.s32 @!p2 $0x80  }
0x21: {  	[spmem:s1] =	stream.indirect.scatter.add.f32 @!p2 [tilespmem:s12], [sflag:$0x5], $0x8, s7, s11, $0xb8;
	[tilespmem:$0x7900] =	vst v63  }
0x22: {  	_ =	swait.ge [sflag:s10], $0x400  }
0x23: {  	[sflag:s10] =	ssyncset.done $0x0  }
0x24: {  	[sflag:s10] =	ssyncadd.s32 $0xFFFFFC00  }
.LBB2_14:
0x25: {  	s7 =	sshll.u32 s18, $0x6;
	s2 =	sadd.s32 $0x1, s2  }
0x26: {  	[bflag:$0x0] =	sbarrier.arrive $0xFFFF;
	s7 =	sor.u32 $0x1C04, s7;
	p1 =	sne.s32 s2, s24  }
0x27: {  	[hbm:s23], [sflag:s7] =	dma.local [spmem:s25], $0x630  }
.Ltmp1:
0x28: {  	_ =	swait.ge [sflag:s29], $0x630;
	(pc) =	sbr.rel @!p1 .LBB2_15-.Ltmp1, $3  }
0x29: {  	[sflag:s29] =	ssyncset.done $0x0  }
0x2a: {  	[sflag:s29] =	ssyncadd.s32 $0xFFFFF9D0  }
0x2b: {  	[bflag:$0x0] =	sbarrier.arrive $0xFFFF;
	_ =	sdelay $0x1  }
.LBB2_1:
0x2c: {  	s7 =	rddreg [dreg:$0x4]  }
0x2d: {  	[tilespmem:s28], [sflag:$0x4] =	stream.linear.gather [hbm4b:s7+s3], $0x400, $0x38;
	[tilespmem:$0x7900] =	vst v63  }
0x2e: {  	_ =	swait.ge [sflag:s29], $0x400  }
0x2f: {  	[sflag:s29] =	ssyncset.done $0x0  }
0x30: {  	[sflag:s29] =	ssyncadd.s32 $0xFFFFFC00  }
0x31: {  	[spmem:s9] =	stream.linear.scatter [tilespmem:s28], [sflag:$0x4], $0x400, $0x38;
	[tilespmem:$0x7900] =	vst v63  }
0x32: {  	_ =	swait.ge [sflag:s29], $0x400  }
0x33: {  	[sflag:s29] =	ssyncset.done $0x0  }
0x34: {  	s14 =	rddreg [dreg:$0x5];
	[sflag:s29] =	ssyncadd.s32 $0xFFFFFC00  }
0x35: {  	[spmem:s14] =	stream.linear.scatter [tilespmem:s28], [sflag:$0x4], $0x400, $0x38;
	[tilespmem:$0x7900] =	vst v63  }
0x36: {  	_ =	swait.ge [sflag:s29], $0x400  }
0x37: {  	[sflag:s29] =	ssyncset.done $0x0  }
0x38: {  	s15 =	rddreg [dreg:$0x6];
	[sflag:s29] =	ssyncadd.s32 $0xFFFFFC00  }
0x39: {  	[spmem:s15] =	stream.linear.scatter [tilespmem:s28], [sflag:$0x4], $0x400, $0x38;
	[tilespmem:$0x7900] =	vst v63  }
0x3a: {  	_ =	swait.ge [sflag:s29], $0x400  }
0x3b: {  	[sflag:s29] =	ssyncset.done $0x0  }
0x3c: {  	s16 =	rddreg [dreg:$0x7];
	[sflag:s29] =	ssyncadd.s32 $0xFFFFFC00  }
0x3d: {  	[spmem:s16] =	stream.linear.scatter [tilespmem:s28], [sflag:$0x4], $0x400, $0x38;
	[tilespmem:$0x7900] =	vst v63  }
0x3e: {  	_ =	swait.ge [sflag:s29], $0x400  }
0x3f: {  	[sflag:s29] =	ssyncset.done $0x0  }
0x40: {  	s7 =	simm.s32 @!p0 $0x3F40;
	s10 =	rddreg [dreg:$0x8];
	[sflag:s29] =	ssyncadd.s32 $0xFFFFFC00  }
0x41: {  	[spmem:s10] =	stream.linear.scatter @!p0 [tilespmem:s7], [sflag:$0x4], $0x400, $0x38;
	[tilespmem:$0x7900] =	vst v63  }
0x42: {  	s10 =	simm.s32 @!p0 $0x4  }
0x43: {  	_ =	swait.ge @!p0 [sflag:s10], $0x400  }
0x44: {  	[sflag:s10] =	ssyncset.done @!p0 $0x0  }
0x45: {  	s11 =	rddreg [dreg:$0x9];
	[sflag:s10] =	ssyncadd.s32 @!p0 $0xFFFFFC00  }
0x46: {  	[spmem:s11] =	stream.linear.scatter @!p0 [tilespmem:s7], [sflag:$0x4], $0x400, $0x38;
	[tilespmem:$0x7900] =	vst v63  }
0x47: {  	_ =	swait.ge @!p0 [sflag:s10], $0x400  }
0x48: {  	[sflag:s10] =	ssyncset.done @!p0 $0x0  }
0x49: {  	s11 =	rddreg [dreg:$0xa];
	[sflag:s10] =	ssyncadd.s32 @!p0 $0xFFFFFC00  }
0x4a: {  	[spmem:s11] =	stream.linear.scatter @!p0 [tilespmem:s7], [sflag:$0x4], $0x400, $0x38;
	[tilespmem:$0x7900] =	vst v63  }
0x4b: {  	_ =	swait.ge @!p0 [sflag:s10], $0x400  }
0x4c: {  	[sflag:s10] =	ssyncset.done @!p0 $0x0  }
0x4d: {  	s11 =	rddreg [dreg:$0xb];
	[sflag:s10] =	ssyncadd.s32 @!p0 $0xFFFFFC00  }
0x4e: {  	[spmem:s11] =	stream.linear.scatter @!p0 [tilespmem:s7], [sflag:$0x4], $0x400, $0x38;
	[tilespmem:$0x7900] =	vst v63  }
0x4f: {  	_ =	swait.ge @!p0 [sflag:s10], $0x400  }
0x50: {  	[sflag:s10] =	ssyncset.done @!p0 $0x0  }
0x51: {  	s11 =	rddreg [dreg:$0xc];
	[sflag:s10] =	ssyncadd.s32 @!p0 $0xFFFFFC00  }
0x52: {  	[spmem:s11] =	stream.linear.scatter @!p0 [tilespmem:s7], [sflag:$0x4], $0x400, $0x38;
	[tilespmem:$0x7900] =	vst v63  }
0x53: {  	_ =	swait.ge @!p0 [sflag:s10], $0x400  }
0x54: {  	[sflag:s10] =	ssyncset.done @!p0 $0x0  }
0x55: {  	s11 =	rddreg [dreg:$0xd];
	[sflag:s10] =	ssyncadd.s32 @!p0 $0xFFFFFC00  }
0x56: {  	[spmem:s11] =	stream.linear.scatter @!p0 [tilespmem:s7], [sflag:$0x4], $0x400, $0x38;
	[tilespmem:$0x7900] =	vst v63  }
0x57: {  	_ =	swait.ge @!p0 [sflag:s10], $0x400  }
0x58: {  	[sflag:s10] =	ssyncset.done @!p0 $0x0  }
0x59: {  	[sflag:s10] =	ssyncadd.s32 @!p0 $0xFFFFFC00  }
0x5a: {  	[spmem:s19] =	stream.linear.scatter @!p0 [tilespmem:s7], [sflag:$0x4], $0x400, $0x38;
	[tilespmem:$0x7900] =	vst v63  }
0x5b: {  	_ =	swait.ge @!p0 [sflag:s10], $0x400  }
0x5c: {  	[sflag:s10] =	ssyncset.done @!p0 $0x0  }
0x5d: {  	[sflag:s10] =	ssyncadd.s32 @!p0 $0xFFFFFC00  }
0x5e: {  	[spmem:s20] =	stream.linear.scatter @!p0 [tilespmem:s7], [sflag:$0x4], $0x400, $0x38;
	[tilespmem:$0x7900] =	vst v63  }
0x5f: {  	_ =	swait.ge @!p0 [sflag:s10], $0x400  }
0x60: {  	[sflag:s10] =	ssyncset.done @!p0 $0x0  }
0x61: {  	[sflag:s10] =	ssyncadd.s32 @!p0 $0xFFFFFC00  }
0x62: {  	[spmem:s26] =	stream.linear.scatter @!p0 [tilespmem:s7], [sflag:$0x4], $0x400, $0x38;
	[tilespmem:$0x7900] =	vst v63  }
0x63: {  	_ =	swait.ge @!p0 [sflag:s10], $0x400  }
0x64: {  	[sflag:s10] =	ssyncset.done @!p0 $0x0  }
0x65: {  	[sflag:s10] =	ssyncadd.s32 @!p0 $0xFFFFFC00  }
0x66: {  	s17 =	simm.s32 $0xFA0;
	[bflag:$0x0] =	sbarrier.arrive $0xFFFF  }
0x67: {  	[tilespmem:s3], [sflag:$0x3] =	stream.linear.gather [hbm4b:s21+s3], $0x7D0, $0x38;
	[tilespmem:$0x7900] =	vst v63  }
0x68: {  	s11 =	simm.s32 $0x0;
	s7 =	simm.s32 $0x0;
	s10 =	simm.s32 $0x0  }
0x69: {  	v13 =	vimm.s32 $0x0;
	[tilespmem:s17], [sflag:$0x3] =	stream.linear.gather [hbm4b:s22+s3], $0x7D0, $0x38;
	[tilespmem:$0x7900] =	vst v63  }
.LBB2_3:
0x6a: {  	s12 =	smov.u32 s11;
	_ =	swait.ge [sflag:s31], $0x7D0;
	s16 =	sand.u32 $0x1, s11  }
0x6b: {  	[sflag:s31] =	ssyncset.done $0x0;
	p2 =	seq.s32 s16, $0x1;
	s11 =	sadd.s32 $0x1, s12  }
0x6c: {  	p1 =	seq.s32 s12, $0x18;
	s12 =	simm.s32 $0x7D0;
	[sflag:s31] =	ssyncadd.s32 $0xFFFFF830  }
0x6d: {  	s13 =	smul.u32 @!p1 $0x7D0, s11;
	s12 =	simm.s32 @!p2 $0x0;
	s14 =	sand.u32 @!p1 $0x1, s11  }
0x6e: {  	s17 =	simm.s32 @!p1 $0x0;
	_ =	swait.ge [sflag:s31], $0x7D0;
	p2 =	seq.s32 @!p1 s14, $0x1  }
0x6f: {  	s14 =	simm.s32 @!p1 $0x7D0;
	s15 =	sadd.s32 $0xFA0, s12;
	s13 =	sadd.s32 @!p1 s8, s13  }
0x70: {  	[sflag:s31] =	ssyncset.done $0x0;
	p2 =	por !p2, p1;
	s13 =	sshrl.u32 @!p1 s13, $0x3  }
0x71: {  	v14 =	vmov s15;
	[sflag:s31] =	ssyncadd.s32 $0xFFFFF830;
	s14 =	simm.s32 @p2 $0x0;
	s16 =	sadd.s32 @!p1 s4, s13  }
0x72: {  	[tilespmem:s14], [sflag:$0x3] =	stream.linear.gather @!p1 [hbm4b:s16+s17], $0x7D0, $0x38;
	[tilespmem:$0x7900] =	vst v63  }
0x73: {  	s13 =	sadd.s32 @!p1 s5, s13;
	s14 =	sadd.s32 @!p1 $0xFA0, s14  }
0x74: {  	[tilespmem:s14], [sflag:$0x3] =	stream.linear.gather @!p1 [hbm4b:s13+s17], $0x7D0, $0x38;
	[tilespmem:$0x7900] =	vst v63  }
0x75: {  	s13 =	simm.s32 $0x0  }
0x76: {  	v16 =	vld.idx.msk [tilespmem:v14+s13+$0x0 ss:$0x1], $0xffff;
	_ =	sdelay $0x4  }
0x77: {  	vm0 =	vge.s32 v16, v0;
	vm1 =	vlt.s32 v16, v1  }
0x78: {  	vm0 =	vmand vm0, vm1  }
0x79: {  	v15 =	vmpcnt.ones.xlane vm0  }
0x7a: {  	s15 =	sadd.s32 $0x1, s10  }
0x7b: {  	s17 =	sshll.u32 s15, $0x7;
	v17 =	vadd.s32 v13, v15  }
0x7c: {  	v15 =	vsel vm0, $0x1, v2;
	vm15 =	vlt.s32 v17, s17  }
0x7d: {  	(xrf0) =	vadd.scan.msk.s32 $0xffff, v15;
	v15 =	vsel vm15, $0x0, v4  }
0x7e: {  	(xrf0) =	vmax.scan.msk.f32 $0xffff, v15;
	_ =	sdelay $0x4  }
0x7f: {  	v18, _, _ =	vpop (xrf0)  }
0x80: {  	v15, _, _ =	vpop (xrf0)  }
0x81: {  	(v2sf) =	vpush v15, $0xF;
	_ =	sdelay $0xb  }
0x82: {  	v15 =	vmov s12;
	_ =	sdelay $0x2  }
0x83: {  	v13 =	vadd.s32 $0xFFFFFFFF, v13;
	s16 =	spop (v2sf)  }
0x84: {  	s17 =	ssub.s32 s10, s7;
	v13 =	vadd.s32 v18, v13;
	p1 =	sgt.f32 s16, $0.0e+00  }
0x85: {  	p6 =	sgt.s32 s17, $0x1;
	v13 =	vand.u32 $0xFFF, v13;
	v63 =	vld.idx.msk [tilespmem:v15+s13+$0x0 ss:$0x1], $0xffff  }
0x86: {  	p2 =	por !p6, !p1  }
0x87: {  	p3 =	por !p2, !p2  }
0x88: {  	s13 =	sand.u32 @p1 $0x1, s10;
	s16 =	sshll.u32 @p1 s10, $0x7;
	s12 =	sand.u32 @p3 $0x1, s7  }
0x89: {  	s10 =	smov.u32 @p1 s15;
	s14 =	simm.s32 @p3 $0x2;
	p2 =	seq.s32 @p3 s12, $0x1  }
0x8a: {  	v16 =	vsub.s32 v16, v0;
	[tilespmem:v13+s0+$0x0] =	vst.idx.msk vm0, v63;
	s17 =	simm.s32 @p3 $0x4;
	s12 =	sshll.u32 @p3 s7, $0x7;
	p4 =	por !p2, !p3  }
0x8b: {  	[tilespmem:v13+s30+$0x0] =	vst.idx.msk vm0, v16;
	s12 =	sand.u32 @p3 $0xF80, s12;
	p2 =	seq.s32 @p1 s13, $0x1;
	s14 =	simm.s32 @p4 $0x1  }
0x8c: {  	s13 =	simm.s32 @p3 $0x4340;
	s12 =	sadd.s32 @p3 $0x2F40, s12;
	_ =	swait.ge @p3 [sflag:s14], $0x400  }
0x8d: {  	s13 =	simm.s32 @p4 $0x3F40;
	p4 =	por !p2, !p1;
	[sflag:s14] =	ssyncset.done @p3 $0x0  }
0x8e: {  	p2 =	por p2, !p1;
	[sflag:s14] =	ssyncadd.s32 @p3 $0xFFFFFC00;
	s14 =	simm.s32 @p3 $0x80  }
0x8f: {  	[spmem:s1] =	stream.indirect.scatter.add.f32 @p3 [tilespmem:s13], [sflag:$0x4], $0x8, s12, s14, $0xb8;
	[tilespmem:$0x7900] =	vst v63  }
0x90: {  	s15 =	simm.s32 @!p2 $0x80;
	s12 =	sand.u32 @p1 $0xF80, s16;
	_ =	swait.ge @p3 [sflag:s17], $0x400  }
0x91: {  	s16 =	simm.s32 @!p4 $0x4340;
	s14 =	sadd.s32 @p1 $0x1F40, s12;
	[sflag:s17] =	ssyncset.done @p3 $0x0  }
0x92: {  	s12 =	simm.s32 @!p4 $0x80;
	s13 =	rddreg [dreg:$0x3];
	[sflag:s17] =	ssyncadd.s32 @p3 $0xFFFFFC00  }
0x93: {  	[tilespmem:s16], [sflag:$0x2] =	stream.indirect.gather @!p4 [hbm4b:s6+s12], $0x8, s14, s12, $0xb8;
	[tilespmem:$0x7900] =	vst v63  }
0x94: {  	v13 =	vmov v17;
	s13 =	simm.s32 @!p3 $0x0;
	s12 =	simm.s32 $0x40;
	s16 =	simm.s32 @!p2 $0x3F40  }
.LBB2_4:
0x95: {  	[tilespmem:s16], [sflag:$0x1] =	stream.indirect.gather @!p2 [hbm4b:s6+s15], $0x8, s14, s15, $0xb8;
	[tilespmem:$0x7900] =	vst v63  }
0x96: {  	s15 =	sshra.s32 s12, $0x2  }
0x97: {  	v17 =	vld.idx.msk [tilespmem:v14+s15+$0x0 ss:$0x1], $0xffff;
	_ =	sdelay $0x4  }
0x98: {  	vm0 =	vge.s32 v17, v0;
	vm1 =	vlt.s32 v17, v1  }
0x99: {  	vm0 =	vmand vm0, vm1  }
0x9a: {  	v19 =	vmpcnt.ones.xlane vm0  }
0x9b: {  	s7 =	sadd.s32 s13, s7;
	s13 =	sadd.s32 $0x1, s10  }
0x9c: {  	v16 =	vmov v13;
	s17 =	sshll.u32 s13, $0x7;
	v13 =	vadd.s32 v13, v19  }
0x9d: {  	v18 =	vsel vm0, $0x1, v2;
	vm15 =	vlt.s32 v13, s17  }
0x9e: {  	(xrf0) =	vadd.scan.msk.s32 $0xffff, v18;
	v60 =	vsel vm15, $0x0, v4  }
0x9f: {  	(xrf0) =	vmax.scan.msk.f32 $0xffff, v60;
	_ =	sdelay $0x4  }
0xa0: {  	v61, _, _ =	vpop (xrf0)  }
0xa1: {  	v63, _, _ =	vpop (xrf0)  }
0xa2: {  	(v2sf) =	vpush v63, $0xF;
	_ =	sdelay $0xe  }
0xa3: {  	v16 =	vadd.s32 $0xFFFFFFFF, v16;
	s17 =	spop (v2sf)  }
0xa4: {  	s14 =	ssub.s32 s10, s7;
	v16 =	vadd.s32 v61, v16;
	p4 =	sgt.f32 s17, $0.0e+00  }
0xa5: {  	v62 =	vld.idx.msk [tilespmem:v15+s15+$0x0 ss:$0x1], $0xffff;
	p6 =	sgt.s32 s14, $0x1;
	v16 =	vand.u32 $0xFFF, v16  }
0xa6: {  	p2 =	por !p6, !p4  }
0xa7: {  	s14 =	sand.u32 @p4 $0x1, s10;
	s15 =	sshll.u32 @p4 s10, $0x7;
	p3 =	por !p2, !p2  }
0xa8: {  	p2 =	seq.s32 @p4 s14, $0x1;
	s14 =	sand.u32 @p4 $0xF80, s15;
	s15 =	sand.u32 @p3 $0x1, s7  }
0xa9: {  	s12 =	sadd.s32 $0x40, s12;
	s16 =	sshll.u32 @p3 s7, $0x7;
	p6 =	seq.s32 @p3 s15, $0x1  }
0xaa: {  	v17 =	vsub.s32 v17, v0;
	[tilespmem:v16+s0+$0x0] =	vst.idx.msk vm0, v62;
	s15 =	sand.u32 @p3 $0xF80, s16;
	s16 =	simm.s32 @p3 $0x2;
	p6 =	por !p6, !p3  }
0xab: {  	p1 =	seq.s32 s12, $0x1F40;
	[tilespmem:v16+s30+$0x0] =	vst.idx.msk vm0, v17;
	s10 =	smov.u32 @p4 s13;
	s16 =	simm.s32 @p6 $0x1  }
0xac: {  	p5 =	por !p2, !p4;
	s13 =	simm.s32 @p3 $0x4340;
	_ =	swait.ge @p3 [sflag:s16], $0x400  }
0xad: {  	s17 =	simm.s32 @p3 $0x4;
	s15 =	sadd.s32 @p3 $0x2F40, s15;
	[sflag:s16] =	ssyncset.done @p3 $0x0  }
0xae: {  	s13 =	simm.s32 @p6 $0x3F40;
	[sflag:s16] =	ssyncadd.s32 @p3 $0xFFFFFC00;
	s16 =	simm.s32 @p3 $0x80  }
0xaf: {  	[spmem:s1] =	stream.indirect.scatter.add.f32 @p3 [tilespmem:s13], [sflag:$0x4], $0x8, s15, s16, $0xb8;
	[tilespmem:$0x7900] =	vst v63  }
.Ltmp2:
0xb0: {  	p2 =	por p2, !p4;
	_ =	swait.ge @p3 [sflag:s17], $0x400;
	(pc) =	sbr.rel @!p1 .LBB2_4-.Ltmp2, $4  }
0xb1: {  	s14 =	sadd.s32 @p4 $0x1F40, s14;
	s15 =	simm.s32 @!p5 $0x80;
	[sflag:s17] =	ssyncset.done @p3 $0x0  }
0xb2: {  	s16 =	simm.s32 @!p5 $0x4340;
	s13 =	rddreg [dreg:$0x3];
	[sflag:s17] =	ssyncadd.s32 @p3 $0xFFFFFC00  }
0xb3: {  	[tilespmem:s16], [sflag:$0x2] =	stream.indirect.gather @!p5 [hbm4b:s6+s15], $0x8, s14, s15, $0xb8;
	[tilespmem:$0x7900] =	vst v63  }
0xb4: {  	s13 =	simm.s32 @!p3 $0x0;
	s15 =	simm.s32 @!p2 $0x80;
	s16 =	simm.s32 @!p2 $0x3F40  }
0xb5: {  	[tilespmem:s16], [sflag:$0x1] =	stream.indirect.gather @!p2 [hbm4b:s6+s15], $0x8, s14, s15, $0xb8;
	[tilespmem:$0x7900] =	vst v63  }
0xb6: {  	s7 =	sadd.s32 s13, s7  }
0xb7: {  	p1 =	seq.s32 s11, $0x19  }
.Ltmp3:
0xb8: {  	_ = 	snop;
	(pc) =	sbr.rel @!p1 .LBB2_3-.Ltmp3, $1  }
0xb9: {  	_ =	sdelay $0x3  }
0xba: {  	v14 =	vxor.u32 $0x80000000, v13  }
0xbb: {  	(xrf0) =	vmax.scan.msk.u32 $0xffff, v14;
	_ =	sdelay $0x5  }
0xbc: {  	v14, _, _ =	vpop (xrf0)  }
0xbd: {  	(v2sf) =	vpush v14, $0xF;
	_ =	sdelay $0xe  }
0xbe: {  	s11 =	spop (v2sf)  }
0xbf: {  	s11 =	sadd.s32 $0x8000007F, s11  }
0xc0: {  	v14 =	vadd.s32 v3, v13;
	s12 =	sand.u32 $0xFFFFFF80, s11  }
0xc1: {  	vm0 =	vlt.s32 v14, s12  }
0xc2: {  	v15 =	vadd.s32 v6, v13;
	v14 =	vand.u32 $0xFFF, v14  }
0xc3: {  	vm1 =	vlt.s32 v15, s12  }
0xc4: {  	v16 =	vadd.s32 v7, v13;
	v15 =	vand.u32 $0xFFF, v15  }
0xc5: {  	vm2 =	vlt.s32 v16, s12  }
0xc6: {  	v17 =	vadd.s32 v8, v13;
	v16 =	vand.u32 $0xFFF, v16  }
0xc7: {  	vm3 =	vlt.s32 v17, s12;
	[tilespmem:v14+s0+$0x0] =	vst.idx.msk vm0, v2  }
0xc8: {  	v60 =	vadd.s32 v9, v13;
	[tilespmem:v14+s30+$0x0] =	vst.idx.msk vm0, v5;
	v14 =	vand.u32 $0xFFF, v17  }
0xc9: {  	vm12 =	vlt.s32 v60, s12;
	[tilespmem:v15+s0+$0x0] =	vst.idx.msk vm1, v2  }
0xca: {  	v61 =	vadd.s32 v10, v13;
	[tilespmem:v15+s30+$0x0] =	vst.idx.msk vm1, v5;
	v15 =	vand.u32 $0xFFF, v60  }
0xcb: {  	vm13 =	vlt.s32 v61, s12;
	[tilespmem:v16+s0+$0x0] =	vst.idx.msk vm2, v2  }
0xcc: {  	v63 =	vadd.s32 v11, v13;
	v62 =	vand.u32 $0xFFF, v61;
	[tilespmem:v16+s30+$0x0] =	vst.idx.msk vm2, v5  }
0xcd: {  	vm14 =	vlt.s32 v63, s12;
	[tilespmem:v14+s0+$0x0] =	vst.idx.msk vm3, v2  }
0xce: {  	v13 =	vadd.s32 v12, v13;
	[tilespmem:v14+s30+$0x0] =	vst.idx.msk vm3, v5;
	v14 =	vand.u32 $0xFFF, v63  }
0xcf: {  	vm15 =	vlt.s32 v13, s12;
	[tilespmem:v15+s0+$0x0] =	vst.idx.msk vm12, v2  }
0xd0: {  	v13 =	vand.u32 $0xFFF, v13;
	[tilespmem:v15+s30+$0x0] =	vst.idx.msk vm12, v5  }
0xd1: {  	s11 =	sshrl.u32 s11, $0x7;
	[tilespmem:v62+s0+$0x0] =	vst.idx.msk vm13, v2  }
0xd2: {  	p1 =	sle.s32 s11, s10;
	[tilespmem:v62+s30+$0x0] =	vst.idx.msk vm13, v5  }
0xd3: {  	s12 =	sand.u32 @!p1 $0x1, s10;
	s10 =	sshll.u32 @!p1 s10, $0x7;
	[tilespmem:v14+s0+$0x0] =	vst.idx.msk vm14, v2  }
0xd4: {  	p2 =	seq.s32 @!p1 s12, $0x1;
	s10 =	sand.u32 @!p1 $0xF80, s10;
	[tilespmem:v14+s30+$0x0] =	vst.idx.msk vm14, v5  }
0xd5: {  	p3 =	por !p2, p1;
	s10 =	sadd.s32 @!p1 $0x1F40, s10;
	[tilespmem:v13+s0+$0x0] =	vst.idx.msk vm15, v2  }
0xd6: {  	p1 =	por p2, p1;
	s12 =	simm.s32 @!p3 $0x80;
	s13 =	simm.s32 @!p3 $0x4340;
	[tilespmem:v13+s30+$0x0] =	vst.idx.msk vm15, v5  }
0xd7: {  	[tilespmem:s13], [sflag:$0x2] =	stream.indirect.gather @!p3 [hbm4b:s6+s12], $0x8, s10, s12, $0xb8;
	[tilespmem:$0x7900] =	vst v63  }
0xd8: {  	s12 =	simm.s32 @!p1 $0x80;
	s13 =	simm.s32 @!p1 $0x3F40  }
0xd9: {  	[tilespmem:s13], [sflag:$0x1] =	stream.indirect.gather @!p1 [hbm4b:s6+s12], $0x8, s10, s12, $0xb8;
	[tilespmem:$0x7900] =	vst v63  }
0xda: {  	p1 =	sge.s32 s7, s11  }
.Ltmp4:
0xdb: {  	_ = 	snop;
	(pc) =	sbr.rel @p1 .LBB2_14-.Ltmp4, $1  }
0xdc: {  	_ =	sdelay $0x3  }
0xdd: {  	s13 =	sadd.s32 $0x1, s7  }
0xde: {  	p2 =	slt.s32 s13, s11  }
.Ltmp5:
0xdf: {  	_ = 	snop;
	(pc) =	sbr.rel @!p2 .LBB2_8-.Ltmp5, $2  }
0xe0: {  	_ =	sdelay $0x2  }
0xe1: {  	s12 =	sand.u32 $0x1F, s7;
	s14 =	sand.u32 $0x1, s7;
	p1 =	por $0x0, $0x0  }
0xe2: {  	p1 =	seq.s32 s14, $0x1  }
0xe3: {  	s7 =	simm.s32 @p1 $0x2  }
0xe4: {  	s10 =	sshll.u32 @p1 s12, $0x7;
	_ =	swait.ge @p1 [sflag:s7], $0x400  }
0xe5: {  	s12 =	sshll.u32 @!p1 s12, $0x7;
	s15 =	simm.s32 @p1 $0x4340;
	[sflag:s7] =	ssyncset.done @p1 $0x0  }
0xe6: {  	s10 =	sadd.s32 @p1 $0x2F40, s10;
	[sflag:s7] =	ssyncadd.s32 @p1 $0xFFFFFC00;
	s7 =	simm.s32 @p1 $0x80  }
0xe7: {  	[spmem:s1] =	stream.indirect.scatter.add.f32 @p1 [tilespmem:s15], [sflag:$0x4], $0x8, s10, s7, $0xb8;
	[tilespmem:$0x7900] =	vst v63  }
0xe8: {  	s14 =	simm.s32 @!p1 $0x1;
	s12 =	sadd.s32 @!p1 $0x2F40, s12;
	s7 =	sadd.s32 $0x1, s13  }
0xe9: {  	s10 =	simm.s32 @!p1 $0x5;
	_ =	swait.ge @!p1 [sflag:s14], $0x400;
	p2 =	slt.s32 s7, s11  }
.Ltmp6:
0xea: {  	s15 =	simm.s32 @!p1 $0x3F40;
	[sflag:s14] =	ssyncset.done @!p1 $0x0;
	(pc) =	sbr.rel @!p2 .LBB2_10-.Ltmp6, $4  }
0xeb: {  	s10 =	simm.s32 @p1 $0x4;
	[sflag:s14] =	ssyncadd.s32 @!p1 $0xFFFFFC00;
	s14 =	simm.s32 @!p1 $0x80  }
0xec: {  	[spmem:s1] =	stream.indirect.scatter.add.f32 @!p1 [tilespmem:s15], [sflag:$0x5], $0x8, s12, s14, $0xb8;
	[tilespmem:$0x7900] =	vst v63  }
0xed: {  	s12 =	sand.u32 $0x1F, s13;
	_ =	swait.ge [sflag:s10], $0x400  }
0xee: {  	s14 =	sand.u32 $0x1, s13;
	p1 =	por $0x1, $0x1;
	[sflag:s10] =	ssyncset.done $0x0  }
.LBB2_11:
0xef: {  	s13 =	sand.u32 $0x1F, s7;
	p2 =	seq.s32 s14, $0x1  }
0xf0: {  	[sflag:s10] =	ssyncadd.s32 $0xFFFFFC00;
	s14 =	smov.u32 s7;
	s7 =	sadd.s32 $0x1, s7  }
0xf1: {  	s15 =	simm.s32 @p2 $0x2;
	s10 =	sshll.u32 @p2 s12, $0x7;
	s12 =	sshll.u32 @!p2 s12, $0x7  }
0xf2: {  	_ =	swait.ge @p2 [sflag:s15], $0x400;
	s16 =	sadd.s32 @p2 $0x2F40, s10;
	s17 =	sadd.s32 @!p2 $0x2F40, s12  }
0xf3: {  	s18 =	simm.s32 @!p2 $0x1;
	s10 =	simm.s32 @!p2 $0x5;
	[sflag:s15] =	ssyncset.done @p2 $0x0  }
0xf4: {  	s12 =	simm.s32 @p2 $0x80;
	[sflag:s15] =	ssyncadd.s32 @p2 $0xFFFFFC00;
	s15 =	simm.s32 @p2 $0x4340  }
0xf5: {  	[spmem:s1] =	stream.indirect.scatter.add.f32 @p2 [tilespmem:s15], [sflag:$0x4], $0x8, s16, s12, $0xb8;
	[tilespmem:$0x7900] =	vst v63  }
0xf6: {  	p3 =	slt.s32 s7, s11;
	s12 =	smov.u32 s13;
	_ =	swait.ge @!p2 [sflag:s18], $0x400  }
.Ltmp7:
0xf7: {  	s10 =	simm.s32 @p2 $0x4;
	[sflag:s18] =	ssyncset.done @!p2 $0x0;
	(pc) =	sbr.rel @p3 .LBB2_11-.Ltmp7, $4  }
0xf8: {  	s13 =	simm.s32 @!p2 $0x80;
	s15 =	simm.s32 @!p2 $0x3F40;
	[sflag:s18] =	ssyncadd.s32 @!p2 $0xFFFFFC00  }
0xf9: {  	[spmem:s1] =	stream.indirect.scatter.add.f32 @!p2 [tilespmem:s15], [sflag:$0x5], $0x8, s17, s13, $0xb8;
	[tilespmem:$0x7900] =	vst v63  }
0xfa: {  	_ =	swait.ge [sflag:s10], $0x400  }
0xfb: {  	s14 =	sand.u32 $0x1, s14;
	[sflag:s10] =	ssyncset.done $0x0  }
.Ltmp8:
0xfc: {  	(pc) =	sbr.rel .LBB2_13-.Ltmp8, $2  }
0xfd: {  	_ =	sdelay $0x2  }
0xfe: {  	s18 =	stileid.u32  }
.LBB2_10:
.Ltmp9:
0xff: {  	(pc) =	sbr.rel .LBB2_13-.Ltmp9, $2  }
0x100: {  	_ =	sdelay $0x2  }
0x101: {  	s18 =	stileid.u32  }
.LBB2_15:
0x102: {  	_ =	sfence.sel $0x180000  }
0x103: {  	[bflag:$0x0] =	sbarrier.arrive $0xFFFF  }
0x104: {  	_ =	strace $0x90000047  }
0x105: {  	[bflag:$0x2] =	sbarrier.arrive $0xFFFF  }
0x106: {  	p0 =	sne.s32 s18, $0x0;
	s0 =	rddreg [dreg:$0x2]  }
0x107: {  	s0 =	sadd.s32 @!p0 $0x100000, s0  }
0x108: {  	[sflag:s0] =	ssyncadd.tile.s32 @!p0 $0x1;
	_ =	shalt  }
.Lfunc_end2:
_tile_overlayer_lowered:
.L_overlay_start_2:
0x109: {  	(tag) =	ssettag $0x2  }
0x10a: {  	s0 =	rddreg [dreg:$0x0];
	s2 =	stileid.u32  }
0x10b: {  	s1 =	rddreg [dreg:$0x1];
	p0 =	sne.s32 s2, $0x0  }
0x10c: {  	s3 =	rddreg [dreg:$0x2];
	[bflag:$0x3] =	sbarrier.arrive $0xFFFF;
	s2 =	simm.s32 @!p0 $0x1C04  }
0x10d: {  	[timem:s3], [sflag:s2] =	dma.local @!p0 [hbm:s0], s1  }
0x10e: {  	s0 =	simm.s32 @!p0 $0x4  }
0x10f: {  	_ =	swait.ge @!p0 [sflag:s0], s1  }
0x110: {  	s1 =	ssub.s32 @!p0 $0x0, s1;
	[sflag:s0] =	ssyncset.done @!p0 $0x0  }
0x111: {  	[sflag:s0] =	ssyncadd.s32 @!p0 s1  }
0x112: {  	[bflag:$0x3] =	sbarrier.arrive $0xFFFF  }
0x113: {  	_ =	shalt  }

// kernel: kernel.9.cloned.1.call-start
scs
__scs_entry_jumppad:
0x0: {  	(pc) =	sbr.rel $0x88, $3  }
0x1: {  	(tag) =	ssettag $0x0;
	lr =	simm.s32 $0x1  }
0x2: {  	[smem:$0x3F93] =	sst lr;
	_ =	strace $0xD0000000  }
0x3: {  	_ = 	snop  }
0x4: {  	_ = 	snop  }
0x5: {  	_ = 	snop  }
0x6: {  	_ = 	snop  }
0x7: {  	_ = 	snop  }
__scs_overlays_trampoline_lowered:
0x8: {  	[smem:$0x3FA2] =	sst s0  }
0x9: {  	[smem:$0x3FA3] =	sst s1  }
0xa: {  	[smem:$0x3FA4] =	sst s2  }
0xb: {  	[smem:$0x3FA5] =	sst s3  }
0xc: {  	[smem:$0x3FA6] =	sst s4  }
0xd: {  	[smem:$0x3FA7] =	sst s5  }
0xe: {  	[smem:$0x3FA8] =	sst s6  }
0xf: {  	[smem:$0x3FA9] =	sst s7  }
0x10: {  	[smem:$0x3FAA] =	sst s8  }
0x11: {  	[smem:$0x3FAB] =	sst s9;
	s0 =	simm.s32 @!p0 $0x0  }
0x12: {  	s1 =	sld [smem:$0x3F91];
	s0 =	simm.s32 @p0 $0x1  }
0x13: {  	[smem:$0x3FAC] =	sst s0;
	s0 =	simm.s32 @!p1 $0x0  }
0x14: {  	s2 =	sld [smem:$0x3F90];
	s0 =	simm.s32 @p1 $0x1  }
0x15: {  	[smem:$0x3FAD] =	sst s0;
	s0 =	simm.s32 @!p2 $0x0  }
0x16: {  	s3 =	sld [smem:$0x3FDB];
	s0 =	simm.s32 @p2 $0x1  }
0x17: {  	s4 =	simm.s32 $0x1BF5;
	[smem:$0x3FAF] =	sst s0  }
0x18: {  	s0 =	sld [smem:$0x3F92];
	_ =	swait.ge [sflag:s4], $0x0  }
0x19: {  	s7 =	sld [smem:$0x3F93]  }
0x1a: {  	s8 =	sadd.s32 $0xFFFFE003, lr  }
0x1b: {  	s9 =	sadd.s32 $0xFFFFFEF7, lr;
	s5 =	simm.s32 $0xFFFFFFFF;
	p2 =	slt.u32 s8, $0xFFFFF086  }
0x1c: {  	p1 =	slt.u32 s9, $0xF7A;
	s5 =	simm.s32 @!p2 $0x0  }
0x1d: {  	s5 =	simm.s32 @p1 $0x1;
	p0 =	seq.s32 s7, s2  }
0x1e: {  	s7 =	smul.u32 @!p0 $0xF7A, s2;
	p2 =	seq.s32 @!p0 s5, $0x0  }
0x1f: {  	s9 =	smul.u32 $0xF7A, s1;
	s8 =	simm.s32 @!p0 $0x1BF5;
	p2 =	por !p2, p0  }
0x20: {  	[sflag:s8] =	ssyncset.s32 @!p0 $0xFFFFF086;
	s6 =	sadd.s32 @!p0 s3, s7;
	s7 =	simm.s32 @!p0 $0x108  }
0x21: {  	s3 =	sadd.s32 s3, s9;
	s6 =	sadd.s32 @!p0 $0x88, s6;
	s7 =	simm.s32 @p2 $0x1082  }
0x22: {  	[simem:s7], [sflag:s8] =	dma.local @!p0 [hbm:s6], $0xF7A  }
0x23: {  	s9 =	sor.u32 $0xD0000000, s2;
	s6 =	simm.s32 $0x108;
	_ =	swait.ge @!p0 [sflag:s8], $0x0  }
0x24: {  	s3 =	sadd.s32 $0x88, s3;
	s6 =	simm.s32 @!p1 $0x1082;
	[sflag:s4] =	ssyncset.s32 $0xFFFFF086  }
0x25: {  	[simem:s6], [sflag:s4] =	dma.local [hbm:s3], $0xF7A  }
0x26: {  	[smem:$0x3F93] =	sst s1;
	(tag) =	ssettag s2;
	_ =	strace s9  }
0x27: {  	s1 =	sld [smem:$0x3FA3]  }
0x28: {  	s2 =	sld [smem:$0x3FA4]  }
0x29: {  	s4 =	sld [smem:$0x3FA6]  }
0x2a: {  	p0 =	seq.s32 s5, $0x0;
	s5 =	sld [smem:$0x3FA7]  }
0x2b: {  	s6 =	sld [smem:$0x3FA8]  }
0x2c: {  	s7 =	sld [smem:$0x3FA9]  }
0x2d: {  	s3 =	simm.s32 $0x108;
	s8 =	sld [smem:$0x3FAA]  }
0x2e: {  	s3 =	simm.s32 @!p0 $0x1082;
	s9 =	sld [smem:$0x3FAB]  }
0x2f: {  	lr =	sadd.s32 s0, s3;
	s0 =	sld [smem:$0x3FA2]  }
0x30: {  	s3 =	sld [smem:$0x3FA5]  }
0x31: {  	[smem:$0x3FAE] =	sst s10  }
0x32: {  	s10 =	sld [smem:$0x3FAC];
	_ =	sdelay $0x3  }
0x33: {  	p0 =	seq.s32 s10, $0x1;
	s10 =	sld [smem:$0x3FAE];
	_ =	sdelay $0x3  }
0x34: {  	[smem:$0x3FAE] =	sst s10  }
0x35: {  	s10 =	sld [smem:$0x3FAD];
	_ =	sdelay $0x3  }
0x36: {  	p1 =	seq.s32 s10, $0x1;
	s10 =	sld [smem:$0x3FAE];
	_ =	sdelay $0x3  }
0x37: {  	[smem:$0x3FAE] =	sst s10  }
0x38: {  	s10 =	sld [smem:$0x3FAF]  }
0x39: {  	_ = 	snop;
	(pc) =	sbr.ind lr, $3  }
0x3a: {  	_ = 	snop  }
0x3b: {  	_ = 	snop  }
0x3c: {  	p2 =	seq.s32 s10, $0x1;
	s10 =	sld [smem:$0x3FAE]  }
0x3d: {  	_ =	shalt  }
0x3e: {  	_ =	shalt  }
0x3f: {  	_ =	shalt  }
0x40: {  	_ =	shalt  }
0x41: {  	_ =	shalt  }
0x42: {  	_ =	shalt  }
0x43: {  	_ =	shalt  }
0x44: {  	_ =	shalt  }
0x45: {  	_ =	shalt  }
0x46: {  	_ =	shalt  }
0x47: {  	_ =	shalt  }
0x48: {  	_ =	shalt  }
0x49: {  	_ =	shalt  }
0x4a: {  	_ =	shalt  }
0x4b: {  	_ =	shalt  }
0x4c: {  	_ =	shalt  }
0x4d: {  	_ =	shalt  }
0x4e: {  	_ =	shalt  }
0x4f: {  	_ =	shalt  }
0x50: {  	_ =	shalt  }
0x51: {  	_ =	shalt  }
0x52: {  	_ =	shalt  }
0x53: {  	_ =	shalt  }
0x54: {  	_ =	shalt  }
0x55: {  	_ =	shalt  }
0x56: {  	_ =	shalt  }
0x57: {  	_ =	shalt  }
0x58: {  	_ =	shalt  }
0x59: {  	_ =	shalt  }
0x5a: {  	_ =	shalt  }
0x5b: {  	_ =	shalt  }
0x5c: {  	_ =	shalt  }
0x5d: {  	_ =	shalt  }
0x5e: {  	_ =	shalt  }
0x5f: {  	_ =	shalt  }
0x60: {  	_ =	shalt  }
0x61: {  	_ =	shalt  }
0x62: {  	_ =	shalt  }
0x63: {  	_ =	shalt  }
0x64: {  	_ =	shalt  }
0x65: {  	_ =	shalt  }
0x66: {  	_ =	shalt  }
0x67: {  	_ =	shalt  }
0x68: {  	_ =	shalt  }
0x69: {  	_ =	shalt  }
0x6a: {  	_ =	shalt  }
0x6b: {  	_ =	shalt  }
0x6c: {  	_ =	shalt  }
0x6d: {  	_ =	shalt  }
0x6e: {  	_ =	shalt  }
0x6f: {  	_ =	shalt  }
0x70: {  	_ =	shalt  }
0x71: {  	_ =	shalt  }
0x72: {  	_ =	shalt  }
0x73: {  	_ =	shalt  }
0x74: {  	_ =	shalt  }
0x75: {  	_ =	shalt  }
0x76: {  	_ =	shalt  }
0x77: {  	_ =	shalt  }
0x78: {  	_ =	shalt  }
0x79: {  	_ =	shalt  }
0x7a: {  	_ =	shalt  }
0x7b: {  	_ =	shalt  }
0x7c: {  	_ =	shalt  }
0x7d: {  	_ =	shalt  }
0x7e: {  	_ =	shalt  }
0x7f: {  	_ =	shalt  }
0x80: {  	_ =	shalt  }
0x81: {  	_ =	shalt  }
0x82: {  	_ =	shalt  }
0x83: {  	_ =	shalt  }
0x84: {  	_ =	shalt  }
0x85: {  	_ =	shalt  }
0x86: {  	_ =	shalt  }
0x87: {  	_ =	shalt  }
.Lfunc_end0:
.L_simem_size_0:
called_computation.1_lowered:
.L_overlay_start_0:
0x88: {  	s2 =	sld [smem:$0x3FD9]  }
0x89: {  	s3 =	sld [smem:$0x3FFE];
	_ =	sdelay $0x1  }
0x8a: {  	s1 =	srdreg.scid  }
0x8b: {  	s0 =	sand.u32 $0x1, s1  }
0x8c: {  	s16 =	sshll.u32 s0, $0xA;
	s2 =	sadd.s32 s3, s2  }
0x8d: {  	s2 =	sadd.s32 s2, s16  }
0x8e: {  	[smem:$0x3FBA] =	sst s2  }
0x8f: {  	_ = 	snop  }
0x90: {  	(tm) =	ssettm $0x1  }
0x91: {  	s17 =	sld [smem:$0x3FFB];
	_ =	sdelay $0x3  }
0x92: {  	_ =	strace s17  }
0x93: {  	s2 =	sld [smem:$0x3FFC];
	_ =	sdelay $0x3  }
0x94: {  	_ =	strace s2  }
0x95: {  	s2 =	sld [smem:$0x3FFD];
	_ =	sdelay $0x3  }
0x96: {  	_ =	strace s2  }
0x97: {  	_ =	strace $0x8FFFFFFF  }
0x98: {  	s18 =	sld [smem:$0x3FDB];
	_ =	sdelay $0x1  }
0x99: {  	s19 =	simm.s32 $_scs_section_size  }
0x9a: {  	s4 =	simm.s32 $_size__tile_overlayer_lowered;
	s5 =	simm.s32 $_tile_overlayer_lowered  }
0x9b: {  	s22 =	simm.s32 $0x1BFF;
	s21 =	sshll.u32 s5, $0x1;
	s2 =	sadd.s32 s19, s18  }
0x9c: {  	s6 =	simm.s32 $0x0;
	s20 =	sshll.u32 s4, $0x1;
	s4 =	sadd.s32 s21, s2  }
0x9d: {  	[timem:s6], [sflag:s22] =	dma.local [hbm:s4], s20  }
0x9e: {  	_ =	swait.ge [sflag:s22], s20  }
0x9f: {  	s3 =	ssub.s32 $0x0, s20;
	[sflag:s22] =	ssyncset.done $0x0  }
0xa0: {  	[sflag:s22] =	ssyncadd.s32 s3;
	_ =	sdelay $0x1  }
0xa1: {  	s23 =	simm.s32 $0x1B8B  }
0xa2: {  	_ =	swait.ge [sflag:s23], $0x1  }
0xa3: {  	[sflag:s23] =	ssyncset.done $0x0  }
0xa4: {  	s25 =	simm.s32 $0x1B8E;
	s24 =	sld [smem:$0x3FFE];
	[sflag:s23] =	ssyncadd.s32 $0xFFFFFFFF  }
0xa5: {  	s26 =	simm.s32 $execute0_lowered;
	[smem:$0x3FD2] =	sst s25  }
0xa6: {  	s4 =	sshll.u32 s26, $0x1;
	_ =	strace $0x80000049;
	[dreg:$0x1] =	wrdreg $0xFFFFFFFF  }
0xa7: {  	s28 =	simm.s32 $_size_execute0_lowered;
	s2 =	sadd.s32 s2, s4;
	[dreg:$0x0] =	wrdreg $0x0  }
0xa8: {  	s4 =	sshll.u32 s28, $0x1;
	[dreg:$0x2] =	wrdreg s2  }
0xa9: {  	[dreg:$0x3] =	wrdreg s4  }
0xaa: {  	[dreg:$0x4] =	wrdreg $0xC0  }
0xab: {  	_ =	task [dreg:s6], $0x5FFFF  }
0xac: {  	[dreg:$0x1] =	wrdreg $0xFFFFFFFF  }
0xad: {  	[dreg:$0x0] =	wrdreg $0x60  }
0xae: {  	[dreg:$0x2] =	wrdreg s24  }
0xaf: {  	[dreg:$0x3] =	wrdreg $0x7F400  }
0xb0: {  	[dreg:$0x4] =	wrdreg $0x9  }
0xb1: {  	_ =	task.clear_ibuf [dreg:s6], $0x5FFFF;
	_ =	strace $0x90000049  }
0xb2: {  	s29 =	simm.s32 $0x9;
	_ =	strace $0x8000004B  }
0xb3: {  	_ =	swait.ge [sflag:s29], $0x1  }
0xb4: {  	[sflag:s29] =	ssyncadd.s32 $0xFFFFFFFF  }
0xb5: {  	_ =	strace $0x9000004B  }
0xb6: {  	_ =	sfence  }
0xb7: {  	s30 =	sld [smem:$0x0];
	_ =	sdelay $0x2  }
0xb8: {  	s31 =	sshll.u32 s1, $0xD;
	s1 =	sshrl.u32 s1, $0x2  }
0xb9: {  	s3 =	sand.u32 $0x4000, s31;
	s1 =	sadd.s32 s1, s30  }
0xba: {  	s0 =	sor.u32 s3, s0;
	s1 =	sshll.u32 s1, $0x11  }
0xbb: {  	s0 =	sor.u32 s1, s0  }
0xbc: {  	s0 =	sadd.s32 $0x8F2B, s0  }
0xbd: {  	[sflag:s0] =	ssyncadd.remote.s32 $0x1  }
0xbe: {  	_ =	sfence.sel $0xFFFF  }
0xbf: {  	[dreg:$0x0] =	wrdreg $0xFFFFFFFF;
	(pc) =	sbr.abs _section_cstart, $3  }
0xc0: {  	[dreg:$0x1] =	wrdreg $0xFFFFFFFF  }
0xc1: {  	_ =	task.clear_ibuf [dreg:s6], $0x2FFFF;
	_ =	strace $0x9FFFFFFF  }
0xc2: {  	(tm) =	ssettm $0x7FFFFFFF  }
0xc3: {  	_ =	shalt  }
tec
execute0_lowered:
.L_overlay_start_1:
0x0: {  	(tag) =	ssettag $0x1  }
0x1: {  	s0 =	rddreg [dreg:$0x0]  }
0x2: {  	s1 =	rddreg [dreg:$0x1];
	s2 =	simm.s32 $0x0;
	s3 =	srdreg.scid  }
0x3: {  	s22 =	stileid.u32;
	s29 =	simm.s32 $0x3;
	s30 =	simm.s32 $0x1F40  }
0x4: {  	s31 =	simm.s32 $0x2F40;
	[smem:$0x7FF] =	sst s2;
	s9 =	smul.u32 $0x38000, s22  }
0x5: {  	s4 =	sadd.s32 $0x1BE00, s0;
	s5 =	sadd.s32 $0x3600, s0;
	s11 =	smul.u32 $0x7, s22  }
0x6: {  	s6 =	sadd.s32 $0x97600, s0;
	s7 =	sadd.s32 $0x113200, s0;
	s25 =	smul.u32 $0x318, s22  }
0x7: {  	s3 =	sand.u32 $0x1, s3;
	s0 =	sadd.s32 $0x1D9600, s0;
	s21 =	smul.u32 $0x31800, s22  }
0x8: {  	p1 =	seq.s32 s22, $0xF;
	_ =	strace $0x8000004A;
	s8 =	ssub.s32 $0x2, s3  }
0x9: {  	s3 =	smul.u32 $0x6300, s3;
	p0 =	sgt.u32 @!p1 s22, $0xD;
	s10 =	sshrl.u32 s8, $0x1  }
0xa: {  	s9 =	sshrl.u32 s9, $0x2;
	s13 =	sadd.s32 $0x1, s11;
	s26 =	sshrl.u32 s21, $0x2  }
0xb: {  	p2 =	por p0, p1;
	p0 =	por !p0, p1;
	s12 =	ssub.s32 s8, s10  }
0xc: {  	s8 =	smul.u32 $0xC350, s22;
	s9 =	sadd.s32 s9, s1;
	s14 =	sshll.u32 s13, $0xD  }
0xd: {  	s10 =	sadd.s32 $0x2, s11;
	s11 =	sadd.s32 $0x3, s11;
	s17 =	sadd.s32 $0x3180, s3  }
0xe: {  	s19 =	sadd.s32 s25, s3;
	v0 =	vmov s3;
	s13 =	simm.s32 @p1 $0x6A;
	s3 =	simm.s32 @!p1 $0x0  }
0xf: {  	s14 =	sadd.s32 s14, s1;
	s23 =	sshll.u32 s10, $0xD;
	s15 =	sshll.u32 s11, $0xD  }
0x10: {  	s16 =	sadd.s32 $0xA000, s9;
	s28 =	smax.u32 s12, $0x1;
	[dreg:$0x4] =	wrdreg s14  }
0x11: {  	s19 =	sshll.u32 s19, $0x3;
	s14 =	sadd.s32 s23, s1;
	[dreg:$0xa] =	wrdreg s28  }
0x12: {  	s10 =	simm.s32 @p1 $0x6B;
	[dreg:$0x5] =	wrdreg s14;
	s14 =	sadd.s32 s25, s17  }
0x13: {  	s3 =	simm.s32 @p1 $0x1;
	[dreg:$0x3] =	wrdreg s10;
	s14 =	sshll.u32 s14, $0x3  }
0x14: {  	s19 =	sadd.s32 s0, s19;
	[smem:$0x7FD] =	sst s3;
	s0 =	sadd.s32 s0, s14  }
0x15: {  	s21 =	sadd.s32 $0xC000, s9;
	[dreg:$0x8] =	wrdreg s0;
	s0 =	sadd.s32 s26, s1  }
0x16: {  	s24 =	sadd.s32 s15, s1;
	[dreg:$0x9] =	wrdreg s0;
	s0 =	simm.s32 @!p2 $0x0  }
0x17: {  	s11 =	simm.s32 @p1 $0x6C;
	[dreg:$0x6] =	wrdreg s24;
	s0 =	simm.s32 @p2 $0x1  }
.Ltmp0:
0x18: {  	v4 =	vimm.s32 $0x0;
	v5 =	vlaneseq.u32;
	[smem:$0x7FB] =	sst s0;
	s0 =	simm.s32 @!p0 $0x0;
	(pc) =	sbr.rel .LBB2_1-.Ltmp0, $4  }
0x19: {  	v6 =	vimm.f32 $1.000000000e+00;
	v7 =	vimm.s32 $0x3180;
	v8 =	vor.u32 $0x10, v5;
	s15 =	sadd.s32 $0x8000, s9;
	[dreg:$0x7] =	wrdreg s19;
	s0 =	simm.s32 @p0 $0x1  }
0x1a: {  	v9 =	vor.u32 $0x20, v5;
	v10 =	vor.u32 $0x30, v5;
	v11 =	vor.u32 $0x40, v5;
	s18 =	sshrl.u32 s8, $0x3;
	[smem:$0x7FC] =	sst s0;
	s0 =	sshll.u32 @!p1 s13, $0xD  }
0x1b: {  	v12 =	vor.u32 $0x50, v5;
	v13 =	vor.u32 $0x60, v5;
	v2 =	vmov s17;
	s19 =	sadd.s32 s4, s18;
	s20 =	sadd.s32 s5, s18;
	s0 =	sadd.s32 @!p1 s0, s1  }
0x1c: {  	v14 =	vor.u32 $0x70, v5;
	v1 =	vadd.s32 $0x3180, v0;
	v3 =	vadd.s32 $0x3180, v2;
	s26 =	simm.s32 $0x4;
	[dreg:$0xb] =	wrdreg s0;
	s0 =	simm.s32 $0x0  }
.LBB2_19:
0x1d: {  	_ = 	snop  }
.LBB2_22:
0x1e: {  	p0 =	seq.s32 s23, $0x1  }
0x1f: {  	[sflag:s17] =	ssyncadd.s32 @p3 $0xFFFFE000;
	s10 =	simm.s32 @p0 $0x2  }
0x20: {  	s13 =	sshll.u32 @p0 s18, $0x7;
	_ =	swait.ge @p0 [sflag:s10], $0x2000  }
0x21: {  	s14 =	simm.s32 @!p0 $0x1;
	s17 =	simm.s32 @p0 $0x5F40;
	[sflag:s10] =	ssyncset.done @p0 $0x0  }
0x22: {  	s13 =	sadd.s32 @p0 $0x2F40, s13;
	[sflag:s10] =	ssyncadd.s32 @p0 $0xFFFFE000;
	s10 =	simm.s32 @p0 $0x80  }
0x23: {  	[spmem:s1] =	stream.indirect.scatter.add.bf16 @p0 [tilespmem:s17], [sflag:$0x4], $0x40, s13, s10, $0xb8;
	[tilespmem:$0x14740] =	vst v63  }
0x24: {  	s10 =	sshll.u32 @!p0 s18, $0x7;
	s13 =	simm.s32 @!p0 $0x5;
	_ =	swait.ge @!p0 [sflag:s14], $0x2000  }
0x25: {  	s17 =	simm.s32 @!p0 $0x3F40;
	s10 =	sadd.s32 @!p0 $0x2F40, s10;
	[sflag:s14] =	ssyncset.done @!p0 $0x0  }
0x26: {  	s13 =	simm.s32 @p0 $0x4;
	[sflag:s14] =	ssyncadd.s32 @!p0 $0xFFFFE000;
	s14 =	simm.s32 @!p0 $0x80  }
0x27: {  	[spmem:s1] =	stream.indirect.scatter.add.bf16 @!p0 [tilespmem:s17], [sflag:$0x5], $0x40, s10, s14, $0xb8;
	[tilespmem:$0x14740] =	vst v63  }
0x28: {  	_ =	swait.ge [sflag:s13], $0x2000  }
0x29: {  	[sflag:s13] =	ssyncset.done $0x0  }
0x2a: {  	[sflag:s13] =	ssyncadd.s32 $0xFFFFE000  }
.LBB2_23:
0x2b: {  	[bflag:$0x0] =	sbarrier.arrive $0xFFFF  }
0x2c: {  	s10 =	rddreg [dreg:$0x8]  }
0x2d: {  	[hbm:s10], [sflag:s3] =	dma.local [spmem:s12], $0x18C0  }
0x2e: {  	_ =	swait.ge [sflag:s26], $0x18C0  }
0x2f: {  	s0 =	sadd.s32 $0x1, s0;
	s28 =	rddreg [dreg:$0xa]  }
0x30: {  	p0 =	sne.s32 s0, s28  }
.Ltmp1:
0x31: {  	_ = 	snop;
	(pc) =	sbr.rel @!p0 .LBB2_24-.Ltmp1, $3  }
0x32: {  	[sflag:s26] =	ssyncset.done $0x0  }
0x33: {  	[sflag:s26] =	ssyncadd.s32 $0xFFFFE740  }
0x34: {  	[bflag:$0x0] =	sbarrier.arrive $0xFFFF;
	_ =	sdelay $0x1  }
.LBB2_1:
0x35: {  	s3 =	simm.s32 $0x3F40  }
0x36: {  	[tilespmem:s3], [sflag:$0x4] =	stream.linear.gather [hbm4b:s7+s2], $0x2000, $0x38;
	[tilespmem:$0x14740] =	vst v63  }
0x37: {  	_ =	swait.ge [sflag:s26], $0x2000  }
0x38: {  	s23 =	sld [smem:$0x7FD];
	_ =	sdelay $0x2  }
0x39: {  	[sflag:s26] =	ssyncset.done $0x0;
	p1 =	seq.s32 s23, $0x1  }
0x3a: {  	[sflag:s26] =	ssyncadd.s32 $0xFFFFE000;
	s3 =	simm.s32 @!p1 $0x3F40;
	s12 =	simm.s32 @!p1 $0x4  }
0x3b: {  	[spmem:s9] =	stream.linear.scatter @!p1 [tilespmem:s3], [sflag:$0x4], $0x2000, $0x38;
	[tilespmem:$0x14740] =	vst v63  }
0x3c: {  	_ =	swait.ge @!p1 [sflag:s12], $0x2000  }
0x3d: {  	[sflag:s12] =	ssyncset.done @!p1 $0x0  }
0x3e: {  	s10 =	rddreg [dreg:$0x4];
	[sflag:s12] =	ssyncadd.s32 @!p1 $0xFFFFE000  }
0x3f: {  	[spmem:s10] =	stream.linear.scatter @!p1 [tilespmem:s3], [sflag:$0x4], $0x2000, $0x38;
	[tilespmem:$0x14740] =	vst v63  }
0x40: {  	_ =	swait.ge @!p1 [sflag:s12], $0x2000  }
0x41: {  	s24 =	sld [smem:$0x7FB];
	_ =	sdelay $0x2  }
0x42: {  	[sflag:s12] =	ssyncset.done @!p1 $0x0;
	s10 =	rddreg [dreg:$0x5];
	p2 =	seq.s32 s24, $0x1  }
0x43: {  	[sflag:s12] =	ssyncadd.s32 @!p1 $0xFFFFE000;
	s3 =	simm.s32 @!p2 $0x3F40;
	s12 =	simm.s32 @!p2 $0x4  }
0x44: {  	[spmem:s10] =	stream.linear.scatter @!p2 [tilespmem:s3], [sflag:$0x4], $0x2000, $0x38;
	[tilespmem:$0x14740] =	vst v63  }
0x45: {  	_ =	swait.ge @!p2 [sflag:s12], $0x2000  }
0x46: {  	[sflag:s12] =	ssyncset.done @!p2 $0x0  }
0x47: {  	s10 =	rddreg [dreg:$0x6];
	[sflag:s12] =	ssyncadd.s32 @!p2 $0xFFFFE000  }
0x48: {  	[spmem:s10] =	stream.linear.scatter @!p2 [tilespmem:s3], [sflag:$0x4], $0x2000, $0x38;
	[tilespmem:$0x14740] =	vst v63  }
0x49: {  	_ =	swait.ge @!p2 [sflag:s12], $0x2000  }
0x4a: {  	[sflag:s12] =	ssyncset.done @!p2 $0x0  }
0x4b: {  	[sflag:s12] =	ssyncadd.s32 @!p2 $0xFFFFE000  }
0x4c: {  	[spmem:s15] =	stream.linear.scatter @!p2 [tilespmem:s3], [sflag:$0x4], $0x2000, $0x38;
	[tilespmem:$0x14740] =	vst v63  }
0x4d: {  	_ =	swait.ge @!p2 [sflag:s12], $0x2000  }
0x4e: {  	[sflag:s12] =	ssyncset.done @!p2 $0x0  }
0x4f: {  	[sflag:s12] =	ssyncadd.s32 @!p2 $0xFFFFE000  }
0x50: {  	[spmem:s16] =	stream.linear.scatter @!p2 [tilespmem:s3], [sflag:$0x4], $0x2000, $0x38;
	[tilespmem:$0x14740] =	vst v63  }
0x51: {  	_ =	swait.ge @!p2 [sflag:s12], $0x2000  }
0x52: {  	[sflag:s12] =	ssyncset.done @!p2 $0x0  }
0x53: {  	[sflag:s12] =	ssyncadd.s32 @!p2 $0xFFFFE000  }
0x54: {  	[spmem:s21] =	stream.linear.scatter @!p2 [tilespmem:s3], [sflag:$0x4], $0x2000, $0x38;
	[tilespmem:$0x14740] =	vst v63  }
0x55: {  	_ =	swait.ge @!p2 [sflag:s12], $0x2000  }
0x56: {  	[sflag:s12] =	ssyncset.done @!p2 $0x0  }
0x57: {  	[sflag:s12] =	ssyncadd.s32 @!p2 $0xFFFFE000  }
0x58: {  	[bflag:$0x0] =	sbarrier.arrive $0xFFFF  }
0x59: {  	[tilespmem:s2], [sflag:$0x3] =	stream.linear.gather [hbm4b:s19+s2], $0x7D0, $0x38;
	[tilespmem:$0x14740] =	vst v63  }
0x5a: {  	s25 =	sld [smem:$0x7FC]  }
0x5b: {  	s28 =	simm.s32 $0xFA0  }
0x5c: {  	[tilespmem:s28], [sflag:$0x3] =	stream.linear.gather [hbm4b:s20+s2], $0x7D0, $0x38;
	[tilespmem:$0x14740] =	vst v63  }
0x5d: {  	p0 =	por @!p1 $0x0, $0x0;
	p2 =	por @!p2 $0x1, $0x1;
	p3 =	seq.s32 s25, $0x1  }
0x5e: {  	s13 =	simm.s32 $0x0;
	p2 =	por @!p3 p0, p0;
	p3 =	por $0x0, $0x0  }
0x5f: {  	v18 =	vimm.s32 $0x0;
	s3 =	simm.s32 $0x0;
	s12 =	simm.s32 $0x0;
	p3 =	por @!p1 p2, p2  }
.LBB2_3:
0x60: {  	s14 =	smov.u32 s12;
	_ =	swait.ge [sflag:s29], $0x7D0;
	s22 =	sand.u32 $0x1, s12  }
0x61: {  	[sflag:s29] =	ssyncset.done $0x0;
	p2 =	seq.s32 s22, $0x1;
	s12 =	sadd.s32 $0x1, s14  }
0x62: {  	p0 =	seq.s32 s14, $0x18;
	s14 =	simm.s32 $0x7D0;
	[sflag:s29] =	ssyncadd.s32 $0xFFFFF830  }
0x63: {  	s17 =	smul.u32 @!p0 $0x7D0, s12;
	s14 =	simm.s32 @!p2 $0x0;
	s18 =	sand.u32 @!p0 $0x1, s12  }
0x64: {  	s24 =	simm.s32 @!p0 $0x0;
	_ =	swait.ge [sflag:s29], $0x7D0;
	p2 =	seq.s32 @!p0 s18, $0x1  }
0x65: {  	s18 =	simm.s32 @!p0 $0x7D0;
	s22 =	sadd.s32 $0xFA0, s14;
	s17 =	sadd.s32 @!p0 s8, s17  }
0x66: {  	[sflag:s29] =	ssyncset.done $0x0;
	p2 =	por !p2, p0;
	v15 =	vmov s22;
	s17 =	sshrl.u32 @!p0 s17, $0x3  }
0x67: {  	[sflag:s29] =	ssyncadd.s32 $0xFFFFF830;
	s18 =	simm.s32 @p2 $0x0;
	s23 =	sadd.s32 @!p0 s4, s17  }
0x68: {  	[tilespmem:s18], [sflag:$0x3] =	stream.linear.gather @!p0 [hbm4b:s23+s24], $0x7D0, $0x38;
	[tilespmem:$0x14740] =	vst v63  }
0x69: {  	s17 =	sadd.s32 @!p0 s5, s17;
	s18 =	sadd.s32 @!p0 $0xFA0, s18;
	s23 =	simm.s32 $0x0  }
0x6a: {  	[tilespmem:s18], [sflag:$0x3] =	stream.linear.gather @!p0 [hbm4b:s17+s24], $0x7D0, $0x38;
	[tilespmem:$0x14740] =	vst v63  }
0x6b: {  	v19 =	vld.idx.msk [tilespmem:v15+s23+$0x0 ss:$0x1], $0xffff;
	_ =	sdelay $0x4  }
0x6c: {  	vm0 =	vge.s32 v19, v0;
	vm1 =	vlt.s32 v19, v1  }
0x6d: {  	vm0 =	vmand vm0, vm1  }
0x6e: {  	v16 =	vmpcnt.ones.xlane vm0  }
0x6f: {  	s18 =	sadd.s32 $0x1, s3  }
0x70: {  	s24 =	sshll.u32 s18, $0x7;
	v17 =	vadd.s32 v18, v16  }
0x71: {  	v16 =	vsel vm0, $0x1, v4;
	vm15 =	vlt.s32 v17, s24  }
0x72: {  	(xrf0) =	vadd.scan.msk.s32 $0xffff, v16;
	v16 =	vsel vm15, $0x0, v6  }
0x73: {  	(xrf0) =	vmax.scan.msk.f32 $0xffff, v16;
	_ =	sdelay $0x4  }
0x74: {  	v20, _, _ =	vpop (xrf0)  }
0x75: {  	v16, _, _ =	vpop (xrf0)  }
0x76: {  	(v2sf) =	vpush v16, $0xF;
	_ =	sdelay $0xb  }
0x77: {  	v16 =	vmov s14;
	_ =	sdelay $0x2  }
0x78: {  	v18 =	vadd.s32 $0xFFFFFFFF, v18;
	s25 =	spop (v2sf)  }
0x79: {  	s28 =	ssub.s32 s3, s13;
	v18 =	vadd.s32 v20, v18;
	p4 =	sgt.f32 s25, $0.0e+00  }
0x7a: {  	p6 =	sgt.s32 s28, $0x1;
	v18 =	vand.u32 $0xFFF, v18;
	v20 =	vld.idx.msk [tilespmem:v16+s23+$0x0 ss:$0x1], $0xffff  }
0x7b: {  	p0 =	por !p6, !p4  }
0x7c: {  	p0 =	por !p0, !p0  }
0x7d: {  	s14 =	sand.u32 @p0 $0x1, s13  }
0x7e: {  	p2 =	seq.s32 @p0 s14, $0x1  }
0x7f: {  	v19 =	vsub.s32 v19, v0;
	[tilespmem:v18+s30+$0x0] =	vst.idx.msk vm0, v20;
	s17 =	simm.s32 @p0 $0x2;
	p2 =	por !p2, !p0  }
0x80: {  	[tilespmem:v18+s31+$0x0] =	vst.idx.msk vm0, v19;
	s22 =	sshll.u32 @p0 s13, $0x7;
	s17 =	simm.s32 @p2 $0x1  }
0x81: {  	s24 =	simm.s32 $0x1;
	s22 =	sand.u32 @p0 $0xF80, s22;
	_ =	swait.ge @p0 [sflag:s17], $0x2000  }
0x82: {  	s23 =	simm.s32 @p0 $0x5F40;
	s22 =	sadd.s32 @p0 $0x2F40, s22;
	[sflag:s17] =	ssyncset.done @p0 $0x0  }
0x83: {  	s23 =	simm.s32 @p2 $0x3F40;
	[sflag:s17] =	ssyncadd.s32 @p0 $0xFFFFE000;
	s17 =	simm.s32 @p0 $0x80  }
0x84: {  	[spmem:s1] =	stream.indirect.scatter.add.bf16 @p0 [tilespmem:s23], [sflag:$0x4], $0x40, s22, s17, $0xb8;
	[tilespmem:$0x14740] =	vst v63  }
0x85: {  	s24 =	simm.s32 @!p0 $0x0;
	s22 =	sand.u32 @p4 $0x1, s3;
	s23 =	sshll.u32 @p4 s3, $0x7  }
0x86: {  	p2 =	seq.s32 @p4 s22, $0x1;
	s22 =	sand.u32 @p4 $0xF80, s23;
	s23 =	simm.s32 @p0 $0x4  }
0x87: {  	s14 =	simm.s32 $0x10;
	s13 =	sadd.s32 s24, s13;
	_ =	swait.ge @p0 [sflag:s23], $0x2000  }
0x88: {  	p5 =	por !p2, !p4;
	s22 =	sadd.s32 @p4 $0x1F40, s22;
	[sflag:s23] =	ssyncset.done @p0 $0x0  }
0x89: {  	s25 =	simm.s32 @!p5 $0x5F40;
	[sflag:s23] =	ssyncadd.s32 @p0 $0xFFFFE000;
	s23 =	simm.s32 @!p5 $0x80  }
0x8a: {  	[tilespmem:s25], [sflag:$0x2] =	stream.indirect.gather @!p5 [hbm4b:s6+s23], $0x40, s22, s23, $0xb8;
	[tilespmem:$0x14740] =	vst v63  }
0x8b: {  	s17 =	simm.s32 $0x80;
	s3 =	smov.u32 @p4 s18;
	p5 =	por p2, !p4  }
0x8c: {  	v19 =	vmov v17;
	s18 =	ssub.s32 s3, s13;
	s23 =	simm.s32 @!p5 $0x80;
	s24 =	simm.s32 @!p5 $0x3F40  }
.LBB2_4:
0x8d: {  	[tilespmem:s24], [sflag:$0x1] =	stream.indirect.gather @!p5 [hbm4b:s6+s23], $0x40, s22, s23, $0xb8;
	[tilespmem:$0x14740] =	vst v63  }
0x8e: {  	s23 =	sshra.s32 s17, $0x2;
	s17 =	sadd.s32 $0x40, s17;
	v18 =	vld.idx.msk [tilespmem:v15+s14+$0x0 ss:$0x1], $0xffff  }
0x8f: {  	p4 =	seq.s32 s17, $0x1F40;
	_ =	sdelay $0x4  }
0x90: {  	vm0 =	vge.s32 v18, v0;
	vm1 =	vlt.s32 v18, v1  }
0x91: {  	vm0 =	vmand vm0, vm1  }
0x92: {  	v20 =	vsel vm0, $0x1, v4;
	v21 =	vmpcnt.ones.xlane vm0  }
0x93: {  	s22 =	sadd.s32 $0x1, s3;
	(xrf0) =	vadd.scan.msk.s32 $0xffff, v20  }
0x94: {  	s24 =	sshll.u32 s22, $0x7;
	v17 =	vadd.s32 v17, v21  }
0x95: {  	vm1 =	vlt.s32 v17, s24  }
0x96: {  	v20 =	vsel vm1, $0x0, v6  }
0x97: {  	(xrf0) =	vmax.scan.msk.f32 $0xffff, v20;
	_ =	sdelay $0x1  }
0x98: {  	v20 =	vadd.s32 $0xFFFFFFFF, v19;
	v19 =	vmov v17;
	v21, _, _ =	vpop (xrf0)  }
0x99: {  	v22 =	vld.idx.msk [tilespmem:v16+s14+$0x0 ss:$0x1], $0xffff;
	v20 =	vadd.s32 v21, v20;
	s14 =	smov.u32 s23  }
0x9a: {  	v20 =	vand.u32 $0xFFF, v20;
	_ =	sdelay $0x1  }
0x9b: {  	v21, _, _ =	vpop (xrf0)  }
0x9c: {  	(v2sf) =	vpush v21, $0xF;
	_ =	sdelay $0x1  }
0x9d: {  	v18 =	vsub.s32 v18, v0;
	[tilespmem:v20+s30+$0x0] =	vst.idx.msk vm0, v22  }
0x9e: {  	[tilespmem:v20+s31+$0x0] =	vst.idx.msk vm0, v18;
	_ =	sdelay $0xb  }
0x9f: {  	s23 =	spop (v2sf)  }
0xa0: {  	p6 =	sgt.f32 s23, $0.0e+00  }
0xa1: {  	p0 =	sgt.s32 s18, $0x1;
	s25 =	simm.s32 $0x1  }
0xa2: {  	p0 =	por !p0, !p6;
	s18 =	sand.u32 @p6 $0x1, s3;
	s23 =	sshll.u32 @p6 s3, $0x7  }
0xa3: {  	p2 =	por !p0, !p0;
	p5 =	seq.s32 @p6 s18, $0x1;
	s23 =	sand.u32 @p6 $0xF80, s23  }
0xa4: {  	s18 =	sand.u32 @p2 $0x1, s13;
	s24 =	sshll.u32 @p2 s13, $0x7;
	p0 =	por !p5, !p6  }
0xa5: {  	p5 =	por p5, !p6;
	p1 =	seq.s32 @p2 s18, $0x1;
	s18 =	sand.u32 @p2 $0xF80, s24  }
0xa6: {  	s24 =	simm.s32 @p2 $0x2;
	s18 =	sadd.s32 @p2 $0x2F40, s18;
	p1 =	por !p1, !p2  }
0xa7: {  	s25 =	simm.s32 @!p2 $0x0;
	s24 =	simm.s32 @p1 $0x1  }
0xa8: {  	s3 =	smov.u32 @p6 s22;
	s13 =	sadd.s32 s25, s13;
	_ =	swait.ge @p2 [sflag:s24], $0x2000  }
0xa9: {  	s22 =	simm.s32 @p2 $0x5F40;
	s25 =	simm.s32 @p2 $0x4;
	[sflag:s24] =	ssyncset.done @p2 $0x0  }
0xaa: {  	s22 =	simm.s32 @p1 $0x3F40;
	[sflag:s24] =	ssyncadd.s32 @p2 $0xFFFFE000;
	s24 =	simm.s32 @p2 $0x80  }
0xab: {  	[spmem:s1] =	stream.indirect.scatter.add.bf16 @p2 [tilespmem:s22], [sflag:$0x4], $0x40, s18, s24, $0xb8;
	[tilespmem:$0x14740] =	vst v63  }
.Ltmp2:
0xac: {  	s18 =	ssub.s32 s3, s13;
	_ =	swait.ge @p2 [sflag:s25], $0x2000;
	(pc) =	sbr.rel @!p4 .LBB2_4-.Ltmp2, $4  }
0xad: {  	s22 =	sadd.s32 @p6 $0x1F40, s23;
	[sflag:s25] =	ssyncset.done @p2 $0x0  }
0xae: {  	s23 =	simm.s32 @!p0 $0x80;
	s24 =	simm.s32 @!p0 $0x5F40;
	[sflag:s25] =	ssyncadd.s32 @p2 $0xFFFFE000  }
0xaf: {  	[tilespmem:s24], [sflag:$0x2] =	stream.indirect.gather @!p0 [hbm4b:s6+s23], $0x40, s22, s23, $0xb8;
	[tilespmem:$0x14740] =	vst v63  }
0xb0: {  	s23 =	simm.s32 @!p5 $0x80;
	s24 =	simm.s32 @!p5 $0x3F40  }
0xb1: {  	_ =	sdelay $0x2  }
0xb2: {  	[tilespmem:s24], [sflag:$0x1] =	stream.indirect.gather @!p5 [hbm4b:s6+s23], $0x40, s22, s23, $0xb8;
	[tilespmem:$0x14740] =	vst v63  }
0xb3: {  	v15 =	vld.idx.msk [tilespmem:v15+s14+$0x0 ss:$0x1], $0xffff;
	_ =	sdelay $0x4  }
0xb4: {  	vm0 =	vge.s32 v15, v0;
	vm1 =	vlt.s32 v15, v1  }
0xb5: {  	vm0 =	vmand vm0, vm1  }
0xb6: {  	v18 =	vmpcnt.ones.xlane vm0  }
0xb7: {  	s17 =	sadd.s32 $0x1, s3  }
0xb8: {  	s25 =	sshll.u32 s17, $0x7;
	v18 =	vadd.s32 v17, v18  }
0xb9: {  	v17 =	vsel vm0, $0x1, v4;
	vm15 =	vlt.s32 v18, s25  }
0xba: {  	(xrf0) =	vadd.scan.msk.s32 $0xffff, v17;
	v17 =	vsel vm15, $0x0, v6  }
0xbb: {  	(xrf0) =	vmax.scan.msk.f32 $0xffff, v17;
	_ =	sdelay $0x4  }
0xbc: {  	v17, _, _ =	vpop (xrf0)  }
0xbd: {  	v20, _, _ =	vpop (xrf0)  }
0xbe: {  	(v2sf) =	vpush v20, $0xF;
	_ =	sdelay $0xe  }
0xbf: {  	v19 =	vadd.s32 $0xFFFFFFFF, v19;
	s28 =	spop (v2sf)  }
0xc0: {  	v17 =	vadd.s32 v17, v19;
	p4 =	sgt.f32 s28, $0.0e+00  }
0xc1: {  	p0 =	sgt.s32 s18, $0x1;
	v16 =	vld.idx.msk [tilespmem:v16+s14+$0x0 ss:$0x1], $0xffff;
	v17 =	vand.u32 $0xFFF, v17  }
0xc2: {  	p0 =	por !p0, !p4  }
0xc3: {  	p0 =	por !p0, !p0  }
0xc4: {  	s14 =	sand.u32 @p0 $0x1, s13  }
0xc5: {  	p1 =	seq.s32 @p0 s14, $0x1  }
0xc6: {  	v15 =	vsub.s32 v15, v0;
	[tilespmem:v17+s30+$0x0] =	vst.idx.msk vm0, v16;
	s14 =	simm.s32 @p0 $0x2;
	p1 =	por !p1, !p0  }
0xc7: {  	[tilespmem:v17+s31+$0x0] =	vst.idx.msk vm0, v15;
	s18 =	sshll.u32 @p0 s13, $0x7;
	s14 =	simm.s32 @p1 $0x1  }
0xc8: {  	s22 =	sand.u32 @p4 $0x1, s3;
	s18 =	sand.u32 @p0 $0xF80, s18;
	_ =	swait.ge @p0 [sflag:s14], $0x2000  }
0xc9: {  	s23 =	simm.s32 @p0 $0x5F40;
	s18 =	sadd.s32 @p0 $0x2F40, s18;
	[sflag:s14] =	ssyncset.done @p0 $0x0  }
0xca: {  	s23 =	simm.s32 @p1 $0x3F40;
	[sflag:s14] =	ssyncadd.s32 @p0 $0xFFFFE000;
	s14 =	simm.s32 @p0 $0x80  }
0xcb: {  	[spmem:s1] =	stream.indirect.scatter.add.bf16 @p0 [tilespmem:s23], [sflag:$0x4], $0x40, s18, s14, $0xb8;
	[tilespmem:$0x14740] =	vst v63  }
0xcc: {  	p1 =	seq.s32 @p4 s22, $0x1;
	s18 =	simm.s32 @p0 $0x4  }
0xcd: {  	p2 =	por !p1, !p4;
	s14 =	sshll.u32 @p4 s3, $0x7;
	_ =	swait.ge @p0 [sflag:s18], $0x2000  }
0xce: {  	s22 =	simm.s32 @!p2 $0x5F40;
	s14 =	sand.u32 @p4 $0xF80, s14;
	[sflag:s18] =	ssyncset.done @p0 $0x0  }
0xcf: {  	s14 =	sadd.s32 @p4 $0x1F40, s14;
	[sflag:s18] =	ssyncadd.s32 @p0 $0xFFFFE000;
	s18 =	simm.s32 @!p2 $0x80  }
0xd0: {  	[tilespmem:s22], [sflag:$0x2] =	stream.indirect.gather @!p2 [hbm4b:s6+s18], $0x40, s14, s18, $0xb8;
	[tilespmem:$0x14740] =	vst v63  }
0xd1: {  	p1 =	por p1, !p4;
	s18 =	simm.s32 $0x1  }
0xd2: {  	s23 =	simm.s32 @!p1 $0x3F40;
	s22 =	simm.s32 @!p1 $0x80;
	s18 =	simm.s32 @!p0 $0x0  }
0xd3: {  	[tilespmem:s23], [sflag:$0x1] =	stream.indirect.gather @!p1 [hbm4b:s6+s22], $0x40, s14, s22, $0xb8;
	[tilespmem:$0x14740] =	vst v63  }
0xd4: {  	s3 =	smov.u32 @p4 s17;
	s13 =	sadd.s32 s18, s13  }
0xd5: {  	p0 =	seq.s32 s12, $0x19  }
.Ltmp3:
0xd6: {  	_ = 	snop;
	(pc) =	sbr.rel @!p0 .LBB2_3-.Ltmp3, $1  }
0xd7: {  	_ =	sdelay $0x3  }
0xd8: {  	v15 =	vxor.u32 $0x80000000, v18  }
0xd9: {  	(xrf0) =	vmax.scan.msk.u32 $0xffff, v15;
	_ =	sdelay $0x5  }
0xda: {  	v15, _, _ =	vpop (xrf0)  }
0xdb: {  	(v2sf) =	vpush v15, $0xF;
	_ =	sdelay $0xe  }
0xdc: {  	s12 =	spop (v2sf)  }
0xdd: {  	s12 =	sadd.s32 $0x8000007F, s12  }
0xde: {  	v15 =	vadd.s32 v5, v18;
	s14 =	sand.u32 $0xFFFFFF80, s12  }
0xdf: {  	vm0 =	vlt.s32 v15, s14  }
0xe0: {  	v16 =	vadd.s32 v8, v18;
	v15 =	vand.u32 $0xFFF, v15  }
0xe1: {  	vm1 =	vlt.s32 v16, s14  }
0xe2: {  	v17 =	vadd.s32 v9, v18;
	v16 =	vand.u32 $0xFFF, v16  }
0xe3: {  	vm2 =	vlt.s32 v17, s14  }
0xe4: {  	v19 =	vadd.s32 v10, v18;
	v17 =	vand.u32 $0xFFF, v17  }
0xe5: {  	vm3 =	vlt.s32 v19, s14;
	[tilespmem:v15+s30+$0x0] =	vst.idx.msk vm0, v4  }
0xe6: {  	v57 =	vadd.s32 v11, v18;
	[tilespmem:v15+s31+$0x0] =	vst.idx.msk vm0, v7;
	v15 =	vand.u32 $0xFFF, v19  }
0xe7: {  	vm12 =	vlt.s32 v57, s14;
	[tilespmem:v16+s30+$0x0] =	vst.idx.msk vm1, v4  }
0xe8: {  	v59 =	vadd.s32 v12, v18;
	v58 =	vand.u32 $0xFFF, v57;
	[tilespmem:v16+s31+$0x0] =	vst.idx.msk vm1, v7  }
0xe9: {  	vm13 =	vlt.s32 v59, s14;
	[tilespmem:v17+s30+$0x0] =	vst.idx.msk vm2, v4  }
0xea: {  	v61 =	vadd.s32 v13, v18;
	v60 =	vand.u32 $0xFFF, v59;
	[tilespmem:v17+s31+$0x0] =	vst.idx.msk vm2, v7  }
0xeb: {  	vm14 =	vlt.s32 v61, s14;
	[tilespmem:v15+s30+$0x0] =	vst.idx.msk vm3, v4  }
0xec: {  	v62 =	vadd.s32 v14, v18;
	[tilespmem:v15+s31+$0x0] =	vst.idx.msk vm3, v7;
	v15 =	vand.u32 $0xFFF, v61  }
0xed: {  	vm15 =	vlt.s32 v62, s14;
	[tilespmem:v58+s30+$0x0] =	vst.idx.msk vm12, v4  }
0xee: {  	v63 =	vand.u32 $0xFFF, v62;
	[tilespmem:v58+s31+$0x0] =	vst.idx.msk vm12, v7  }
0xef: {  	s12 =	sshrl.u32 s12, $0x7;
	[tilespmem:v60+s30+$0x0] =	vst.idx.msk vm13, v4  }
0xf0: {  	p0 =	sle.s32 s12, s3;
	[tilespmem:v60+s31+$0x0] =	vst.idx.msk vm13, v7  }
0xf1: {  	s14 =	sand.u32 @!p0 $0x1, s3;
	s3 =	sshll.u32 @!p0 s3, $0x7;
	[tilespmem:v15+s30+$0x0] =	vst.idx.msk vm14, v4  }
0xf2: {  	p1 =	seq.s32 @!p0 s14, $0x1;
	s3 =	sand.u32 @!p0 $0xF80, s3;
	[tilespmem:v15+s31+$0x0] =	vst.idx.msk vm14, v7  }
0xf3: {  	p2 =	por !p1, p0;
	s3 =	sadd.s32 @!p0 $0x1F40, s3;
	[tilespmem:v63+s30+$0x0] =	vst.idx.msk vm15, v4  }
0xf4: {  	p0 =	por p1, p0;
	s14 =	simm.s32 @!p2 $0x80;
	s17 =	simm.s32 @!p2 $0x5F40;
	[tilespmem:v63+s31+$0x0] =	vst.idx.msk vm15, v7  }
0xf5: {  	[tilespmem:s17], [sflag:$0x2] =	stream.indirect.gather @!p2 [hbm4b:s6+s14], $0x40, s3, s14, $0xb8;
	[tilespmem:$0x14740] =	vst v63  }
0xf6: {  	s14 =	simm.s32 @!p0 $0x80;
	s17 =	simm.s32 @!p0 $0x3F40  }
0xf7: {  	[tilespmem:s17], [sflag:$0x1] =	stream.indirect.gather @!p0 [hbm4b:s6+s14], $0x40, s3, s14, $0xb8;
	[tilespmem:$0x14740] =	vst v63  }
0xf8: {  	p0 =	sge.s32 s13, s12  }
.Ltmp4:
0xf9: {  	_ = 	snop;
	(pc) =	sbr.rel @p0 .LBB2_12-.Ltmp4, $1  }
0xfa: {  	_ =	sdelay $0x3  }
0xfb: {  	s17 =	sadd.s32 $0x1, s13  }
0xfc: {  	p0 =	slt.s32 s17, s12  }
.Ltmp5:
0xfd: {  	_ = 	snop;
	(pc) =	sbr.rel @!p0 .LBB2_8-.Ltmp5, $2  }
0xfe: {  	_ =	sdelay $0x2  }
0xff: {  	s14 =	sand.u32 $0x1F, s13;
	s18 =	sand.u32 $0x1, s13;
	p4 =	por $0x0, $0x0  }
0x100: {  	p0 =	seq.s32 s18, $0x1  }
0x101: {  	s3 =	simm.s32 @p0 $0x2  }
0x102: {  	s13 =	sshll.u32 @p0 s14, $0x7;
	s14 =	sshll.u32 @!p0 s14, $0x7;
	_ =	swait.ge @p0 [sflag:s3], $0x2000  }
0x103: {  	s18 =	simm.s32 @!p0 $0x1;
	s22 =	simm.s32 @p0 $0x5F40;
	[sflag:s3] =	ssyncset.done @p0 $0x0  }
0x104: {  	s13 =	sadd.s32 @p0 $0x2F40, s13;
	[sflag:s3] =	ssyncadd.s32 @p0 $0xFFFFE000;
	s3 =	simm.s32 @p0 $0x80  }
0x105: {  	[spmem:s1] =	stream.indirect.scatter.add.bf16 @p0 [tilespmem:s22], [sflag:$0x4], $0x40, s13, s3, $0xb8;
	[tilespmem:$0x14740] =	vst v63  }
0x106: {  	s14 =	sadd.s32 @!p0 $0x2F40, s14;
	_ =	swait.ge @!p0 [sflag:s18], $0x2000  }
0x107: {  	s13 =	simm.s32 @!p0 $0x5;
	s3 =	sadd.s32 $0x1, s17;
	[sflag:s18] =	ssyncset.done @!p0 $0x0  }
0x108: {  	s22 =	simm.s32 @!p0 $0x3F40;
	[sflag:s18] =	ssyncadd.s32 @!p0 $0xFFFFE000;
	s18 =	simm.s32 @!p0 $0x80  }
0x109: {  	[spmem:s1] =	stream.indirect.scatter.add.bf16 @!p0 [tilespmem:s22], [sflag:$0x5], $0x40, s14, s18, $0xb8;
	[tilespmem:$0x14740] =	vst v63  }
0x10a: {  	s13 =	simm.s32 @p0 $0x4;
	p0 =	slt.s32 s3, s12  }
.Ltmp6:
0x10b: {  	_ = 	snop;
	(pc) =	sbr.rel @!p0 .LBB2_11-.Ltmp6, $3  }
0x10c: {  	_ =	sdelay $0x1  }
0x10d: {  	p4 =	por $0x1, $0x1;
	_ =	swait.ge [sflag:s13], $0x2000  }
0x10e: {  	s14 =	sand.u32 $0x1F, s17;
	s18 =	sand.u32 $0x1, s17;
	[sflag:s13] =	ssyncset.done $0x0  }
.LBB2_10:
0x10f: {  	s17 =	sand.u32 $0x1F, s3;
	p0 =	seq.s32 s18, $0x1  }
0x110: {  	[sflag:s13] =	ssyncadd.s32 $0xFFFFE000;
	s18 =	smov.u32 s3;
	s3 =	sadd.s32 $0x1, s3  }
0x111: {  	s22 =	simm.s32 @p0 $0x2;
	s13 =	sshll.u32 @p0 s14, $0x7;
	s14 =	sshll.u32 @!p0 s14, $0x7  }
0x112: {  	_ =	swait.ge @p0 [sflag:s22], $0x2000;
	s23 =	sadd.s32 @p0 $0x2F40, s13;
	s24 =	sadd.s32 @!p0 $0x2F40, s14  }
0x113: {  	s25 =	simm.s32 @!p0 $0x1;
	s13 =	simm.s32 @!p0 $0x5;
	[sflag:s22] =	ssyncset.done @p0 $0x0  }
0x114: {  	s14 =	simm.s32 @p0 $0x80;
	[sflag:s22] =	ssyncadd.s32 @p0 $0xFFFFE000;
	s22 =	simm.s32 @p0 $0x5F40  }
0x115: {  	[spmem:s1] =	stream.indirect.scatter.add.bf16 @p0 [tilespmem:s22], [sflag:$0x4], $0x40, s23, s14, $0xb8;
	[tilespmem:$0x14740] =	vst v63  }
0x116: {  	p1 =	slt.s32 s3, s12;
	s14 =	smov.u32 s17;
	_ =	swait.ge @!p0 [sflag:s25], $0x2000  }
.Ltmp7:
0x117: {  	s13 =	simm.s32 @p0 $0x4;
	[sflag:s25] =	ssyncset.done @!p0 $0x0;
	(pc) =	sbr.rel @p1 .LBB2_10-.Ltmp7, $4  }
0x118: {  	s17 =	simm.s32 @!p0 $0x80;
	s22 =	simm.s32 @!p0 $0x3F40;
	[sflag:s25] =	ssyncadd.s32 @!p0 $0xFFFFE000  }
0x119: {  	[spmem:s1] =	stream.indirect.scatter.add.bf16 @!p0 [tilespmem:s22], [sflag:$0x5], $0x40, s24, s17, $0xb8;
	[tilespmem:$0x14740] =	vst v63  }
0x11a: {  	_ =	swait.ge [sflag:s13], $0x2000  }
0x11b: {  	s18 =	sand.u32 $0x1, s18;
	[sflag:s13] =	ssyncset.done $0x0  }
.LBB2_11:
0x11c: {  	p0 =	seq.s32 s18, $0x1  }
0x11d: {  	[sflag:s13] =	ssyncadd.s32 @p4 $0xFFFFE000;
	s3 =	simm.s32 @p0 $0x2  }
0x11e: {  	s12 =	sshll.u32 @p0 s14, $0x7;
	_ =	swait.ge @p0 [sflag:s3], $0x2000  }
0x11f: {  	s13 =	simm.s32 @!p0 $0x1;
	s17 =	simm.s32 @p0 $0x5F40;
	[sflag:s3] =	ssyncset.done @p0 $0x0  }
0x120: {  	s12 =	sadd.s32 @p0 $0x2F40, s12;
	[sflag:s3] =	ssyncadd.s32 @p0 $0xFFFFE000;
	s3 =	simm.s32 @p0 $0x80  }
0x121: {  	[spmem:s1] =	stream.indirect.scatter.add.bf16 @p0 [tilespmem:s17], [sflag:$0x4], $0x40, s12, s3, $0xb8;
	[tilespmem:$0x14740] =	vst v63  }
0x122: {  	s3 =	sshll.u32 @!p0 s14, $0x7;
	s12 =	simm.s32 @!p0 $0x5;
	_ =	swait.ge @!p0 [sflag:s13], $0x2000  }
0x123: {  	s14 =	simm.s32 @!p0 $0x3F40;
	s3 =	sadd.s32 @!p0 $0x2F40, s3;
	[sflag:s13] =	ssyncset.done @!p0 $0x0  }
0x124: {  	s12 =	simm.s32 @p0 $0x4;
	[sflag:s13] =	ssyncadd.s32 @!p0 $0xFFFFE000;
	s13 =	simm.s32 @!p0 $0x80  }
0x125: {  	[spmem:s1] =	stream.indirect.scatter.add.bf16 @!p0 [tilespmem:s14], [sflag:$0x5], $0x40, s3, s13, $0xb8;
	[tilespmem:$0x14740] =	vst v63  }
0x126: {  	_ =	swait.ge [sflag:s12], $0x2000  }
0x127: {  	[sflag:s12] =	ssyncset.done $0x0  }
0x128: {  	[sflag:s12] =	ssyncadd.s32 $0xFFFFE000  }
.LBB2_12:
0x129: {  	s3 =	stileid.u32;
	[bflag:$0x0] =	sbarrier.arrive $0xFFFF  }
0x12a: {  	s3 =	sshll.u32 s3, $0x6;
	s10 =	rddreg [dreg:$0x9]  }
0x12b: {  	s23 =	rddreg [dreg:$0x7];
	s3 =	sor.u32 $0x1C04, s3;
	s12 =	sshrl.u32 s10, $0x3  }
0x12c: {  	[hbm:s23], [sflag:s3] =	dma.local [spmem:s12], $0x18C0  }
0x12d: {  	_ =	swait.ge [sflag:s26], $0x18C0  }
0x12e: {  	[sflag:s26] =	ssyncset.done $0x0  }
0x12f: {  	[sflag:s26] =	ssyncadd.s32 $0xFFFFE740  }
0x130: {  	s24 =	simm.s32 $0x3F40;
	[bflag:$0x0] =	sbarrier.arrive $0xFFFF  }
0x131: {  	[tilespmem:s24], [sflag:$0x4] =	stream.linear.gather [hbm4b:s7+s2], $0x2000, $0x38;
	[tilespmem:$0x14740] =	vst v63  }
0x132: {  	_ =	swait.ge [sflag:s26], $0x2000  }
0x133: {  	s25 =	sld [smem:$0x7FD];
	_ =	sdelay $0x2  }
0x134: {  	[sflag:s26] =	ssyncset.done $0x0;
	p0 =	seq.s32 s25, $0x1  }
0x135: {  	[sflag:s26] =	ssyncadd.s32 $0xFFFFE000;
	s13 =	simm.s32 @!p0 $0x3F40;
	s14 =	simm.s32 @!p0 $0x4  }
0x136: {  	[spmem:s9] =	stream.linear.scatter @!p0 [tilespmem:s13], [sflag:$0x4], $0x2000, $0x38;
	[tilespmem:$0x14740] =	vst v63  }
0x137: {  	_ =	swait.ge @!p0 [sflag:s14], $0x2000  }
0x138: {  	[sflag:s14] =	ssyncset.done @!p0 $0x0  }
0x139: {  	s10 =	rddreg [dreg:$0xb];
	[sflag:s14] =	ssyncadd.s32 @!p0 $0xFFFFE000  }
0x13a: {  	[spmem:s10] =	stream.linear.scatter @!p0 [tilespmem:s13], [sflag:$0x4], $0x2000, $0x38;
	[tilespmem:$0x14740] =	vst v63  }
0x13b: {  	_ =	swait.ge @!p0 [sflag:s14], $0x2000  }
0x13c: {  	s10 =	rddreg [dreg:$0x3]  }
0x13d: {  	[sflag:s14] =	ssyncset.done @!p0 $0x0;
	s13 =	sshll.u32 @p3 s10, $0xD  }
0x13e: {  	[sflag:s14] =	ssyncadd.s32 @!p0 $0xFFFFE000;
	s14 =	simm.s32 @p3 $0x3F40;
	s13 =	sadd.s32 @p3 s13, s1  }
0x13f: {  	[spmem:s13] =	stream.linear.scatter @p3 [tilespmem:s14], [sflag:$0x4], $0x2000, $0x38;
	[tilespmem:$0x14740] =	vst v63  }
0x140: {  	s13 =	simm.s32 @p3 $0x4  }
0x141: {  	_ =	swait.ge @p3 [sflag:s13], $0x2000  }
0x142: {  	s17 =	sshll.u32 @p3 s11, $0xD;
	[sflag:s13] =	ssyncset.done @p3 $0x0  }
0x143: {  	s17 =	sadd.s32 @p3 s17, s1;
	[sflag:s13] =	ssyncadd.s32 @p3 $0xFFFFE000  }
0x144: {  	[spmem:s17] =	stream.linear.scatter @p3 [tilespmem:s14], [sflag:$0x4], $0x2000, $0x38;
	[tilespmem:$0x14740] =	vst v63  }
0x145: {  	_ =	swait.ge @p3 [sflag:s13], $0x2000  }
0x146: {  	[sflag:s13] =	ssyncset.done @p3 $0x0  }
0x147: {  	[sflag:s13] =	ssyncadd.s32 @p3 $0xFFFFE000  }
0x148: {  	[spmem:s15] =	stream.linear.scatter @p3 [tilespmem:s14], [sflag:$0x4], $0x2000, $0x38;
	[tilespmem:$0x14740] =	vst v63  }
0x149: {  	_ =	swait.ge @p3 [sflag:s13], $0x2000  }
0x14a: {  	[sflag:s13] =	ssyncset.done @p3 $0x0  }
0x14b: {  	[sflag:s13] =	ssyncadd.s32 @p3 $0xFFFFE000  }
0x14c: {  	[spmem:s16] =	stream.linear.scatter @p3 [tilespmem:s14], [sflag:$0x4], $0x2000, $0x38;
	[tilespmem:$0x14740] =	vst v63  }
0x14d: {  	_ =	swait.ge @p3 [sflag:s13], $0x2000  }
0x14e: {  	[sflag:s13] =	ssyncset.done @p3 $0x0  }
0x14f: {  	[sflag:s13] =	ssyncadd.s32 @p3 $0xFFFFE000  }
0x150: {  	[spmem:s21] =	stream.linear.scatter @p3 [tilespmem:s14], [sflag:$0x4], $0x2000, $0x38;
	[tilespmem:$0x14740] =	vst v63  }
0x151: {  	_ =	swait.ge @p3 [sflag:s13], $0x2000  }
0x152: {  	[sflag:s13] =	ssyncset.done @p3 $0x0  }
0x153: {  	[sflag:s13] =	ssyncadd.s32 @p3 $0xFFFFE000  }
0x154: {  	s14 =	simm.s32 $0x0;
	[bflag:$0x0] =	sbarrier.arrive $0xFFFF  }
0x155: {  	[tilespmem:s14], [sflag:$0x3] =	stream.linear.gather [hbm4b:s19+s14], $0x7D0, $0x38;
	[tilespmem:$0x14740] =	vst v63  }
0x156: {  	s28 =	simm.s32 $0xFA0;
	s24 =	simm.s32 $0x0;
	s13 =	simm.s32 $0x0  }
0x157: {  	v18 =	vimm.s32 $0x0;
	[tilespmem:s28], [sflag:$0x3] =	stream.linear.gather [hbm4b:s20+s14], $0x7D0, $0x38;
	[tilespmem:$0x14740] =	vst v63  }
.LBB2_14:
0x158: {  	s17 =	smov.u32 s14;
	_ =	swait.ge [sflag:s29], $0x7D0;
	s25 =	sand.u32 $0x1, s14  }
0x159: {  	[sflag:s29] =	ssyncset.done $0x0;
	p1 =	seq.s32 s25, $0x1;
	s14 =	sadd.s32 $0x1, s17  }
0x15a: {  	p0 =	seq.s32 s17, $0x18;
	s17 =	simm.s32 $0x7D0;
	[sflag:s29] =	ssyncadd.s32 $0xFFFFF830  }
0x15b: {  	s18 =	smul.u32 @!p0 $0x7D0, s14;
	s17 =	simm.s32 @!p1 $0x0;
	s22 =	sand.u32 @!p0 $0x1, s14  }
0x15c: {  	s28 =	simm.s32 @!p0 $0x0;
	_ =	swait.ge [sflag:s29], $0x7D0;
	p1 =	seq.s32 @!p0 s22, $0x1  }
0x15d: {  	s22 =	simm.s32 @!p0 $0x7D0;
	s23 =	sadd.s32 $0xFA0, s17;
	s18 =	sadd.s32 @!p0 s8, s18  }
0x15e: {  	[sflag:s29] =	ssyncset.done $0x0;
	p1 =	por !p1, p0;
	s18 =	sshrl.u32 @!p0 s18, $0x3  }
0x15f: {  	v15 =	vmov s23;
	[sflag:s29] =	ssyncadd.s32 $0xFFFFF830;
	s22 =	simm.s32 @p1 $0x0;
	s25 =	sadd.s32 @!p0 s4, s18  }
0x160: {  	[tilespmem:s22], [sflag:$0x3] =	stream.linear.gather @!p0 [hbm4b:s25+s28], $0x7D0, $0x38;
	[tilespmem:$0x14740] =	vst v63  }
0x161: {  	s18 =	sadd.s32 @!p0 s5, s18;
	s22 =	sadd.s32 @!p0 $0xFA0, s22  }
0x162: {  	[tilespmem:s22], [sflag:$0x3] =	stream.linear.gather @!p0 [hbm4b:s18+s28], $0x7D0, $0x38;
	[tilespmem:$0x14740] =	vst v63  }
0x163: {  	s18 =	simm.s32 $0x0  }
0x164: {  	v19 =	vld.idx.msk [tilespmem:v15+s18+$0x0 ss:$0x1], $0xffff;
	_ =	sdelay $0x4  }
0x165: {  	vm0 =	vge.s32 v19, v2;
	vm1 =	vlt.s32 v19, v3  }
0x166: {  	vm0 =	vmand vm0, vm1  }
0x167: {  	v16 =	vmpcnt.ones.xlane vm0  }
0x168: {  	s22 =	sadd.s32 $0x1, s13  }
0x169: {  	s10 =	sshll.u32 s22, $0x7;
	v17 =	vadd.s32 v18, v16  }
0x16a: {  	v16 =	vsel vm0, $0x1, v4;
	vm15 =	vlt.s32 v17, s10  }
0x16b: {  	(xrf0) =	vadd.scan.msk.s32 $0xffff, v16;
	v16 =	vsel vm15, $0x0, v6  }
0x16c: {  	(xrf0) =	vmax.scan.msk.f32 $0xffff, v16;
	_ =	sdelay $0x4  }
0x16d: {  	v20, _, _ =	vpop (xrf0)  }
0x16e: {  	v16, _, _ =	vpop (xrf0)  }
0x16f: {  	(v2sf) =	vpush v16, $0xF;
	_ =	sdelay $0xb  }
0x170: {  	v16 =	vmov s17;
	_ =	sdelay $0x2  }
0x171: {  	v18 =	vadd.s32 $0xFFFFFFFF, v18;
	s23 =	spop (v2sf)  }
0x172: {  	s25 =	ssub.s32 s13, s24;
	v18 =	vadd.s32 v20, v18;
	p3 =	sgt.f32 s23, $0.0e+00  }
0x173: {  	p6 =	sgt.s32 s25, $0x1;
	v18 =	vand.u32 $0xFFF, v18;
	v20 =	vld.idx.msk [tilespmem:v16+s18+$0x0 ss:$0x1], $0xffff  }
0x174: {  	p0 =	por !p6, !p3  }
0x175: {  	p0 =	por !p0, !p0  }
0x176: {  	s17 =	sand.u32 @p0 $0x1, s24  }
0x177: {  	s28 =	simm.s32 $0x1;
	p1 =	seq.s32 @p0 s17, $0x1  }
0x178: {  	v19 =	vsub.s32 v19, v2;
	[tilespmem:v18+s30+$0x0] =	vst.idx.msk vm0, v20;
	s18 =	simm.s32 @p0 $0x2;
	s23 =	sshll.u32 @p0 s24, $0x7;
	p1 =	por !p1, !p0  }
0x179: {  	[tilespmem:v18+s31+$0x0] =	vst.idx.msk vm0, v19;
	s25 =	simm.s32 @p0 $0x5F40;
	s28 =	simm.s32 @!p0 $0x0;
	s18 =	simm.s32 @p1 $0x1  }
0x17a: {  	s17 =	simm.s32 $0x10;
	s23 =	sand.u32 @p0 $0xF80, s23;
	_ =	swait.ge @p0 [sflag:s18], $0x2000  }
0x17b: {  	s24 =	sadd.s32 s28, s24;
	s23 =	sadd.s32 @p0 $0x2F40, s23;
	[sflag:s18] =	ssyncset.done @p0 $0x0  }
0x17c: {  	s25 =	simm.s32 @p1 $0x3F40;
	[sflag:s18] =	ssyncadd.s32 @p0 $0xFFFFE000;
	s18 =	simm.s32 @p0 $0x80  }
0x17d: {  	[spmem:s1] =	stream.indirect.scatter.add.bf16 @p0 [tilespmem:s25], [sflag:$0x4], $0x40, s23, s18, $0xb8;
	[tilespmem:$0x14740] =	vst v63  }
0x17e: {  	s18 =	simm.s32 $0x80;
	s23 =	sand.u32 @p3 $0x1, s13;
	s25 =	sshll.u32 @p3 s13, $0x7  }
0x17f: {  	p1 =	seq.s32 @p3 s23, $0x1;
	s23 =	sand.u32 @p3 $0xF80, s25;
	s25 =	simm.s32 @p0 $0x4  }
0x180: {  	s13 =	smov.u32 @p3 s22;
	p2 =	por !p1, !p3;
	_ =	swait.ge @p0 [sflag:s25], $0x2000  }
0x181: {  	s23 =	sadd.s32 @p3 $0x1F40, s23;
	p4 =	por p1, !p3;
	[sflag:s25] =	ssyncset.done @p0 $0x0  }
0x182: {  	s10 =	simm.s32 @!p2 $0x5F40;
	[sflag:s25] =	ssyncadd.s32 @p0 $0xFFFFE000;
	s25 =	simm.s32 @!p2 $0x80  }
0x183: {  	[tilespmem:s10], [sflag:$0x2] =	stream.indirect.gather @!p2 [hbm4b:s6+s25], $0x40, s23, s25, $0xb8;
	[tilespmem:$0x14740] =	vst v63  }
0x184: {  	v19 =	vmov v17;
	s22 =	ssub.s32 s13, s24;
	s28 =	simm.s32 @!p4 $0x80;
	s25 =	simm.s32 @!p4 $0x3F40  }
.LBB2_15:
0x185: {  	[tilespmem:s25], [sflag:$0x1] =	stream.indirect.gather @!p4 [hbm4b:s6+s28], $0x40, s23, s28, $0xb8;
	[tilespmem:$0x14740] =	vst v63  }
0x186: {  	s10 =	sshra.s32 s18, $0x2;
	s18 =	sadd.s32 $0x40, s18;
	v18 =	vld.idx.msk [tilespmem:v15+s17+$0x0 ss:$0x1], $0xffff  }
0x187: {  	p3 =	seq.s32 s18, $0x1F40;
	_ =	sdelay $0x4  }
0x188: {  	vm0 =	vge.s32 v18, v2;
	vm1 =	vlt.s32 v18, v3  }
0x189: {  	vm0 =	vmand vm0, vm1  }
0x18a: {  	v20 =	vsel vm0, $0x1, v4;
	v21 =	vmpcnt.ones.xlane vm0  }
0x18b: {  	s23 =	sadd.s32 $0x1, s13;
	(xrf0) =	vadd.scan.msk.s32 $0xffff, v20  }
0x18c: {  	s25 =	sshll.u32 s23, $0x7;
	v17 =	vadd.s32 v17, v21  }
0x18d: {  	vm1 =	vlt.s32 v17, s25  }
0x18e: {  	v20 =	vsel vm1, $0x0, v6  }
0x18f: {  	(xrf0) =	vmax.scan.msk.f32 $0xffff, v20;
	_ =	sdelay $0x1  }
0x190: {  	v20 =	vadd.s32 $0xFFFFFFFF, v19;
	v19 =	vmov v17;
	v21, _, _ =	vpop (xrf0)  }
0x191: {  	v22 =	vld.idx.msk [tilespmem:v16+s17+$0x0 ss:$0x1], $0xffff;
	v20 =	vadd.s32 v21, v20;
	s17 =	smov.u32 s10  }
0x192: {  	v20 =	vand.u32 $0xFFF, v20;
	_ =	sdelay $0x1  }
0x193: {  	v21, _, _ =	vpop (xrf0)  }
0x194: {  	(v2sf) =	vpush v21, $0xF;
	_ =	sdelay $0x1  }
0x195: {  	v18 =	vsub.s32 v18, v2;
	[tilespmem:v20+s30+$0x0] =	vst.idx.msk vm0, v22  }
0x196: {  	[tilespmem:v20+s31+$0x0] =	vst.idx.msk vm0, v18;
	_ =	sdelay $0xb  }
0x197: {  	s10 =	spop (v2sf)  }
0x198: {  	p5 =	sgt.f32 s10, $0.0e+00  }
0x199: {  	p0 =	sgt.s32 s22, $0x1;
	s28 =	simm.s32 $0x1  }
0x19a: {  	p0 =	por !p0, !p5;
	s10 =	sand.u32 @p5 $0x1, s13;
	s22 =	sshll.u32 @p5 s13, $0x7  }
0x19b: {  	p2 =	por !p0, !p0;
	p0 =	seq.s32 @p5 s10, $0x1;
	s10 =	sand.u32 @p5 $0xF80, s22  }
0x19c: {  	s22 =	sand.u32 @p2 $0x1, s24;
	s25 =	sshll.u32 @p2 s24, $0x7;
	p6 =	por !p0, !p5  }
0x19d: {  	p4 =	por p0, !p5;
	p1 =	seq.s32 @p2 s22, $0x1;
	s22 =	sand.u32 @p2 $0xF80, s25  }
0x19e: {  	s25 =	simm.s32 @p2 $0x2;
	s22 =	sadd.s32 @p2 $0x2F40, s22;
	p0 =	por !p1, !p2  }
0x19f: {  	s28 =	simm.s32 @!p2 $0x0;
	s25 =	simm.s32 @p0 $0x1  }
0x1a0: {  	s13 =	smov.u32 @p5 s23;
	s24 =	sadd.s32 s28, s24;
	_ =	swait.ge @p2 [sflag:s25], $0x2000  }
0x1a1: {  	s23 =	simm.s32 @p2 $0x5F40;
	s28 =	simm.s32 @p2 $0x4;
	[sflag:s25] =	ssyncset.done @p2 $0x0  }
0x1a2: {  	s23 =	simm.s32 @p0 $0x3F40;
	[sflag:s25] =	ssyncadd.s32 @p2 $0xFFFFE000;
	s25 =	simm.s32 @p2 $0x80  }
0x1a3: {  	[spmem:s1] =	stream.indirect.scatter.add.bf16 @p2 [tilespmem:s23], [sflag:$0x4], $0x40, s22, s25, $0xb8;
	[tilespmem:$0x14740] =	vst v63  }
.Ltmp8:
0x1a4: {  	s22 =	ssub.s32 s13, s24;
	_ =	swait.ge @p2 [sflag:s28], $0x2000;
	(pc) =	sbr.rel @!p3 .LBB2_15-.Ltmp8, $4  }
0x1a5: {  	s23 =	sadd.s32 @p5 $0x1F40, s10;
	[sflag:s28] =	ssyncset.done @p2 $0x0  }
0x1a6: {  	s10 =	simm.s32 @!p6 $0x80;
	s25 =	simm.s32 @!p6 $0x5F40;
	[sflag:s28] =	ssyncadd.s32 @p2 $0xFFFFE000  }
0x1a7: {  	[tilespmem:s25], [sflag:$0x2] =	stream.indirect.gather @!p6 [hbm4b:s6+s10], $0x40, s23, s10, $0xb8;
	[tilespmem:$0x14740] =	vst v63  }
0x1a8: {  	s28 =	simm.s32 @!p4 $0x80;
	s25 =	simm.s32 @!p4 $0x3F40  }
0x1a9: {  	_ =	sdelay $0x2  }
0x1aa: {  	[tilespmem:s25], [sflag:$0x1] =	stream.indirect.gather @!p4 [hbm4b:s6+s28], $0x40, s23, s28, $0xb8;
	[tilespmem:$0x14740] =	vst v63  }
0x1ab: {  	v15 =	vld.idx.msk [tilespmem:v15+s17+$0x0 ss:$0x1], $0xffff;
	_ =	sdelay $0x4  }
0x1ac: {  	vm0 =	vge.s32 v15, v2;
	vm1 =	vlt.s32 v15, v3  }
0x1ad: {  	vm0 =	vmand vm0, vm1  }
0x1ae: {  	v18 =	vmpcnt.ones.xlane vm0  }
0x1af: {  	s10 =	sadd.s32 $0x1, s13  }
0x1b0: {  	s18 =	sshll.u32 s10, $0x7;
	v18 =	vadd.s32 v17, v18  }
0x1b1: {  	v17 =	vsel vm0, $0x1, v4;
	vm15 =	vlt.s32 v18, s18  }
0x1b2: {  	(xrf0) =	vadd.scan.msk.s32 $0xffff, v17;
	v17 =	vsel vm15, $0x0, v6  }
0x1b3: {  	(xrf0) =	vmax.scan.msk.f32 $0xffff, v17;
	_ =	sdelay $0x4  }
0x1b4: {  	v17, _, _ =	vpop (xrf0)  }
0x1b5: {  	v20, _, _ =	vpop (xrf0)  }
0x1b6: {  	(v2sf) =	vpush v20, $0xF;
	_ =	sdelay $0xe  }
0x1b7: {  	v19 =	vadd.s32 $0xFFFFFFFF, v19;
	s28 =	spop (v2sf)  }
0x1b8: {  	v17 =	vadd.s32 v17, v19;
	p3 =	sgt.f32 s28, $0.0e+00  }
0x1b9: {  	p0 =	sgt.s32 s22, $0x1;
	v16 =	vld.idx.msk [tilespmem:v16+s17+$0x0 ss:$0x1], $0xffff;
	v17 =	vand.u32 $0xFFF, v17  }
0x1ba: {  	p0 =	por !p0, !p3  }
0x1bb: {  	p0 =	por !p0, !p0  }
0x1bc: {  	s17 =	sand.u32 @p0 $0x1, s24  }
0x1bd: {  	p1 =	seq.s32 @p0 s17, $0x1  }
0x1be: {  	v15 =	vsub.s32 v15, v2;
	[tilespmem:v17+s30+$0x0] =	vst.idx.msk vm0, v16;
	s17 =	simm.s32 @p0 $0x2;
	p1 =	por !p1, !p0  }
0x1bf: {  	[tilespmem:v17+s31+$0x0] =	vst.idx.msk vm0, v15;
	s18 =	sshll.u32 @p0 s24, $0x7;
	s17 =	simm.s32 @p1 $0x1  }
0x1c0: {  	s22 =	sand.u32 @p3 $0x1, s13;
	s18 =	sand.u32 @p0 $0xF80, s18;
	_ =	swait.ge @p0 [sflag:s17], $0x2000  }
0x1c1: {  	s23 =	simm.s32 @p0 $0x5F40;
	s18 =	sadd.s32 @p0 $0x2F40, s18;
	[sflag:s17] =	ssyncset.done @p0 $0x0  }
0x1c2: {  	s23 =	simm.s32 @p1 $0x3F40;
	[sflag:s17] =	ssyncadd.s32 @p0 $0xFFFFE000;
	s17 =	simm.s32 @p0 $0x80  }
0x1c3: {  	[spmem:s1] =	stream.indirect.scatter.add.bf16 @p0 [tilespmem:s23], [sflag:$0x4], $0x40, s18, s17, $0xb8;
	[tilespmem:$0x14740] =	vst v63  }
0x1c4: {  	p1 =	seq.s32 @p3 s22, $0x1;
	s18 =	simm.s32 @p0 $0x4  }
0x1c5: {  	p2 =	por !p1, !p3;
	s17 =	sshll.u32 @p3 s13, $0x7;
	_ =	swait.ge @p0 [sflag:s18], $0x2000  }
0x1c6: {  	s22 =	simm.s32 @!p2 $0x5F40;
	s17 =	sand.u32 @p3 $0xF80, s17;
	[sflag:s18] =	ssyncset.done @p0 $0x0  }
0x1c7: {  	s17 =	sadd.s32 @p3 $0x1F40, s17;
	[sflag:s18] =	ssyncadd.s32 @p0 $0xFFFFE000;
	s18 =	simm.s32 @!p2 $0x80  }
0x1c8: {  	[tilespmem:s22], [sflag:$0x2] =	stream.indirect.gather @!p2 [hbm4b:s6+s18], $0x40, s17, s18, $0xb8;
	[tilespmem:$0x14740] =	vst v63  }
0x1c9: {  	p1 =	por p1, !p3;
	s18 =	simm.s32 $0x1  }
0x1ca: {  	s23 =	simm.s32 @!p1 $0x3F40;
	s22 =	simm.s32 @!p1 $0x80;
	s18 =	simm.s32 @!p0 $0x0  }
0x1cb: {  	[tilespmem:s23], [sflag:$0x1] =	stream.indirect.gather @!p1 [hbm4b:s6+s22], $0x40, s17, s22, $0xb8;
	[tilespmem:$0x14740] =	vst v63  }
0x1cc: {  	s13 =	smov.u32 @p3 s10;
	s24 =	sadd.s32 s18, s24  }
0x1cd: {  	p0 =	seq.s32 s14, $0x19  }
.Ltmp9:
0x1ce: {  	_ = 	snop;
	(pc) =	sbr.rel @!p0 .LBB2_14-.Ltmp9, $1  }
0x1cf: {  	_ =	sdelay $0x3  }
0x1d0: {  	v15 =	vxor.u32 $0x80000000, v18  }
0x1d1: {  	(xrf0) =	vmax.scan.msk.u32 $0xffff, v15;
	_ =	sdelay $0x5  }
0x1d2: {  	v15, _, _ =	vpop (xrf0)  }
0x1d3: {  	(v2sf) =	vpush v15, $0xF;
	_ =	sdelay $0xe  }
0x1d4: {  	s10 =	spop (v2sf)  }
0x1d5: {  	s10 =	sadd.s32 $0x8000007F, s10  }
0x1d6: {  	v15 =	vadd.s32 v5, v18;
	s14 =	sand.u32 $0xFFFFFF80, s10  }
0x1d7: {  	vm0 =	vlt.s32 v15, s14  }
0x1d8: {  	v16 =	vadd.s32 v8, v18;
	v15 =	vand.u32 $0xFFF, v15  }
0x1d9: {  	vm1 =	vlt.s32 v16, s14  }
0x1da: {  	v17 =	vadd.s32 v9, v18;
	v16 =	vand.u32 $0xFFF, v16  }
0x1db: {  	vm2 =	vlt.s32 v17, s14  }
0x1dc: {  	v19 =	vadd.s32 v10, v18;
	v17 =	vand.u32 $0xFFF, v17  }
0x1dd: {  	vm3 =	vlt.s32 v19, s14;
	[tilespmem:v15+s30+$0x0] =	vst.idx.msk vm0, v4  }
0x1de: {  	v57 =	vadd.s32 v11, v18;
	[tilespmem:v15+s31+$0x0] =	vst.idx.msk vm0, v7;
	v15 =	vand.u32 $0xFFF, v19  }
0x1df: {  	vm12 =	vlt.s32 v57, s14;
	[tilespmem:v16+s30+$0x0] =	vst.idx.msk vm1, v4  }
0x1e0: {  	v59 =	vadd.s32 v12, v18;
	v58 =	vand.u32 $0xFFF, v57;
	[tilespmem:v16+s31+$0x0] =	vst.idx.msk vm1, v7  }
0x1e1: {  	vm13 =	vlt.s32 v59, s14;
	[tilespmem:v17+s30+$0x0] =	vst.idx.msk vm2, v4  }
0x1e2: {  	v61 =	vadd.s32 v13, v18;
	v60 =	vand.u32 $0xFFF, v59;
	[tilespmem:v17+s31+$0x0] =	vst.idx.msk vm2, v7  }
0x1e3: {  	vm14 =	vlt.s32 v61, s14;
	[tilespmem:v15+s30+$0x0] =	vst.idx.msk vm3, v4  }
0x1e4: {  	v62 =	vadd.s32 v14, v18;
	[tilespmem:v15+s31+$0x0] =	vst.idx.msk vm3, v7;
	v15 =	vand.u32 $0xFFF, v61  }
0x1e5: {  	vm15 =	vlt.s32 v62, s14;
	[tilespmem:v58+s30+$0x0] =	vst.idx.msk vm12, v4  }
0x1e6: {  	v63 =	vand.u32 $0xFFF, v62;
	s14 =	sshrl.u32 s10, $0x7;
	[tilespmem:v58+s31+$0x0] =	vst.idx.msk vm12, v7  }
0x1e7: {  	p0 =	sle.s32 s14, s13;
	[tilespmem:v60+s30+$0x0] =	vst.idx.msk vm13, v4  }
0x1e8: {  	s10 =	sand.u32 @!p0 $0x1, s13;
	[tilespmem:v60+s31+$0x0] =	vst.idx.msk vm13, v7  }
0x1e9: {  	p1 =	seq.s32 @!p0 s10, $0x1;
	s10 =	sshll.u32 @!p0 s13, $0x7;
	[tilespmem:v15+s30+$0x0] =	vst.idx.msk vm14, v4  }
0x1ea: {  	s10 =	sand.u32 @!p0 $0xF80, s10;
	[tilespmem:v15+s31+$0x0] =	vst.idx.msk vm14, v7  }
0x1eb: {  	p2 =	por !p1, p0;
	s10 =	sadd.s32 @!p0 $0x1F40, s10;
	[tilespmem:v63+s30+$0x0] =	vst.idx.msk vm15, v4  }
0x1ec: {  	s13 =	simm.s32 @!p2 $0x80;
	s17 =	simm.s32 @!p2 $0x5F40;
	p0 =	por p1, p0;
	[tilespmem:v63+s31+$0x0] =	vst.idx.msk vm15, v7  }
0x1ed: {  	[tilespmem:s17], [sflag:$0x2] =	stream.indirect.gather @!p2 [hbm4b:s6+s13], $0x40, s10, s13, $0xb8;
	[tilespmem:$0x14740] =	vst v63  }
0x1ee: {  	s13 =	simm.s32 @!p0 $0x80;
	s17 =	simm.s32 @!p0 $0x3F40  }
0x1ef: {  	[tilespmem:s17], [sflag:$0x1] =	stream.indirect.gather @!p0 [hbm4b:s6+s13], $0x40, s10, s13, $0xb8;
	[tilespmem:$0x14740] =	vst v63  }
0x1f0: {  	p0 =	sge.s32 s24, s14  }
.Ltmp10:
0x1f1: {  	_ = 	snop;
	(pc) =	sbr.rel @p0 .LBB2_23-.Ltmp10, $1  }
0x1f2: {  	_ =	sdelay $0x3  }
0x1f3: {  	s22 =	sadd.s32 $0x1, s24  }
0x1f4: {  	p0 =	slt.s32 s22, s14  }
.Ltmp11:
0x1f5: {  	_ = 	snop;
	(pc) =	sbr.rel @!p0 .LBB2_19-.Ltmp11, $2  }
0x1f6: {  	_ =	sdelay $0x2  }
0x1f7: {  	s18 =	sand.u32 $0x1F, s24;
	s23 =	sand.u32 $0x1, s24;
	p3 =	por $0x0, $0x0  }
0x1f8: {  	p0 =	seq.s32 s23, $0x1  }
0x1f9: {  	s10 =	simm.s32 @p0 $0x2  }
0x1fa: {  	s13 =	sshll.u32 @p0 s18, $0x7;
	s17 =	sshll.u32 @!p0 s18, $0x7;
	_ =	swait.ge @p0 [sflag:s10], $0x2000  }
0x1fb: {  	s18 =	simm.s32 @!p0 $0x1;
	s23 =	simm.s32 @p0 $0x5F40;
	[sflag:s10] =	ssyncset.done @p0 $0x0  }
0x1fc: {  	s13 =	sadd.s32 @p0 $0x2F40, s13;
	[sflag:s10] =	ssyncadd.s32 @p0 $0xFFFFE000;
	s10 =	simm.s32 @p0 $0x80  }
0x1fd: {  	[spmem:s1] =	stream.indirect.scatter.add.bf16 @p0 [tilespmem:s23], [sflag:$0x4], $0x40, s13, s10, $0xb8;
	[tilespmem:$0x14740] =	vst v63  }
0x1fe: {  	s10 =	sadd.s32 @!p0 $0x2F40, s17;
	_ =	swait.ge @!p0 [sflag:s18], $0x2000  }
0x1ff: {  	s17 =	simm.s32 @!p0 $0x5;
	s13 =	sadd.s32 $0x1, s22;
	[sflag:s18] =	ssyncset.done @!p0 $0x0  }
0x200: {  	s23 =	simm.s32 @!p0 $0x3F40;
	[sflag:s18] =	ssyncadd.s32 @!p0 $0xFFFFE000;
	s18 =	simm.s32 @!p0 $0x80  }
0x201: {  	[spmem:s1] =	stream.indirect.scatter.add.bf16 @!p0 [tilespmem:s23], [sflag:$0x5], $0x40, s10, s18, $0xb8;
	[tilespmem:$0x14740] =	vst v63  }
0x202: {  	s17 =	simm.s32 @p0 $0x4;
	p0 =	slt.s32 s13, s14  }
.Ltmp12:
0x203: {  	_ = 	snop;
	(pc) =	sbr.rel @!p0 .LBB2_22-.Ltmp12, $3  }
0x204: {  	_ =	sdelay $0x1  }
0x205: {  	p3 =	por $0x1, $0x1;
	_ =	swait.ge [sflag:s17], $0x2000  }
0x206: {  	s18 =	sand.u32 $0x1F, s22;
	s23 =	sand.u32 $0x1, s22;
	[sflag:s17] =	ssyncset.done $0x0  }
.LBB2_21:
0x207: {  	s10 =	sand.u32 $0x1F, s13;
	p0 =	seq.s32 s23, $0x1  }
0x208: {  	[sflag:s17] =	ssyncadd.s32 $0xFFFFE000;
	s22 =	smov.u32 s13;
	s13 =	sadd.s32 $0x1, s13  }
0x209: {  	s23 =	simm.s32 @p0 $0x2;
	s17 =	sshll.u32 @p0 s18, $0x7;
	s18 =	sshll.u32 @!p0 s18, $0x7  }
0x20a: {  	_ =	swait.ge @p0 [sflag:s23], $0x2000;
	s24 =	sadd.s32 @p0 $0x2F40, s17;
	s25 =	sadd.s32 @!p0 $0x2F40, s18  }
0x20b: {  	s28 =	simm.s32 @!p0 $0x1;
	s17 =	simm.s32 @!p0 $0x5;
	[sflag:s23] =	ssyncset.done @p0 $0x0  }
0x20c: {  	s18 =	simm.s32 @p0 $0x80;
	[sflag:s23] =	ssyncadd.s32 @p0 $0xFFFFE000;
	s23 =	simm.s32 @p0 $0x5F40  }
0x20d: {  	[spmem:s1] =	stream.indirect.scatter.add.bf16 @p0 [tilespmem:s23], [sflag:$0x4], $0x40, s24, s18, $0xb8;
	[tilespmem:$0x14740] =	vst v63  }
0x20e: {  	p1 =	slt.s32 s13, s14;
	s18 =	smov.u32 s10;
	_ =	swait.ge @!p0 [sflag:s28], $0x2000  }
.Ltmp13:
0x20f: {  	s17 =	simm.s32 @p0 $0x4;
	[sflag:s28] =	ssyncset.done @!p0 $0x0;
	(pc) =	sbr.rel @p1 .LBB2_21-.Ltmp13, $4  }
0x210: {  	s10 =	simm.s32 @!p0 $0x80;
	s23 =	simm.s32 @!p0 $0x3F40;
	[sflag:s28] =	ssyncadd.s32 @!p0 $0xFFFFE000  }
0x211: {  	[spmem:s1] =	stream.indirect.scatter.add.bf16 @!p0 [tilespmem:s23], [sflag:$0x5], $0x40, s25, s10, $0xb8;
	[tilespmem:$0x14740] =	vst v63  }
0x212: {  	_ =	swait.ge [sflag:s17], $0x2000  }
0x213: {  	s23 =	sand.u32 $0x1, s22;
	[sflag:s17] =	ssyncset.done $0x0  }
.Ltmp14:
0x214: {  	_ = 	snop;
	(pc) =	sbr.rel .LBB2_22-.Ltmp14, $1  }
0x215: {  	_ =	sdelay $0x3  }
.LBB2_8:
.Ltmp15:
0x216: {  	(pc) =	sbr.rel .LBB2_11-.Ltmp15, $2  }
0x217: {  	_ =	sdelay $0x2  }
0x218: {  	_ = 	snop  }
.LBB2_24:
0x219: {  	_ =	sfence.sel $0x180000  }
0x21a: {  	[bflag:$0x0] =	sbarrier.arrive $0xFFFF  }
0x21b: {  	_ =	strace $0x9000004A  }
0x21c: {  	s0 =	stileid.u32;
	[bflag:$0x2] =	sbarrier.arrive $0xFFFF  }
0x21d: {  	p0 =	sne.s32 s0, $0x0;
	s0 =	rddreg [dreg:$0x2]  }
0x21e: {  	s0 =	sadd.s32 @!p0 $0x100000, s0  }
0x21f: {  	[sflag:s0] =	ssyncadd.tile.s32 @!p0 $0x1;
	_ =	shalt  }
.Lfunc_end2:
_tile_overlayer_lowered:
.L_overlay_start_2:
0x220: {  	(tag) =	ssettag $0x2  }
0x221: {  	s0 =	rddreg [dreg:$0x0];
	s2 =	stileid.u32  }
0x222: {  	s1 =	rddreg [dreg:$0x1];
	p0 =	sne.s32 s2, $0x0  }
0x223: {  	s3 =	rddreg [dreg:$0x2];
	[bflag:$0x3] =	sbarrier.arrive $0xFFFF;
	s2 =	simm.s32 @!p0 $0x1C04  }
0x224: {  	[timem:s3], [sflag:s2] =	dma.local @!p0 [hbm:s0], s1  }
0x225: {  	s0 =	simm.s32 @!p0 $0x4  }
0x226: {  	_ =	swait.ge @!p0 [sflag:s0], s1  }
0x227: {  	s1 =	ssub.s32 @!p0 $0x0, s1;
	[sflag:s0] =	ssyncset.done @!p0 $0x0  }
0x228: {  	[sflag:s0] =	ssyncadd.s32 @!p0 s1  }
0x229: {  	[bflag:$0x3] =	sbarrier.arrive $0xFFFF  }
0x22a: {  	_ =	shalt  }

</sc_bundles>
